<compile_context>
chip_gen: v7x
topology: tpu7x:2x2x1
jax: 0.10.2.dev20260603
libtpu: 0.0.44.dev20260713+nightly
codegen_flags: <defaults>
</compile_context>

<pallas_src>
import math

import jax
import jax.numpy as jnp
import numpy as np
from jax import lax
from jax.experimental import pallas as pl
from jax.experimental.pallas import tpu as pltpu
from jax.experimental.pallas import tpu_sc as plsc

VOCAB = 1000000
D = 64
B = 4096
L = 200
N = B * L
NW = 32
NPW = N // NW
C = 128
NCH = NPW // C
NB16 = C // 16
H = C // 2
PEROWS = L + C
PELINES = (PEROWS // 2 + 7) // 8 * 8


def _make_pe():
    pe = np.zeros((PEROWS, D), dtype=np.float32)
    position = np.arange(0.0, PEROWS, dtype=np.float64)[:, None] % L
    div_term = np.exp(
        np.arange(0.0, D, 2, dtype=np.float64) * -(math.log(10000.0) / D))
    pe[:, 0::2] = np.sin(position * div_term)
    pe[:, 1::2] = np.cos(position * div_term)
    out = np.zeros((PELINES, 2 * D), dtype=np.float32)
    out.reshape(-1)[: PEROWS * D] = pe.reshape(-1)
    return out


_PE_PACKED = _make_pe()

_SCALE = math.sqrt(D)


def _emb_body(x_hbm, pe_hbm, lut_hbm, out_hbm,
              idx_v, pe_v, r0, r1, o0, o1, x0, x1,
              g0, g1, s0, s1):
    rows = [r0, r1]
    outc = [o0, o1]
    gidx = [x0, x1]
    gsem = [g0, g1]
    osem = [s0, s1]

    cid = lax.axis_index("c")
    sid = lax.axis_index("s")
    wid = sid * 2 + cid
    obase = wid * NPW

    pltpu.sync_copy(x_hbm.at[wid], idx_v)
    pltpu.sync_copy(pe_hbm, pe_v)

    def make_gidx(cc, slot):
        def blk(b16, carry):
            sl = pl.ds(b16 * 16, 16)
            gidx[slot][sl] = lax.shift_right_logical(idx_v[cc, sl], 1)
            return carry
        lax.fori_loop(0, NB16, blk, 0)

    def issue_gather(slot):
        pltpu.async_copy(
            lut_hbm.at[gidx[slot].at[pl.ds(0, H)]],
            rows[slot].at[pl.ds(0, H)], gsem[slot])
        pltpu.async_copy(
            lut_hbm.at[gidx[slot].at[pl.ds(H, H)]],
            rows[slot].at[pl.ds(H, H)], gsem[slot])

    def wait_gather(slot):
        pltpu.make_async_copy(
            lut_hbm.at[gidx[slot].at[pl.ds(0, H)]],
            rows[slot].at[pl.ds(0, H)], gsem[slot]).wait()
        pltpu.make_async_copy(
            lut_hbm.at[gidx[slot].at[pl.ds(H, H)]],
            rows[slot].at[pl.ds(H, H)], gsem[slot]).wait()

    make_gidx(0, 0)
    issue_gather(0)

    def compute(c, rv, ov):
        ph = lax.rem(c * C, L)
        phh = lax.shift_right_logical(ph, 1)

        def blk(b16, carry2):
            jb = b16 * 16
            sl = pl.ds(jb, 16)
            off16 = (idx_v[c, sl] & 1) * D
            for jj in range(16):
                j = jb + jj
                off = off16[jj]
                prow = phh + b16 * 8 + (jj >> 1)
                pc0 = (jj & 1) * D
                for d in range(D // 16):
                    ov[j, pl.ds(d * 16, 16)] = (
                        rv[j, pl.ds(off + d * 16, 16)] * _SCALE
                        + pe_v[prow, pl.ds(pc0 + d * 16, 16)])
            return carry2

        lax.fori_loop(0, NB16, blk, 0)

    def chunk(c, carry):
        r = lax.rem(c, 2)

        @pl.when(r == 0)
        def _():
            @pl.when(c < NCH - 1)
            def _():
                make_gidx(c + 1, 1)
                issue_gather(1)

            wait_gather(0)

            @pl.when(c >= 2)
            def _():
                pltpu.make_async_copy(
                    outc[0], out_hbm.at[pl.ds(obase, C)], osem[0]).wait()

            compute(c, rows[0], outc[0])
            pltpu.async_copy(
                outc[0], out_hbm.at[pl.ds(obase + c * C, C)], osem[0])

        @pl.when(r == 1)
        def _():
            @pl.when(c < NCH - 1)
            def _():
                make_gidx(c + 1, 0)
                issue_gather(0)

            wait_gather(1)

            @pl.when(c >= 2)
            def _():
                pltpu.make_async_copy(
                    outc[1], out_hbm.at[pl.ds(obase, C)], osem[1]).wait()

            compute(c, rows[1], outc[1])
            pltpu.async_copy(
                outc[1], out_hbm.at[pl.ds(obase + c * C, C)], osem[1])

        return carry

    lax.fori_loop(0, NCH, chunk, 0)

    for b in range(2):
        pltpu.make_async_copy(
            outc[b], out_hbm.at[pl.ds(obase, C)], osem[b]).wait()


_emb_call = pl.kernel(
    _emb_body,
    out_type=jax.ShapeDtypeStruct((N, D), jnp.float32),
    mesh=plsc.VectorSubcoreMesh(core_axis_name="c", subcore_axis_name="s"),
    scratch_types=(
        [pltpu.VMEM((NCH, C), jnp.int32),
         pltpu.VMEM((PELINES, 2 * D), jnp.float32)]
        + [pltpu.VMEM((C, 2 * D), jnp.float32) for _ in range(2)]
        + [pltpu.VMEM((C, D), jnp.float32) for _ in range(2)]
        + [pltpu.VMEM((C,), jnp.int32) for _ in range(2)]
        + [pltpu.SemaphoreType.DMA for _ in range(4)]
    ),
)


def kernel(x, lut):
    xr = x.reshape(NW, NCH, C).astype(jnp.int32)
    lut2 = lut.reshape(VOCAB // 2, 2 * D)
    pe = jnp.asarray(_PE_PACKED)
    out = _emb_call(xr, pe, lut2)
    return out.reshape(B, L, D)

# --- scband reference (transcript-rebuilt; emitter-appended) ---
"""Pipeline reference for scband-embedding-3917010174596 (READ-ONLY COPY).

The authoritative reference and input builder live on the scoring server;
editing this copy changes nothing except your own understanding.
"""

import jax, jax.numpy as jnp
import numpy as np
import math

VOCAB = 1000000
D = 64
B = 4096
L = 200
MAX_LEN = 5000

def _make_pe():
    pe = np.zeros((MAX_LEN, D), dtype=np.float32)
    position = np.arange(0.0, MAX_LEN, dtype=np.float64)[:, None]
    div_term = np.exp(np.arange(0.0, D, 2, dtype=np.float64) * -(math.log(10000.0) / D))
    pe[:, 0::2] = np.sin(position * div_term)
    pe[:, 1::2] = np.cos(position * div_term)
    return jnp.asarray(pe[None])  # [1, MAX_LEN, D]

_PE = _make_pe()

def setup_inputs(seed: int = 0) -> dict:
    key = jax.random.key(seed)
    k1, k2 = jax.random.split(key)
    x = jax.random.randint(k1, (B, L), 0, VOCAB)
    # nn.Embedding default init: N(0, 1)
    lut = jax.random.normal(k2, (VOCAB, D), dtype=jnp.float32)
    return {"x": x, "lut": lut}

def reference(x, lut):
    # emb = self.lut(x) * sqrt(model_depth)
    emb = jnp.take(lut, x, axis=0) * math.sqrt(D)
    # positional encoding add: x + pe[:, :x.size(1)]
    out = emb + _PE[:, :x.shape[1]]
    return out

if __name__ == "__main__":
    import jax
    _d = setup_inputs()
    print(jax.jit(kernel)(*tuple(_d.values())))

</pallas_src>

<mosaic_0001>
#map = affine_map<(d0, d1) -> (0, 0, 0)>
#map1 = affine_map<(d0, d1) -> (0, 0)>
module attributes {stable_mosaic.version = 14 : i64} {
  func.func @_emb_body(%arg0: i32, %arg1: i32, %arg2: memref<32x200x128xi32, #tpu.memory_space<hbm>>, %arg3: memref<168x128xf32, #tpu.memory_space<hbm>>, %arg4: memref<500000x128xf32, #tpu.memory_space<hbm>>, %arg5: memref<819200x64xf32, #tpu.memory_space<hbm>>, %arg6: memref<200x128xi32, #tpu.memory_space<vmem>>, %arg7: memref<168x128xf32, #tpu.memory_space<vmem>>, %arg8: memref<128x128xf32, #tpu.memory_space<vmem>>, %arg9: memref<128x128xf32, #tpu.memory_space<vmem>>, %arg10: memref<128x64xf32, #tpu.memory_space<vmem>>, %arg11: memref<128x64xf32, #tpu.memory_space<vmem>>, %arg12: memref<128xi32, #tpu.memory_space<vmem>>, %arg13: memref<128xi32, #tpu.memory_space<vmem>>, %arg14: memref<!tpu.dma_semaphore, #tpu.memory_space<semaphore_mem>>, %arg15: memref<!tpu.dma_semaphore, #tpu.memory_space<semaphore_mem>>, %arg16: memref<!tpu.dma_semaphore, #tpu.memory_space<semaphore_mem>>, %arg17: memref<!tpu.dma_semaphore, #tpu.memory_space<semaphore_mem>>) attributes {dimension_semantics = [#tpu.dimension_semantics<core_parallel>, #tpu.dimension_semantics<subcore_parallel>], iteration_bounds = array<i64: 2, 16>, scalar_prefetch = 0 : i64, scratch_operands = 12 : i64, tpu.core_type = #tpu.core_type<sc_vector_subcore>, window_params = [{transform_indices = #map}, {transform_indices = #map1}, {transform_indices = #map1}, {transform_indices = #map1}]} {
    %mul3A = arith.constant 2 : i32
    %mul3A_0 = arith.muli %arg1, %mul3A : i32
    %add3A = arith.addi %mul3A_0, %arg0 : i32
    %mul3A_1 = arith.constant 25600 : i32
    %mul3A_2 = arith.muli %add3A, %mul3A_1 : i32
    "tpu.region"() ({
      %run_scoped3A = tpu.sem_alloc : memref<!tpu.dma_semaphore, #tpu.memory_space<semaphore_mem>>
      %dma_start3A_36 = arith.constant 0 : i32
      %dma_start3A_37 = arith.constant 0 : i32
      %dma_start3A_38 = tpu.memref_slice %arg2[%add3A, %dma_start3A_36, %dma_start3A_37] : memref<32x200x128xi32, #tpu.memory_space<hbm>> -> memref<1x200x128xi32, #tpu.memory_space<hbm>>
      %dma_start3A_39 = tpu.memref_squeeze %dma_start3A_38 : memref<1x200x128xi32, #tpu.memory_space<hbm>> -> memref<200x128xi32, #tpu.memory_space<hbm>>
      %dma_start3A_40 = arith.constant 0 : i32
      %dma_start3A_41 = arith.constant 0 : i32
      %dma_start3A_42 = tpu.memref_slice %arg2[%add3A, %dma_start3A_40, %dma_start3A_41] : memref<32x200x128xi32, #tpu.memory_space<hbm>> -> memref<1x200x128xi32, #tpu.memory_space<hbm>>
      %dma_start3A_43 = tpu.memref_squeeze %dma_start3A_42 : memref<1x200x128xi32, #tpu.memory_space<hbm>> -> memref<200x128xi32, #tpu.memory_space<hbm>>
      tpu.enqueue_dma source(%dma_start3A_43 : memref<200x128xi32, #tpu.memory_space<hbm>>) target(%arg6 : memref<200x128xi32, #tpu.memory_space<vmem>>) target_semaphore(%run_scoped3A : memref<!tpu.dma_semaphore, #tpu.memory_space<semaphore_mem>>)
      %dma_wait3A_44 = arith.constant 0 : i32
      %dma_wait3A_45 = arith.constant 0 : i32
      %dma_wait3A_46 = tpu.memref_slice %arg2[%add3A, %dma_wait3A_44, %dma_wait3A_45] : memref<32x200x128xi32, #tpu.memory_space<hbm>> -> memref<1x200x128xi32, #tpu.memory_space<hbm>>
      %dma_wait3A_47 = tpu.memref_squeeze %dma_wait3A_46 : memref<1x200x128xi32, #tpu.memory_space<hbm>> -> memref<200x128xi32, #tpu.memory_space<hbm>>
      %dma_wait3A_48 = arith.constant 0 : i32
      %dma_wait3A_49 = arith.constant 0 : i32
      %dma_wait3A_50 = tpu.memref_slice %arg2[%add3A, %dma_wait3A_48, %dma_wait3A_49] : memref<32x200x128xi32, #tpu.memory_space<hbm>> -> memref<1x200x128xi32, #tpu.memory_space<hbm>>
      %dma_wait3A_51 = tpu.memref_squeeze %dma_wait3A_50 : memref<1x200x128xi32, #tpu.memory_space<hbm>> -> memref<200x128xi32, #tpu.memory_space<hbm>>
      tpu.wait_dma2 semaphore(%run_scoped3A : memref<!tpu.dma_semaphore, #tpu.memory_space<semaphore_mem>>) src(%dma_wait3A_51 : memref<200x128xi32, #tpu.memory_space<hbm>>) dst(%arg6 : memref<200x128xi32, #tpu.memory_space<vmem>>)
      tpu.yield
    }) : () -> ()
    "tpu.region"() ({
      %run_scoped3A = tpu.sem_alloc : memref<!tpu.dma_semaphore, #tpu.memory_space<semaphore_mem>>
      tpu.enqueue_dma source(%arg3 : memref<168x128xf32, #tpu.memory_space<hbm>>) target(%arg7 : memref<168x128xf32, #tpu.memory_space<vmem>>) target_semaphore(%run_scoped3A : memref<!tpu.dma_semaphore, #tpu.memory_space<semaphore_mem>>)
      tpu.wait_dma2 semaphore(%run_scoped3A : memref<!tpu.dma_semaphore, #tpu.memory_space<semaphore_mem>>) src(%arg3 : memref<168x128xf32, #tpu.memory_space<hbm>>) dst(%arg7 : memref<168x128xf32, #tpu.memory_space<vmem>>)
      tpu.yield
    }) : () -> ()
    %scan3A = arith.constant 0 : i32
    %scan3A_3 = arith.constant 0 : i32
    %scan3A_4 = arith.constant 8 : i32
    %scan3A_5 = arith.addi %scan3A_3, %scan3A_4 : i32
    %scan3A_6 = arith.constant 1 : i32
    scf.for %scan3A_36 = %scan3A_3 to %scan3A_5 step %scan3A_6  : i32 {
      %mul3A_37 = arith.constant 16 : i32
      %mul3A_38 = arith.muli %scan3A_36, %mul3A_37 : i32
      %get3A = arith.constant 0 : i32
      %get3A_39 = arith.index_cast %get3A : i32 to index
      %get3A_40 = arith.index_cast %mul3A_38 : i32 to index
      %get3A_41 = tpu.vector_load %arg6[%get3A_39, %get3A_40] {strides = array<i32>} : memref<200x128xi32, #tpu.memory_space<vmem>>, vector<1x16xi32>,
      %get3A_42 = vector.shape_cast %get3A_41 : vector<1x16xi32> to vector<16xi32>
      %shift_right_logical3A = arith.constant 1 : i32
      %shift_right_logical3A_43 = vector.broadcast %shift_right_logical3A : i32 to vector<16xi32>
      %shift_right_logical3A_44 = arith.shrui %get3A_42, %shift_right_logical3A_43 : vector<16xi32>
      %swap3A = arith.index_cast %mul3A_38 : i32 to index
      %swap3A_45 = tpu.vector_load %arg12[%swap3A] {strides = array<i32>} : memref<128xi32, #tpu.memory_space<vmem>>, vector<16xi32>,
      %swap3A_46 = vector.shape_cast %swap3A_45 : vector<16xi32> to vector<16xi32>
      %swap3A_47 = vector.shape_cast %shift_right_logical3A_44 : vector<16xi32> to vector<16xi32>
      tpu.vector_store %arg12[%swap3A], %swap3A_47 {strides = array<i32>} : memref<128xi32, #tpu.memory_space<vmem>>, vector<16xi32>,
    }
    %scan3A_7 = arith.constant 8 : i32
    %dma_start3A = arith.constant 0 : i32
    %dma_start3A_8 = arith.constant 0 : i32
    %dma_start3A_9 = tpu.memref_slice %arg8[%dma_start3A, %dma_start3A_8] : memref<128x128xf32, #tpu.memory_space<vmem>> -> memref<64x128xf32, #tpu.memory_space<vmem>>
    %dma_start3A_10 = arith.constant 0 : i32
    %dma_start3A_11 = tpu.memref_slice %arg12[%dma_start3A_10] : memref<128xi32, #tpu.memory_space<vmem>> -> memref<64xi32, #tpu.memory_space<vmem>>
    %dma_start3A_12 = arith.constant 0 : i32
    %dma_start3A_13 = arith.constant 0 : i32
    %dma_start3A_14 = tpu.memref_slice %arg4[%dma_start3A_12, %dma_start3A_13] : memref<500000x128xf32, #tpu.memory_space<hbm>> -> memref<500000x128xf32, #tpu.memory_space<hbm>>
    tpu.enqueue_indirect_dma source(%dma_start3A_14 : memref<500000x128xf32, #tpu.memory_space<hbm>>) target(%dma_start3A_9 : memref<64x128xf32, #tpu.memory_space<vmem>>) offsets(%dma_start3A_11 : memref<64xi32, #tpu.memory_space<vmem>>) semaphore(%arg14 : memref<!tpu.dma_semaphore, #tpu.memory_space<semaphore_mem>>)
    %dma_start3A_15 = arith.constant 64 : i32
    %dma_start3A_16 = arith.constant 0 : i32
    %dma_start3A_17 = tpu.memref_slice %arg8[%dma_start3A_15, %dma_start3A_16] : memref<128x128xf32, #tpu.memory_space<vmem>> -> memref<64x128xf32, #tpu.memory_space<vmem>>
    %dma_start3A_18 = arith.constant 64 : i32
    %dma_start3A_19 = tpu.memref_slice %arg12[%dma_start3A_18] : memref<128xi32, #tpu.memory_space<vmem>> -> memref<64xi32, #tpu.memory_space<vmem>>
    %dma_start3A_20 = arith.constant 0 : i32
    %dma_start3A_21 = arith.constant 0 : i32
    %dma_start3A_22 = tpu.memref_slice %arg4[%dma_start3A_20, %dma_start3A_21] : memref<500000x128xf32, #tpu.memory_space<hbm>> -> memref<500000x128xf32, #tpu.memory_space<hbm>>
    tpu.enqueue_indirect_dma source(%dma_start3A_22 : memref<500000x128xf32, #tpu.memory_space<hbm>>) target(%dma_start3A_17 : memref<64x128xf32, #tpu.memory_space<vmem>>) offsets(%dma_start3A_19 : memref<64xi32, #tpu.memory_space<vmem>>) semaphore(%arg14 : memref<!tpu.dma_semaphore, #tpu.memory_space<semaphore_mem>>)
    %scan3A_23 = arith.constant 0 : i32
    %scan3A_24 = arith.constant 0 : i32
    %scan3A_25 = arith.constant 200 : i32
    %scan3A_26 = arith.addi %scan3A_24, %scan3A_25 : i32
    %scan3A_27 = arith.constant 1 : i32
    scf.for %scan3A_36 = %scan3A_24 to %scan3A_26 step %scan3A_27  : i32 {
      %rem3A = arith.constant 2 : i32
      %rem3A_37 = arith.remsi %scan3A_36, %rem3A : i32
      %eq3A = arith.constant 0 : i32
      %eq3A_38 = arith.cmpi eq, %rem3A_37, %eq3A : i32
      %convert_element_type3A = arith.extui %eq3A_38 : i1 to i32
      %cond3A = arith.constant 0 : i32
      %cond3A_39 = arith.cmpi ne, %convert_element_type3A, %cond3A : i32
      scf.if %cond3A_39 {
        %lt3A = arith.constant 199 : i32
        %lt3A_45 = arith.cmpi slt, %scan3A_36, %lt3A : i32
        %convert_element_type3A_46 = arith.extui %lt3A_45 : i1 to i32
        %cond3A_47 = arith.constant 0 : i32
        %cond3A_48 = arith.cmpi ne, %convert_element_type3A_46, %cond3A_47 : i32
        scf.if %cond3A_48 {
          %add3A_87 = arith.constant 1 : i32
          %add3A_88 = arith.addi %scan3A_36, %add3A_87 : i32
          %scan3A_89 = arith.constant 0 : i32
          %scan3A_90 = arith.constant 0 : i32
          %scan3A_91 = arith.constant 8 : i32
          %scan3A_92 = arith.addi %scan3A_90, %scan3A_91 : i32
          %scan3A_93 = arith.constant 1 : i32
          scf.for %scan3A_111 = %scan3A_90 to %scan3A_92 step %scan3A_93  : i32 {
            %mul3A_112 = arith.constant 16 : i32
            %mul3A_113 = arith.muli %scan3A_111, %mul3A_112 : i32
            %get3A = arith.index_cast %add3A_88 : i32 to index
            %get3A_114 = arith.index_cast %mul3A_113 : i32 to index
            %get3A_115 = tpu.vector_load %arg6[%get3A, %get3A_114] {strides = array<i32>} : memref<200x128xi32, #tpu.memory_space<vmem>>, vector<1x16xi32>,
            %get3A_116 = vector.shape_cast %get3A_115 : vector<1x16xi32> to vector<16xi32>
            %shift_right_logical3A_117 = arith.constant 1 : i32
            %shift_right_logical3A_118 = vector.broadcast %shift_right_logical3A_117 : i32 to vector<16xi32>
            %shift_right_logical3A_119 = arith.shrui %get3A_116, %shift_right_logical3A_118 : vector<16xi32>
            %swap3A = arith.index_cast %mul3A_113 : i32 to index
            %swap3A_120 = tpu.vector_load %arg13[%swap3A] {strides = array<i32>} : memref<128xi32, #tpu.memory_space<vmem>>, vector<16xi32>,
            %swap3A_121 = vector.shape_cast %swap3A_120 : vector<16xi32> to vector<16xi32>
            %swap3A_122 = vector.shape_cast %shift_right_logical3A_119 : vector<16xi32> to vector<16xi32>
            tpu.vector_store %arg13[%swap3A], %swap3A_122 {strides = array<i32>} : memref<128xi32, #tpu.memory_space<vmem>>, vector<16xi32>,
          }
          %scan3A_94 = arith.constant 8 : i32
          %dma_start3A_95 = arith.constant 0 : i32
          %dma_start3A_96 = arith.constant 0 : i32
          %dma_start3A_97 = tpu.memref_slice %arg9[%dma_start3A_95, %dma_start3A_96] : memref<128x128xf32, #tpu.memory_space<vmem>> -> memref<64x128xf32, #tpu.memory_space<vmem>>
          %dma_start3A_98 = arith.constant 0 : i32
          %dma_start3A_99 = tpu.memref_slice %arg13[%dma_start3A_98] : memref<128xi32, #tpu.memory_space<vmem>> -> memref<64xi32, #tpu.memory_space<vmem>>
          %dma_start3A_100 = arith.constant 0 : i32
          %dma_start3A_101 = arith.constant 0 : i32
          %dma_start3A_102 = tpu.memref_slice %arg4[%dma_start3A_100, %dma_start3A_101] : memref<500000x128xf32, #tpu.memory_space<hbm>> -> memref<500000x128xf32, #tpu.memory_space<hbm>>
          tpu.enqueue_indirect_dma source(%dma_start3A_102 : memref<500000x128xf32, #tpu.memory_space<hbm>>) target(%dma_start3A_97 : memref<64x128xf32, #tpu.memory_space<vmem>>) offsets(%dma_start3A_99 : memref<64xi32, #tpu.memory_space<vmem>>) semaphore(%arg15 : memref<!tpu.dma_semaphore, #tpu.memory_space<semaphore_mem>>)
          %dma_start3A_103 = arith.constant 64 : i32
          %dma_start3A_104 = arith.constant 0 : i32
          %dma_start3A_105 = tpu.memref_slice %arg9[%dma_start3A_103, %dma_start3A_104] : memref<128x128xf32, #tpu.memory_space<vmem>> -> memref<64x128xf32, #tpu.memory_space<vmem>>
          %dma_start3A_106 = arith.constant 64 : i32
          %dma_start3A_107 = tpu.memref_slice %arg13[%dma_start3A_106] : memref<128xi32, #tpu.memory_space<vmem>> -> memref<64xi32, #tpu.memory_space<vmem>>
          %dma_start3A_108 = arith.constant 0 : i32
          %dma_start3A_109 = arith.constant 0 : i32
          %dma_start3A_110 = tpu.memref_slice %arg4[%dma_start3A_108, %dma_start3A_109] : memref<500000x128xf32, #tpu.memory_space<hbm>> -> memref<500000x128xf32, #tpu.memory_space<hbm>>
          tpu.enqueue_indirect_dma source(%dma_start3A_110 : memref<500000x128xf32, #tpu.memory_space<hbm>>) target(%dma_start3A_105 : memref<64x128xf32, #tpu.memory_space<vmem>>) offsets(%dma_start3A_107 : memref<64xi32, #tpu.memory_space<vmem>>) semaphore(%arg15 : memref<!tpu.dma_semaphore, #tpu.memory_space<semaphore_mem>>)
        } else {
        }
        %dma_wait3A_49 = arith.constant 0 : i32
        %dma_wait3A_50 = arith.constant 0 : i32
        %dma_wait3A_51 = tpu.memref_slice %arg8[%dma_wait3A_49, %dma_wait3A_50] : memref<128x128xf32, #tpu.memory_space<vmem>> -> memref<64x128xf32, #tpu.memory_space<vmem>>
        %dma_wait3A_52 = arith.constant 0 : i32
        %dma_wait3A_53 = tpu.memref_slice %arg12[%dma_wait3A_52] : memref<128xi32, #tpu.memory_space<vmem>> -> memref<64xi32, #tpu.memory_space<vmem>>
        %dma_wait3A_54 = arith.constant 0 : i32
        %dma_wait3A_55 = arith.constant 0 : i32
        %dma_wait3A_56 = tpu.memref_slice %arg4[%dma_wait3A_54, %dma_wait3A_55] : memref<500000x128xf32, #tpu.memory_space<hbm>> -> memref<500000x128xf32, #tpu.memory_space<hbm>>
        tpu.wait_indirect_dma semaphore(%arg14 : memref<!tpu.dma_semaphore, #tpu.memory_space<semaphore_mem>>) src(%dma_wait3A_56 : memref<500000x128xf32, #tpu.memory_space<hbm>>) dst(%dma_wait3A_51 : memref<64x128xf32, #tpu.memory_space<vmem>>)
        %dma_wait3A_57 = arith.constant 64 : i32
        %dma_wait3A_58 = arith.constant 0 : i32
        %dma_wait3A_59 = tpu.memref_slice %arg8[%dma_wait3A_57, %dma_wait3A_58] : memref<128x128xf32, #tpu.memory_space<vmem>> -> memref<64x128xf32, #tpu.memory_space<vmem>>
        %dma_wait3A_60 = arith.constant 64 : i32
        %dma_wait3A_61 = tpu.memref_slice %arg12[%dma_wait3A_60] : memref<128xi32, #tpu.memory_space<vmem>> -> memref<64xi32, #tpu.memory_space<vmem>>
        %dma_wait3A_62 = arith.constant 0 : i32
        %dma_wait3A_63 = arith.constant 0 : i32
        %dma_wait3A_64 = tpu.memref_slice %arg4[%dma_wait3A_62, %dma_wait3A_63] : memref<500000x128xf32, #tpu.memory_space<hbm>> -> memref<500000x128xf32, #tpu.memory_space<hbm>>
        tpu.wait_indirect_dma semaphore(%arg14 : memref<!tpu.dma_semaphore, #tpu.memory_space<semaphore_mem>>) src(%dma_wait3A_64 : memref<500000x128xf32, #tpu.memory_space<hbm>>) dst(%dma_wait3A_59 : memref<64x128xf32, #tpu.memory_space<vmem>>)
        %ge3A = arith.constant 2 : i32
        %ge3A_65 = arith.cmpi sge, %scan3A_36, %ge3A : i32
        %convert_element_type3A_66 = arith.extui %ge3A_65 : i1 to i32
        %cond3A_67 = arith.constant 0 : i32
        %cond3A_68 = arith.cmpi ne, %convert_element_type3A_66, %cond3A_67 : i32
        scf.if %cond3A_68 {
          %dma_wait3A_87 = arith.constant 0 : i32
          %dma_wait3A_88 = tpu.memref_slice %arg5[%mul3A_2, %dma_wait3A_87] : memref<819200x64xf32, #tpu.memory_space<hbm>> -> memref<128x64xf32, #tpu.memory_space<hbm>>
          %dma_wait3A_89 = arith.constant 0 : i32
          %dma_wait3A_90 = tpu.memref_slice %arg5[%mul3A_2, %dma_wait3A_89] : memref<819200x64xf32, #tpu.memory_space<hbm>> -> memref<128x64xf32, #tpu.memory_space<hbm>>
          tpu.wait_dma2 semaphore(%arg16 : memref<!tpu.dma_semaphore, #tpu.memory_space<semaphore_mem>>) src(%arg10 : memref<128x64xf32, #tpu.memory_space<vmem>>) dst(%dma_wait3A_90 : memref<128x64xf32, #tpu.memory_space<hbm>>)
        } else {
        }
        %mul3A_69 = arith.constant 128 : i32
        %mul3A_70 = arith.muli %scan3A_36, %mul3A_69 : i32
        %rem3A_71 = arith.constant 200 : i32
        %rem3A_72 = arith.remsi %mul3A_70, %rem3A_71 : i32
        %shift_right_logical3A = arith.constant 1 : i32
        %shift_right_logical3A_73 = arith.shrui %rem3A_72, %shift_right_logical3A : i32
        %scan3A_74 = arith.constant 0 : i32
        %scan3A_75 = arith.constant 0 : i32
        %scan3A_76 = arith.constant 8 : i32
        %scan3A_77 = arith.addi %scan3A_75, %scan3A_76 : i32
        %scan3A_78 = arith.constant 1 : i32
        scf.for %scan3A_87 = %scan3A_75 to %scan3A_77 step %scan3A_78  : i32 {
          %mul3A_88 = arith.constant 16 : i32
          %mul3A_89 = arith.muli %scan3A_87, %mul3A_88 : i32
          %get3A = arith.index_cast %scan3A_36 : i32 to index
          %get3A_90 = arith.index_cast %mul3A_89 : i32 to index
          %get3A_91 = tpu.vector_load %arg6[%get3A, %get3A_90] {strides = array<i32>} : memref<200x128xi32, #tpu.memory_space<vmem>>, vector<1x16xi32>,
          %get3A_92 = vector.shape_cast %get3A_91 : vector<1x16xi32> to vector<16xi32>
          %and3A = arith.constant 1 : i32
          %and3A_93 = vector.broadcast %and3A : i32 to vector<16xi32>
          %and3A_94 = arith.andi %get3A_92, %and3A_93 : vector<16xi32>
          %mul3A_95 = arith.constant 64 : i32
          %mul3A_96 = vector.broadcast %mul3A_95 : i32 to vector<16xi32>
          %mul3A_97 = arith.muli %and3A_94, %mul3A_96 : vector<16xi32>
          %add3A_98 = arith.constant 0 : i32
          %add3A_99 = arith.addi %mul3A_89, %add3A_98 : i32
          %slice3A = vector.extract_strided_slice %mul3A_97 {offsets = [0], sizes = [1], strides = [1]} : vector<16xi32> to vector<1xi32>
          %squeeze3A = vector.extract %slice3A[0] : i32 from vector<1xi32>
          %mul3A_100 = arith.constant 8 : i32
          %mul3A_101 = arith.muli %scan3A_87, %mul3A_100 : i32
          %add3A_102 = arith.addi %shift_right_logical3A_73, %mul3A_101 : i32
          %add3A_103 = arith.constant 0 : i32
          %add3A_104 = arith.addi %add3A_102, %add3A_103 : i32
          %add3A_105 = arith.constant 0 : i32
          %add3A_106 = arith.addi %squeeze3A, %add3A_105 : i32
          %get3A_107 = arith.index_cast %add3A_99 : i32 to index
          %get3A_108 = arith.index_cast %add3A_106 : i32 to index
          %get3A_109 = tpu.vector_load %arg8[%get3A_107, %get3A_108] {strides = array<i32>} : memref<128x128xf32, #tpu.memory_space<vmem>>, vector<1x16xf32>,
          %get3A_110 = vector.shape_cast %get3A_109 : vector<1x16xf32> to vector<16xf32>
          %mul3A_111 = arith.constant 8.000000e+00 : f32
          %mul3A_112 = vector.broadcast %mul3A_111 : f32 to vector<16xf32>
          %mul3A_113 = arith.mulf %get3A_110, %mul3A_112 : vector<16xf32>
          %get3A_114 = arith.index_cast %add3A_104 : i32 to index
          %get3A_115 = arith.constant 0 : index
          %get3A_116 = tpu.vector_load %arg7[%get3A_114, %get3A_115] {strides = array<i32>} : memref<168x128xf32, #tpu.memory_space<vmem>>, vector<1x16xf32>,
          %get3A_117 = vector.shape_cast %get3A_116 : vector<1x16xf32> to vector<16xf32>
          %add3A_118 = arith.addf %mul3A_113, %get3A_117 : vector<16xf32>
          %swap3A = arith.index_cast %add3A_99 : i32 to index
          %swap3A_119 = arith.constant 0 : index
          %swap3A_120 = tpu.vector_load %arg10[%swap3A, %swap3A_119] {strides = array<i32>} : memref<128x64xf32, #tpu.memory_space<vmem>>, vector<1x16xf32>,
          %swap3A_121 = vector.shape_cast %swap3A_120 : vector<1x16xf32> to vector<16xf32>
          %swap3A_122 = vector.shape_cast %add3A_118 : vector<16xf32> to vector<1x16xf32>
          tpu.vector_store %arg10[%swap3A, %swap3A_119], %swap3A_122 {strides = array<i32>} : memref<128x64xf32, #tpu.memory_space<vmem>>, vector<1x16xf32>,
          %add3A_123 = arith.constant 16 : i32
          %add3A_124 = arith.addi %squeeze3A, %add3A_123 : i32
          %get3A_125 = arith.index_cast %add3A_99 : i32 to index
          %get3A_126 = arith.index_cast %add3A_124 : i32 to index
          %get3A_127 = tpu.vector_load %arg8[%get3A_125, %get3A_126] {strides = array<i32>} : memref<128x128xf32, #tpu.memory_space<vmem>>, vector<1x16xf32>,
          %get3A_128 = vector.shape_cast %get3A_127 : vector<1x16xf32> to vector<16xf32>
          %mul3A_129 = arith.constant 8.000000e+00 : f32
          %mul3A_130 = vector.broadcast %mul3A_129 : f32 to vector<16xf32>
          %mul3A_131 = arith.mulf %get3A_128, %mul3A_130 : vector<16xf32>
          %get3A_132 = arith.index_cast %add3A_104 : i32 to index
          %get3A_133 = arith.constant 16 : index
          %get3A_134 = tpu.vector_load %arg7[%get3A_132, %get3A_133] {strides = array<i32>} : memref<168x128xf32, #tpu.memory_space<vmem>>, vector<1x16xf32>,
          %get3A_135 = vector.shape_cast %get3A_134 : vector<1x16xf32> to vector<16xf32>
          %add3A_136 = arith.addf %mul3A_131, %get3A_135 : vector<16xf32>
          %swap3A_137 = arith.index_cast %add3A_99 : i32 to index
          %swap3A_138 = arith.constant 16 : index
          %swap3A_139 = tpu.vector_load %arg10[%swap3A_137, %swap3A_138] {strides = array<i32>} : memref<128x64xf32, #tpu.memory_space<vmem>>, vector<1x16xf32>,
          %swap3A_140 = vector.shape_cast %swap3A_139 : vector<1x16xf32> to vector<16xf32>
          %swap3A_141 = vector.shape_cast %add3A_136 : vector<16xf32> to vector<1x16xf32>
          tpu.vector_store %arg10[%swap3A_137, %swap3A_138], %swap3A_141 {strides = array<i32>} : memref<128x64xf32, #tpu.memory_space<vmem>>, vector<1x16xf32>,
          %add3A_142 = arith.constant 32 : i32
          %add3A_143 = arith.addi %squeeze3A, %add3A_142 : i32
          %get3A_144 = arith.index_cast %add3A_99 : i32 to index
          %get3A_145 = arith.index_cast %add3A_143 : i32 to index
          %get3A_146 = tpu.vector_load %arg8[%get3A_144, %get3A_145] {strides = array<i32>} : memref<128x128xf32, #tpu.memory_space<vmem>>, vector<1x16xf32>,
          %get3A_147 = vector.shape_cast %get3A_146 : vector<1x16xf32> to vector<16xf32>
          %mul3A_148 = arith.constant 8.000000e+00 : f32
          %mul3A_149 = vector.broadcast %mul3A_148 : f32 to vector<16xf32>
          %mul3A_150 = arith.mulf %get3A_147, %mul3A_149 : vector<16xf32>
          %get3A_151 = arith.index_cast %add3A_104 : i32 to index
          %get3A_152 = arith.constant 32 : index
          %get3A_153 = tpu.vector_load %arg7[%get3A_151, %get3A_152] {strides = array<i32>} : memref<168x128xf32, #tpu.memory_space<vmem>>, vector<1x16xf32>,
          %get3A_154 = vector.shape_cast %get3A_153 : vector<1x16xf32> to vector<16xf32>
          %add3A_155 = arith.addf %mul3A_150, %get3A_154 : vector<16xf32>
          %swap3A_156 = arith.index_cast %add3A_99 : i32 to index
          %swap3A_157 = arith.constant 32 : index
          %swap3A_158 = tpu.vector_load %arg10[%swap3A_156, %swap3A_157] {strides = array<i32>} : memref<128x64xf32, #tpu.memory_space<vmem>>, vector<1x16xf32>,
          %swap3A_159 = vector.shape_cast %swap3A_158 : vector<1x16xf32> to vector<16xf32>
          %swap3A_160 = vector.shape_cast %add3A_155 : vector<16xf32> to vector<1x16xf32>
          tpu.vector_store %arg10[%swap3A_156, %swap3A_157], %swap3A_160 {strides = array<i32>} : memref<128x64xf32, #tpu.memory_space<vmem>>, vector<1x16xf32>,
          %add3A_161 = arith.constant 48 : i32
          %add3A_162 = arith.addi %squeeze3A, %add3A_161 : i32
          %get3A_163 = arith.index_cast %add3A_99 : i32 to index
          %get3A_164 = arith.index_cast %add3A_162 : i32 to index
          %get3A_165 = tpu.vector_load %arg8[%get3A_163, %get3A_164] {strides = array<i32>} : memref<128x128xf32, #tpu.memory_space<vmem>>, vector<1x16xf32>,
          %get3A_166 = vector.shape_cast %get3A_165 : vector<1x16xf32> to vector<16xf32>
          %mul3A_167 = arith.constant 8.000000e+00 : f32
          %mul3A_168 = vector.broadcast %mul3A_167 : f32 to vector<16xf32>
          %mul3A_169 = arith.mulf %get3A_166, %mul3A_168 : vector<16xf32>
          %get3A_170 = arith.index_cast %add3A_104 : i32 to index
          %get3A_171 = arith.constant 48 : index
          %get3A_172 = tpu.vector_load %arg7[%get3A_170, %get3A_171] {strides = array<i32>} : memref<168x128xf32, #tpu.memory_space<vmem>>, vector<1x16xf32>,
          %get3A_173 = vector.shape_cast %get3A_172 : vector<1x16xf32> to vector<16xf32>
          %add3A_174 = arith.addf %mul3A_169, %get3A_173 : vector<16xf32>
          %swap3A_175 = arith.index_cast %add3A_99 : i32 to index
          %swap3A_176 = arith.constant 48 : index
          %swap3A_177 = tpu.vector_load %arg10[%swap3A_175, %swap3A_176] {strides = array<i32>} : memref<128x64xf32, #tpu.memory_space<vmem>>, vector<1x16xf32>,
          %swap3A_178 = vector.shape_cast %swap3A_177 : vector<1x16xf32> to vector<16xf32>
          %swap3A_179 = vector.shape_cast %add3A_174 : vector<16xf32> to vector<1x16xf32>
          tpu.vector_store %arg10[%swap3A_175, %swap3A_176], %swap3A_179 {strides = array<i32>} : memref<128x64xf32, #tpu.memory_space<vmem>>, vector<1x16xf32>,
          %add3A_180 = arith.constant 1 : i32
          %add3A_181 = arith.addi %mul3A_89, %add3A_180 : i32
          %slice3A_182 = vector.extract_strided_slice %mul3A_97 {offsets = [1], sizes = [1], strides = [1]} : vector<16xi32> to vector<1xi32>
          %squeeze3A_183 = vector.extract %slice3A_182[0] : i32 from vector<1xi32>
          %mul3A_184 = arith.constant 8 : i32
          %mul3A_185 = arith.muli %scan3A_87, %mul3A_184 : i32
          %add3A_186 = arith.addi %shift_right_logical3A_73, %mul3A_185 : i32
          %add3A_187 = arith.constant 0 : i32
          %add3A_188 = arith.addi %add3A_186, %add3A_187 : i32
          %add3A_189 = arith.constant 0 : i32
          %add3A_190 = arith.addi %squeeze3A_183, %add3A_189 : i32
          %get3A_191 = arith.index_cast %add3A_181 : i32 to index
          %get3A_192 = arith.index_cast %add3A_190 : i32 to index
          %get3A_193 = tpu.vector_load %arg8[%get3A_191, %get3A_192] {strides = array<i32>} : memref<128x128xf32, #tpu.memory_space<vmem>>, vector<1x16xf32>,
          %get3A_194 = vector.shape_cast %get3A_193 : vector<1x16xf32> to vector<16xf32>
          %mul3A_195 = arith.constant 8.000000e+00 : f32
          %mul3A_196 = vector.broadcast %mul3A_195 : f32 to vector<16xf32>
          %mul3A_197 = arith.mulf %get3A_194, %mul3A_196 : vector<16xf32>
          %get3A_198 = arith.index_cast %add3A_188 : i32 to index
          %get3A_199 = arith.constant 64 : index
          %get3A_200 = tpu.vector_load %arg7[%get3A_198, %get3A_199] {strides = array<i32>} : memref<168x128xf32, #tpu.memory_space<vmem>>, vector<1x16xf32>,
          %get3A_201 = vector.shape_cast %get3A_200 : vector<1x16xf32> to vector<16xf32>
          %add3A_202 = arith.addf %mul3A_197, %get3A_201 : vector<16xf32>
          %swap3A_203 = arith.index_cast %add3A_181 : i32 to index
          %swap3A_204 = arith.constant 0 : index
          %swap3A_205 = tpu.vector_load %arg10[%swap3A_203, %swap3A_204] {strides = array<i32>} : memref<128x64xf32, #tpu.memory_space<vmem>>, vector<1x16xf32>,
          %swap3A_206 = vector.shape_cast %swap3A_205 : vector<1x16xf32> to vector<16xf32>
          %swap3A_207 = vector.shape_cast %add3A_202 : vector<16xf32> to vector<1x16xf32>
          tpu.vector_store %arg10[%swap3A_203, %swap3A_204], %swap3A_207 {strides = array<i32>} : memref<128x64xf32, #tpu.memory_space<vmem>>, vector<1x16xf32>,
          %add3A_208 = arith.constant 16 : i32
          %add3A_209 = arith.addi %squeeze3A_183, %add3A_208 : i32
          %get3A_210 = arith.index_cast %add3A_181 : i32 to index
          %get3A_211 = arith.index_cast %add3A_209 : i32 to index
          %get3A_212 = tpu.vector_load %arg8[%get3A_210, %get3A_211] {strides = array<i32>} : memref<128x128xf32, #tpu.memory_space<vmem>>, vector<1x16xf32>,
          %get3A_213 = vector.shape_cast %get3A_212 : vector<1x16xf32> to vector<16xf32>
          %mul3A_214 = arith.constant 8.000000e+00 : f32
          %mul3A_215 = vector.broadcast %mul3A_214 : f32 to vector<16xf32>
          %mul3A_216 = arith.mulf %get3A_213, %mul3A_215 : vector<16xf32>
          %get3A_217 = arith.index_cast %add3A_188 : i32 to index
          %get3A_218 = arith.constant 80 : index
          %get3A_219 = tpu.vector_load %arg7[%get3A_217, %get3A_218] {strides = array<i32>} : memref<168x128xf32, #tpu.memory_space<vmem>>, vector<1x16xf32>,
          %get3A_220 = vector.shape_cast %get3A_219 : vector<1x16xf32> to vector<16xf32>
          %add3A_221 = arith.addf %mul3A_216, %get3A_220 : vector<16xf32>
          %swap3A_222 = arith.index_cast %add3A_181 : i32 to index
          %swap3A_223 = arith.constant 16 : index
          %swap3A_224 = tpu.vector_load %arg10[%swap3A_222, %swap3A_223] {strides = array<i32>} : memref<128x64xf32, #tpu.memory_space<vmem>>, vector<1x16xf32>,
          %swap3A_225 = vector.shape_cast %swap3A_224 : vector<1x16xf32> to vector<16xf32>
          %swap3A_226 = vector.shape_cast %add3A_221 : vector<16xf32> to vector<1x16xf32>
          tpu.vector_store %arg10[%swap3A_222, %swap3A_223], %swap3A_226 {strides = array<i32>} : memref<128x64xf32, #tpu.memory_space<vmem>>, vector<1x16xf32>,
          %add3A_227 = arith.constant 32 : i32
          %add3A_228 = arith.addi %squeeze3A_183, %add3A_227 : i32
          %get3A_229 = arith.index_cast %add3A_181 : i32 to index
          %get3A_230 = arith.index_cast %add3A_228 : i32 to index
          %get3A_231 = tpu.vector_load %arg8[%get3A_229, %get3A_230] {strides = array<i32>} : memref<128x128xf32, #tpu.memory_space<vmem>>, vector<1x16xf32>,
          %get3A_232 = vector.shape_cast %get3A_231 : vector<1x16xf32> to vector<16xf32>
          %mul3A_233 = arith.constant 8.000000e+00 : f32
          %mul3A_234 = vector.broadcast %mul3A_233 : f32 to vector<16xf32>
          %mul3A_235 = arith.mulf %get3A_232, %mul3A_234 : vector<16xf32>
          %get3A_236 = arith.index_cast %add3A_188 : i32 to index
          %get3A_237 = arith.constant 96 : index
          %get3A_238 = tpu.vector_load %arg7[%get3A_236, %get3A_237] {strides = array<i32>} : memref<168x128xf32, #tpu.memory_space<vmem>>, vector<1x16xf32>,
          %get3A_239 = vector.shape_cast %get3A_238 : vector<1x16xf32> to vector<16xf32>
          %add3A_240 = arith.addf %mul3A_235, %get3A_239 : vector<16xf32>
          %swap3A_241 = arith.index_cast %add3A_181 : i32 to index
          %swap3A_242 = arith.constant 32 : index
          %swap3A_243 = tpu.vector_load %arg10[%swap3A_241, %swap3A_242] {strides = array<i32>} : memref<128x64xf32, #tpu.memory_space<vmem>>, vector<1x16xf32>,
          %swap3A_244 = vector.shape_cast %swap3A_243 : vector<1x16xf32> to vector<16xf32>
          %swap3A_245 = vector.shape_cast %add3A_240 : vector<16xf32> to vector<1x16xf32>
          tpu.vector_store %arg10[%swap3A_241, %swap3A_242], %swap3A_245 {strides = array<i32>} : memref<128x64xf32, #tpu.memory_space<vmem>>, vector<1x16xf32>,
          %add3A_246 = arith.constant 48 : i32
          %add3A_247 = arith.addi %squeeze3A_183, %add3A_246 : i32
          %get3A_248 = arith.index_cast %add3A_181 : i32 to index
          %get3A_249 = arith.index_cast %add3A_247 : i32 to index
          %get3A_250 = tpu.vector_load %arg8[%get3A_248, %get3A_249] {strides = array<i32>} : memref<128x128xf32, #tpu.memory_space<vmem>>, vector<1x16xf32>,
          %get3A_251 = vector.shape_cast %get3A_250 : vector<1x16xf32> to vector<16xf32>
          %mul3A_252 = arith.constant 8.000000e+00 : f32
          %mul3A_253 = vector.broadcast %mul3A_252 : f32 to vector<16xf32>
          %mul3A_254 = arith.mulf %get3A_251, %mul3A_253 : vector<16xf32>
          %get3A_255 = arith.index_cast %add3A_188 : i32 to index
          %get3A_256 = arith.constant 112 : index
          %get3A_257 = tpu.vector_load %arg7[%get3A_255, %get3A_256] {strides = array<i32>} : memref<168x128xf32, #tpu.memory_space<vmem>>, vector<1x16xf32>,
          %get3A_258 = vector.shape_cast %get3A_257 : vector<1x16xf32> to vector<16xf32>
          %add3A_259 = arith.addf %mul3A_254, %get3A_258 : vector<16xf32>
          %swap3A_260 = arith.index_cast %add3A_181 : i32 to index
          %swap3A_261 = arith.constant 48 : index
          %swap3A_262 = tpu.vector_load %arg10[%swap3A_260, %swap3A_261] {strides = array<i32>} : memref<128x64xf32, #tpu.memory_space<vmem>>, vector<1x16xf32>,
          %swap3A_263 = vector.shape_cast %swap3A_262 : vector<1x16xf32> to vector<16xf32>
          %swap3A_264 = vector.shape_cast %add3A_259 : vector<16xf32> to vector<1x16xf32>
          tpu.vector_store %arg10[%swap3A_260, %swap3A_261], %swap3A_264 {strides = array<i32>} : memref<128x64xf32, #tpu.memory_space<vmem>>, vector<1x16xf32>,
          %add3A_265 = arith.constant 2 : i32
          %add3A_266 = arith.addi %mul3A_89, %add3A_265 : i32
          %slice3A_267 = vector.extract_strided_slice %mul3A_97 {offsets = [2], sizes = [1], strides = [1]} : vector<16xi32> to vector<1xi32>
          %squeeze3A_268 = vector.extract %slice3A_267[0] : i32 from vector<1xi32>
          %mul3A_269 = arith.constant 8 : i32
          %mul3A_270 = arith.muli %scan3A_87, %mul3A_269 : i32
          %add3A_271 = arith.addi %shift_right_logical3A_73, %mul3A_270 : i32
          %add3A_272 = arith.constant 1 : i32
          %add3A_273 = arith.addi %add3A_271, %add3A_272 : i32
          %add3A_274 = arith.constant 0 : i32
          %add3A_275 = arith.addi %squeeze3A_268, %add3A_274 : i32
          %get3A_276 = arith.index_cast %add3A_266 : i32 to index
          %get3A_277 = arith.index_cast %add3A_275 : i32 to index
          %get3A_278 = tpu.vector_load %arg8[%get3A_276, %get3A_277] {strides = array<i32>} : memref<128x128xf32, #tpu.memory_space<vmem>>, vector<1x16xf32>,
          %get3A_279 = vector.shape_cast %get3A_278 : vector<1x16xf32> to vector<16xf32>
          %mul3A_280 = arith.constant 8.000000e+00 : f32
          %mul3A_281 = vector.broadcast %mul3A_280 : f32 to vector<16xf32>
          %mul3A_282 = arith.mulf %get3A_279, %mul3A_281 : vector<16xf32>
          %get3A_283 = arith.index_cast %add3A_273 : i32 to index
          %get3A_284 = arith.constant 0 : index
          %get3A_285 = tpu.vector_load %arg7[%get3A_283, %get3A_284] {strides = array<i32>} : memref<168x128xf32, #tpu.memory_space<vmem>>, vector<1x16xf32>,
          %get3A_286 = vector.shape_cast %get3A_285 : vector<1x16xf32> to vector<16xf32>
          %add3A_287 = arith.addf %mul3A_282, %get3A_286 : vector<16xf32>
          %swap3A_288 = arith.index_cast %add3A_266 : i32 to index
          %swap3A_289 = arith.constant 0 : index
          %swap3A_290 = tpu.vector_load %arg10[%swap3A_288, %swap3A_289] {strides = array<i32>} : memref<128x64xf32, #tpu.memory_space<vmem>>, vector<1x16xf32>,
          %swap3A_291 = vector.shape_cast %swap3A_290 : vector<1x16xf32> to vector<16xf32>
          %swap3A_292 = vector.shape_cast %add3A_287 : vector<16xf32> to vector<1x16xf32>
          tpu.vector_store %arg10[%swap3A_288, %swap3A_289], %swap3A_292 {strides = array<i32>} : memref<128x64xf32, #tpu.memory_space<vmem>>, vector<1x16xf32>,
          %add3A_293 = arith.constant 16 : i32
          %add3A_294 = arith.addi %squeeze3A_268, %add3A_293 : i32
          %get3A_295 = arith.index_cast %add3A_266 : i32 to index
          %get3A_296 = arith.index_cast %add3A_294 : i32 to index
          %get3A_297 = tpu.vector_load %arg8[%get3A_295, %get3A_296] {strides = array<i32>} : memref<128x128xf32, #tpu.memory_space<vmem>>, vector<1x16xf32>,
          %get3A_298 = vector.shape_cast %get3A_297 : vector<1x16xf32> to vector<16xf32>
          %mul3A_299 = arith.constant 8.000000e+00 : f32
          %mul3A_300 = vector.broadcast %mul3A_299 : f32 to vector<16xf32>
          %mul3A_301 = arith.mulf %get3A_298, %mul3A_300 : vector<16xf32>
          %get3A_302 = arith.index_cast %add3A_273 : i32 to index
          %get3A_303 = arith.constant 16 : index
          %get3A_304 = tpu.vector_load %arg7[%get3A_302, %get3A_303] {strides = array<i32>} : memref<168x128xf32, #tpu.memory_space<vmem>>, vector<1x16xf32>,
          %get3A_305 = vector.shape_cast %get3A_304 : vector<1x16xf32> to vector<16xf32>
          %add3A_306 = arith.addf %mul3A_301, %get3A_305 : vector<16xf32>
          %swap3A_307 = arith.index_cast %add3A_266 : i32 to index
          %swap3A_308 = arith.constant 16 : index
          %swap3A_309 = tpu.vector_load %arg10[%swap3A_307, %swap3A_308] {strides = array<i32>} : memref<128x64xf32, #tpu.memory_space<vmem>>, vector<1x16xf32>,
          %swap3A_310 = vector.shape_cast %swap3A_309 : vector<1x16xf32> to vector<16xf32>
          %swap3A_311 = vector.shape_cast %add3A_306 : vector<16xf32> to vector<1x16xf32>
          tpu.vector_store %arg10[%swap3A_307, %swap3A_308], %swap3A_311 {strides = array<i32>} : memref<128x64xf32, #tpu.memory_space<vmem>>, vector<1x16xf32>,
          %add3A_312 = arith.constant 32 : i32
          %add3A_313 = arith.addi %squeeze3A_268, %add3A_312 : i32
          %get3A_314 = arith.index_cast %add3A_266 : i32 to index
          %get3A_315 = arith.index_cast %add3A_313 : i32 to index
          %get3A_316 = tpu.vector_load %arg8[%get3A_314, %get3A_315] {strides = array<i32>} : memref<128x128xf32, #tpu.memory_space<vmem>>, vector<1x16xf32>,
          %get3A_317 = vector.shape_cast %get3A_316 : vector<1x16xf32> to vector<16xf32>
          %mul3A_318 = arith.constant 8.000000e+00 : f32
          %mul3A_319 = vector.broadcast %mul3A_318 : f32 to vector<16xf32>
          %mul3A_320 = arith.mulf %get3A_317, %mul3A_319 : vector<16xf32>
          %get3A_321 = arith.index_cast %add3A_273 : i32 to index
          %get3A_322 = arith.constant 32 : index
          %get3A_323 = tpu.vector_load %arg7[%get3A_321, %get3A_322] {strides = array<i32>} : memref<168x128xf32, #tpu.memory_space<vmem>>, vector<1x16xf32>,
          %get3A_324 = vector.shape_cast %get3A_323 : vector<1x16xf32> to vector<16xf32>
          %add3A_325 = arith.addf %mul3A_320, %get3A_324 : vector<16xf32>
          %swap3A_326 = arith.index_cast %add3A_266 : i32 to index
          %swap3A_327 = arith.constant 32 : index
          %swap3A_328 = tpu.vector_load %arg10[%swap3A_326, %swap3A_327] {strides = array<i32>} : memref<128x64xf32, #tpu.memory_space<vmem>>, vector<1x16xf32>,
          %swap3A_329 = vector.shape_cast %swap3A_328 : vector<1x16xf32> to vector<16xf32>
          %swap3A_330 = vector.shape_cast %add3A_325 : vector<16xf32> to vector<1x16xf32>
          tpu.vector_store %arg10[%swap3A_326, %swap3A_327], %swap3A_330 {strides = array<i32>} : memref<128x64xf32, #tpu.memory_space<vmem>>, vector<1x16xf32>,
          %add3A_331 = arith.constant 48 : i32
          %add3A_332 = arith.addi %squeeze3A_268, %add3A_331 : i32
          %get3A_333 = arith.index_cast %add3A_266 : i32 to index
          %get3A_334 = arith.index_cast %add3A_332 : i32 to index
          %get3A_335 = tpu.vector_load %arg8[%get3A_333, %get3A_334] {strides = array<i32>} : memref<128x128xf32, #tpu.memory_space<vmem>>, vector<1x16xf32>,
          %get3A_336 = vector.shape_cast %get3A_335 : vector<1x16xf32> to vector<16xf32>
          %mul3A_337 = arith.constant 8.000000e+00 : f32
          %mul3A_338 = vector.broadcast %mul3A_337 : f32 to vector<16xf32>
          %mul3A_339 = arith.mulf %get3A_336, %mul3A_338 : vector<16xf32>
          %get3A_340 = arith.index_cast %add3A_273 : i32 to index
          %get3A_341 = arith.constant 48 : index
          %get3A_342 = tpu.vector_load %arg7[%get3A_340, %get3A_341] {strides = array<i32>} : memref<168x128xf32, #tpu.memory_space<vmem>>, vector<1x16xf32>,
          %get3A_343 = vector.shape_cast %get3A_342 : vector<1x16xf32> to vector<16xf32>
          %add3A_344 = arith.addf %mul3A_339, %get3A_343 : vector<16xf32>
          %swap3A_345 = arith.index_cast %add3A_266 : i32 to index
          %swap3A_346 = arith.constant 48 : index
          %swap3A_347 = tpu.vector_load %arg10[%swap3A_345, %swap3A_346] {strides = array<i32>} : memref<128x64xf32, #tpu.memory_space<vmem>>, vector<1x16xf32>,
          %swap3A_348 = vector.shape_cast %swap3A_347 : vector<1x16xf32> to vector<16xf32>
          %swap3A_349 = vector.shape_cast %add3A_344 : vector<16xf32> to vector<1x16xf32>
          tpu.vector_store %arg10[%swap3A_345, %swap3A_346], %swap3A_349 {strides = array<i32>} : memref<128x64xf32, #tpu.memory_space<vmem>>, vector<1x16xf32>,
          %add3A_350 = arith.constant 3 : i32
          %add3A_351 = arith.addi %mul3A_89, %add3A_350 : i32
          %slice3A_352 = vector.extract_strided_slice %mul3A_97 {offsets = [3], sizes = [1], strides = [1]} : vector<16xi32> to vector<1xi32>
          %squeeze3A_353 = vector.extract %slice3A_352[0] : i32 from vector<1xi32>
          %mul3A_354 = arith.constant 8 : i32
          %mul3A_355 = arith.muli %scan3A_87, %mul3A_354 : i32
          %add3A_356 = arith.addi %shift_right_logical3A_73, %mul3A_355 : i32
          %add3A_357 = arith.constant 1 : i32
          %add3A_358 = arith.addi %add3A_356, %add3A_357 : i32
          %add3A_359 = arith.constant 0 : i32
          %add3A_360 = arith.addi %squeeze3A_353, %add3A_359 : i32
          %get3A_361 = arith.index_cast %add3A_351 : i32 to index
          %get3A_362 = arith.index_cast %add3A_360 : i32 to index
          %get3A_363 = tpu.vector_load %arg8[%get3A_361, %get3A_362] {strides = array<i32>} : memref<128x128xf32, #tpu.memory_space<vmem>>, vector<1x16xf32>,
          %get3A_364 = vector.shape_cast %get3A_363 : vector<1x16xf32> to vector<16xf32>
          %mul3A_365 = arith.constant 8.000000e+00 : f32
          %mul3A_366 = vector.broadcast %mul3A_365 : f32 to vector<16xf32>
          %mul3A_367 = arith.mulf %get3A_364, %mul3A_366 : vector<16xf32>
          %get3A_368 = arith.index_cast %add3A_358 : i32 to index
          %get3A_369 = arith.constant 64 : index
          %get3A_370 = tpu.vector_load %arg7[%get3A_368, %get3A_369] {strides = array<i32>} : memref<168x128xf32, #tpu.memory_space<vmem>>, vector<1x16xf32>,
          %get3A_371 = vector.shape_cast %get3A_370 : vector<1x16xf32> to vector<16xf32>
          %add3A_372 = arith.addf %mul3A_367, %get3A_371 : vector<16xf32>
          %swap3A_373 = arith.index_cast %add3A_351 : i32 to index
          %swap3A_374 = arith.constant 0 : index
          %swap3A_375 = tpu.vector_load %arg10[%swap3A_373, %swap3A_374] {strides = array<i32>} : memref<128x64xf32, #tpu.memory_space<vmem>>, vector<1x16xf32>,
          %swap3A_376 = vector.shape_cast %swap3A_375 : vector<1x16xf32> to vector<16xf32>
          %swap3A_377 = vector.shape_cast %add3A_372 : vector<16xf32> to vector<1x16xf32>
          tpu.vector_store %arg10[%swap3A_373, %swap3A_374], %swap3A_377 {strides = array<i32>} : memref<128x64xf32, #tpu.memory_space<vmem>>, vector<1x16xf32>,
          %add3A_378 = arith.constant 16 : i32
          %add3A_379 = arith.addi %squeeze3A_353, %add3A_378 : i32
          %get3A_380 = arith.index_cast %add3A_351 : i32 to index
          %get3A_381 = arith.index_cast %add3A_379 : i32 to index
          %get3A_382 = tpu.vector_load %arg8[%get3A_380, %get3A_381] {strides = array<i32>} : memref<128x128xf32, #tpu.memory_space<vmem>>, vector<1x16xf32>,
          %get3A_383 = vector.shape_cast %get3A_382 : vector<1x16xf32> to vector<16xf32>
          %mul3A_384 = arith.constant 8.000000e+00 : f32
          %mul3A_385 = vector.broadcast %mul3A_384 : f32 to vector<16xf32>
          %mul3A_386 = arith.mulf %get3A_383, %mul3A_385 : vector<16xf32>
          %get3A_387 = arith.index_cast %add3A_358 : i32 to index
          %get3A_388 = arith.constant 80 : index
          %get3A_389 = tpu.vector_load %arg7[%get3A_387, %get3A_388] {strides = array<i32>} : memref<168x128xf32, #tpu.memory_space<vmem>>, vector<1x16xf32>,
          %get3A_390 = vector.shape_cast %get3A_389 : vector<1x16xf32> to vector<16xf32>
          %add3A_391 = arith.addf %mul3A_386, %get3A_390 : vector<16xf32>
          %swap3A_392 = arith.index_cast %add3A_351 : i32 to index
          %swap3A_393 = arith.constant 16 : index
          %swap3A_394 = tpu.vector_load %arg10[%swap3A_392, %swap3A_393] {strides = array<i32>} : memref<128x64xf32, #tpu.memory_space<vmem>>, vector<1x16xf32>,
          %swap3A_395 = vector.shape_cast %swap3A_394 : vector<1x16xf32> to vector<16xf32>
          %swap3A_396 = vector.shape_cast %add3A_391 : vector<16xf32> to vector<1x16xf32>
          tpu.vector_store %arg10[%swap3A_392, %swap3A_393], %swap3A_396 {strides = array<i32>} : memref<128x64xf32, #tpu.memory_space<vmem>>, vector<1x16xf32>,
          %add3A_397 = arith.constant 32 : i32
          %add3A_398 = arith.addi %squeeze3A_353, %add3A_397 : i32
          %get3A_399 = arith.index_cast %add3A_351 : i32 to index
          %get3A_400 = arith.index_cast %add3A_398 : i32 to index
          %get3A_401 = tpu.vector_load %arg8[%get3A_399, %get3A_400] {strides = array<i32>} : memref<128x128xf32, #tpu.memory_space<vmem>>, vector<1x16xf32>,
          %get3A_402 = vector.shape_cast %get3A_401 : vector<1x16xf32> to vector<16xf32>
          %mul3A_403 = arith.constant 8.000000e+00 : f32
          %mul3A_404 = vector.broadcast %mul3A_403 : f32 to vector<16xf32>
          %mul3A_405 = arith.mulf %get3A_402, %mul3A_404 : vector<16xf32>
          %get3A_406 = arith.index_cast %add3A_358 : i32 to index
          %get3A_407 = arith.constant 96 : index
          %get3A_408 = tpu.vector_load %arg7[%get3A_406, %get3A_407] {strides = array<i32>} : memref<168x128xf32, #tpu.memory_space<vmem>>, vector<1x16xf32>,
          %get3A_409 = vector.shape_cast %get3A_408 : vector<1x16xf32> to vector<16xf32>
          %add3A_410 = arith.addf %mul3A_405, %get3A_409 : vector<16xf32>
          %swap3A_411 = arith.index_cast %add3A_351 : i32 to index
          %swap3A_412 = arith.constant 32 : index
          %swap3A_413 = tpu.vector_load %arg10[%swap3A_411, %swap3A_412] {strides = array<i32>} : memref<128x64xf32, #tpu.memory_space<vmem>>, vector<1x16xf32>,
          %swap3A_414 = vector.shape_cast %swap3A_413 : vector<1x16xf32> to vector<16xf32>
          %swap3A_415 = vector.shape_cast %add3A_410 : vector<16xf32> to vector<1x16xf32>
          tpu.vector_store %arg10[%swap3A_411, %swap3A_412], %swap3A_415 {strides = array<i32>} : memref<128x64xf32, #tpu.memory_space<vmem>>, vector<1x16xf32>,
          %add3A_416 = arith.constant 48 : i32
          %add3A_417 = arith.addi %squeeze3A_353, %add3A_416 : i32
          %get3A_418 = arith.index_cast %add3A_351 : i32 to index
          %get3A_419 = arith.index_cast %add3A_417 : i32 to index
          %get3A_420 = tpu.vector_load %arg8[%get3A_418, %get3A_419] {strides = array<i32>} : memref<128x128xf32, #tpu.memory_space<vmem>>, vector<1x16xf32>,
          %get3A_421 = vector.shape_cast %get3A_420 : vector<1x16xf32> to vector<16xf32>
          %mul3A_422 = arith.constant 8.000000e+00 : f32
          %mul3A_423 = vector.broadcast %mul3A_422 : f32 to vector<16xf32>
          %mul3A_424 = arith.mulf %get3A_421, %mul3A_423 : vector<16xf32>
          %get3A_425 = arith.index_cast %add3A_358 : i32 to index
          %get3A_426 = arith.constant 112 : index
          %get3A_427 = tpu.vector_load %arg7[%get3A_425, %get3A_426] {strides = array<i32>} : memref<168x128xf32, #tpu.memory_space<vmem>>, vector<1x16xf32>,
          %get3A_428 = vector.shape_cast %get3A_427 : vector<1x16xf32> to vector<16xf32>
          %add3A_429 = arith.addf %mul3A_424, %get3A_428 : vector<16xf32>
          %swap3A_430 = arith.index_cast %add3A_351 : i32 to index
          %swap3A_431 = arith.constant 48 : index
          %swap3A_432 = tpu.vector_load %arg10[%swap3A_430, %swap3A_431] {strides = array<i32>} : memref<128x64xf32, #tpu.memory_space<vmem>>, vector<1x16xf32>,
          %swap3A_433 = vector.shape_cast %swap3A_432 : vector<1x16xf32> to vector<16xf32>
          %swap3A_434 = vector.shape_cast %add3A_429 : vector<16xf32> to vector<1x16xf32>
          tpu.vector_store %arg10[%swap3A_430, %swap3A_431], %swap3A_434 {strides = array<i32>} : memref<128x64xf32, #tpu.memory_space<vmem>>, vector<1x16xf32>,
          %add3A_435 = arith.constant 4 : i32
          %add3A_436 = arith.addi %mul3A_89, %add3A_435 : i32
          %slice3A_437 = vector.extract_strided_slice %mul3A_97 {offsets = [4], sizes = [1], strides = [1]} : vector<16xi32> to vector<1xi32>
          %squeeze3A_438 = vector.extract %slice3A_437[0] : i32 from vector<1xi32>
          %mul3A_439 = arith.constant 8 : i32
          %mul3A_440 = arith.muli %scan3A_87, %mul3A_439 : i32
          %add3A_441 = arith.addi %shift_right_logical3A_73, %mul3A_440 : i32
          %add3A_442 = arith.constant 2 : i32
          %add3A_443 = arith.addi %add3A_441, %add3A_442 : i32
          %add3A_444 = arith.constant 0 : i32
          %add3A_445 = arith.addi %squeeze3A_438, %add3A_444 : i32
          %get3A_446 = arith.index_cast %add3A_436 : i32 to index
          %get3A_447 = arith.index_cast %add3A_445 : i32 to index
          %get3A_448 = tpu.vector_load %arg8[%get3A_446, %get3A_447] {strides = array<i32>} : memref<128x128xf32, #tpu.memory_space<vmem>>, vector<1x16xf32>,
          %get3A_449 = vector.shape_cast %get3A_448 : vector<1x16xf32> to vector<16xf32>
          %mul3A_450 = arith.constant 8.000000e+00 : f32
          %mul3A_451 = vector.broadcast %mul3A_450 : f32 to vector<16xf32>
          %mul3A_452 = arith.mulf %get3A_449, %mul3A_451 : vector<16xf32>
          %get3A_453 = arith.index_cast %add3A_443 : i32 to index
          %get3A_454 = arith.constant 0 : index
          %get3A_455 = tpu.vector_load %arg7[%get3A_453, %get3A_454] {strides = array<i32>} : memref<168x128xf32, #tpu.memory_space<vmem>>, vector<1x16xf32>,
          %get3A_456 = vector.shape_cast %get3A_455 : vector<1x16xf32> to vector<16xf32>
          %add3A_457 = arith.addf %mul3A_452, %get3A_456 : vector<16xf32>
          %swap3A_458 = arith.index_cast %add3A_436 : i32 to index
          %swap3A_459 = arith.constant 0 : index
          %swap3A_460 = tpu.vector_load %arg10[%swap3A_458, %swap3A_459] {strides = array<i32>} : memref<128x64xf32, #tpu.memory_space<vmem>>, vector<1x16xf32>,
          %swap3A_461 = vector.shape_cast %swap3A_460 : vector<1x16xf32> to vector<16xf32>
          %swap3A_462 = vector.shape_cast %add3A_457 : vector<16xf32> to vector<1x16xf32>
          tpu.vector_store %arg10[%swap3A_458, %swap3A_459], %swap3A_462 {strides = array<i32>} : memref<128x64xf32, #tpu.memory_space<vmem>>, vector<1x16xf32>,
          %add3A_463 = arith.constant 16 : i32
          %add3A_464 = arith.addi %squeeze3A_438, %add3A_463 : i32
          %get3A_465 = arith.index_cast %add3A_436 : i32 to index
          %get3A_466 = arith.index_cast %add3A_464 : i32 to index
          %get3A_467 = tpu.vector_load %arg8[%get3A_465, %get3A_466] {strides = array<i32>} : memref<128x128xf32, #tpu.memory_space<vmem>>, vector<1x16xf32>,
          %get3A_468 = vector.shape_cast %get3A_467 : vector<1x16xf32> to vector<16xf32>
          %mul3A_469 = arith.constant 8.000000e+00 : f32
          %mul3A_470 = vector.broadcast %mul3A_469 : f32 to vector<16xf32>
          %mul3A_471 = arith.mulf %get3A_468, %mul3A_470 : vector<16xf32>
          %get3A_472 = arith.index_cast %add3A_443 : i32 to index
          %get3A_473 = arith.constant 16 : index
          %get3A_474 = tpu.vector_load %arg7[%get3A_472, %get3A_473] {strides = array<i32>} : memref<168x128xf32, #tpu.memory_space<vmem>>, vector<1x16xf32>,
          %get3A_475 = vector.shape_cast %get3A_474 : vector<1x16xf32> to vector<16xf32>
          %add3A_476 = arith.addf %mul3A_471, %get3A_475 : vector<16xf32>
          %swap3A_477 = arith.index_cast %add3A_436 : i32 to index
          %swap3A_478 = arith.constant 16 : index
          %swap3A_479 = tpu.vector_load %arg10[%swap3A_477, %swap3A_478] {strides = array<i32>} : memref<128x64xf32, #tpu.memory_space<vmem>>, vector<1x16xf32>,
          %swap3A_480 = vector.shape_cast %swap3A_479 : vector<1x16xf32> to vector<16xf32>
          %swap3A_481 = vector.shape_cast %add3A_476 : vector<16xf32> to vector<1x16xf32>
          tpu.vector_store %arg10[%swap3A_477, %swap3A_478], %swap3A_481 {strides = array<i32>} : memref<128x64xf32, #tpu.memory_space<vmem>>, vector<1x16xf32>,
          %add3A_482 = arith.constant 32 : i32
          %add3A_483 = arith.addi %squeeze3A_438, %add3A_482 : i32
          %get3A_484 = arith.index_cast %add3A_436 : i32 to index
          %get3A_485 = arith.index_cast %add3A_483 : i32 to index
          %get3A_486 = tpu.vector_load %arg8[%get3A_484, %get3A_485] {strides = array<i32>} : memref<128x128xf32, #tpu.memory_space<vmem>>, vector<1x16xf32>,
          %get3A_487 = vector.shape_cast %get3A_486 : vector<1x16xf32> to vector<16xf32>
          %mul3A_488 = arith.constant 8.000000e+00 : f32
          %mul3A_489 = vector.broadcast %mul3A_488 : f32 to vector<16xf32>
          %mul3A_490 = arith.mulf %get3A_487, %mul3A_489 : vector<16xf32>
          %get3A_491 = arith.index_cast %add3A_443 : i32 to index
          %get3A_492 = arith.constant 32 : index
          %get3A_493 = tpu.vector_load %arg7[%get3A_491, %get3A_492] {strides = array<i32>} : memref<168x128xf32, #tpu.memory_space<vmem>>, vector<1x16xf32>,
          %get3A_494 = vector.shape_cast %get3A_493 : vector<1x16xf32> to vector<16xf32>
          %add3A_495 = arith.addf %mul3A_490, %get3A_494 : vector<16xf32>
          %swap3A_496 = arith.index_cast %add3A_436 : i32 to index
          %swap3A_497 = arith.constant 32 : index
          %swap3A_498 = tpu.vector_load %arg10[%swap3A_496, %swap3A_497] {strides = array<i32>} : memref<128x64xf32, #tpu.memory_space<vmem>>, vector<1x16xf32>,
          %swap3A_499 = vector.shape_cast %swap3A_498 : vector<1x16xf32> to vector<16xf32>
          %swap3A_500 = vector.shape_cast %add3A_495 : vector<16xf32> to vector<1x16xf32>
          tpu.vector_store %arg10[%swap3A_496, %swap3A_497], %swap3A_500 {strides = array<i32>} : memref<128x64xf32, #tpu.memory_space<vmem>>, vector<1x16xf32>,
          %add3A_501 = arith.constant 48 : i32
          %add3A_502 = arith.addi %squeeze3A_438, %add3A_501 : i32
          %get3A_503 = arith.index_cast %add3A_436 : i32 to index
          %get3A_504 = arith.index_cast %add3A_502 : i32 to index
          %get3A_505 = tpu.vector_load %arg8[%get3A_503, %get3A_504] {strides = array<i32>} : memref<128x128xf32, #tpu.memory_space<vmem>>, vector<1x16xf32>,
          %get3A_506 = vector.shape_cast %get3A_505 : vector<1x16xf32> to vector<16xf32>
          %mul3A_507 = arith.constant 8.000000e+00 : f32
          %mul3A_508 = vector.broadcast %mul3A_507 : f32 to vector<16xf32>
          %mul3A_509 = arith.mulf %get3A_506, %mul3A_508 : vector<16xf32>
          %get3A_510 = arith.index_cast %add3A_443 : i32 to index
          %get3A_511 = arith.constant 48 : index
          %get3A_512 = tpu.vector_load %arg7[%get3A_510, %get3A_511] {strides = array<i32>} : memref<168x128xf32, #tpu.memory_space<vmem>>, vector<1x16xf32>,
          %get3A_513 = vector.shape_cast %get3A_512 : vector<1x16xf32> to vector<16xf32>
          %add3A_514 = arith.addf %mul3A_509, %get3A_513 : vector<16xf32>
          %swap3A_515 = arith.index_cast %add3A_436 : i32 to index
          %swap3A_516 = arith.constant 48 : index
          %swap3A_517 = tpu.vector_load %arg10[%swap3A_515, %swap3A_516] {strides = array<i32>} : memref<128x64xf32, #tpu.memory_space<vmem>>, vector<1x16xf32>,
          %swap3A_518 = vector.shape_cast %swap3A_517 : vector<1x16xf32> to vector<16xf32>
          %swap3A_519 = vector.shape_cast %add3A_514 : vector<16xf32> to vector<1x16xf32>
          tpu.vector_store %arg10[%swap3A_515, %swap3A_516], %swap3A_519 {strides = array<i32>} : memref<128x64xf32, #tpu.memory_space<vmem>>, vector<1x16xf32>,
          %add3A_520 = arith.constant 5 : i32
          %add3A_521 = arith.addi %mul3A_89, %add3A_520 : i32
          %slice3A_522 = vector.extract_strided_slice %mul3A_97 {offsets = [5], sizes = [1], strides = [1]} : vector<16xi32> to vector<1xi32>
          %squeeze3A_523 = vector.extract %slice3A_522[0] : i32 from vector<1xi32>
          %mul3A_524 = arith.constant 8 : i32
          %mul3A_525 = arith.muli %scan3A_87, %mul3A_524 : i32
          %add3A_526 = arith.addi %shift_right_logical3A_73, %mul3A_525 : i32
          %add3A_527 = arith.constant 2 : i32
          %add3A_528 = arith.addi %add3A_526, %add3A_527 : i32
          %add3A_529 = arith.constant 0 : i32
          %add3A_530 = arith.addi %squeeze3A_523, %add3A_529 : i32
          %get3A_531 = arith.index_cast %add3A_521 : i32 to index
          %get3A_532 = arith.index_cast %add3A_530 : i32 to index
          %get3A_533 = tpu.vector_load %arg8[%get3A_531, %get3A_532] {strides = array<i32>} : memref<128x128xf32, #tpu.memory_space<vmem>>, vector<1x16xf32>,
          %get3A_534 = vector.shape_cast %get3A_533 : vector<1x16xf32> to vector<16xf32>
          %mul3A_535 = arith.constant 8.000000e+00 : f32
          %mul3A_536 = vector.broadcast %mul3A_535 : f32 to vector<16xf32>
          %mul3A_537 = arith.mulf %get3A_534, %mul3A_536 : vector<16xf32>
          %get3A_538 = arith.index_cast %add3A_528 : i32 to index
          %get3A_539 = arith.constant 64 : index
          %get3A_540 = tpu.vector_load %arg7[%get3A_538, %get3A_539] {strides = array<i32>} : memref<168x128xf32, #tpu.memory_space<vmem>>, vector<1x16xf32>,
          %get3A_541 = vector.shape_cast %get3A_540 : vector<1x16xf32> to vector<16xf32>
          %add3A_542 = arith.addf %mul3A_537, %get3A_541 : vector<16xf32>
          %swap3A_543 = arith.index_cast %add3A_521 : i32 to index
          %swap3A_544 = arith.constant 0 : index
          %swap3A_545 = tpu.vector_load %arg10[%swap3A_543, %swap3A_544] {strides = array<i32>} : memref<128x64xf32, #tpu.memory_space<vmem>>, vector<1x16xf32>,
          %swap3A_546 = vector.shape_cast %swap3A_545 : vector<1x16xf32> to vector<16xf32>
          %swap3A_547 = vector.shape_cast %add3A_542 : vector<16xf32> to vector<1x16xf32>
          tpu.vector_store %arg10[%swap3A_543, %swap3A_544], %swap3A_547 {strides = array<i32>} : memref<128x64xf32, #tpu.memory_space<vmem>>, vector<1x16xf32>,
          %add3A_548 = arith.constant 16 : i32
          %add3A_549 = arith.addi %squeeze3A_523, %add3A_548 : i32
          %get3A_550 = arith.index_cast %add3A_521 : i32 to index
          %get3A_551 = arith.index_cast %add3A_549 : i32 to index
          %get3A_552 = tpu.vector_load %arg8[%get3A_550, %get3A_551] {strides = array<i32>} : memref<128x128xf32, #tpu.memory_space<vmem>>, vector<1x16xf32>,
          %get3A_553 = vector.shape_cast %get3A_552 : vector<1x16xf32> to vector<16xf32>
          %mul3A_554 = arith.constant 8.000000e+00 : f32
          %mul3A_555 = vector.broadcast %mul3A_554 : f32 to vector<16xf32>
          %mul3A_556 = arith.mulf %get3A_553, %mul3A_555 : vector<16xf32>
          %get3A_557 = arith.index_cast %add3A_528 : i32 to index
          %get3A_558 = arith.constant 80 : index
          %get3A_559 = tpu.vector_load %arg7[%get3A_557, %get3A_558] {strides = array<i32>} : memref<168x128xf32, #tpu.memory_space<vmem>>, vector<1x16xf32>,
          %get3A_560 = vector.shape_cast %get3A_559 : vector<1x16xf32> to vector<16xf32>
          %add3A_561 = arith.addf %mul3A_556, %get3A_560 : vector<16xf32>
          %swap3A_562 = arith.index_cast %add3A_521 : i32 to index
          %swap3A_563 = arith.constant 16 : index
          %swap3A_564 = tpu.vector_load %arg10[%swap3A_562, %swap3A_563] {strides = array<i32>} : memref<128x64xf32, #tpu.memory_space<vmem>>, vector<1x16xf32>,
          %swap3A_565 = vector.shape_cast %swap3A_564 : vector<1x16xf32> to vector<16xf32>
          %swap3A_566 = vector.shape_cast %add3A_561 : vector<16xf32> to vector<1x16xf32>
          tpu.vector_store %arg10[%swap3A_562, %swap3A_563], %swap3A_566 {strides = array<i32>} : memref<128x64xf32, #tpu.memory_space<vmem>>, vector<1x16xf32>,
          %add3A_567 = arith.constant 32 : i32
          %add3A_568 = arith.addi %squeeze3A_523, %add3A_567 : i32
          %get3A_569 = arith.index_cast %add3A_521 : i32 to index
          %get3A_570 = arith.index_cast %add3A_568 : i32 to index
          %get3A_571 = tpu.vector_load %arg8[%get3A_569, %get3A_570] {strides = array<i32>} : memref<128x128xf32, #tpu.memory_space<vmem>>, vector<1x16xf32>,
          %get3A_572 = vector.shape_cast %get3A_571 : vector<1x16xf32> to vector<16xf32>
          %mul3A_573 = arith.constant 8.000000e+00 : f32
          %mul3A_574 = vector.broadcast %mul3A_573 : f32 to vector<16xf32>
          %mul3A_575 = arith.mulf %get3A_572, %mul3A_574 : vector<16xf32>
          %get3A_576 = arith.index_cast %add3A_528 : i32 to index
          %get3A_577 = arith.constant 96 : index
          %get3A_578 = tpu.vector_load %arg7[%get3A_576, %get3A_577] {strides = array<i32>} : memref<168x128xf32, #tpu.memory_space<vmem>>, vector<1x16xf32>,
          %get3A_579 = vector.shape_cast %get3A_578 : vector<1x16xf32> to vector<16xf32>
          %add3A_580 = arith.addf %mul3A_575, %get3A_579 : vector<16xf32>
          %swap3A_581 = arith.index_cast %add3A_521 : i32 to index
          %swap3A_582 = arith.constant 32 : index
          %swap3A_583 = tpu.vector_load %arg10[%swap3A_581, %swap3A_582] {strides = array<i32>} : memref<128x64xf32, #tpu.memory_space<vmem>>, vector<1x16xf32>,
          %swap3A_584 = vector.shape_cast %swap3A_583 : vector<1x16xf32> to vector<16xf32>
          %swap3A_585 = vector.shape_cast %add3A_580 : vector<16xf32> to vector<1x16xf32>
          tpu.vector_store %arg10[%swap3A_581, %swap3A_582], %swap3A_585 {strides = array<i32>} : memref<128x64xf32, #tpu.memory_space<vmem>>, vector<1x16xf32>,
          %add3A_586 = arith.constant 48 : i32
          %add3A_587 = arith.addi %squeeze3A_523, %add3A_586 : i32
          %get3A_588 = arith.index_cast %add3A_521 : i32 to index
          %get3A_589 = arith.index_cast %add3A_587 : i32 to index
          %get3A_590 = tpu.vector_load %arg8[%get3A_588, %get3A_589] {strides = array<i32>} : memref<128x128xf32, #tpu.memory_space<vmem>>, vector<1x16xf32>,
          %get3A_591 = vector.shape_cast %get3A_590 : vector<1x16xf32> to vector<16xf32>
          %mul3A_592 = arith.constant 8.000000e+00 : f32
          %mul3A_593 = vector.broadcast %mul3A_592 : f32 to vector<16xf32>
          %mul3A_594 = arith.mulf %get3A_591, %mul3A_593 : vector<16xf32>
          %get3A_595 = arith.index_cast %add3A_528 : i32 to index
          %get3A_596 = arith.constant 112 : index
          %get3A_597 = tpu.vector_load %arg7[%get3A_595, %get3A_596] {strides = array<i32>} : memref<168x128xf32, #tpu.memory_space<vmem>>, vector<1x16xf32>,
          %get3A_598 = vector.shape_cast %get3A_597 : vector<1x16xf32> to vector<16xf32>
          %add3A_599 = arith.addf %mul3A_594, %get3A_598 : vector<16xf32>
          %swap3A_600 = arith.index_cast %add3A_521 : i32 to index
          %swap3A_601 = arith.constant 48 : index
          %swap3A_602 = tpu.vector_load %arg10[%swap3A_600, %swap3A_601] {strides = array<i32>} : memref<128x64xf32, #tpu.memory_space<vmem>>, vector<1x16xf32>,
          %swap3A_603 = vector.shape_cast %swap3A_602 : vector<1x16xf32> to vector<16xf32>
          %swap3A_604 = vector.shape_cast %add3A_599 : vector<16xf32> to vector<1x16xf32>
          tpu.vector_store %arg10[%swap3A_600, %swap3A_601], %swap3A_604 {strides = array<i32>} : memref<128x64xf32, #tpu.memory_space<vmem>>, vector<1x16xf32>,
          %add3A_605 = arith.constant 6 : i32
          %add3A_606 = arith.addi %mul3A_89, %add3A_605 : i32
          %slice3A_607 = vector.extract_strided_slice %mul3A_97 {offsets = [6], sizes = [1], strides = [1]} : vector<16xi32> to vector<1xi32>
          %squeeze3A_608 = vector.extract %slice3A_607[0] : i32 from vector<1xi32>
          %mul3A_609 = arith.constant 8 : i32
          %mul3A_610 = arith.muli %scan3A_87, %mul3A_609 : i32
          %add3A_611 = arith.addi %shift_right_logical3A_73, %mul3A_610 : i32
          %add3A_612 = arith.constant 3 : i32
          %add3A_613 = arith.addi %add3A_611, %add3A_612 : i32
          %add3A_614 = arith.constant 0 : i32
          %add3A_615 = arith.addi %squeeze3A_608, %add3A_614 : i32
          %get3A_616 = arith.index_cast %add3A_606 : i32 to index
          %get3A_617 = arith.index_cast %add3A_615 : i32 to index
          %get3A_618 = tpu.vector_load %arg8[%get3A_616, %get3A_617] {strides = array<i32>} : memref<128x128xf32, #tpu.memory_space<vmem>>, vector<1x16xf32>,
          %get3A_619 = vector.shape_cast %get3A_618 : vector<1x16xf32> to vector<16xf32>
          %mul3A_620 = arith.constant 8.000000e+00 : f32
          %mul3A_621 = vector.broadcast %mul3A_620 : f32 to vector<16xf32>
          %mul3A_622 = arith.mulf %get3A_619, %mul3A_621 : vector<16xf32>
          %get3A_623 = arith.index_cast %add3A_613 : i32 to index
          %get3A_624 = arith.constant 0 : index
          %get3A_625 = tpu.vector_load %arg7[%get3A_623, %get3A_624] {strides = array<i32>} : memref<168x128xf32, #tpu.memory_space<vmem>>, vector<1x16xf32>,
          %get3A_626 = vector.shape_cast %get3A_625 : vector<1x16xf32> to vector<16xf32>
          %add3A_627 = arith.addf %mul3A_622, %get3A_626 : vector<16xf32>
          %swap3A_628 = arith.index_cast %add3A_606 : i32 to index
          %swap3A_629 = arith.constant 0 : index
          %swap3A_630 = tpu.vector_load %arg10[%swap3A_628, %swap3A_629] {strides = array<i32>} : memref<128x64xf32, #tpu.memory_space<vmem>>, vector<1x16xf32>,
          %swap3A_631 = vector.shape_cast %swap3A_630 : vector<1x16xf32> to vector<16xf32>
          %swap3A_632 = vector.shape_cast %add3A_627 : vector<16xf32> to vector<1x16xf32>
          tpu.vector_store %arg10[%swap3A_628, %swap3A_629], %swap3A_632 {strides = array<i32>} : memref<128x64xf32, #tpu.memory_space<vmem>>, vector<1x16xf32>,
          %add3A_633 = arith.constant 16 : i32
          %add3A_634 = arith.addi %squeeze3A_608, %add3A_633 : i32
          %get3A_635 = arith.index_cast %add3A_606 : i32 to index
          %get3A_636 = arith.index_cast %add3A_634 : i32 to index
          %get3A_637 = tpu.vector_load %arg8[%get3A_635, %get3A_636] {strides = array<i32>} : memref<128x128xf32, #tpu.memory_space<vmem>>, vector<1x16xf32>,
          %get3A_638 = vector.shape_cast %get3A_637 : vector<1x16xf32> to vector<16xf32>
          %mul3A_639 = arith.constant 8.000000e+00 : f32
          %mul3A_640 = vector.broadcast %mul3A_639 : f32 to vector<16xf32>
          %mul3A_641 = arith.mulf %get3A_638, %mul3A_640 : vector<16xf32>
          %get3A_642 = arith.index_cast %add3A_613 : i32 to index
          %get3A_643 = arith.constant 16 : index
          %get3A_644 = tpu.vector_load %arg7[%get3A_642, %get3A_643] {strides = array<i32>} : memref<168x128xf32, #tpu.memory_space<vmem>>, vector<1x16xf32>,
          %get3A_645 = vector.shape_cast %get3A_644 : vector<1x16xf32> to vector<16xf32>
          %add3A_646 = arith.addf %mul3A_641, %get3A_645 : vector<16xf32>
          %swap3A_647 = arith.index_cast %add3A_606 : i32 to index
          %swap3A_648 = arith.constant 16 : index
          %swap3A_649 = tpu.vector_load %arg10[%swap3A_647, %swap3A_648] {strides = array<i32>} : memref<128x64xf32, #tpu.memory_space<vmem>>, vector<1x16xf32>,
          %swap3A_650 = vector.shape_cast %swap3A_649 : vector<1x16xf32> to vector<16xf32>
          %swap3A_651 = vector.shape_cast %add3A_646 : vector<16xf32> to vector<1x16xf32>
          tpu.vector_store %arg10[%swap3A_647, %swap3A_648], %swap3A_651 {strides = array<i32>} : memref<128x64xf32, #tpu.memory_space<vmem>>, vector<1x16xf32>,
          %add3A_652 = arith.constant 32 : i32
          %add3A_653 = arith.addi %squeeze3A_608, %add3A_652 : i32
          %get3A_654 = arith.index_cast %add3A_606 : i32 to index
          %get3A_655 = arith.index_cast %add3A_653 : i32 to index
          %get3A_656 = tpu.vector_load %arg8[%get3A_654, %get3A_655] {strides = array<i32>} : memref<128x128xf32, #tpu.memory_space<vmem>>, vector<1x16xf32>,
          %get3A_657 = vector.shape_cast %get3A_656 : vector<1x16xf32> to vector<16xf32>
          %mul3A_658 = arith.constant 8.000000e+00 : f32
          %mul3A_659 = vector.broadcast %mul3A_658 : f32 to vector<16xf32>
          %mul3A_660 = arith.mulf %get3A_657, %mul3A_659 : vector<16xf32>
          %get3A_661 = arith.index_cast %add3A_613 : i32 to index
          %get3A_662 = arith.constant 32 : index
          %get3A_663 = tpu.vector_load %arg7[%get3A_661, %get3A_662] {strides = array<i32>} : memref<168x128xf32, #tpu.memory_space<vmem>>, vector<1x16xf32>,
          %get3A_664 = vector.shape_cast %get3A_663 : vector<1x16xf32> to vector<16xf32>
          %add3A_665 = arith.addf %mul3A_660, %get3A_664 : vector<16xf32>
          %swap3A_666 = arith.index_cast %add3A_606 : i32 to index
          %swap3A_667 = arith.constant 32 : index
          %swap3A_668 = tpu.vector_load %arg10[%swap3A_666, %swap3A_667] {strides = array<i32>} : memref<128x64xf32, #tpu.memory_space<vmem>>, vector<1x16xf32>,
          %swap3A_669 = vector.shape_cast %swap3A_668 : vector<1x16xf32> to vector<16xf32>
          %swap3A_670 = vector.shape_cast %add3A_665 : vector<16xf32> to vector<1x16xf32>
          tpu.vector_store %arg10[%swap3A_666, %swap3A_667], %swap3A_670 {strides = array<i32>} : memref<128x64xf32, #tpu.memory_space<vmem>>, vector<1x16xf32>,
          %add3A_671 = arith.constant 48 : i32
          %add3A_672 = arith.addi %squeeze3A_608, %add3A_671 : i32
          %get3A_673 = arith.index_cast %add3A_606 : i32 to index
          %get3A_674 = arith.index_cast %add3A_672 : i32 to index
          %get3A_675 = tpu.vector_load %arg8[%get3A_673, %get3A_674] {strides = array<i32>} : memref<128x128xf32, #tpu.memory_space<vmem>>, vector<1x16xf32>,
          %get3A_676 = vector.shape_cast %get3A_675 : vector<1x16xf32> to vector<16xf32>
          %mul3A_677 = arith.constant 8.000000e+00 : f32
          %mul3A_678 = vector.broadcast %mul3A_677 : f32 to vector<16xf32>
          %mul3A_679 = arith.mulf %get3A_676, %mul3A_678 : vector<16xf32>
          %get3A_680 = arith.index_cast %add3A_613 : i32 to index
          %get3A_681 = arith.constant 48 : index
          %get3A_682 = tpu.vector_load %arg7[%get3A_680, %get3A_681] {strides = array<i32>} : memref<168x128xf32, #tpu.memory_space<vmem>>, vector<1x16xf32>,
          %get3A_683 = vector.shape_cast %get3A_682 : vector<1x16xf32> to vector<16xf32>
          %add3A_684 = arith.addf %mul3A_679, %get3A_683 : vector<16xf32>
          %swap3A_685 = arith.index_cast %add3A_606 : i32 to index
          %swap3A_686 = arith.constant 48 : index
          %swap3A_687 = tpu.vector_load %arg10[%swap3A_685, %swap3A_686] {strides = array<i32>} : memref<128x64xf32, #tpu.memory_space<vmem>>, vector<1x16xf32>,
          %swap3A_688 = vector.shape_cast %swap3A_687 : vector<1x16xf32> to vector<16xf32>
          %swap3A_689 = vector.shape_cast %add3A_684 : vector<16xf32> to vector<1x16xf32>
          tpu.vector_store %arg10[%swap3A_685, %swap3A_686], %swap3A_689 {strides = array<i32>} : memref<128x64xf32, #tpu.memory_space<vmem>>, vector<1x16xf32>,
          %add3A_690 = arith.constant 7 : i32
          %add3A_691 = arith.addi %mul3A_89, %add3A_690 : i32
          %slice3A_692 = vector.extract_strided_slice %mul3A_97 {offsets = [7], sizes = [1], strides = [1]} : vector<16xi32> to vector<1xi32>
          %squeeze3A_693 = vector.extract %slice3A_692[0] : i32 from vector<1xi32>
          %mul3A_694 = arith.constant 8 : i32
          %mul3A_695 = arith.muli %scan3A_87, %mul3A_694 : i32
          %add3A_696 = arith.addi %shift_right_logical3A_73, %mul3A_695 : i32
          %add3A_697 = arith.constant 3 : i32
          %add3A_698 = arith.addi %add3A_696, %add3A_697 : i32
          %add3A_699 = arith.constant 0 : i32
          %add3A_700 = arith.addi %squeeze3A_693, %add3A_699 : i32
          %get3A_701 = arith.index_cast %add3A_691 : i32 to index
          %get3A_702 = arith.index_cast %add3A_700 : i32 to index
          %get3A_703 = tpu.vector_load %arg8[%get3A_701, %get3A_702] {strides = array<i32>} : memref<128x128xf32, #tpu.memory_space<vmem>>, vector<1x16xf32>,
          %get3A_704 = vector.shape_cast %get3A_703 : vector<1x16xf32> to vector<16xf32>
          %mul3A_705 = arith.constant 8.000000e+00 : f32
          %mul3A_706 = vector.broadcast %mul3A_705 : f32 to vector<16xf32>
          %mul3A_707 = arith.mulf %get3A_704, %mul3A_706 : vector<16xf32>
          %get3A_708 = arith.index_cast %add3A_698 : i32 to index
          %get3A_709 = arith.constant 64 : index
          %get3A_710 = tpu.vector_load %arg7[%get3A_708, %get3A_709] {strides = array<i32>} : memref<168x128xf32, #tpu.memory_space<vmem>>, vector<1x16xf32>,
          %get3A_711 = vector.shape_cast %get3A_710 : vector<1x16xf32> to vector<16xf32>
          %add3A_712 = arith.addf %mul3A_707, %get3A_711 : vector<16xf32>
          %swap3A_713 = arith.index_cast %add3A_691 : i32 to index
          %swap3A_714 = arith.constant 0 : index
          %swap3A_715 = tpu.vector_load %arg10[%swap3A_713, %swap3A_714] {strides = array<i32>} : memref<128x64xf32, #tpu.memory_space<vmem>>, vector<1x16xf32>,
          %swap3A_716 = vector.shape_cast %swap3A_715 : vector<1x16xf32> to vector<16xf32>
          %swap3A_717 = vector.shape_cast %add3A_712 : vector<16xf32> to vector<1x16xf32>
          tpu.vector_store %arg10[%swap3A_713, %swap3A_714], %swap3A_717 {strides = array<i32>} : memref<128x64xf32, #tpu.memory_space<vmem>>, vector<1x16xf32>,
          %add3A_718 = arith.constant 16 : i32
          %add3A_719 = arith.addi %squeeze3A_693, %add3A_718 : i32
          %get3A_720 = arith.index_cast %add3A_691 : i32 to index
          %get3A_721 = arith.index_cast %add3A_719 : i32 to index
          %get3A_722 = tpu.vector_load %arg8[%get3A_720, %get3A_721] {strides = array<i32>} : memref<128x128xf32, #tpu.memory_space<vmem>>, vector<1x16xf32>,
          %get3A_723 = vector.shape_cast %get3A_722 : vector<1x16xf32> to vector<16xf32>
          %mul3A_724 = arith.constant 8.000000e+00 : f32
          %mul3A_725 = vector.broadcast %mul3A_724 : f32 to vector<16xf32>
          %mul3A_726 = arith.mulf %get3A_723, %mul3A_725 : vector<16xf32>
          %get3A_727 = arith.index_cast %add3A_698 : i32 to index
          %get3A_728 = arith.constant 80 : index
          %get3A_729 = tpu.vector_load %arg7[%get3A_727, %get3A_728] {strides = array<i32>} : memref<168x128xf32, #tpu.memory_space<vmem>>, vector<1x16xf32>,
          %get3A_730 = vector.shape_cast %get3A_729 : vector<1x16xf32> to vector<16xf32>
          %add3A_731 = arith.addf %mul3A_726, %get3A_730 : vector<16xf32>
          %swap3A_732 = arith.index_cast %add3A_691 : i32 to index
          %swap3A_733 = arith.constant 16 : index
          %swap3A_734 = tpu.vector_load %arg10[%swap3A_732, %swap3A_733] {strides = array<i32>} : memref<128x64xf32, #tpu.memory_space<vmem>>, vector<1x16xf32>,
          %swap3A_735 = vector.shape_cast %swap3A_734 : vector<1x16xf32> to vector<16xf32>
          %swap3A_736 = vector.shape_cast %add3A_731 : vector<16xf32> to vector<1x16xf32>
          tpu.vector_store %arg10[%swap3A_732, %swap3A_733], %swap3A_736 {strides = array<i32>} : memref<128x64xf32, #tpu.memory_space<vmem>>, vector<1x16xf32>,
          %add3A_737 = arith.constant 32 : i32
          %add3A_738 = arith.addi %squeeze3A_693, %add3A_737 : i32
          %get3A_739 = arith.index_cast %add3A_691 : i32 to index
          %get3A_740 = arith.index_cast %add3A_738 : i32 to index
          %get3A_741 = tpu.vector_load %arg8[%get3A_739, %get3A_740] {strides = array<i32>} : memref<128x128xf32, #tpu.memory_space<vmem>>, vector<1x16xf32>,
          %get3A_742 = vector.shape_cast %get3A_741 : vector<1x16xf32> to vector<16xf32>
          %mul3A_743 = arith.constant 8.000000e+00 : f32
          %mul3A_744 = vector.broadcast %mul3A_743 : f32 to vector<16xf32>
          %mul3A_745 = arith.mulf %get3A_742, %mul3A_744 : vector<16xf32>
          %get3A_746 = arith.index_cast %add3A_698 : i32 to index
          %get3A_747 = arith.constant 96 : index
          %get3A_748 = tpu.vector_load %arg7[%get3A_746, %get3A_747] {strides = array<i32>} : memref<168x128xf32, #tpu.memory_space<vmem>>, vector<1x16xf32>,
          %get3A_749 = vector.shape_cast %get3A_748 : vector<1x16xf32> to vector<16xf32>
          %add3A_750 = arith.addf %mul3A_745, %get3A_749 : vector<16xf32>
          %swap3A_751 = arith.index_cast %add3A_691 : i32 to index
          %swap3A_752 = arith.constant 32 : index
          %swap3A_753 = tpu.vector_load %arg10[%swap3A_751, %swap3A_752] {strides = array<i32>} : memref<128x64xf32, #tpu.memory_space<vmem>>, vector<1x16xf32>,
          %swap3A_754 = vector.shape_cast %swap3A_753 : vector<1x16xf32> to vector<16xf32>
          %swap3A_755 = vector.shape_cast %add3A_750 : vector<16xf32> to vector<1x16xf32>
          tpu.vector_store %arg10[%swap3A_751, %swap3A_752], %swap3A_755 {strides = array<i32>} : memref<128x64xf32, #tpu.memory_space<vmem>>, vector<1x16xf32>,
          %add3A_756 = arith.constant 48 : i32
          %add3A_757 = arith.addi %squeeze3A_693, %add3A_756 : i32
          %get3A_758 = arith.index_cast %add3A_691 : i32 to index
          %get3A_759 = arith.index_cast %add3A_757 : i32 to index
          %get3A_760 = tpu.vector_load %arg8[%get3A_758, %get3A_759] {strides = array<i32>} : memref<128x128xf32, #tpu.memory_space<vmem>>, vector<1x16xf32>,
          %get3A_761 = vector.shape_cast %get3A_760 : vector<1x16xf32> to vector<16xf32>
          %mul3A_762 = arith.constant 8.000000e+00 : f32
          %mul3A_763 = vector.broadcast %mul3A_762 : f32 to vector<16xf32>
          %mul3A_764 = arith.mulf %get3A_761, %mul3A_763 : vector<16xf32>
          %get3A_765 = arith.index_cast %add3A_698 : i32 to index
          %get3A_766 = arith.constant 112 : index
          %get3A_767 = tpu.vector_load %arg7[%get3A_765, %get3A_766] {strides = array<i32>} : memref<168x128xf32, #tpu.memory_space<vmem>>, vector<1x16xf32>,
          %get3A_768 = vector.shape_cast %get3A_767 : vector<1x16xf32> to vector<16xf32>
          %add3A_769 = arith.addf %mul3A_764, %get3A_768 : vector<16xf32>
          %swap3A_770 = arith.index_cast %add3A_691 : i32 to index
          %swap3A_771 = arith.constant 48 : index
          %swap3A_772 = tpu.vector_load %arg10[%swap3A_770, %swap3A_771] {strides = array<i32>} : memref<128x64xf32, #tpu.memory_space<vmem>>, vector<1x16xf32>,
          %swap3A_773 = vector.shape_cast %swap3A_772 : vector<1x16xf32> to vector<16xf32>
          %swap3A_774 = vector.shape_cast %add3A_769 : vector<16xf32> to vector<1x16xf32>
          tpu.vector_store %arg10[%swap3A_770, %swap3A_771], %swap3A_774 {strides = array<i32>} : memref<128x64xf32, #tpu.memory_space<vmem>>, vector<1x16xf32>,
          %add3A_775 = arith.constant 8 : i32
          %add3A_776 = arith.addi %mul3A_89, %add3A_775 : i32
          %slice3A_777 = vector.extract_strided_slice %mul3A_97 {offsets = [8], sizes = [1], strides = [1]} : vector<16xi32> to vector<1xi32>
          %squeeze3A_778 = vector.extract %slice3A_777[0] : i32 from vector<1xi32>
          %mul3A_779 = arith.constant 8 : i32
          %mul3A_780 = arith.muli %scan3A_87, %mul3A_779 : i32
          %add3A_781 = arith.addi %shift_right_logical3A_73, %mul3A_780 : i32
          %add3A_782 = arith.constant 4 : i32
          %add3A_783 = arith.addi %add3A_781, %add3A_782 : i32
          %add3A_784 = arith.constant 0 : i32
          %add3A_785 = arith.addi %squeeze3A_778, %add3A_784 : i32
          %get3A_786 = arith.index_cast %add3A_776 : i32 to index
          %get3A_787 = arith.index_cast %add3A_785 : i32 to index
          %get3A_788 = tpu.vector_load %arg8[%get3A_786, %get3A_787] {strides = array<i32>} : memref<128x128xf32, #tpu.memory_space<vmem>>, vector<1x16xf32>,
          %get3A_789 = vector.shape_cast %get3A_788 : vector<1x16xf32> to vector<16xf32>
          %mul3A_790 = arith.constant 8.000000e+00 : f32
          %mul3A_791 = vector.broadcast %mul3A_790 : f32 to vector<16xf32>
          %mul3A_792 = arith.mulf %get3A_789, %mul3A_791 : vector<16xf32>
          %get3A_793 = arith.index_cast %add3A_783 : i32 to index
          %get3A_794 = arith.constant 0 : index
          %get3A_795 = tpu.vector_load %arg7[%get3A_793, %get3A_794] {strides = array<i32>} : memref<168x128xf32, #tpu.memory_space<vmem>>, vector<1x16xf32>,
          %get3A_796 = vector.shape_cast %get3A_795 : vector<1x16xf32> to vector<16xf32>
          %add3A_797 = arith.addf %mul3A_792, %get3A_796 : vector<16xf32>
          %swap3A_798 = arith.index_cast %add3A_776 : i32 to index
          %swap3A_799 = arith.constant 0 : index
          %swap3A_800 = tpu.vector_load %arg10[%swap3A_798, %swap3A_799] {strides = array<i32>} : memref<128x64xf32, #tpu.memory_space<vmem>>, vector<1x16xf32>,
          %swap3A_801 = vector.shape_cast %swap3A_800 : vector<1x16xf32> to vector<16xf32>
          %swap3A_802 = vector.shape_cast %add3A_797 : vector<16xf32> to vector<1x16xf32>
          tpu.vector_store %arg10[%swap3A_798, %swap3A_799], %swap3A_802 {strides = array<i32>} : memref<128x64xf32, #tpu.memory_space<vmem>>, vector<1x16xf32>,
          %add3A_803 = arith.constant 16 : i32
          %add3A_804 = arith.addi %squeeze3A_778, %add3A_803 : i32
          %get3A_805 = arith.index_cast %add3A_776 : i32 to index
          %get3A_806 = arith.index_cast %add3A_804 : i32 to index
          %get3A_807 = tpu.vector_load %arg8[%get3A_805, %get3A_806] {strides = array<i32>} : memref<128x128xf32, #tpu.memory_space<vmem>>, vector<1x16xf32>,
          %get3A_808 = vector.shape_cast %get3A_807 : vector<1x16xf32> to vector<16xf32>
          %mul3A_809 = arith.constant 8.000000e+00 : f32
          %mul3A_810 = vector.broadcast %mul3A_809 : f32 to vector<16xf32>
          %mul3A_811 = arith.mulf %get3A_808, %mul3A_810 : vector<16xf32>
          %get3A_812 = arith.index_cast %add3A_783 : i32 to index
          %get3A_813 = arith.constant 16 : index
          %get3A_814 = tpu.vector_load %arg7[%get3A_812, %get3A_813] {strides = array<i32>} : memref<168x128xf32, #tpu.memory_space<vmem>>, vector<1x16xf32>,
          %get3A_815 = vector.shape_cast %get3A_814 : vector<1x16xf32> to vector<16xf32>
          %add3A_816 = arith.addf %mul3A_811, %get3A_815 : vector<16xf32>
          %swap3A_817 = arith.index_cast %add3A_776 : i32 to index
          %swap3A_818 = arith.constant 16 : index
          %swap3A_819 = tpu.vector_load %arg10[%swap3A_817, %swap3A_818] {strides = array<i32>} : memref<128x64xf32, #tpu.memory_space<vmem>>, vector<1x16xf32>,
          %swap3A_820 = vector.shape_cast %swap3A_819 : vector<1x16xf32> to vector<16xf32>
          %swap3A_821 = vector.shape_cast %add3A_816 : vector<16xf32> to vector<1x16xf32>
          tpu.vector_store %arg10[%swap3A_817, %swap3A_818], %swap3A_821 {strides = array<i32>} : memref<128x64xf32, #tpu.memory_space<vmem>>, vector<1x16xf32>,
          %add3A_822 = arith.constant 32 : i32
          %add3A_823 = arith.addi %squeeze3A_778, %add3A_822 : i32
          %get3A_824 = arith.index_cast %add3A_776 : i32 to index
          %get3A_825 = arith.index_cast %add3A_823 : i32 to index
          %get3A_826 = tpu.vector_load %arg8[%get3A_824, %get3A_825] {strides = array<i32>} : memref<128x128xf32, #tpu.memory_space<vmem>>, vector<1x16xf32>,
          %get3A_827 = vector.shape_cast %get3A_826 : vector<1x16xf32> to vector<16xf32>
          %mul3A_828 = arith.constant 8.000000e+00 : f32
          %mul3A_829 = vector.broadcast %mul3A_828 : f32 to vector<16xf32>
          %mul3A_830 = arith.mulf %get3A_827, %mul3A_829 : vector<16xf32>
          %get3A_831 = arith.index_cast %add3A_783 : i32 to index
          %get3A_832 = arith.constant 32 : index
          %get3A_833 = tpu.vector_load %arg7[%get3A_831, %get3A_832] {strides = array<i32>} : memref<168x128xf32, #tpu.memory_space<vmem>>, vector<1x16xf32>,
          %get3A_834 = vector.shape_cast %get3A_833 : vector<1x16xf32> to vector<16xf32>
          %add3A_835 = arith.addf %mul3A_830, %get3A_834 : vector<16xf32>
          %swap3A_836 = arith.index_cast %add3A_776 : i32 to index
          %swap3A_837 = arith.constant 32 : index
          %swap3A_838 = tpu.vector_load %arg10[%swap3A_836, %swap3A_837] {strides = array<i32>} : memref<128x64xf32, #tpu.memory_space<vmem>>, vector<1x16xf32>,
          %swap3A_839 = vector.shape_cast %swap3A_838 : vector<1x16xf32> to vector<16xf32>
          %swap3A_840 = vector.shape_cast %add3A_835 : vector<16xf32> to vector<1x16xf32>
          tpu.vector_store %arg10[%swap3A_836, %swap3A_837], %swap3A_840 {strides = array<i32>} : memref<128x64xf32, #tpu.memory_space<vmem>>, vector<1x16xf32>,
          %add3A_841 = arith.constant 48 : i32
          %add3A_842 = arith.addi %squeeze3A_778, %add3A_841 : i32
          %get3A_843 = arith.index_cast %add3A_776 : i32 to index
          %get3A_844 = arith.index_cast %add3A_842 : i32 to index
          %get3A_845 = tpu.vector_load %arg8[%get3A_843, %get3A_844] {strides = array<i32>} : memref<128x128xf32, #tpu.memory_space<vmem>>, vector<1x16xf32>,
          %get3A_846 = vector.shape_cast %get3A_845 : vector<1x16xf32> to vector<16xf32>
          %mul3A_847 = arith.constant 8.000000e+00 : f32
          %mul3A_848 = vector.broadcast %mul3A_847 : f32 to vector<16xf32>
          %mul3A_849 = arith.mulf %get3A_846, %mul3A_848 : vector<16xf32>
          %get3A_850 = arith.index_cast %add3A_783 : i32 to index
          %get3A_851 = arith.constant 48 : index
          %get3A_852 = tpu.vector_load %arg7[%get3A_850, %get3A_851] {strides = array<i32>} : memref<168x128xf32, #tpu.memory_space<vmem>>, vector<1x16xf32>,
          %get3A_853 = vector.shape_cast %get3A_852 : vector<1x16xf32> to vector<16xf32>
          %add3A_854 = arith.addf %mul3A_849, %get3A_853 : vector<16xf32>
          %swap3A_855 = arith.index_cast %add3A_776 : i32 to index
          %swap3A_856 = arith.constant 48 : index
          %swap3A_857 = tpu.vector_load %arg10[%swap3A_855, %swap3A_856] {strides = array<i32>} : memref<128x64xf32, #tpu.memory_space<vmem>>, vector<1x16xf32>,
          %swap3A_858 = vector.shape_cast %swap3A_857 : vector<1x16xf32> to vector<16xf32>
          %swap3A_859 = vector.shape_cast %add3A_854 : vector<16xf32> to vector<1x16xf32>
          tpu.vector_store %arg10[%swap3A_855, %swap3A_856], %swap3A_859 {strides = array<i32>} : memref<128x64xf32, #tpu.memory_space<vmem>>, vector<1x16xf32>,
          %add3A_860 = arith.constant 9 : i32
          %add3A_861 = arith.addi %mul3A_89, %add3A_860 : i32
          %slice3A_862 = vector.extract_strided_slice %mul3A_97 {offsets = [9], sizes = [1], strides = [1]} : vector<16xi32> to vector<1xi32>
          %squeeze3A_863 = vector.extract %slice3A_862[0] : i32 from vector<1xi32>
          %mul3A_864 = arith.constant 8 : i32
          %mul3A_865 = arith.muli %scan3A_87, %mul3A_864 : i32
          %add3A_866 = arith.addi %shift_right_logical3A_73, %mul3A_865 : i32
          %add3A_867 = arith.constant 4 : i32
          %add3A_868 = arith.addi %add3A_866, %add3A_867 : i32
          %add3A_869 = arith.constant 0 : i32
          %add3A_870 = arith.addi %squeeze3A_863, %add3A_869 : i32
          %get3A_871 = arith.index_cast %add3A_861 : i32 to index
          %get3A_872 = arith.index_cast %add3A_870 : i32 to index
          %get3A_873 = tpu.vector_load %arg8[%get3A_871, %get3A_872] {strides = array<i32>} : memref<128x128xf32, #tpu.memory_space<vmem>>, vector<1x16xf32>,
          %get3A_874 = vector.shape_cast %get3A_873 : vector<1x16xf32> to vector<16xf32>
          %mul3A_875 = arith.constant 8.000000e+00 : f32
          %mul3A_876 = vector.broadcast %mul3A_875 : f32 to vector<16xf32>
          %mul3A_877 = arith.mulf %get3A_874, %mul3A_876 : vector<16xf32>
          %get3A_878 = arith.index_cast %add3A_868 : i32 to index
          %get3A_879 = arith.constant 64 : index
          %get3A_880 = tpu.vector_load %arg7[%get3A_878, %get3A_879] {strides = array<i32>} : memref<168x128xf32, #tpu.memory_space<vmem>>, vector<1x16xf32>,
          %get3A_881 = vector.shape_cast %get3A_880 : vector<1x16xf32> to vector<16xf32>
          %add3A_882 = arith.addf %mul3A_877, %get3A_881 : vector<16xf32>
          %swap3A_883 = arith.index_cast %add3A_861 : i32 to index
          %swap3A_884 = arith.constant 0 : index
          %swap3A_885 = tpu.vector_load %arg10[%swap3A_883, %swap3A_884] {strides = array<i32>} : memref<128x64xf32, #tpu.memory_space<vmem>>, vector<1x16xf32>,
          %swap3A_886 = vector.shape_cast %swap3A_885 : vector<1x16xf32> to vector<16xf32>
          %swap3A_887 = vector.shape_cast %add3A_882 : vector<16xf32> to vector<1x16xf32>
          tpu.vector_store %arg10[%swap3A_883, %swap3A_884], %swap3A_887 {strides = array<i32>} : memref<128x64xf32, #tpu.memory_space<vmem>>, vector<1x16xf32>,
          %add3A_888 = arith.constant 16 : i32
          %add3A_889 = arith.addi %squeeze3A_863, %add3A_888 : i32
          %get3A_890 = arith.index_cast %add3A_861 : i32 to index
          %get3A_891 = arith.index_cast %add3A_889 : i32 to index
          %get3A_892 = tpu.vector_load %arg8[%get3A_890, %get3A_891] {strides = array<i32>} : memref<128x128xf32, #tpu.memory_space<vmem>>, vector<1x16xf32>,
          %get3A_893 = vector.shape_cast %get3A_892 : vector<1x16xf32> to vector<16xf32>
          %mul3A_894 = arith.constant 8.000000e+00 : f32
          %mul3A_895 = vector.broadcast %mul3A_894 : f32 to vector<16xf32>
          %mul3A_896 = arith.mulf %get3A_893, %mul3A_895 : vector<16xf32>
          %get3A_897 = arith.index_cast %add3A_868 : i32 to index
          %get3A_898 = arith.constant 80 : index
          %get3A_899 = tpu.vector_load %arg7[%get3A_897, %get3A_898] {strides = array<i32>} : memref<168x128xf32, #tpu.memory_space<vmem>>, vector<1x16xf32>,
          %get3A_900 = vector.shape_cast %get3A_899 : vector<1x16xf32> to vector<16xf32>
          %add3A_901 = arith.addf %mul3A_896, %get3A_900 : vector<16xf32>
          %swap3A_902 = arith.index_cast %add3A_861 : i32 to index
          %swap3A_903 = arith.constant 16 : index
          %swap3A_904 = tpu.vector_load %arg10[%swap3A_902, %swap3A_903] {strides = array<i32>} : memref<128x64xf32, #tpu.memory_space<vmem>>, vector<1x16xf32>,
          %swap3A_905 = vector.shape_cast %swap3A_904 : vector<1x16xf32> to vector<16xf32>
          %swap3A_906 = vector.shape_cast %add3A_901 : vector<16xf32> to vector<1x16xf32>
          tpu.vector_store %arg10[%swap3A_902, %swap3A_903], %swap3A_906 {strides = array<i32>} : memref<128x64xf32, #tpu.memory_space<vmem>>, vector<1x16xf32>,
          %add3A_907 = arith.constant 32 : i32
          %add3A_908 = arith.addi %squeeze3A_863, %add3A_907 : i32
          %get3A_909 = arith.index_cast %add3A_861 : i32 to index
          %get3A_910 = arith.index_cast %add3A_908 : i32 to index
          %get3A_911 = tpu.vector_load %arg8[%get3A_909, %get3A_910] {strides = array<i32>} : memref<128x128xf32, #tpu.memory_space<vmem>>, vector<1x16xf32>,
          %get3A_912 = vector.shape_cast %get3A_911 : vector<1x16xf32> to vector<16xf32>
          %mul3A_913 = arith.constant 8.000000e+00 : f32
          %mul3A_914 = vector.broadcast %mul3A_913 : f32 to vector<16xf32>
          %mul3A_915 = arith.mulf %get3A_912, %mul3A_914 : vector<16xf32>
          %get3A_916 = arith.index_cast %add3A_868 : i32 to index
          %get3A_917 = arith.constant 96 : index
          %get3A_918 = tpu.vector_load %arg7[%get3A_916, %get3A_917] {strides = array<i32>} : memref<168x128xf32, #tpu.memory_space<vmem>>, vector<1x16xf32>,
          %get3A_919 = vector.shape_cast %get3A_918 : vector<1x16xf32> to vector<16xf32>
          %add3A_920 = arith.addf %mul3A_915, %get3A_919 : vector<16xf32>
          %swap3A_921 = arith.index_cast %add3A_861 : i32 to index
          %swap3A_922 = arith.constant 32 : index
          %swap3A_923 = tpu.vector_load %arg10[%swap3A_921, %swap3A_922] {strides = array<i32>} : memref<128x64xf32, #tpu.memory_space<vmem>>, vector<1x16xf32>,
          %swap3A_924 = vector.shape_cast %swap3A_923 : vector<1x16xf32> to vector<16xf32>
          %swap3A_925 = vector.shape_cast %add3A_920 : vector<16xf32> to vector<1x16xf32>
          tpu.vector_store %arg10[%swap3A_921, %swap3A_922], %swap3A_925 {strides = array<i32>} : memref<128x64xf32, #tpu.memory_space<vmem>>, vector<1x16xf32>,
          %add3A_926 = arith.constant 48 : i32
          %add3A_927 = arith.addi %squeeze3A_863, %add3A_926 : i32
          %get3A_928 = arith.index_cast %add3A_861 : i32 to index
          %get3A_929 = arith.index_cast %add3A_927 : i32 to index
          %get3A_930 = tpu.vector_load %arg8[%get3A_928, %get3A_929] {strides = array<i32>} : memref<128x128xf32, #tpu.memory_space<vmem>>, vector<1x16xf32>,
          %get3A_931 = vector.shape_cast %get3A_930 : vector<1x16xf32> to vector<16xf32>
          %mul3A_932 = arith.constant 8.000000e+00 : f32
          %mul3A_933 = vector.broadcast %mul3A_932 : f32 to vector<16xf32>
          %mul3A_934 = arith.mulf %get3A_931, %mul3A_933 : vector<16xf32>
          %get3A_935 = arith.index_cast %add3A_868 : i32 to index
          %get3A_936 = arith.constant 112 : index
          %get3A_937 = tpu.vector_load %arg7[%get3A_935, %get3A_936] {strides = array<i32>} : memref<168x128xf32, #tpu.memory_space<vmem>>, vector<1x16xf32>,
          %get3A_938 = vector.shape_cast %get3A_937 : vector<1x16xf32> to vector<16xf32>
          %add3A_939 = arith.addf %mul3A_934, %get3A_938 : vector<16xf32>
          %swap3A_940 = arith.index_cast %add3A_861 : i32 to index
          %swap3A_941 = arith.constant 48 : index
          %swap3A_942 = tpu.vector_load %arg10[%swap3A_940, %swap3A_941] {strides = array<i32>} : memref<128x64xf32, #tpu.memory_space<vmem>>, vector<1x16xf32>,
          %swap3A_943 = vector.shape_cast %swap3A_942 : vector<1x16xf32> to vector<16xf32>
          %swap3A_944 = vector.shape_cast %add3A_939 : vector<16xf32> to vector<1x16xf32>
          tpu.vector_store %arg10[%swap3A_940, %swap3A_941], %swap3A_944 {strides = array<i32>} : memref<128x64xf32, #tpu.memory_space<vmem>>, vector<1x16xf32>,
          %add3A_945 = arith.constant 10 : i32
          %add3A_946 = arith.addi %mul3A_89, %add3A_945 : i32
          %slice3A_947 = vector.extract_strided_slice %mul3A_97 {offsets = [10], sizes = [1], strides = [1]} : vector<16xi32> to vector<1xi32>
          %squeeze3A_948 = vector.extract %slice3A_947[0] : i32 from vector<1xi32>
          %mul3A_949 = arith.constant 8 : i32
          %mul3A_950 = arith.muli %scan3A_87, %mul3A_949 : i32
          %add3A_951 = arith.addi %shift_right_logical3A_73, %mul3A_950 : i32
          %add3A_952 = arith.constant 5 : i32
          %add3A_953 = arith.addi %add3A_951, %add3A_952 : i32
          %add3A_954 = arith.constant 0 : i32
          %add3A_955 = arith.addi %squeeze3A_948, %add3A_954 : i32
          %get3A_956 = arith.index_cast %add3A_946 : i32 to index
          %get3A_957 = arith.index_cast %add3A_955 : i32 to index
          %get3A_958 = tpu.vector_load %arg8[%get3A_956, %get3A_957] {strides = array<i32>} : memref<128x128xf32, #tpu.memory_space<vmem>>, vector<1x16xf32>,
          %get3A_959 = vector.shape_cast %get3A_958 : vector<1x16xf32> to vector<16xf32>
          %mul3A_960 = arith.constant 8.000000e+00 : f32
          %mul3A_961 = vector.broadcast %mul3A_960 : f32 to vector<16xf32>
          %mul3A_962 = arith.mulf %get3A_959, %mul3A_961 : vector<16xf32>
          %get3A_963 = arith.index_cast %add3A_953 : i32 to index
          %get3A_964 = arith.constant 0 : index
          %get3A_965 = tpu.vector_load %arg7[%get3A_963, %get3A_964] {strides = array<i32>} : memref<168x128xf32, #tpu.memory_space<vmem>>, vector<1x16xf32>,
          %get3A_966 = vector.shape_cast %get3A_965 : vector<1x16xf32> to vector<16xf32>
          %add3A_967 = arith.addf %mul3A_962, %get3A_966 : vector<16xf32>
          %swap3A_968 = arith.index_cast %add3A_946 : i32 to index
          %swap3A_969 = arith.constant 0 : index
          %swap3A_970 = tpu.vector_load %arg10[%swap3A_968, %swap3A_969] {strides = array<i32>} : memref<128x64xf32, #tpu.memory_space<vmem>>, vector<1x16xf32>,
          %swap3A_971 = vector.shape_cast %swap3A_970 : vector<1x16xf32> to vector<16xf32>
          %swap3A_972 = vector.shape_cast %add3A_967 : vector<16xf32> to vector<1x16xf32>
          tpu.vector_store %arg10[%swap3A_968, %swap3A_969], %swap3A_972 {strides = array<i32>} : memref<128x64xf32, #tpu.memory_space<vmem>>, vector<1x16xf32>,
          %add3A_973 = arith.constant 16 : i32
          %add3A_974 = arith.addi %squeeze3A_948, %add3A_973 : i32
          %get3A_975 = arith.index_cast %add3A_946 : i32 to index
          %get3A_976 = arith.index_cast %add3A_974 : i32 to index
          %get3A_977 = tpu.vector_load %arg8[%get3A_975, %get3A_976] {strides = array<i32>} : memref<128x128xf32, #tpu.memory_space<vmem>>, vector<1x16xf32>,
          %get3A_978 = vector.shape_cast %get3A_977 : vector<1x16xf32> to vector<16xf32>
          %mul3A_979 = arith.constant 8.000000e+00 : f32
          %mul3A_980 = vector.broadcast %mul3A_979 : f32 to vector<16xf32>
          %mul3A_981 = arith.mulf %get3A_978, %mul3A_980 : vector<16xf32>
          %get3A_982 = arith.index_cast %add3A_953 : i32 to index
          %get3A_983 = arith.constant 16 : index
          %get3A_984 = tpu.vector_load %arg7[%get3A_982, %get3A_983] {strides = array<i32>} : memref<168x128xf32, #tpu.memory_space<vmem>>, vector<1x16xf32>,
          %get3A_985 = vector.shape_cast %get3A_984 : vector<1x16xf32> to vector<16xf32>
          %add3A_986 = arith.addf %mul3A_981, %get3A_985 : vector<16xf32>
          %swap3A_987 = arith.index_cast %add3A_946 : i32 to index
          %swap3A_988 = arith.constant 16 : index
          %swap3A_989 = tpu.vector_load %arg10[%swap3A_987, %swap3A_988] {strides = array<i32>} : memref<128x64xf32, #tpu.memory_space<vmem>>, vector<1x16xf32>,
          %swap3A_990 = vector.shape_cast %swap3A_989 : vector<1x16xf32> to vector<16xf32>
          %swap3A_991 = vector.shape_cast %add3A_986 : vector<16xf32> to vector<1x16xf32>
          tpu.vector_store %arg10[%swap3A_987, %swap3A_988], %swap3A_991 {strides = array<i32>} : memref<128x64xf32, #tpu.memory_space<vmem>>, vector<1x16xf32>,
          %add3A_992 = arith.constant 32 : i32
          %add3A_993 = arith.addi %squeeze3A_948, %add3A_992 : i32
          %get3A_994 = arith.index_cast %add3A_946 : i32 to index
          %get3A_995 = arith.index_cast %add3A_993 : i32 to index
          %get3A_996 = tpu.vector_load %arg8[%get3A_994, %get3A_995] {strides = array<i32>} : memref<128x128xf32, #tpu.memory_space<vmem>>, vector<1x16xf32>,
          %get3A_997 = vector.shape_cast %get3A_996 : vector<1x16xf32> to vector<16xf32>
          %mul3A_998 = arith.constant 8.000000e+00 : f32
          %mul3A_999 = vector.broadcast %mul3A_998 : f32 to vector<16xf32>
          %mul3A_1000 = arith.mulf %get3A_997, %mul3A_999 : vector<16xf32>
          %get3A_1001 = arith.index_cast %add3A_953 : i32 to index
          %get3A_1002 = arith.constant 32 : index
          %get3A_1003 = tpu.vector_load %arg7[%get3A_1001, %get3A_1002] {strides = array<i32>} : memref<168x128xf32, #tpu.memory_space<vmem>>, vector<1x16xf32>,
          %get3A_1004 = vector.shape_cast %get3A_1003 : vector<1x16xf32> to vector<16xf32>
          %add3A_1005 = arith.addf %mul3A_1000, %get3A_1004 : vector<16xf32>
          %swap3A_1006 = arith.index_cast %add3A_946 : i32 to index
          %swap3A_1007 = arith.constant 32 : index
          %swap3A_1008 = tpu.vector_load %arg10[%swap3A_1006, %swap3A_1007] {strides = array<i32>} : memref<128x64xf32, #tpu.memory_space<vmem>>, vector<1x16xf32>,
          %swap3A_1009 = vector.shape_cast %swap3A_1008 : vector<1x16xf32> to vector<16xf32>
          %swap3A_1010 = vector.shape_cast %add3A_1005 : vector<16xf32> to vector<1x16xf32>
          tpu.vector_store %arg10[%swap3A_1006, %swap3A_1007], %swap3A_1010 {strides = array<i32>} : memref<128x64xf32, #tpu.memory_space<vmem>>, vector<1x16xf32>,
          %add3A_1011 = arith.constant 48 : i32
          %add3A_1012 = arith.addi %squeeze3A_948, %add3A_1011 : i32
          %get3A_1013 = arith.index_cast %add3A_946 : i32 to index
          %get3A_1014 = arith.index_cast %add3A_1012 : i32 to index
          %get3A_1015 = tpu.vector_load %arg8[%get3A_1013, %get3A_1014] {strides = array<i32>} : memref<128x128xf32, #tpu.memory_space<vmem>>, vector<1x16xf32>,
          %get3A_1016 = vector.shape_cast %get3A_1015 : vector<1x16xf32> to vector<16xf32>
          %mul3A_1017 = arith.constant 8.000000e+00 : f32
          %mul3A_1018 = vector.broadcast %mul3A_1017 : f32 to vector<16xf32>
          %mul3A_1019 = arith.mulf %get3A_1016, %mul3A_1018 : vector<16xf32>
          %get3A_1020 = arith.index_cast %add3A_953 : i32 to index
          %get3A_1021 = arith.constant 48 : index
          %get3A_1022 = tpu.vector_load %arg7[%get3A_1020, %get3A_1021] {strides = array<i32>} : memref<168x128xf32, #tpu.memory_space<vmem>>, vector<1x16xf32>,
          %get3A_1023 = vector.shape_cast %get3A_1022 : vector<1x16xf32> to vector<16xf32>
          %add3A_1024 = arith.addf %mul3A_1019, %get3A_1023 : vector<16xf32>
          %swap3A_1025 = arith.index_cast %add3A_946 : i32 to index
          %swap3A_1026 = arith.constant 48 : index
          %swap3A_1027 = tpu.vector_load %arg10[%swap3A_1025, %swap3A_1026] {strides = array<i32>} : memref<128x64xf32, #tpu.memory_space<vmem>>, vector<1x16xf32>,
          %swap3A_1028 = vector.shape_cast %swap3A_1027 : vector<1x16xf32> to vector<16xf32>
          %swap3A_1029 = vector.shape_cast %add3A_1024 : vector<16xf32> to vector<1x16xf32>
          tpu.vector_store %arg10[%swap3A_1025, %swap3A_1026], %swap3A_1029 {strides = array<i32>} : memref<128x64xf32, #tpu.memory_space<vmem>>, vector<1x16xf32>,
          %add3A_1030 = arith.constant 11 : i32
          %add3A_1031 = arith.addi %mul3A_89, %add3A_1030 : i32
          %slice3A_1032 = vector.extract_strided_slice %mul3A_97 {offsets = [11], sizes = [1], strides = [1]} : vector<16xi32> to vector<1xi32>
          %squeeze3A_1033 = vector.extract %slice3A_1032[0] : i32 from vector<1xi32>
          %mul3A_1034 = arith.constant 8 : i32
          %mul3A_1035 = arith.muli %scan3A_87, %mul3A_1034 : i32
          %add3A_1036 = arith.addi %shift_right_logical3A_73, %mul3A_1035 : i32
          %add3A_1037 = arith.constant 5 : i32
          %add3A_1038 = arith.addi %add3A_1036, %add3A_1037 : i32
          %add3A_1039 = arith.constant 0 : i32
          %add3A_1040 = arith.addi %squeeze3A_1033, %add3A_1039 : i32
          %get3A_1041 = arith.index_cast %add3A_1031 : i32 to index
          %get3A_1042 = arith.index_cast %add3A_1040 : i32 to index
          %get3A_1043 = tpu.vector_load %arg8[%get3A_1041, %get3A_1042] {strides = array<i32>} : memref<128x128xf32, #tpu.memory_space<vmem>>, vector<1x16xf32>,
          %get3A_1044 = vector.shape_cast %get3A_1043 : vector<1x16xf32> to vector<16xf32>
          %mul3A_1045 = arith.constant 8.000000e+00 : f32
          %mul3A_1046 = vector.broadcast %mul3A_1045 : f32 to vector<16xf32>
          %mul3A_1047 = arith.mulf %get3A_1044, %mul3A_1046 : vector<16xf32>
          %get3A_1048 = arith.index_cast %add3A_1038 : i32 to index
          %get3A_1049 = arith.constant 64 : index
          %get3A_1050 = tpu.vector_load %arg7[%get3A_1048, %get3A_1049] {strides = array<i32>} : memref<168x128xf32, #tpu.memory_space<vmem>>, vector<1x16xf32>,
          %get3A_1051 = vector.shape_cast %get3A_1050 : vector<1x16xf32> to vector<16xf32>
          %add3A_1052 = arith.addf %mul3A_1047, %get3A_1051 : vector<16xf32>
          %swap3A_1053 = arith.index_cast %add3A_1031 : i32 to index
          %swap3A_1054 = arith.constant 0 : index
          %swap3A_1055 = tpu.vector_load %arg10[%swap3A_1053, %swap3A_1054] {strides = array<i32>} : memref<128x64xf32, #tpu.memory_space<vmem>>, vector<1x16xf32>,
          %swap3A_1056 = vector.shape_cast %swap3A_1055 : vector<1x16xf32> to vector<16xf32>
          %swap3A_1057 = vector.shape_cast %add3A_1052 : vector<16xf32> to vector<1x16xf32>
          tpu.vector_store %arg10[%swap3A_1053, %swap3A_1054], %swap3A_1057 {strides = array<i32>} : memref<128x64xf32, #tpu.memory_space<vmem>>, vector<1x16xf32>,
          %add3A_1058 = arith.constant 16 : i32
          %add3A_1059 = arith.addi %squeeze3A_1033, %add3A_1058 : i32
          %get3A_1060 = arith.index_cast %add3A_1031 : i32 to index
          %get3A_1061 = arith.index_cast %add3A_1059 : i32 to index
          %get3A_1062 = tpu.vector_load %arg8[%get3A_1060, %get3A_1061] {strides = array<i32>} : memref<128x128xf32, #tpu.memory_space<vmem>>, vector<1x16xf32>,
          %get3A_1063 = vector.shape_cast %get3A_1062 : vector<1x16xf32> to vector<16xf32>
          %mul3A_1064 = arith.constant 8.000000e+00 : f32
          %mul3A_1065 = vector.broadcast %mul3A_1064 : f32 to vector<16xf32>
          %mul3A_1066 = arith.mulf %get3A_1063, %mul3A_1065 : vector<16xf32>
          %get3A_1067 = arith.index_cast %add3A_1038 : i32 to index
          %get3A_1068 = arith.constant 80 : index
          %get3A_1069 = tpu.vector_load %arg7[%get3A_1067, %get3A_1068] {strides = array<i32>} : memref<168x128xf32, #tpu.memory_space<vmem>>, vector<1x16xf32>,
          %get3A_1070 = vector.shape_cast %get3A_1069 : vector<1x16xf32> to vector<16xf32>
          %add3A_1071 = arith.addf %mul3A_1066, %get3A_1070 : vector<16xf32>
          %swap3A_1072 = arith.index_cast %add3A_1031 : i32 to index
          %swap3A_1073 = arith.constant 16 : index
          %swap3A_1074 = tpu.vector_load %arg10[%swap3A_1072, %swap3A_1073] {strides = array<i32>} : memref<128x64xf32, #tpu.memory_space<vmem>>, vector<1x16xf32>,
          %swap3A_1075 = vector.shape_cast %swap3A_1074 : vector<1x16xf32> to vector<16xf32>
          %swap3A_1076 = vector.shape_cast %add3A_1071 : vector<16xf32> to vector<1x16xf32>
          tpu.vector_store %arg10[%swap3A_1072, %swap3A_1073], %swap3A_1076 {strides = array<i32>} : memref<128x64xf32, #tpu.memory_space<vmem>>, vector<1x16xf32>,
          %add3A_1077 = arith.constant 32 : i32
          %add3A_1078 = arith.addi %squeeze3A_1033, %add3A_1077 : i32
          %get3A_1079 = arith.index_cast %add3A_1031 : i32 to index
          %get3A_1080 = arith.index_cast %add3A_1078 : i32 to index
          %get3A_1081 = tpu.vector_load %arg8[%get3A_1079, %get3A_1080] {strides = array<i32>} : memref<128x128xf32, #tpu.memory_space<vmem>>, vector<1x16xf32>,
          %get3A_1082 = vector.shape_cast %get3A_1081 : vector<1x16xf32> to vector<16xf32>
          %mul3A_1083 = arith.constant 8.000000e+00 : f32
          %mul3A_1084 = vector.broadcast %mul3A_1083 : f32 to vector<16xf32>
          %mul3A_1085 = arith.mulf %get3A_1082, %mul3A_1084 : vector<16xf32>
          %get3A_1086 = arith.index_cast %add3A_1038 : i32 to index
          %get3A_1087 = arith.constant 96 : index
          %get3A_1088 = tpu.vector_load %arg7[%get3A_1086, %get3A_1087] {strides = array<i32>} : memref<168x128xf32, #tpu.memory_space<vmem>>, vector<1x16xf32>,
          %get3A_1089 = vector.shape_cast %get3A_1088 : vector<1x16xf32> to vector<16xf32>
          %add3A_1090 = arith.addf %mul3A_1085, %get3A_1089 : vector<16xf32>
          %swap3A_1091 = arith.index_cast %add3A_1031 : i32 to index
          %swap3A_1092 = arith.constant 32 : index
          %swap3A_1093 = tpu.vector_load %arg10[%swap3A_1091, %swap3A_1092] {strides = array<i32>} : memref<128x64xf32, #tpu.memory_space<vmem>>, vector<1x16xf32>,
          %swap3A_1094 = vector.shape_cast %swap3A_1093 : vector<1x16xf32> to vector<16xf32>
          %swap3A_1095 = vector.shape_cast %add3A_1090 : vector<16xf32> to vector<1x16xf32>
          tpu.vector_store %arg10[%swap3A_1091, %swap3A_1092], %swap3A_1095 {strides = array<i32>} : memref<128x64xf32, #tpu.memory_space<vmem>>, vector<1x16xf32>,
          %add3A_1096 = arith.constant 48 : i32
          %add3A_1097 = arith.addi %squeeze3A_1033, %add3A_1096 : i32
          %get3A_1098 = arith.index_cast %add3A_1031 : i32 to index
          %get3A_1099 = arith.index_cast %add3A_1097 : i32 to index
          %get3A_1100 = tpu.vector_load %arg8[%get3A_1098, %get3A_1099] {strides = array<i32>} : memref<128x128xf32, #tpu.memory_space<vmem>>, vector<1x16xf32>,
          %get3A_1101 = vector.shape_cast %get3A_1100 : vector<1x16xf32> to vector<16xf32>
          %mul3A_1102 = arith.constant 8.000000e+00 : f32
          %mul3A_1103 = vector.broadcast %mul3A_1102 : f32 to vector<16xf32>
          %mul3A_1104 = arith.mulf %get3A_1101, %mul3A_1103 : vector<16xf32>
          %get3A_1105 = arith.index_cast %add3A_1038 : i32 to index
          %get3A_1106 = arith.constant 112 : index
          %get3A_1107 = tpu.vector_load %arg7[%get3A_1105, %get3A_1106] {strides = array<i32>} : memref<168x128xf32, #tpu.memory_space<vmem>>, vector<1x16xf32>,
          %get3A_1108 = vector.shape_cast %get3A_1107 : vector<1x16xf32> to vector<16xf32>
          %add3A_1109 = arith.addf %mul3A_1104, %get3A_1108 : vector<16xf32>
          %swap3A_1110 = arith.index_cast %add3A_1031 : i32 to index
          %swap3A_1111 = arith.constant 48 : index
          %swap3A_1112 = tpu.vector_load %arg10[%swap3A_1110, %swap3A_1111] {strides = array<i32>} : memref<128x64xf32, #tpu.memory_space<vmem>>, vector<1x16xf32>,
          %swap3A_1113 = vector.shape_cast %swap3A_1112 : vector<1x16xf32> to vector<16xf32>
          %swap3A_1114 = vector.shape_cast %add3A_1109 : vector<16xf32> to vector<1x16xf32>
          tpu.vector_store %arg10[%swap3A_1110, %swap3A_1111], %swap3A_1114 {strides = array<i32>} : memref<128x64xf32, #tpu.memory_space<vmem>>, vector<1x16xf32>,
          %add3A_1115 = arith.constant 12 : i32
          %add3A_1116 = arith.addi %mul3A_89, %add3A_1115 : i32
          %slice3A_1117 = vector.extract_strided_slice %mul3A_97 {offsets = [12], sizes = [1], strides = [1]} : vector<16xi32> to vector<1xi32>
          %squeeze3A_1118 = vector.extract %slice3A_1117[0] : i32 from vector<1xi32>
          %mul3A_1119 = arith.constant 8 : i32
          %mul3A_1120 = arith.muli %scan3A_87, %mul3A_1119 : i32
          %add3A_1121 = arith.addi %shift_right_logical3A_73, %mul3A_1120 : i32
          %add3A_1122 = arith.constant 6 : i32
          %add3A_1123 = arith.addi %add3A_1121, %add3A_1122 : i32
          %add3A_1124 = arith.constant 0 : i32
          %add3A_1125 = arith.addi %squeeze3A_1118, %add3A_1124 : i32
          %get3A_1126 = arith.index_cast %add3A_1116 : i32 to index
          %get3A_1127 = arith.index_cast %add3A_1125 : i32 to index
          %get3A_1128 = tpu.vector_load %arg8[%get3A_1126, %get3A_1127] {strides = array<i32>} : memref<128x128xf32, #tpu.memory_space<vmem>>, vector<1x16xf32>,
          %get3A_1129 = vector.shape_cast %get3A_1128 : vector<1x16xf32> to vector<16xf32>
          %mul3A_1130 = arith.constant 8.000000e+00 : f32
          %mul3A_1131 = vector.broadcast %mul3A_1130 : f32 to vector<16xf32>
          %mul3A_1132 = arith.mulf %get3A_1129, %mul3A_1131 : vector<16xf32>
          %get3A_1133 = arith.index_cast %add3A_1123 : i32 to index
          %get3A_1134 = arith.constant 0 : index
          %get3A_1135 = tpu.vector_load %arg7[%get3A_1133, %get3A_1134] {strides = array<i32>} : memref<168x128xf32, #tpu.memory_space<vmem>>, vector<1x16xf32>,
          %get3A_1136 = vector.shape_cast %get3A_1135 : vector<1x16xf32> to vector<16xf32>
          %add3A_1137 = arith.addf %mul3A_1132, %get3A_1136 : vector<16xf32>
          %swap3A_1138 = arith.index_cast %add3A_1116 : i32 to index
          %swap3A_1139 = arith.constant 0 : index
          %swap3A_1140 = tpu.vector_load %arg10[%swap3A_1138, %swap3A_1139] {strides = array<i32>} : memref<128x64xf32, #tpu.memory_space<vmem>>, vector<1x16xf32>,
          %swap3A_1141 = vector.shape_cast %swap3A_1140 : vector<1x16xf32> to vector<16xf32>
          %swap3A_1142 = vector.shape_cast %add3A_1137 : vector<16xf32> to vector<1x16xf32>
          tpu.vector_store %arg10[%swap3A_1138, %swap3A_1139], %swap3A_1142 {strides = array<i32>} : memref<128x64xf32, #tpu.memory_space<vmem>>, vector<1x16xf32>,
          %add3A_1143 = arith.constant 16 : i32
          %add3A_1144 = arith.addi %squeeze3A_1118, %add3A_1143 : i32
          %get3A_1145 = arith.index_cast %add3A_1116 : i32 to index
          %get3A_1146 = arith.index_cast %add3A_1144 : i32 to index
          %get3A_1147 = tpu.vector_load %arg8[%get3A_1145, %get3A_1146] {strides = array<i32>} : memref<128x128xf32, #tpu.memory_space<vmem>>, vector<1x16xf32>,
          %get3A_1148 = vector.shape_cast %get3A_1147 : vector<1x16xf32> to vector<16xf32>
          %mul3A_1149 = arith.constant 8.000000e+00 : f32
          %mul3A_1150 = vector.broadcast %mul3A_1149 : f32 to vector<16xf32>
          %mul3A_1151 = arith.mulf %get3A_1148, %mul3A_1150 : vector<16xf32>
          %get3A_1152 = arith.index_cast %add3A_1123 : i32 to index
          %get3A_1153 = arith.constant 16 : index
          %get3A_1154 = tpu.vector_load %arg7[%get3A_1152, %get3A_1153] {strides = array<i32>} : memref<168x128xf32, #tpu.memory_space<vmem>>, vector<1x16xf32>,
          %get3A_1155 = vector.shape_cast %get3A_1154 : vector<1x16xf32> to vector<16xf32>
          %add3A_1156 = arith.addf %mul3A_1151, %get3A_1155 : vector<16xf32>
          %swap3A_1157 = arith.index_cast %add3A_1116 : i32 to index
          %swap3A_1158 = arith.constant 16 : index
          %swap3A_1159 = tpu.vector_load %arg10[%swap3A_1157, %swap3A_1158] {strides = array<i32>} : memref<128x64xf32, #tpu.memory_space<vmem>>, vector<1x16xf32>,
          %swap3A_1160 = vector.shape_cast %swap3A_1159 : vector<1x16xf32> to vector<16xf32>
          %swap3A_1161 = vector.shape_cast %add3A_1156 : vector<16xf32> to vector<1x16xf32>
          tpu.vector_store %arg10[%swap3A_1157, %swap3A_1158], %swap3A_1161 {strides = array<i32>} : memref<128x64xf32, #tpu.memory_space<vmem>>, vector<1x16xf32>,
          %add3A_1162 = arith.constant 32 : i32
          %add3A_1163 = arith.addi %squeeze3A_1118, %add3A_1162 : i32
          %get3A_1164 = arith.index_cast %add3A_1116 : i32 to index
          %get3A_1165 = arith.index_cast %add3A_1163 : i32 to index
          %get3A_1166 = tpu.vector_load %arg8[%get3A_1164, %get3A_1165] {strides = array<i32>} : memref<128x128xf32, #tpu.memory_space<vmem>>, vector<1x16xf32>,
          %get3A_1167 = vector.shape_cast %get3A_1166 : vector<1x16xf32> to vector<16xf32>
          %mul3A_1168 = arith.constant 8.000000e+00 : f32
          %mul3A_1169 = vector.broadcast %mul3A_1168 : f32 to vector<16xf32>
          %mul3A_1170 = arith.mulf %get3A_1167, %mul3A_1169 : vector<16xf32>
          %get3A_1171 = arith.index_cast %add3A_1123 : i32 to index
          %get3A_1172 = arith.constant 32 : index
          %get3A_1173 = tpu.vector_load %arg7[%get3A_1171, %get3A_1172] {strides = array<i32>} : memref<168x128xf32, #tpu.memory_space<vmem>>, vector<1x16xf32>,
          %get3A_1174 = vector.shape_cast %get3A_1173 : vector<1x16xf32> to vector<16xf32>
          %add3A_1175 = arith.addf %mul3A_1170, %get3A_1174 : vector<16xf32>
          %swap3A_1176 = arith.index_cast %add3A_1116 : i32 to index
          %swap3A_1177 = arith.constant 32 : index
          %swap3A_1178 = tpu.vector_load %arg10[%swap3A_1176, %swap3A_1177] {strides = array<i32>} : memref<128x64xf32, #tpu.memory_space<vmem>>, vector<1x16xf32>,
          %swap3A_1179 = vector.shape_cast %swap3A_1178 : vector<1x16xf32> to vector<16xf32>
          %swap3A_1180 = vector.shape_cast %add3A_1175 : vector<16xf32> to vector<1x16xf32>
          tpu.vector_store %arg10[%swap3A_1176, %swap3A_1177], %swap3A_1180 {strides = array<i32>} : memref<128x64xf32, #tpu.memory_space<vmem>>, vector<1x16xf32>,
          %add3A_1181 = arith.constant 48 : i32
          %add3A_1182 = arith.addi %squeeze3A_1118, %add3A_1181 : i32
          %get3A_1183 = arith.index_cast %add3A_1116 : i32 to index
          %get3A_1184 = arith.index_cast %add3A_1182 : i32 to index
          %get3A_1185 = tpu.vector_load %arg8[%get3A_1183, %get3A_1184] {strides = array<i32>} : memref<128x128xf32, #tpu.memory_space<vmem>>, vector<1x16xf32>,
          %get3A_1186 = vector.shape_cast %get3A_1185 : vector<1x16xf32> to vector<16xf32>
          %mul3A_1187 = arith.constant 8.000000e+00 : f32
          %mul3A_1188 = vector.broadcast %mul3A_1187 : f32 to vector<16xf32>
          %mul3A_1189 = arith.mulf %get3A_1186, %mul3A_1188 : vector<16xf32>
          %get3A_1190 = arith.index_cast %add3A_1123 : i32 to index
          %get3A_1191 = arith.constant 48 : index
          %get3A_1192 = tpu.vector_load %arg7[%get3A_1190, %get3A_1191] {strides = array<i32>} : memref<168x128xf32, #tpu.memory_space<vmem>>, vector<1x16xf32>,
          %get3A_1193 = vector.shape_cast %get3A_1192 : vector<1x16xf32> to vector<16xf32>
          %add3A_1194 = arith.addf %mul3A_1189, %get3A_1193 : vector<16xf32>
          %swap3A_1195 = arith.index_cast %add3A_1116 : i32 to index
          %swap3A_1196 = arith.constant 48 : index
          %swap3A_1197 = tpu.vector_load %arg10[%swap3A_1195, %swap3A_1196] {strides = array<i32>} : memref<128x64xf32, #tpu.memory_space<vmem>>, vector<1x16xf32>,
          %swap3A_1198 = vector.shape_cast %swap3A_1197 : vector<1x16xf32> to vector<16xf32>
          %swap3A_1199 = vector.shape_cast %add3A_1194 : vector<16xf32> to vector<1x16xf32>
          tpu.vector_store %arg10[%swap3A_1195, %swap3A_1196], %swap3A_1199 {strides = array<i32>} : memref<128x64xf32, #tpu.memory_space<vmem>>, vector<1x16xf32>,
          %add3A_1200 = arith.constant 13 : i32
          %add3A_1201 = arith.addi %mul3A_89, %add3A_1200 : i32
          %slice3A_1202 = vector.extract_strided_slice %mul3A_97 {offsets = [13], sizes = [1], strides = [1]} : vector<16xi32> to vector<1xi32>
          %squeeze3A_1203 = vector.extract %slice3A_1202[0] : i32 from vector<1xi32>
          %mul3A_1204 = arith.constant 8 : i32
          %mul3A_1205 = arith.muli %scan3A_87, %mul3A_1204 : i32
          %add3A_1206 = arith.addi %shift_right_logical3A_73, %mul3A_1205 : i32
          %add3A_1207 = arith.constant 6 : i32
          %add3A_1208 = arith.addi %add3A_1206, %add3A_1207 : i32
          %add3A_1209 = arith.constant 0 : i32
          %add3A_1210 = arith.addi %squeeze3A_1203, %add3A_1209 : i32
          %get3A_1211 = arith.index_cast %add3A_1201 : i32 to index
          %get3A_1212 = arith.index_cast %add3A_1210 : i32 to index
          %get3A_1213 = tpu.vector_load %arg8[%get3A_1211, %get3A_1212] {strides = array<i32>} : memref<128x128xf32, #tpu.memory_space<vmem>>, vector<1x16xf32>,
          %get3A_1214 = vector.shape_cast %get3A_1213 : vector<1x16xf32> to vector<16xf32>
          %mul3A_1215 = arith.constant 8.000000e+00 : f32
          %mul3A_1216 = vector.broadcast %mul3A_1215 : f32 to vector<16xf32>
          %mul3A_1217 = arith.mulf %get3A_1214, %mul3A_1216 : vector<16xf32>
          %get3A_1218 = arith.index_cast %add3A_1208 : i32 to index
          %get3A_1219 = arith.constant 64 : index
          %get3A_1220 = tpu.vector_load %arg7[%get3A_1218, %get3A_1219] {strides = array<i32>} : memref<168x128xf32, #tpu.memory_space<vmem>>, vector<1x16xf32>,
          %get3A_1221 = vector.shape_cast %get3A_1220 : vector<1x16xf32> to vector<16xf32>
          %add3A_1222 = arith.addf %mul3A_1217, %get3A_1221 : vector<16xf32>
          %swap3A_1223 = arith.index_cast %add3A_1201 : i32 to index
          %swap3A_1224 = arith.constant 0 : index
          %swap3A_1225 = tpu.vector_load %arg10[%swap3A_1223, %swap3A_1224] {strides = array<i32>} : memref<128x64xf32, #tpu.memory_space<vmem>>, vector<1x16xf32>,
          %swap3A_1226 = vector.shape_cast %swap3A_1225 : vector<1x16xf32> to vector<16xf32>
          %swap3A_1227 = vector.shape_cast %add3A_1222 : vector<16xf32> to vector<1x16xf32>
          tpu.vector_store %arg10[%swap3A_1223, %swap3A_1224], %swap3A_1227 {strides = array<i32>} : memref<128x64xf32, #tpu.memory_space<vmem>>, vector<1x16xf32>,
          %add3A_1228 = arith.constant 16 : i32
          %add3A_1229 = arith.addi %squeeze3A_1203, %add3A_1228 : i32
          %get3A_1230 = arith.index_cast %add3A_1201 : i32 to index
          %get3A_1231 = arith.index_cast %add3A_1229 : i32 to index
          %get3A_1232 = tpu.vector_load %arg8[%get3A_1230, %get3A_1231] {strides = array<i32>} : memref<128x128xf32, #tpu.memory_space<vmem>>, vector<1x16xf32>,
          %get3A_1233 = vector.shape_cast %get3A_1232 : vector<1x16xf32> to vector<16xf32>
          %mul3A_1234 = arith.constant 8.000000e+00 : f32
          %mul3A_1235 = vector.broadcast %mul3A_1234 : f32 to vector<16xf32>
          %mul3A_1236 = arith.mulf %get3A_1233, %mul3A_1235 : vector<16xf32>
          %get3A_1237 = arith.index_cast %add3A_1208 : i32 to index
          %get3A_1238 = arith.constant 80 : index
          %get3A_1239 = tpu.vector_load %arg7[%get3A_1237, %get3A_1238] {strides = array<i32>} : memref<168x128xf32, #tpu.memory_space<vmem>>, vector<1x16xf32>,
          %get3A_1240 = vector.shape_cast %get3A_1239 : vector<1x16xf32> to vector<16xf32>
          %add3A_1241 = arith.addf %mul3A_1236, %get3A_1240 : vector<16xf32>
          %swap3A_1242 = arith.index_cast %add3A_1201 : i32 to index
          %swap3A_1243 = arith.constant 16 : index
          %swap3A_1244 = tpu.vector_load %arg10[%swap3A_1242, %swap3A_1243] {strides = array<i32>} : memref<128x64xf32, #tpu.memory_space<vmem>>, vector<1x16xf32>,
          %swap3A_1245 = vector.shape_cast %swap3A_1244 : vector<1x16xf32> to vector<16xf32>
          %swap3A_1246 = vector.shape_cast %add3A_1241 : vector<16xf32> to vector<1x16xf32>
          tpu.vector_store %arg10[%swap3A_1242, %swap3A_1243], %swap3A_1246 {strides = array<i32>} : memref<128x64xf32, #tpu.memory_space<vmem>>, vector<1x16xf32>,
          %add3A_1247 = arith.constant 32 : i32
          %add3A_1248 = arith.addi %squeeze3A_1203, %add3A_1247 : i32
          %get3A_1249 = arith.index_cast %add3A_1201 : i32 to index
          %get3A_1250 = arith.index_cast %add3A_1248 : i32 to index
          %get3A_1251 = tpu.vector_load %arg8[%get3A_1249, %get3A_1250] {strides = array<i32>} : memref<128x128xf32, #tpu.memory_space<vmem>>, vector<1x16xf32>,
          %get3A_1252 = vector.shape_cast %get3A_1251 : vector<1x16xf32> to vector<16xf32>
          %mul3A_1253 = arith.constant 8.000000e+00 : f32
          %mul3A_1254 = vector.broadcast %mul3A_1253 : f32 to vector<16xf32>
          %mul3A_1255 = arith.mulf %get3A_1252, %mul3A_1254 : vector<16xf32>
          %get3A_1256 = arith.index_cast %add3A_1208 : i32 to index
          %get3A_1257 = arith.constant 96 : index
          %get3A_1258 = tpu.vector_load %arg7[%get3A_1256, %get3A_1257] {strides = array<i32>} : memref<168x128xf32, #tpu.memory_space<vmem>>, vector<1x16xf32>,
          %get3A_1259 = vector.shape_cast %get3A_1258 : vector<1x16xf32> to vector<16xf32>
          %add3A_1260 = arith.addf %mul3A_1255, %get3A_1259 : vector<16xf32>
          %swap3A_1261 = arith.index_cast %add3A_1201 : i32 to index
          %swap3A_1262 = arith.constant 32 : index
          %swap3A_1263 = tpu.vector_load %arg10[%swap3A_1261, %swap3A_1262] {strides = array<i32>} : memref<128x64xf32, #tpu.memory_space<vmem>>, vector<1x16xf32>,
          %swap3A_1264 = vector.shape_cast %swap3A_1263 : vector<1x16xf32> to vector<16xf32>
          %swap3A_1265 = vector.shape_cast %add3A_1260 : vector<16xf32> to vector<1x16xf32>
          tpu.vector_store %arg10[%swap3A_1261, %swap3A_1262], %swap3A_1265 {strides = array<i32>} : memref<128x64xf32, #tpu.memory_space<vmem>>, vector<1x16xf32>,
          %add3A_1266 = arith.constant 48 : i32
          %add3A_1267 = arith.addi %squeeze3A_1203, %add3A_1266 : i32
          %get3A_1268 = arith.index_cast %add3A_1201 : i32 to index
          %get3A_1269 = arith.index_cast %add3A_1267 : i32 to index
          %get3A_1270 = tpu.vector_load %arg8[%get3A_1268, %get3A_1269] {strides = array<i32>} : memref<128x128xf32, #tpu.memory_space<vmem>>, vector<1x16xf32>,
          %get3A_1271 = vector.shape_cast %get3A_1270 : vector<1x16xf32> to vector<16xf32>
          %mul3A_1272 = arith.constant 8.000000e+00 : f32
          %mul3A_1273 = vector.broadcast %mul3A_1272 : f32 to vector<16xf32>
          %mul3A_1274 = arith.mulf %get3A_1271, %mul3A_1273 : vector<16xf32>
          %get3A_1275 = arith.index_cast %add3A_1208 : i32 to index
          %get3A_1276 = arith.constant 112 : index
          %get3A_1277 = tpu.vector_load %arg7[%get3A_1275, %get3A_1276] {strides = array<i32>} : memref<168x128xf32, #tpu.memory_space<vmem>>, vector<1x16xf32>,
          %get3A_1278 = vector.shape_cast %get3A_1277 : vector<1x16xf32> to vector<16xf32>
          %add3A_1279 = arith.addf %mul3A_1274, %get3A_1278 : vector<16xf32>
          %swap3A_1280 = arith.index_cast %add3A_1201 : i32 to index
          %swap3A_1281 = arith.constant 48 : index
          %swap3A_1282 = tpu.vector_load %arg10[%swap3A_1280, %swap3A_1281] {strides = array<i32>} : memref<128x64xf32, #tpu.memory_space<vmem>>, vector<1x16xf32>,
          %swap3A_1283 = vector.shape_cast %swap3A_1282 : vector<1x16xf32> to vector<16xf32>
          %swap3A_1284 = vector.shape_cast %add3A_1279 : vector<16xf32> to vector<1x16xf32>
          tpu.vector_store %arg10[%swap3A_1280, %swap3A_1281], %swap3A_1284 {strides = array<i32>} : memref<128x64xf32, #tpu.memory_space<vmem>>, vector<1x16xf32>,
          %add3A_1285 = arith.constant 14 : i32
          %add3A_1286 = arith.addi %mul3A_89, %add3A_1285 : i32
          %slice3A_1287 = vector.extract_strided_slice %mul3A_97 {offsets = [14], sizes = [1], strides = [1]} : vector<16xi32> to vector<1xi32>
          %squeeze3A_1288 = vector.extract %slice3A_1287[0] : i32 from vector<1xi32>
          %mul3A_1289 = arith.constant 8 : i32
          %mul3A_1290 = arith.muli %scan3A_87, %mul3A_1289 : i32
          %add3A_1291 = arith.addi %shift_right_logical3A_73, %mul3A_1290 : i32
          %add3A_1292 = arith.constant 7 : i32
          %add3A_1293 = arith.addi %add3A_1291, %add3A_1292 : i32
          %add3A_1294 = arith.constant 0 : i32
          %add3A_1295 = arith.addi %squeeze3A_1288, %add3A_1294 : i32
          %get3A_1296 = arith.index_cast %add3A_1286 : i32 to index
          %get3A_1297 = arith.index_cast %add3A_1295 : i32 to index
          %get3A_1298 = tpu.vector_load %arg8[%get3A_1296, %get3A_1297] {strides = array<i32>} : memref<128x128xf32, #tpu.memory_space<vmem>>, vector<1x16xf32>,
          %get3A_1299 = vector.shape_cast %get3A_1298 : vector<1x16xf32> to vector<16xf32>
          %mul3A_1300 = arith.constant 8.000000e+00 : f32
          %mul3A_1301 = vector.broadcast %mul3A_1300 : f32 to vector<16xf32>
          %mul3A_1302 = arith.mulf %get3A_1299, %mul3A_1301 : vector<16xf32>
          %get3A_1303 = arith.index_cast %add3A_1293 : i32 to index
          %get3A_1304 = arith.constant 0 : index
          %get3A_1305 = tpu.vector_load %arg7[%get3A_1303, %get3A_1304] {strides = array<i32>} : memref<168x128xf32, #tpu.memory_space<vmem>>, vector<1x16xf32>,
          %get3A_1306 = vector.shape_cast %get3A_1305 : vector<1x16xf32> to vector<16xf32>
          %add3A_1307 = arith.addf %mul3A_1302, %get3A_1306 : vector<16xf32>
          %swap3A_1308 = arith.index_cast %add3A_1286 : i32 to index
          %swap3A_1309 = arith.constant 0 : index
          %swap3A_1310 = tpu.vector_load %arg10[%swap3A_1308, %swap3A_1309] {strides = array<i32>} : memref<128x64xf32, #tpu.memory_space<vmem>>, vector<1x16xf32>,
          %swap3A_1311 = vector.shape_cast %swap3A_1310 : vector<1x16xf32> to vector<16xf32>
          %swap3A_1312 = vector.shape_cast %add3A_1307 : vector<16xf32> to vector<1x16xf32>
          tpu.vector_store %arg10[%swap3A_1308, %swap3A_1309], %swap3A_1312 {strides = array<i32>} : memref<128x64xf32, #tpu.memory_space<vmem>>, vector<1x16xf32>,
          %add3A_1313 = arith.constant 16 : i32
          %add3A_1314 = arith.addi %squeeze3A_1288, %add3A_1313 : i32
          %get3A_1315 = arith.index_cast %add3A_1286 : i32 to index
          %get3A_1316 = arith.index_cast %add3A_1314 : i32 to index
          %get3A_1317 = tpu.vector_load %arg8[%get3A_1315, %get3A_1316] {strides = array<i32>} : memref<128x128xf32, #tpu.memory_space<vmem>>, vector<1x16xf32>,
          %get3A_1318 = vector.shape_cast %get3A_1317 : vector<1x16xf32> to vector<16xf32>
          %mul3A_1319 = arith.constant 8.000000e+00 : f32
          %mul3A_1320 = vector.broadcast %mul3A_1319 : f32 to vector<16xf32>
          %mul3A_1321 = arith.mulf %get3A_1318, %mul3A_1320 : vector<16xf32>
          %get3A_1322 = arith.index_cast %add3A_1293 : i32 to index
          %get3A_1323 = arith.constant 16 : index
          %get3A_1324 = tpu.vector_load %arg7[%get3A_1322, %get3A_1323] {strides = array<i32>} : memref<168x128xf32, #tpu.memory_space<vmem>>, vector<1x16xf32>,
          %get3A_1325 = vector.shape_cast %get3A_1324 : vector<1x16xf32> to vector<16xf32>
          %add3A_1326 = arith.addf %mul3A_1321, %get3A_1325 : vector<16xf32>
          %swap3A_1327 = arith.index_cast %add3A_1286 : i32 to index
          %swap3A_1328 = arith.constant 16 : index
          %swap3A_1329 = tpu.vector_load %arg10[%swap3A_1327, %swap3A_1328] {strides = array<i32>} : memref<128x64xf32, #tpu.memory_space<vmem>>, vector<1x16xf32>,
          %swap3A_1330 = vector.shape_cast %swap3A_1329 : vector<1x16xf32> to vector<16xf32>
          %swap3A_1331 = vector.shape_cast %add3A_1326 : vector<16xf32> to vector<1x16xf32>
          tpu.vector_store %arg10[%swap3A_1327, %swap3A_1328], %swap3A_1331 {strides = array<i32>} : memref<128x64xf32, #tpu.memory_space<vmem>>, vector<1x16xf32>,
          %add3A_1332 = arith.constant 32 : i32
          %add3A_1333 = arith.addi %squeeze3A_1288, %add3A_1332 : i32
          %get3A_1334 = arith.index_cast %add3A_1286 : i32 to index
          %get3A_1335 = arith.index_cast %add3A_1333 : i32 to index
          %get3A_1336 = tpu.vector_load %arg8[%get3A_1334, %get3A_1335] {strides = array<i32>} : memref<128x128xf32, #tpu.memory_space<vmem>>, vector<1x16xf32>,
          %get3A_1337 = vector.shape_cast %get3A_1336 : vector<1x16xf32> to vector<16xf32>
          %mul3A_1338 = arith.constant 8.000000e+00 : f32
          %mul3A_1339 = vector.broadcast %mul3A_1338 : f32 to vector<16xf32>
          %mul3A_1340 = arith.mulf %get3A_1337, %mul3A_1339 : vector<16xf32>
          %get3A_1341 = arith.index_cast %add3A_1293 : i32 to index
          %get3A_1342 = arith.constant 32 : index
          %get3A_1343 = tpu.vector_load %arg7[%get3A_1341, %get3A_1342] {strides = array<i32>} : memref<168x128xf32, #tpu.memory_space<vmem>>, vector<1x16xf32>,
          %get3A_1344 = vector.shape_cast %get3A_1343 : vector<1x16xf32> to vector<16xf32>
          %add3A_1345 = arith.addf %mul3A_1340, %get3A_1344 : vector<16xf32>
          %swap3A_1346 = arith.index_cast %add3A_1286 : i32 to index
          %swap3A_1347 = arith.constant 32 : index
          %swap3A_1348 = tpu.vector_load %arg10[%swap3A_1346, %swap3A_1347] {strides = array<i32>} : memref<128x64xf32, #tpu.memory_space<vmem>>, vector<1x16xf32>,
          %swap3A_1349 = vector.shape_cast %swap3A_1348 : vector<1x16xf32> to vector<16xf32>
          %swap3A_1350 = vector.shape_cast %add3A_1345 : vector<16xf32> to vector<1x16xf32>
          tpu.vector_store %arg10[%swap3A_1346, %swap3A_1347], %swap3A_1350 {strides = array<i32>} : memref<128x64xf32, #tpu.memory_space<vmem>>, vector<1x16xf32>,
          %add3A_1351 = arith.constant 48 : i32
          %add3A_1352 = arith.addi %squeeze3A_1288, %add3A_1351 : i32
          %get3A_1353 = arith.index_cast %add3A_1286 : i32 to index
          %get3A_1354 = arith.index_cast %add3A_1352 : i32 to index
          %get3A_1355 = tpu.vector_load %arg8[%get3A_1353, %get3A_1354] {strides = array<i32>} : memref<128x128xf32, #tpu.memory_space<vmem>>, vector<1x16xf32>,
          %get3A_1356 = vector.shape_cast %get3A_1355 : vector<1x16xf32> to vector<16xf32>
          %mul3A_1357 = arith.constant 8.000000e+00 : f32
          %mul3A_1358 = vector.broadcast %mul3A_1357 : f32 to vector<16xf32>
          %mul3A_1359 = arith.mulf %get3A_1356, %mul3A_1358 : vector<16xf32>
          %get3A_1360 = arith.index_cast %add3A_1293 : i32 to index
          %get3A_1361 = arith.constant 48 : index
          %get3A_1362 = tpu.vector_load %arg7[%get3A_1360, %get3A_1361] {strides = array<i32>} : memref<168x128xf32, #tpu.memory_space<vmem>>, vector<1x16xf32>,
          %get3A_1363 = vector.shape_cast %get3A_1362 : vector<1x16xf32> to vector<16xf32>
          %add3A_1364 = arith.addf %mul3A_1359, %get3A_1363 : vector<16xf32>
          %swap3A_1365 = arith.index_cast %add3A_1286 : i32 to index
          %swap3A_1366 = arith.constant 48 : index
          %swap3A_1367 = tpu.vector_load %arg10[%swap3A_1365, %swap3A_1366] {strides = array<i32>} : memref<128x64xf32, #tpu.memory_space<vmem>>, vector<1x16xf32>,
          %swap3A_1368 = vector.shape_cast %swap3A_1367 : vector<1x16xf32> to vector<16xf32>
          %swap3A_1369 = vector.shape_cast %add3A_1364 : vector<16xf32> to vector<1x16xf32>
          tpu.vector_store %arg10[%swap3A_1365, %swap3A_1366], %swap3A_1369 {strides = array<i32>} : memref<128x64xf32, #tpu.memory_space<vmem>>, vector<1x16xf32>,
          %add3A_1370 = arith.constant 15 : i32
          %add3A_1371 = arith.addi %mul3A_89, %add3A_1370 : i32
          %slice3A_1372 = vector.extract_strided_slice %mul3A_97 {offsets = [15], sizes = [1], strides = [1]} : vector<16xi32> to vector<1xi32>
          %squeeze3A_1373 = vector.extract %slice3A_1372[0] : i32 from vector<1xi32>
          %mul3A_1374 = arith.constant 8 : i32
          %mul3A_1375 = arith.muli %scan3A_87, %mul3A_1374 : i32
          %add3A_1376 = arith.addi %shift_right_logical3A_73, %mul3A_1375 : i32
          %add3A_1377 = arith.constant 7 : i32
          %add3A_1378 = arith.addi %add3A_1376, %add3A_1377 : i32
          %add3A_1379 = arith.constant 0 : i32
          %add3A_1380 = arith.addi %squeeze3A_1373, %add3A_1379 : i32
          %get3A_1381 = arith.index_cast %add3A_1371 : i32 to index
          %get3A_1382 = arith.index_cast %add3A_1380 : i32 to index
          %get3A_1383 = tpu.vector_load %arg8[%get3A_1381, %get3A_1382] {strides = array<i32>} : memref<128x128xf32, #tpu.memory_space<vmem>>, vector<1x16xf32>,
          %get3A_1384 = vector.shape_cast %get3A_1383 : vector<1x16xf32> to vector<16xf32>
          %mul3A_1385 = arith.constant 8.000000e+00 : f32
          %mul3A_1386 = vector.broadcast %mul3A_1385 : f32 to vector<16xf32>
          %mul3A_1387 = arith.mulf %get3A_1384, %mul3A_1386 : vector<16xf32>
          %get3A_1388 = arith.index_cast %add3A_1378 : i32 to index
          %get3A_1389 = arith.constant 64 : index
          %get3A_1390 = tpu.vector_load %arg7[%get3A_1388, %get3A_1389] {strides = array<i32>} : memref<168x128xf32, #tpu.memory_space<vmem>>, vector<1x16xf32>,
          %get3A_1391 = vector.shape_cast %get3A_1390 : vector<1x16xf32> to vector<16xf32>
          %add3A_1392 = arith.addf %mul3A_1387, %get3A_1391 : vector<16xf32>
          %swap3A_1393 = arith.index_cast %add3A_1371 : i32 to index
          %swap3A_1394 = arith.constant 0 : index
          %swap3A_1395 = tpu.vector_load %arg10[%swap3A_1393, %swap3A_1394] {strides = array<i32>} : memref<128x64xf32, #tpu.memory_space<vmem>>, vector<1x16xf32>,
          %swap3A_1396 = vector.shape_cast %swap3A_1395 : vector<1x16xf32> to vector<16xf32>
          %swap3A_1397 = vector.shape_cast %add3A_1392 : vector<16xf32> to vector<1x16xf32>
          tpu.vector_store %arg10[%swap3A_1393, %swap3A_1394], %swap3A_1397 {strides = array<i32>} : memref<128x64xf32, #tpu.memory_space<vmem>>, vector<1x16xf32>,
          %add3A_1398 = arith.constant 16 : i32
          %add3A_1399 = arith.addi %squeeze3A_1373, %add3A_1398 : i32
          %get3A_1400 = arith.index_cast %add3A_1371 : i32 to index
          %get3A_1401 = arith.index_cast %add3A_1399 : i32 to index
          %get3A_1402 = tpu.vector_load %arg8[%get3A_1400, %get3A_1401] {strides = array<i32>} : memref<128x128xf32, #tpu.memory_space<vmem>>, vector<1x16xf32>,
          %get3A_1403 = vector.shape_cast %get3A_1402 : vector<1x16xf32> to vector<16xf32>
          %mul3A_1404 = arith.constant 8.000000e+00 : f32
          %mul3A_1405 = vector.broadcast %mul3A_1404 : f32 to vector<16xf32>
          %mul3A_1406 = arith.mulf %get3A_1403, %mul3A_1405 : vector<16xf32>
          %get3A_1407 = arith.index_cast %add3A_1378 : i32 to index
          %get3A_1408 = arith.constant 80 : index
          %get3A_1409 = tpu.vector_load %arg7[%get3A_1407, %get3A_1408] {strides = array<i32>} : memref<168x128xf32, #tpu.memory_space<vmem>>, vector<1x16xf32>,
          %get3A_1410 = vector.shape_cast %get3A_1409 : vector<1x16xf32> to vector<16xf32>
          %add3A_1411 = arith.addf %mul3A_1406, %get3A_1410 : vector<16xf32>
          %swap3A_1412 = arith.index_cast %add3A_1371 : i32 to index
          %swap3A_1413 = arith.constant 16 : index
          %swap3A_1414 = tpu.vector_load %arg10[%swap3A_1412, %swap3A_1413] {strides = array<i32>} : memref<128x64xf32, #tpu.memory_space<vmem>>, vector<1x16xf32>,
          %swap3A_1415 = vector.shape_cast %swap3A_1414 : vector<1x16xf32> to vector<16xf32>
          %swap3A_1416 = vector.shape_cast %add3A_1411 : vector<16xf32> to vector<1x16xf32>
          tpu.vector_store %arg10[%swap3A_1412, %swap3A_1413], %swap3A_1416 {strides = array<i32>} : memref<128x64xf32, #tpu.memory_space<vmem>>, vector<1x16xf32>,
          %add3A_1417 = arith.constant 32 : i32
          %add3A_1418 = arith.addi %squeeze3A_1373, %add3A_1417 : i32
          %get3A_1419 = arith.index_cast %add3A_1371 : i32 to index
          %get3A_1420 = arith.index_cast %add3A_1418 : i32 to index
          %get3A_1421 = tpu.vector_load %arg8[%get3A_1419, %get3A_1420] {strides = array<i32>} : memref<128x128xf32, #tpu.memory_space<vmem>>, vector<1x16xf32>,
          %get3A_1422 = vector.shape_cast %get3A_1421 : vector<1x16xf32> to vector<16xf32>
          %mul3A_1423 = arith.constant 8.000000e+00 : f32
          %mul3A_1424 = vector.broadcast %mul3A_1423 : f32 to vector<16xf32>
          %mul3A_1425 = arith.mulf %get3A_1422, %mul3A_1424 : vector<16xf32>
          %get3A_1426 = arith.index_cast %add3A_1378 : i32 to index
          %get3A_1427 = arith.constant 96 : index
          %get3A_1428 = tpu.vector_load %arg7[%get3A_1426, %get3A_1427] {strides = array<i32>} : memref<168x128xf32, #tpu.memory_space<vmem>>, vector<1x16xf32>,
          %get3A_1429 = vector.shape_cast %get3A_1428 : vector<1x16xf32> to vector<16xf32>
          %add3A_1430 = arith.addf %mul3A_1425, %get3A_1429 : vector<16xf32>
          %swap3A_1431 = arith.index_cast %add3A_1371 : i32 to index
          %swap3A_1432 = arith.constant 32 : index
          %swap3A_1433 = tpu.vector_load %arg10[%swap3A_1431, %swap3A_1432] {strides = array<i32>} : memref<128x64xf32, #tpu.memory_space<vmem>>, vector<1x16xf32>,
          %swap3A_1434 = vector.shape_cast %swap3A_1433 : vector<1x16xf32> to vector<16xf32>
          %swap3A_1435 = vector.shape_cast %add3A_1430 : vector<16xf32> to vector<1x16xf32>
          tpu.vector_store %arg10[%swap3A_1431, %swap3A_1432], %swap3A_1435 {strides = array<i32>} : memref<128x64xf32, #tpu.memory_space<vmem>>, vector<1x16xf32>,
          %add3A_1436 = arith.constant 48 : i32
          %add3A_1437 = arith.addi %squeeze3A_1373, %add3A_1436 : i32
          %get3A_1438 = arith.index_cast %add3A_1371 : i32 to index
          %get3A_1439 = arith.index_cast %add3A_1437 : i32 to index
          %get3A_1440 = tpu.vector_load %arg8[%get3A_1438, %get3A_1439] {strides = array<i32>} : memref<128x128xf32, #tpu.memory_space<vmem>>, vector<1x16xf32>,
          %get3A_1441 = vector.shape_cast %get3A_1440 : vector<1x16xf32> to vector<16xf32>
          %mul3A_1442 = arith.constant 8.000000e+00 : f32
          %mul3A_1443 = vector.broadcast %mul3A_1442 : f32 to vector<16xf32>
          %mul3A_1444 = arith.mulf %get3A_1441, %mul3A_1443 : vector<16xf32>
          %get3A_1445 = arith.index_cast %add3A_1378 : i32 to index
          %get3A_1446 = arith.constant 112 : index
          %get3A_1447 = tpu.vector_load %arg7[%get3A_1445, %get3A_1446] {strides = array<i32>} : memref<168x128xf32, #tpu.memory_space<vmem>>, vector<1x16xf32>,
          %get3A_1448 = vector.shape_cast %get3A_1447 : vector<1x16xf32> to vector<16xf32>
          %add3A_1449 = arith.addf %mul3A_1444, %get3A_1448 : vector<16xf32>
          %swap3A_1450 = arith.index_cast %add3A_1371 : i32 to index
          %swap3A_1451 = arith.constant 48 : index
          %swap3A_1452 = tpu.vector_load %arg10[%swap3A_1450, %swap3A_1451] {strides = array<i32>} : memref<128x64xf32, #tpu.memory_space<vmem>>, vector<1x16xf32>,
          %swap3A_1453 = vector.shape_cast %swap3A_1452 : vector<1x16xf32> to vector<16xf32>
          %swap3A_1454 = vector.shape_cast %add3A_1449 : vector<16xf32> to vector<1x16xf32>
          tpu.vector_store %arg10[%swap3A_1450, %swap3A_1451], %swap3A_1454 {strides = array<i32>} : memref<128x64xf32, #tpu.memory_space<vmem>>, vector<1x16xf32>,
        }
        %scan3A_79 = arith.constant 8 : i32
        %mul3A_80 = arith.constant 128 : i32
        %mul3A_81 = arith.muli %scan3A_36, %mul3A_80 : i32
        %add3A_82 = arith.addi %mul3A_2, %mul3A_81 : i32
        %dma_start3A_83 = arith.constant 0 : i32
        %dma_start3A_84 = tpu.memref_slice %arg5[%add3A_82, %dma_start3A_83] : memref<819200x64xf32, #tpu.memory_space<hbm>> -> memref<128x64xf32, #tpu.memory_space<hbm>>
        %dma_start3A_85 = arith.constant 0 : i32
        %dma_start3A_86 = tpu.memref_slice %arg5[%add3A_82, %dma_start3A_85] : memref<819200x64xf32, #tpu.memory_space<hbm>> -> memref<128x64xf32, #tpu.memory_space<hbm>>
        tpu.enqueue_dma source(%arg10 : memref<128x64xf32, #tpu.memory_space<vmem>>) target(%dma_start3A_86 : memref<128x64xf32, #tpu.memory_space<hbm>>) target_semaphore(%arg16 : memref<!tpu.dma_semaphore, #tpu.memory_space<semaphore_mem>>)
      } else {
      }
      %eq3A_40 = arith.constant 1 : i32
      %eq3A_41 = arith.cmpi eq, %rem3A_37, %eq3A_40 : i32
      %convert_element_type3A_42 = arith.extui %eq3A_41 : i1 to i32
      %cond3A_43 = arith.constant 0 : i32
      %cond3A_44 = arith.cmpi ne, %convert_element_type3A_42, %cond3A_43 : i32
      scf.if %cond3A_44 {
        %lt3A = arith.constant 199 : i32
        %lt3A_45 = arith.cmpi slt, %scan3A_36, %lt3A : i32
        %convert_element_type3A_46 = arith.extui %lt3A_45 : i1 to i32
        %cond3A_47 = arith.constant 0 : i32
        %cond3A_48 = arith.cmpi ne, %convert_element_type3A_46, %cond3A_47 : i32
        scf.if %cond3A_48 {
          %add3A_87 = arith.constant 1 : i32
          %add3A_88 = arith.addi %scan3A_36, %add3A_87 : i32
          %scan3A_89 = arith.constant 0 : i32
          %scan3A_90 = arith.constant 0 : i32
          %scan3A_91 = arith.constant 8 : i32
          %scan3A_92 = arith.addi %scan3A_90, %scan3A_91 : i32
          %scan3A_93 = arith.constant 1 : i32
          scf.for %scan3A_111 = %scan3A_90 to %scan3A_92 step %scan3A_93  : i32 {
            %mul3A_112 = arith.constant 16 : i32
            %mul3A_113 = arith.muli %scan3A_111, %mul3A_112 : i32
            %get3A = arith.index_cast %add3A_88 : i32 to index
            %get3A_114 = arith.index_cast %mul3A_113 : i32 to index
            %get3A_115 = tpu.vector_load %arg6[%get3A, %get3A_114] {strides = array<i32>} : memref<200x128xi32, #tpu.memory_space<vmem>>, vector<1x16xi32>,
            %get3A_116 = vector.shape_cast %get3A_115 : vector<1x16xi32> to vector<16xi32>
            %shift_right_logical3A_117 = arith.constant 1 : i32
            %shift_right_logical3A_118 = vector.broadcast %shift_right_logical3A_117 : i32 to vector<16xi32>
            %shift_right_logical3A_119 = arith.shrui %get3A_116, %shift_right_logical3A_118 : vector<16xi32>
            %swap3A = arith.index_cast %mul3A_113 : i32 to index
            %swap3A_120 = tpu.vector_load %arg12[%swap3A] {strides = array<i32>} : memref<128xi32, #tpu.memory_space<vmem>>, vector<16xi32>,
            %swap3A_121 = vector.shape_cast %swap3A_120 : vector<16xi32> to vector<16xi32>
            %swap3A_122 = vector.shape_cast %shift_right_logical3A_119 : vector<16xi32> to vector<16xi32>
            tpu.vector_store %arg12[%swap3A], %swap3A_122 {strides = array<i32>} : memref<128xi32, #tpu.memory_space<vmem>>, vector<16xi32>,
          }
          %scan3A_94 = arith.constant 8 : i32
          %dma_start3A_95 = arith.constant 0 : i32
          %dma_start3A_96 = arith.constant 0 : i32
          %dma_start3A_97 = tpu.memref_slice %arg8[%dma_start3A_95, %dma_start3A_96] : memref<128x128xf32, #tpu.memory_space<vmem>> -> memref<64x128xf32, #tpu.memory_space<vmem>>
          %dma_start3A_98 = arith.constant 0 : i32
          %dma_start3A_99 = tpu.memref_slice %arg12[%dma_start3A_98] : memref<128xi32, #tpu.memory_space<vmem>> -> memref<64xi32, #tpu.memory_space<vmem>>
          %dma_start3A_100 = arith.constant 0 : i32
          %dma_start3A_101 = arith.constant 0 : i32
          %dma_start3A_102 = tpu.memref_slice %arg4[%dma_start3A_100, %dma_start3A_101] : memref<500000x128xf32, #tpu.memory_space<hbm>> -> memref<500000x128xf32, #tpu.memory_space<hbm>>
          tpu.enqueue_indirect_dma source(%dma_start3A_102 : memref<500000x128xf32, #tpu.memory_space<hbm>>) target(%dma_start3A_97 : memref<64x128xf32, #tpu.memory_space<vmem>>) offsets(%dma_start3A_99 : memref<64xi32, #tpu.memory_space<vmem>>) semaphore(%arg14 : memref<!tpu.dma_semaphore, #tpu.memory_space<semaphore_mem>>)
          %dma_start3A_103 = arith.constant 64 : i32
          %dma_start3A_104 = arith.constant 0 : i32
          %dma_start3A_105 = tpu.memref_slice %arg8[%dma_start3A_103, %dma_start3A_104] : memref<128x128xf32, #tpu.memory_space<vmem>> -> memref<64x128xf32, #tpu.memory_space<vmem>>
          %dma_start3A_106 = arith.constant 64 : i32
          %dma_start3A_107 = tpu.memref_slice %arg12[%dma_start3A_106] : memref<128xi32, #tpu.memory_space<vmem>> -> memref<64xi32, #tpu.memory_space<vmem>>
          %dma_start3A_108 = arith.constant 0 : i32
          %dma_start3A_109 = arith.constant 0 : i32
          %dma_start3A_110 = tpu.memref_slice %arg4[%dma_start3A_108, %dma_start3A_109] : memref<500000x128xf32, #tpu.memory_space<hbm>> -> memref<500000x128xf32, #tpu.memory_space<hbm>>
          tpu.enqueue_indirect_dma source(%dma_start3A_110 : memref<500000x128xf32, #tpu.memory_space<hbm>>) target(%dma_start3A_105 : memref<64x128xf32, #tpu.memory_space<vmem>>) offsets(%dma_start3A_107 : memref<64xi32, #tpu.memory_space<vmem>>) semaphore(%arg14 : memref<!tpu.dma_semaphore, #tpu.memory_space<semaphore_mem>>)
        } else {
        }
        %dma_wait3A_49 = arith.constant 0 : i32
        %dma_wait3A_50 = arith.constant 0 : i32
        %dma_wait3A_51 = tpu.memref_slice %arg9[%dma_wait3A_49, %dma_wait3A_50] : memref<128x128xf32, #tpu.memory_space<vmem>> -> memref<64x128xf32, #tpu.memory_space<vmem>>
        %dma_wait3A_52 = arith.constant 0 : i32
        %dma_wait3A_53 = tpu.memref_slice %arg13[%dma_wait3A_52] : memref<128xi32, #tpu.memory_space<vmem>> -> memref<64xi32, #tpu.memory_space<vmem>>
        %dma_wait3A_54 = arith.constant 0 : i32
        %dma_wait3A_55 = arith.constant 0 : i32
        %dma_wait3A_56 = tpu.memref_slice %arg4[%dma_wait3A_54, %dma_wait3A_55] : memref<500000x128xf32, #tpu.memory_space<hbm>> -> memref<500000x128xf32, #tpu.memory_space<hbm>>
        tpu.wait_indirect_dma semaphore(%arg15 : memref<!tpu.dma_semaphore, #tpu.memory_space<semaphore_mem>>) src(%dma_wait3A_56 : memref<500000x128xf32, #tpu.memory_space<hbm>>) dst(%dma_wait3A_51 : memref<64x128xf32, #tpu.memory_space<vmem>>)
        %dma_wait3A_57 = arith.constant 64 : i32
        %dma_wait3A_58 = arith.constant 0 : i32
        %dma_wait3A_59 = tpu.memref_slice %arg9[%dma_wait3A_57, %dma_wait3A_58] : memref<128x128xf32, #tpu.memory_space<vmem>> -> memref<64x128xf32, #tpu.memory_space<vmem>>
        %dma_wait3A_60 = arith.constant 64 : i32
        %dma_wait3A_61 = tpu.memref_slice %arg13[%dma_wait3A_60] : memref<128xi32, #tpu.memory_space<vmem>> -> memref<64xi32, #tpu.memory_space<vmem>>
        %dma_wait3A_62 = arith.constant 0 : i32
        %dma_wait3A_63 = arith.constant 0 : i32
        %dma_wait3A_64 = tpu.memref_slice %arg4[%dma_wait3A_62, %dma_wait3A_63] : memref<500000x128xf32, #tpu.memory_space<hbm>> -> memref<500000x128xf32, #tpu.memory_space<hbm>>
        tpu.wait_indirect_dma semaphore(%arg15 : memref<!tpu.dma_semaphore, #tpu.memory_space<semaphore_mem>>) src(%dma_wait3A_64 : memref<500000x128xf32, #tpu.memory_space<hbm>>) dst(%dma_wait3A_59 : memref<64x128xf32, #tpu.memory_space<vmem>>)
        %ge3A = arith.constant 2 : i32
        %ge3A_65 = arith.cmpi sge, %scan3A_36, %ge3A : i32
        %convert_element_type3A_66 = arith.extui %ge3A_65 : i1 to i32
        %cond3A_67 = arith.constant 0 : i32
        %cond3A_68 = arith.cmpi ne, %convert_element_type3A_66, %cond3A_67 : i32
        scf.if %cond3A_68 {
          %dma_wait3A_87 = arith.constant 0 : i32
          %dma_wait3A_88 = tpu.memref_slice %arg5[%mul3A_2, %dma_wait3A_87] : memref<819200x64xf32, #tpu.memory_space<hbm>> -> memref<128x64xf32, #tpu.memory_space<hbm>>
          %dma_wait3A_89 = arith.constant 0 : i32
          %dma_wait3A_90 = tpu.memref_slice %arg5[%mul3A_2, %dma_wait3A_89] : memref<819200x64xf32, #tpu.memory_space<hbm>> -> memref<128x64xf32, #tpu.memory_space<hbm>>
          tpu.wait_dma2 semaphore(%arg17 : memref<!tpu.dma_semaphore, #tpu.memory_space<semaphore_mem>>) src(%arg11 : memref<128x64xf32, #tpu.memory_space<vmem>>) dst(%dma_wait3A_90 : memref<128x64xf32, #tpu.memory_space<hbm>>)
        } else {
        }
        %mul3A_69 = arith.constant 128 : i32
        %mul3A_70 = arith.muli %scan3A_36, %mul3A_69 : i32
        %rem3A_71 = arith.constant 200 : i32
        %rem3A_72 = arith.remsi %mul3A_70, %rem3A_71 : i32
        %shift_right_logical3A = arith.constant 1 : i32
        %shift_right_logical3A_73 = arith.shrui %rem3A_72, %shift_right_logical3A : i32
        %scan3A_74 = arith.constant 0 : i32
        %scan3A_75 = arith.constant 0 : i32
        %scan3A_76 = arith.constant 8 : i32
        %scan3A_77 = arith.addi %scan3A_75, %scan3A_76 : i32
        %scan3A_78 = arith.constant 1 : i32
        scf.for %scan3A_87 = %scan3A_75 to %scan3A_77 step %scan3A_78  : i32 {
          %mul3A_88 = arith.constant 16 : i32
          %mul3A_89 = arith.muli %scan3A_87, %mul3A_88 : i32
          %get3A = arith.index_cast %scan3A_36 : i32 to index
          %get3A_90 = arith.index_cast %mul3A_89 : i32 to index
          %get3A_91 = tpu.vector_load %arg6[%get3A, %get3A_90] {strides = array<i32>} : memref<200x128xi32, #tpu.memory_space<vmem>>, vector<1x16xi32>,
          %get3A_92 = vector.shape_cast %get3A_91 : vector<1x16xi32> to vector<16xi32>
          %and3A = arith.constant 1 : i32
          %and3A_93 = vector.broadcast %and3A : i32 to vector<16xi32>
          %and3A_94 = arith.andi %get3A_92, %and3A_93 : vector<16xi32>
          %mul3A_95 = arith.constant 64 : i32
          %mul3A_96 = vector.broadcast %mul3A_95 : i32 to vector<16xi32>
          %mul3A_97 = arith.muli %and3A_94, %mul3A_96 : vector<16xi32>
          %add3A_98 = arith.constant 0 : i32
          %add3A_99 = arith.addi %mul3A_89, %add3A_98 : i32
          %slice3A = vector.extract_strided_slice %mul3A_97 {offsets = [0], sizes = [1], strides = [1]} : vector<16xi32> to vector<1xi32>
          %squeeze3A = vector.extract %slice3A[0] : i32 from vector<1xi32>
          %mul3A_100 = arith.constant 8 : i32
          %mul3A_101 = arith.muli %scan3A_87, %mul3A_100 : i32
          %add3A_102 = arith.addi %shift_right_logical3A_73, %mul3A_101 : i32
          %add3A_103 = arith.constant 0 : i32
          %add3A_104 = arith.addi %add3A_102, %add3A_103 : i32
          %add3A_105 = arith.constant 0 : i32
          %add3A_106 = arith.addi %squeeze3A, %add3A_105 : i32
          %get3A_107 = arith.index_cast %add3A_99 : i32 to index
          %get3A_108 = arith.index_cast %add3A_106 : i32 to index
          %get3A_109 = tpu.vector_load %arg9[%get3A_107, %get3A_108] {strides = array<i32>} : memref<128x128xf32, #tpu.memory_space<vmem>>, vector<1x16xf32>,
          %get3A_110 = vector.shape_cast %get3A_109 : vector<1x16xf32> to vector<16xf32>
          %mul3A_111 = arith.constant 8.000000e+00 : f32
          %mul3A_112 = vector.broadcast %mul3A_111 : f32 to vector<16xf32>
          %mul3A_113 = arith.mulf %get3A_110, %mul3A_112 : vector<16xf32>
          %get3A_114 = arith.index_cast %add3A_104 : i32 to index
          %get3A_115 = arith.constant 0 : index
          %get3A_116 = tpu.vector_load %arg7[%get3A_114, %get3A_115] {strides = array<i32>} : memref<168x128xf32, #tpu.memory_space<vmem>>, vector<1x16xf32>,
          %get3A_117 = vector.shape_cast %get3A_116 : vector<1x16xf32> to vector<16xf32>
          %add3A_118 = arith.addf %mul3A_113, %get3A_117 : vector<16xf32>
          %swap3A = arith.index_cast %add3A_99 : i32 to index
          %swap3A_119 = arith.constant 0 : index
          %swap3A_120 = tpu.vector_load %arg11[%swap3A, %swap3A_119] {strides = array<i32>} : memref<128x64xf32, #tpu.memory_space<vmem>>, vector<1x16xf32>,
          %swap3A_121 = vector.shape_cast %swap3A_120 : vector<1x16xf32> to vector<16xf32>
          %swap3A_122 = vector.shape_cast %add3A_118 : vector<16xf32> to vector<1x16xf32>
          tpu.vector_store %arg11[%swap3A, %swap3A_119], %swap3A_122 {strides = array<i32>} : memref<128x64xf32, #tpu.memory_space<vmem>>, vector<1x16xf32>,
          %add3A_123 = arith.constant 16 : i32
          %add3A_124 = arith.addi %squeeze3A, %add3A_123 : i32
          %get3A_125 = arith.index_cast %add3A_99 : i32 to index
          %get3A_126 = arith.index_cast %add3A_124 : i32 to index
          %get3A_127 = tpu.vector_load %arg9[%get3A_125, %get3A_126] {strides = array<i32>} : memref<128x128xf32, #tpu.memory_space<vmem>>, vector<1x16xf32>,
          %get3A_128 = vector.shape_cast %get3A_127 : vector<1x16xf32> to vector<16xf32>
          %mul3A_129 = arith.constant 8.000000e+00 : f32
          %mul3A_130 = vector.broadcast %mul3A_129 : f32 to vector<16xf32>
          %mul3A_131 = arith.mulf %get3A_128, %mul3A_130 : vector<16xf32>
          %get3A_132 = arith.index_cast %add3A_104 : i32 to index
          %get3A_133 = arith.constant 16 : index
          %get3A_134 = tpu.vector_load %arg7[%get3A_132, %get3A_133] {strides = array<i32>} : memref<168x128xf32, #tpu.memory_space<vmem>>, vector<1x16xf32>,
          %get3A_135 = vector.shape_cast %get3A_134 : vector<1x16xf32> to vector<16xf32>
          %add3A_136 = arith.addf %mul3A_131, %get3A_135 : vector<16xf32>
          %swap3A_137 = arith.index_cast %add3A_99 : i32 to index
          %swap3A_138 = arith.constant 16 : index
          %swap3A_139 = tpu.vector_load %arg11[%swap3A_137, %swap3A_138] {strides = array<i32>} : memref<128x64xf32, #tpu.memory_space<vmem>>, vector<1x16xf32>,
          %swap3A_140 = vector.shape_cast %swap3A_139 : vector<1x16xf32> to vector<16xf32>
          %swap3A_141 = vector.shape_cast %add3A_136 : vector<16xf32> to vector<1x16xf32>
          tpu.vector_store %arg11[%swap3A_137, %swap3A_138], %swap3A_141 {strides = array<i32>} : memref<128x64xf32, #tpu.memory_space<vmem>>, vector<1x16xf32>,
          %add3A_142 = arith.constant 32 : i32
          %add3A_143 = arith.addi %squeeze3A, %add3A_142 : i32
          %get3A_144 = arith.index_cast %add3A_99 : i32 to index
          %get3A_145 = arith.index_cast %add3A_143 : i32 to index
          %get3A_146 = tpu.vector_load %arg9[%get3A_144, %get3A_145] {strides = array<i32>} : memref<128x128xf32, #tpu.memory_space<vmem>>, vector<1x16xf32>,
          %get3A_147 = vector.shape_cast %get3A_146 : vector<1x16xf32> to vector<16xf32>
          %mul3A_148 = arith.constant 8.000000e+00 : f32
          %mul3A_149 = vector.broadcast %mul3A_148 : f32 to vector<16xf32>
          %mul3A_150 = arith.mulf %get3A_147, %mul3A_149 : vector<16xf32>
          %get3A_151 = arith.index_cast %add3A_104 : i32 to index
          %get3A_152 = arith.constant 32 : index
          %get3A_153 = tpu.vector_load %arg7[%get3A_151, %get3A_152] {strides = array<i32>} : memref<168x128xf32, #tpu.memory_space<vmem>>, vector<1x16xf32>,
          %get3A_154 = vector.shape_cast %get3A_153 : vector<1x16xf32> to vector<16xf32>
          %add3A_155 = arith.addf %mul3A_150, %get3A_154 : vector<16xf32>
          %swap3A_156 = arith.index_cast %add3A_99 : i32 to index
          %swap3A_157 = arith.constant 32 : index
          %swap3A_158 = tpu.vector_load %arg11[%swap3A_156, %swap3A_157] {strides = array<i32>} : memref<128x64xf32, #tpu.memory_space<vmem>>, vector<1x16xf32>,
          %swap3A_159 = vector.shape_cast %swap3A_158 : vector<1x16xf32> to vector<16xf32>
          %swap3A_160 = vector.shape_cast %add3A_155 : vector<16xf32> to vector<1x16xf32>
          tpu.vector_store %arg11[%swap3A_156, %swap3A_157], %swap3A_160 {strides = array<i32>} : memref<128x64xf32, #tpu.memory_space<vmem>>, vector<1x16xf32>,
          %add3A_161 = arith.constant 48 : i32
          %add3A_162 = arith.addi %squeeze3A, %add3A_161 : i32
          %get3A_163 = arith.index_cast %add3A_99 : i32 to index
          %get3A_164 = arith.index_cast %add3A_162 : i32 to index
          %get3A_165 = tpu.vector_load %arg9[%get3A_163, %get3A_164] {strides = array<i32>} : memref<128x128xf32, #tpu.memory_space<vmem>>, vector<1x16xf32>,
          %get3A_166 = vector.shape_cast %get3A_165 : vector<1x16xf32> to vector<16xf32>
          %mul3A_167 = arith.constant 8.000000e+00 : f32
          %mul3A_168 = vector.broadcast %mul3A_167 : f32 to vector<16xf32>
          %mul3A_169 = arith.mulf %get3A_166, %mul3A_168 : vector<16xf32>
          %get3A_170 = arith.index_cast %add3A_104 : i32 to index
          %get3A_171 = arith.constant 48 : index
          %get3A_172 = tpu.vector_load %arg7[%get3A_170, %get3A_171] {strides = array<i32>} : memref<168x128xf32, #tpu.memory_space<vmem>>, vector<1x16xf32>,
          %get3A_173 = vector.shape_cast %get3A_172 : vector<1x16xf32> to vector<16xf32>
          %add3A_174 = arith.addf %mul3A_169, %get3A_173 : vector<16xf32>
          %swap3A_175 = arith.index_cast %add3A_99 : i32 to index
          %swap3A_176 = arith.constant 48 : index
          %swap3A_177 = tpu.vector_load %arg11[%swap3A_175, %swap3A_176] {strides = array<i32>} : memref<128x64xf32, #tpu.memory_space<vmem>>, vector<1x16xf32>,
          %swap3A_178 = vector.shape_cast %swap3A_177 : vector<1x16xf32> to vector<16xf32>
          %swap3A_179 = vector.shape_cast %add3A_174 : vector<16xf32> to vector<1x16xf32>
          tpu.vector_store %arg11[%swap3A_175, %swap3A_176], %swap3A_179 {strides = array<i32>} : memref<128x64xf32, #tpu.memory_space<vmem>>, vector<1x16xf32>,
          %add3A_180 = arith.constant 1 : i32
          %add3A_181 = arith.addi %mul3A_89, %add3A_180 : i32
          %slice3A_182 = vector.extract_strided_slice %mul3A_97 {offsets = [1], sizes = [1], strides = [1]} : vector<16xi32> to vector<1xi32>
          %squeeze3A_183 = vector.extract %slice3A_182[0] : i32 from vector<1xi32>
          %mul3A_184 = arith.constant 8 : i32
          %mul3A_185 = arith.muli %scan3A_87, %mul3A_184 : i32
          %add3A_186 = arith.addi %shift_right_logical3A_73, %mul3A_185 : i32
          %add3A_187 = arith.constant 0 : i32
          %add3A_188 = arith.addi %add3A_186, %add3A_187 : i32
          %add3A_189 = arith.constant 0 : i32
          %add3A_190 = arith.addi %squeeze3A_183, %add3A_189 : i32
          %get3A_191 = arith.index_cast %add3A_181 : i32 to index
          %get3A_192 = arith.index_cast %add3A_190 : i32 to index
          %get3A_193 = tpu.vector_load %arg9[%get3A_191, %get3A_192] {strides = array<i32>} : memref<128x128xf32, #tpu.memory_space<vmem>>, vector<1x16xf32>,
          %get3A_194 = vector.shape_cast %get3A_193 : vector<1x16xf32> to vector<16xf32>
          %mul3A_195 = arith.constant 8.000000e+00 : f32
          %mul3A_196 = vector.broadcast %mul3A_195 : f32 to vector<16xf32>
          %mul3A_197 = arith.mulf %get3A_194, %mul3A_196 : vector<16xf32>
          %get3A_198 = arith.index_cast %add3A_188 : i32 to index
          %get3A_199 = arith.constant 64 : index
          %get3A_200 = tpu.vector_load %arg7[%get3A_198, %get3A_199] {strides = array<i32>} : memref<168x128xf32, #tpu.memory_space<vmem>>, vector<1x16xf32>,
          %get3A_201 = vector.shape_cast %get3A_200 : vector<1x16xf32> to vector<16xf32>
          %add3A_202 = arith.addf %mul3A_197, %get3A_201 : vector<16xf32>
          %swap3A_203 = arith.index_cast %add3A_181 : i32 to index
          %swap3A_204 = arith.constant 0 : index
          %swap3A_205 = tpu.vector_load %arg11[%swap3A_203, %swap3A_204] {strides = array<i32>} : memref<128x64xf32, #tpu.memory_space<vmem>>, vector<1x16xf32>,
          %swap3A_206 = vector.shape_cast %swap3A_205 : vector<1x16xf32> to vector<16xf32>
          %swap3A_207 = vector.shape_cast %add3A_202 : vector<16xf32> to vector<1x16xf32>
          tpu.vector_store %arg11[%swap3A_203, %swap3A_204], %swap3A_207 {strides = array<i32>} : memref<128x64xf32, #tpu.memory_space<vmem>>, vector<1x16xf32>,
          %add3A_208 = arith.constant 16 : i32
          %add3A_209 = arith.addi %squeeze3A_183, %add3A_208 : i32
          %get3A_210 = arith.index_cast %add3A_181 : i32 to index
          %get3A_211 = arith.index_cast %add3A_209 : i32 to index
          %get3A_212 = tpu.vector_load %arg9[%get3A_210, %get3A_211] {strides = array<i32>} : memref<128x128xf32, #tpu.memory_space<vmem>>, vector<1x16xf32>,
          %get3A_213 = vector.shape_cast %get3A_212 : vector<1x16xf32> to vector<16xf32>
          %mul3A_214 = arith.constant 8.000000e+00 : f32
          %mul3A_215 = vector.broadcast %mul3A_214 : f32 to vector<16xf32>
          %mul3A_216 = arith.mulf %get3A_213, %mul3A_215 : vector<16xf32>
          %get3A_217 = arith.index_cast %add3A_188 : i32 to index
          %get3A_218 = arith.constant 80 : index
          %get3A_219 = tpu.vector_load %arg7[%get3A_217, %get3A_218] {strides = array<i32>} : memref<168x128xf32, #tpu.memory_space<vmem>>, vector<1x16xf32>,
          %get3A_220 = vector.shape_cast %get3A_219 : vector<1x16xf32> to vector<16xf32>
          %add3A_221 = arith.addf %mul3A_216, %get3A_220 : vector<16xf32>
          %swap3A_222 = arith.index_cast %add3A_181 : i32 to index
          %swap3A_223 = arith.constant 16 : index
          %swap3A_224 = tpu.vector_load %arg11[%swap3A_222, %swap3A_223] {strides = array<i32>} : memref<128x64xf32, #tpu.memory_space<vmem>>, vector<1x16xf32>,
          %swap3A_225 = vector.shape_cast %swap3A_224 : vector<1x16xf32> to vector<16xf32>
          %swap3A_226 = vector.shape_cast %add3A_221 : vector<16xf32> to vector<1x16xf32>
          tpu.vector_store %arg11[%swap3A_222, %swap3A_223], %swap3A_226 {strides = array<i32>} : memref<128x64xf32, #tpu.memory_space<vmem>>, vector<1x16xf32>,
          %add3A_227 = arith.constant 32 : i32
          %add3A_228 = arith.addi %squeeze3A_183, %add3A_227 : i32
          %get3A_229 = arith.index_cast %add3A_181 : i32 to index
          %get3A_230 = arith.index_cast %add3A_228 : i32 to index
          %get3A_231 = tpu.vector_load %arg9[%get3A_229, %get3A_230] {strides = array<i32>} : memref<128x128xf32, #tpu.memory_space<vmem>>, vector<1x16xf32>,
          %get3A_232 = vector.shape_cast %get3A_231 : vector<1x16xf32> to vector<16xf32>
          %mul3A_233 = arith.constant 8.000000e+00 : f32
          %mul3A_234 = vector.broadcast %mul3A_233 : f32 to vector<16xf32>
          %mul3A_235 = arith.mulf %get3A_232, %mul3A_234 : vector<16xf32>
          %get3A_236 = arith.index_cast %add3A_188 : i32 to index
          %get3A_237 = arith.constant 96 : index
          %get3A_238 = tpu.vector_load %arg7[%get3A_236, %get3A_237] {strides = array<i32>} : memref<168x128xf32, #tpu.memory_space<vmem>>, vector<1x16xf32>,
          %get3A_239 = vector.shape_cast %get3A_238 : vector<1x16xf32> to vector<16xf32>
          %add3A_240 = arith.addf %mul3A_235, %get3A_239 : vector<16xf32>
          %swap3A_241 = arith.index_cast %add3A_181 : i32 to index
          %swap3A_242 = arith.constant 32 : index
          %swap3A_243 = tpu.vector_load %arg11[%swap3A_241, %swap3A_242] {strides = array<i32>} : memref<128x64xf32, #tpu.memory_space<vmem>>, vector<1x16xf32>,
          %swap3A_244 = vector.shape_cast %swap3A_243 : vector<1x16xf32> to vector<16xf32>
          %swap3A_245 = vector.shape_cast %add3A_240 : vector<16xf32> to vector<1x16xf32>
          tpu.vector_store %arg11[%swap3A_241, %swap3A_242], %swap3A_245 {strides = array<i32>} : memref<128x64xf32, #tpu.memory_space<vmem>>, vector<1x16xf32>,
          %add3A_246 = arith.constant 48 : i32
          %add3A_247 = arith.addi %squeeze3A_183, %add3A_246 : i32
          %get3A_248 = arith.index_cast %add3A_181 : i32 to index
          %get3A_249 = arith.index_cast %add3A_247 : i32 to index
          %get3A_250 = tpu.vector_load %arg9[%get3A_248, %get3A_249] {strides = array<i32>} : memref<128x128xf32, #tpu.memory_space<vmem>>, vector<1x16xf32>,
          %get3A_251 = vector.shape_cast %get3A_250 : vector<1x16xf32> to vector<16xf32>
          %mul3A_252 = arith.constant 8.000000e+00 : f32
          %mul3A_253 = vector.broadcast %mul3A_252 : f32 to vector<16xf32>
          %mul3A_254 = arith.mulf %get3A_251, %mul3A_253 : vector<16xf32>
          %get3A_255 = arith.index_cast %add3A_188 : i32 to index
          %get3A_256 = arith.constant 112 : index
          %get3A_257 = tpu.vector_load %arg7[%get3A_255, %get3A_256] {strides = array<i32>} : memref<168x128xf32, #tpu.memory_space<vmem>>, vector<1x16xf32>,
          %get3A_258 = vector.shape_cast %get3A_257 : vector<1x16xf32> to vector<16xf32>
          %add3A_259 = arith.addf %mul3A_254, %get3A_258 : vector<16xf32>
          %swap3A_260 = arith.index_cast %add3A_181 : i32 to index
          %swap3A_261 = arith.constant 48 : index
          %swap3A_262 = tpu.vector_load %arg11[%swap3A_260, %swap3A_261] {strides = array<i32>} : memref<128x64xf32, #tpu.memory_space<vmem>>, vector<1x16xf32>,
          %swap3A_263 = vector.shape_cast %swap3A_262 : vector<1x16xf32> to vector<16xf32>
          %swap3A_264 = vector.shape_cast %add3A_259 : vector<16xf32> to vector<1x16xf32>
          tpu.vector_store %arg11[%swap3A_260, %swap3A_261], %swap3A_264 {strides = array<i32>} : memref<128x64xf32, #tpu.memory_space<vmem>>, vector<1x16xf32>,
          %add3A_265 = arith.constant 2 : i32
          %add3A_266 = arith.addi %mul3A_89, %add3A_265 : i32
          %slice3A_267 = vector.extract_strided_slice %mul3A_97 {offsets = [2], sizes = [1], strides = [1]} : vector<16xi32> to vector<1xi32>
          %squeeze3A_268 = vector.extract %slice3A_267[0] : i32 from vector<1xi32>
          %mul3A_269 = arith.constant 8 : i32
          %mul3A_270 = arith.muli %scan3A_87, %mul3A_269 : i32
          %add3A_271 = arith.addi %shift_right_logical3A_73, %mul3A_270 : i32
          %add3A_272 = arith.constant 1 : i32
          %add3A_273 = arith.addi %add3A_271, %add3A_272 : i32
          %add3A_274 = arith.constant 0 : i32
          %add3A_275 = arith.addi %squeeze3A_268, %add3A_274 : i32
          %get3A_276 = arith.index_cast %add3A_266 : i32 to index
          %get3A_277 = arith.index_cast %add3A_275 : i32 to index
          %get3A_278 = tpu.vector_load %arg9[%get3A_276, %get3A_277] {strides = array<i32>} : memref<128x128xf32, #tpu.memory_space<vmem>>, vector<1x16xf32>,
          %get3A_279 = vector.shape_cast %get3A_278 : vector<1x16xf32> to vector<16xf32>
          %mul3A_280 = arith.constant 8.000000e+00 : f32
          %mul3A_281 = vector.broadcast %mul3A_280 : f32 to vector<16xf32>
          %mul3A_282 = arith.mulf %get3A_279, %mul3A_281 : vector<16xf32>
          %get3A_283 = arith.index_cast %add3A_273 : i32 to index
          %get3A_284 = arith.constant 0 : index
          %get3A_285 = tpu.vector_load %arg7[%get3A_283, %get3A_284] {strides = array<i32>} : memref<168x128xf32, #tpu.memory_space<vmem>>, vector<1x16xf32>,
          %get3A_286 = vector.shape_cast %get3A_285 : vector<1x16xf32> to vector<16xf32>
          %add3A_287 = arith.addf %mul3A_282, %get3A_286 : vector<16xf32>
          %swap3A_288 = arith.index_cast %add3A_266 : i32 to index
          %swap3A_289 = arith.constant 0 : index
          %swap3A_290 = tpu.vector_load %arg11[%swap3A_288, %swap3A_289] {strides = array<i32>} : memref<128x64xf32, #tpu.memory_space<vmem>>, vector<1x16xf32>,
          %swap3A_291 = vector.shape_cast %swap3A_290 : vector<1x16xf32> to vector<16xf32>
          %swap3A_292 = vector.shape_cast %add3A_287 : vector<16xf32> to vector<1x16xf32>
          tpu.vector_store %arg11[%swap3A_288, %swap3A_289], %swap3A_292 {strides = array<i32>} : memref<128x64xf32, #tpu.memory_space<vmem>>, vector<1x16xf32>,
          %add3A_293 = arith.constant 16 : i32
          %add3A_294 = arith.addi %squeeze3A_268, %add3A_293 : i32
          %get3A_295 = arith.index_cast %add3A_266 : i32 to index
          %get3A_296 = arith.index_cast %add3A_294 : i32 to index
          %get3A_297 = tpu.vector_load %arg9[%get3A_295, %get3A_296] {strides = array<i32>} : memref<128x128xf32, #tpu.memory_space<vmem>>, vector<1x16xf32>,
          %get3A_298 = vector.shape_cast %get3A_297 : vector<1x16xf32> to vector<16xf32>
          %mul3A_299 = arith.constant 8.000000e+00 : f32
          %mul3A_300 = vector.broadcast %mul3A_299 : f32 to vector<16xf32>
          %mul3A_301 = arith.mulf %get3A_298, %mul3A_300 : vector<16xf32>
          %get3A_302 = arith.index_cast %add3A_273 : i32 to index
          %get3A_303 = arith.constant 16 : index
          %get3A_304 = tpu.vector_load %arg7[%get3A_302, %get3A_303] {strides = array<i32>} : memref<168x128xf32, #tpu.memory_space<vmem>>, vector<1x16xf32>,
          %get3A_305 = vector.shape_cast %get3A_304 : vector<1x16xf32> to vector<16xf32>
          %add3A_306 = arith.addf %mul3A_301, %get3A_305 : vector<16xf32>
          %swap3A_307 = arith.index_cast %add3A_266 : i32 to index
          %swap3A_308 = arith.constant 16 : index
          %swap3A_309 = tpu.vector_load %arg11[%swap3A_307, %swap3A_308] {strides = array<i32>} : memref<128x64xf32, #tpu.memory_space<vmem>>, vector<1x16xf32>,
          %swap3A_310 = vector.shape_cast %swap3A_309 : vector<1x16xf32> to vector<16xf32>
          %swap3A_311 = vector.shape_cast %add3A_306 : vector<16xf32> to vector<1x16xf32>
          tpu.vector_store %arg11[%swap3A_307, %swap3A_308], %swap3A_311 {strides = array<i32>} : memref<128x64xf32, #tpu.memory_space<vmem>>, vector<1x16xf32>,
          %add3A_312 = arith.constant 32 : i32
          %add3A_313 = arith.addi %squeeze3A_268, %add3A_312 : i32
          %get3A_314 = arith.index_cast %add3A_266 : i32 to index
          %get3A_315 = arith.index_cast %add3A_313 : i32 to index
          %get3A_316 = tpu.vector_load %arg9[%get3A_314, %get3A_315] {strides = array<i32>} : memref<128x128xf32, #tpu.memory_space<vmem>>, vector<1x16xf32>,
          %get3A_317 = vector.shape_cast %get3A_316 : vector<1x16xf32> to vector<16xf32>
          %mul3A_318 = arith.constant 8.000000e+00 : f32
          %mul3A_319 = vector.broadcast %mul3A_318 : f32 to vector<16xf32>
          %mul3A_320 = arith.mulf %get3A_317, %mul3A_319 : vector<16xf32>
          %get3A_321 = arith.index_cast %add3A_273 : i32 to index
          %get3A_322 = arith.constant 32 : index
          %get3A_323 = tpu.vector_load %arg7[%get3A_321, %get3A_322] {strides = array<i32>} : memref<168x128xf32, #tpu.memory_space<vmem>>, vector<1x16xf32>,
          %get3A_324 = vector.shape_cast %get3A_323 : vector<1x16xf32> to vector<16xf32>
          %add3A_325 = arith.addf %mul3A_320, %get3A_324 : vector<16xf32>
          %swap3A_326 = arith.index_cast %add3A_266 : i32 to index
          %swap3A_327 = arith.constant 32 : index
          %swap3A_328 = tpu.vector_load %arg11[%swap3A_326, %swap3A_327] {strides = array<i32>} : memref<128x64xf32, #tpu.memory_space<vmem>>, vector<1x16xf32>,
          %swap3A_329 = vector.shape_cast %swap3A_328 : vector<1x16xf32> to vector<16xf32>
          %swap3A_330 = vector.shape_cast %add3A_325 : vector<16xf32> to vector<1x16xf32>
          tpu.vector_store %arg11[%swap3A_326, %swap3A_327], %swap3A_330 {strides = array<i32>} : memref<128x64xf32, #tpu.memory_space<vmem>>, vector<1x16xf32>,
          %add3A_331 = arith.constant 48 : i32
          %add3A_332 = arith.addi %squeeze3A_268, %add3A_331 : i32
          %get3A_333 = arith.index_cast %add3A_266 : i32 to index
          %get3A_334 = arith.index_cast %add3A_332 : i32 to index
          %get3A_335 = tpu.vector_load %arg9[%get3A_333, %get3A_334] {strides = array<i32>} : memref<128x128xf32, #tpu.memory_space<vmem>>, vector<1x16xf32>,
          %get3A_336 = vector.shape_cast %get3A_335 : vector<1x16xf32> to vector<16xf32>
          %mul3A_337 = arith.constant 8.000000e+00 : f32
          %mul3A_338 = vector.broadcast %mul3A_337 : f32 to vector<16xf32>
          %mul3A_339 = arith.mulf %get3A_336, %mul3A_338 : vector<16xf32>
          %get3A_340 = arith.index_cast %add3A_273 : i32 to index
          %get3A_341 = arith.constant 48 : index
          %get3A_342 = tpu.vector_load %arg7[%get3A_340, %get3A_341] {strides = array<i32>} : memref<168x128xf32, #tpu.memory_space<vmem>>, vector<1x16xf32>,
          %get3A_343 = vector.shape_cast %get3A_342 : vector<1x16xf32> to vector<16xf32>
          %add3A_344 = arith.addf %mul3A_339, %get3A_343 : vector<16xf32>
          %swap3A_345 = arith.index_cast %add3A_266 : i32 to index
          %swap3A_346 = arith.constant 48 : index
          %swap3A_347 = tpu.vector_load %arg11[%swap3A_345, %swap3A_346] {strides = array<i32>} : memref<128x64xf32, #tpu.memory_space<vmem>>, vector<1x16xf32>,
          %swap3A_348 = vector.shape_cast %swap3A_347 : vector<1x16xf32> to vector<16xf32>
          %swap3A_349 = vector.shape_cast %add3A_344 : vector<16xf32> to vector<1x16xf32>
          tpu.vector_store %arg11[%swap3A_345, %swap3A_346], %swap3A_349 {strides = array<i32>} : memref<128x64xf32, #tpu.memory_space<vmem>>, vector<1x16xf32>,
          %add3A_350 = arith.constant 3 : i32
          %add3A_351 = arith.addi %mul3A_89, %add3A_350 : i32
          %slice3A_352 = vector.extract_strided_slice %mul3A_97 {offsets = [3], sizes = [1], strides = [1]} : vector<16xi32> to vector<1xi32>
          %squeeze3A_353 = vector.extract %slice3A_352[0] : i32 from vector<1xi32>
          %mul3A_354 = arith.constant 8 : i32
          %mul3A_355 = arith.muli %scan3A_87, %mul3A_354 : i32
          %add3A_356 = arith.addi %shift_right_logical3A_73, %mul3A_355 : i32
          %add3A_357 = arith.constant 1 : i32
          %add3A_358 = arith.addi %add3A_356, %add3A_357 : i32
          %add3A_359 = arith.constant 0 : i32
          %add3A_360 = arith.addi %squeeze3A_353, %add3A_359 : i32
          %get3A_361 = arith.index_cast %add3A_351 : i32 to index
          %get3A_362 = arith.index_cast %add3A_360 : i32 to index
          %get3A_363 = tpu.vector_load %arg9[%get3A_361, %get3A_362] {strides = array<i32>} : memref<128x128xf32, #tpu.memory_space<vmem>>, vector<1x16xf32>,
          %get3A_364 = vector.shape_cast %get3A_363 : vector<1x16xf32> to vector<16xf32>
          %mul3A_365 = arith.constant 8.000000e+00 : f32
          %mul3A_366 = vector.broadcast %mul3A_365 : f32 to vector<16xf32>
          %mul3A_367 = arith.mulf %get3A_364, %mul3A_366 : vector<16xf32>
          %get3A_368 = arith.index_cast %add3A_358 : i32 to index
          %get3A_369 = arith.constant 64 : index
          %get3A_370 = tpu.vector_load %arg7[%get3A_368, %get3A_369] {strides = array<i32>} : memref<168x128xf32, #tpu.memory_space<vmem>>, vector<1x16xf32>,
          %get3A_371 = vector.shape_cast %get3A_370 : vector<1x16xf32> to vector<16xf32>
          %add3A_372 = arith.addf %mul3A_367, %get3A_371 : vector<16xf32>
          %swap3A_373 = arith.index_cast %add3A_351 : i32 to index
          %swap3A_374 = arith.constant 0 : index
          %swap3A_375 = tpu.vector_load %arg11[%swap3A_373, %swap3A_374] {strides = array<i32>} : memref<128x64xf32, #tpu.memory_space<vmem>>, vector<1x16xf32>,
          %swap3A_376 = vector.shape_cast %swap3A_375 : vector<1x16xf32> to vector<16xf32>
          %swap3A_377 = vector.shape_cast %add3A_372 : vector<16xf32> to vector<1x16xf32>
          tpu.vector_store %arg11[%swap3A_373, %swap3A_374], %swap3A_377 {strides = array<i32>} : memref<128x64xf32, #tpu.memory_space<vmem>>, vector<1x16xf32>,
          %add3A_378 = arith.constant 16 : i32
          %add3A_379 = arith.addi %squeeze3A_353, %add3A_378 : i32
          %get3A_380 = arith.index_cast %add3A_351 : i32 to index
          %get3A_381 = arith.index_cast %add3A_379 : i32 to index
          %get3A_382 = tpu.vector_load %arg9[%get3A_380, %get3A_381] {strides = array<i32>} : memref<128x128xf32, #tpu.memory_space<vmem>>, vector<1x16xf32>,
          %get3A_383 = vector.shape_cast %get3A_382 : vector<1x16xf32> to vector<16xf32>
          %mul3A_384 = arith.constant 8.000000e+00 : f32
          %mul3A_385 = vector.broadcast %mul3A_384 : f32 to vector<16xf32>
          %mul3A_386 = arith.mulf %get3A_383, %mul3A_385 : vector<16xf32>
          %get3A_387 = arith.index_cast %add3A_358 : i32 to index
          %get3A_388 = arith.constant 80 : index
          %get3A_389 = tpu.vector_load %arg7[%get3A_387, %get3A_388] {strides = array<i32>} : memref<168x128xf32, #tpu.memory_space<vmem>>, vector<1x16xf32>,
          %get3A_390 = vector.shape_cast %get3A_389 : vector<1x16xf32> to vector<16xf32>
          %add3A_391 = arith.addf %mul3A_386, %get3A_390 : vector<16xf32>
          %swap3A_392 = arith.index_cast %add3A_351 : i32 to index
          %swap3A_393 = arith.constant 16 : index
          %swap3A_394 = tpu.vector_load %arg11[%swap3A_392, %swap3A_393] {strides = array<i32>} : memref<128x64xf32, #tpu.memory_space<vmem>>, vector<1x16xf32>,
          %swap3A_395 = vector.shape_cast %swap3A_394 : vector<1x16xf32> to vector<16xf32>
          %swap3A_396 = vector.shape_cast %add3A_391 : vector<16xf32> to vector<1x16xf32>
          tpu.vector_store %arg11[%swap3A_392, %swap3A_393], %swap3A_396 {strides = array<i32>} : memref<128x64xf32, #tpu.memory_space<vmem>>, vector<1x16xf32>,
          %add3A_397 = arith.constant 32 : i32
          %add3A_398 = arith.addi %squeeze3A_353, %add3A_397 : i32
          %get3A_399 = arith.index_cast %add3A_351 : i32 to index
          %get3A_400 = arith.index_cast %add3A_398 : i32 to index
          %get3A_401 = tpu.vector_load %arg9[%get3A_399, %get3A_400] {strides = array<i32>} : memref<128x128xf32, #tpu.memory_space<vmem>>, vector<1x16xf32>,
          %get3A_402 = vector.shape_cast %get3A_401 : vector<1x16xf32> to vector<16xf32>
          %mul3A_403 = arith.constant 8.000000e+00 : f32
          %mul3A_404 = vector.broadcast %mul3A_403 : f32 to vector<16xf32>
          %mul3A_405 = arith.mulf %get3A_402, %mul3A_404 : vector<16xf32>
          %get3A_406 = arith.index_cast %add3A_358 : i32 to index
          %get3A_407 = arith.constant 96 : index
          %get3A_408 = tpu.vector_load %arg7[%get3A_406, %get3A_407] {strides = array<i32>} : memref<168x128xf32, #tpu.memory_space<vmem>>, vector<1x16xf32>,
          %get3A_409 = vector.shape_cast %get3A_408 : vector<1x16xf32> to vector<16xf32>
          %add3A_410 = arith.addf %mul3A_405, %get3A_409 : vector<16xf32>
          %swap3A_411 = arith.index_cast %add3A_351 : i32 to index
          %swap3A_412 = arith.constant 32 : index
          %swap3A_413 = tpu.vector_load %arg11[%swap3A_411, %swap3A_412] {strides = array<i32>} : memref<128x64xf32, #tpu.memory_space<vmem>>, vector<1x16xf32>,
          %swap3A_414 = vector.shape_cast %swap3A_413 : vector<1x16xf32> to vector<16xf32>
          %swap3A_415 = vector.shape_cast %add3A_410 : vector<16xf32> to vector<1x16xf32>
          tpu.vector_store %arg11[%swap3A_411, %swap3A_412], %swap3A_415 {strides = array<i32>} : memref<128x64xf32, #tpu.memory_space<vmem>>, vector<1x16xf32>,
          %add3A_416 = arith.constant 48 : i32
          %add3A_417 = arith.addi %squeeze3A_353, %add3A_416 : i32
          %get3A_418 = arith.index_cast %add3A_351 : i32 to index
          %get3A_419 = arith.index_cast %add3A_417 : i32 to index
          %get3A_420 = tpu.vector_load %arg9[%get3A_418, %get3A_419] {strides = array<i32>} : memref<128x128xf32, #tpu.memory_space<vmem>>, vector<1x16xf32>,
          %get3A_421 = vector.shape_cast %get3A_420 : vector<1x16xf32> to vector<16xf32>
          %mul3A_422 = arith.constant 8.000000e+00 : f32
          %mul3A_423 = vector.broadcast %mul3A_422 : f32 to vector<16xf32>
          %mul3A_424 = arith.mulf %get3A_421, %mul3A_423 : vector<16xf32>
          %get3A_425 = arith.index_cast %add3A_358 : i32 to index
          %get3A_426 = arith.constant 112 : index
          %get3A_427 = tpu.vector_load %arg7[%get3A_425, %get3A_426] {strides = array<i32>} : memref<168x128xf32, #tpu.memory_space<vmem>>, vector<1x16xf32>,
          %get3A_428 = vector.shape_cast %get3A_427 : vector<1x16xf32> to vector<16xf32>
          %add3A_429 = arith.addf %mul3A_424, %get3A_428 : vector<16xf32>
          %swap3A_430 = arith.index_cast %add3A_351 : i32 to index
          %swap3A_431 = arith.constant 48 : index
          %swap3A_432 = tpu.vector_load %arg11[%swap3A_430, %swap3A_431] {strides = array<i32>} : memref<128x64xf32, #tpu.memory_space<vmem>>, vector<1x16xf32>,
          %swap3A_433 = vector.shape_cast %swap3A_432 : vector<1x16xf32> to vector<16xf32>
          %swap3A_434 = vector.shape_cast %add3A_429 : vector<16xf32> to vector<1x16xf32>
          tpu.vector_store %arg11[%swap3A_430, %swap3A_431], %swap3A_434 {strides = array<i32>} : memref<128x64xf32, #tpu.memory_space<vmem>>, vector<1x16xf32>,
          %add3A_435 = arith.constant 4 : i32
          %add3A_436 = arith.addi %mul3A_89, %add3A_435 : i32
          %slice3A_437 = vector.extract_strided_slice %mul3A_97 {offsets = [4], sizes = [1], strides = [1]} : vector<16xi32> to vector<1xi32>
          %squeeze3A_438 = vector.extract %slice3A_437[0] : i32 from vector<1xi32>
          %mul3A_439 = arith.constant 8 : i32
          %mul3A_440 = arith.muli %scan3A_87, %mul3A_439 : i32
          %add3A_441 = arith.addi %shift_right_logical3A_73, %mul3A_440 : i32
          %add3A_442 = arith.constant 2 : i32
          %add3A_443 = arith.addi %add3A_441, %add3A_442 : i32
          %add3A_444 = arith.constant 0 : i32
          %add3A_445 = arith.addi %squeeze3A_438, %add3A_444 : i32
          %get3A_446 = arith.index_cast %add3A_436 : i32 to index
          %get3A_447 = arith.index_cast %add3A_445 : i32 to index
          %get3A_448 = tpu.vector_load %arg9[%get3A_446, %get3A_447] {strides = array<i32>} : memref<128x128xf32, #tpu.memory_space<vmem>>, vector<1x16xf32>,
          %get3A_449 = vector.shape_cast %get3A_448 : vector<1x16xf32> to vector<16xf32>
          %mul3A_450 = arith.constant 8.000000e+00 : f32
          %mul3A_451 = vector.broadcast %mul3A_450 : f32 to vector<16xf32>
          %mul3A_452 = arith.mulf %get3A_449, %mul3A_451 : vector<16xf32>
          %get3A_453 = arith.index_cast %add3A_443 : i32 to index
          %get3A_454 = arith.constant 0 : index
          %get3A_455 = tpu.vector_load %arg7[%get3A_453, %get3A_454] {strides = array<i32>} : memref<168x128xf32, #tpu.memory_space<vmem>>, vector<1x16xf32>,
          %get3A_456 = vector.shape_cast %get3A_455 : vector<1x16xf32> to vector<16xf32>
          %add3A_457 = arith.addf %mul3A_452, %get3A_456 : vector<16xf32>
          %swap3A_458 = arith.index_cast %add3A_436 : i32 to index
          %swap3A_459 = arith.constant 0 : index
          %swap3A_460 = tpu.vector_load %arg11[%swap3A_458, %swap3A_459] {strides = array<i32>} : memref<128x64xf32, #tpu.memory_space<vmem>>, vector<1x16xf32>,
          %swap3A_461 = vector.shape_cast %swap3A_460 : vector<1x16xf32> to vector<16xf32>
          %swap3A_462 = vector.shape_cast %add3A_457 : vector<16xf32> to vector<1x16xf32>
          tpu.vector_store %arg11[%swap3A_458, %swap3A_459], %swap3A_462 {strides = array<i32>} : memref<128x64xf32, #tpu.memory_space<vmem>>, vector<1x16xf32>,
          %add3A_463 = arith.constant 16 : i32
          %add3A_464 = arith.addi %squeeze3A_438, %add3A_463 : i32
          %get3A_465 = arith.index_cast %add3A_436 : i32 to index
          %get3A_466 = arith.index_cast %add3A_464 : i32 to index
          %get3A_467 = tpu.vector_load %arg9[%get3A_465, %get3A_466] {strides = array<i32>} : memref<128x128xf32, #tpu.memory_space<vmem>>, vector<1x16xf32>,
          %get3A_468 = vector.shape_cast %get3A_467 : vector<1x16xf32> to vector<16xf32>
          %mul3A_469 = arith.constant 8.000000e+00 : f32
          %mul3A_470 = vector.broadcast %mul3A_469 : f32 to vector<16xf32>
          %mul3A_471 = arith.mulf %get3A_468, %mul3A_470 : vector<16xf32>
          %get3A_472 = arith.index_cast %add3A_443 : i32 to index
          %get3A_473 = arith.constant 16 : index
          %get3A_474 = tpu.vector_load %arg7[%get3A_472, %get3A_473] {strides = array<i32>} : memref<168x128xf32, #tpu.memory_space<vmem>>, vector<1x16xf32>,
          %get3A_475 = vector.shape_cast %get3A_474 : vector<1x16xf32> to vector<16xf32>
          %add3A_476 = arith.addf %mul3A_471, %get3A_475 : vector<16xf32>
          %swap3A_477 = arith.index_cast %add3A_436 : i32 to index
          %swap3A_478 = arith.constant 16 : index
          %swap3A_479 = tpu.vector_load %arg11[%swap3A_477, %swap3A_478] {strides = array<i32>} : memref<128x64xf32, #tpu.memory_space<vmem>>, vector<1x16xf32>,
          %swap3A_480 = vector.shape_cast %swap3A_479 : vector<1x16xf32> to vector<16xf32>
          %swap3A_481 = vector.shape_cast %add3A_476 : vector<16xf32> to vector<1x16xf32>
          tpu.vector_store %arg11[%swap3A_477, %swap3A_478], %swap3A_481 {strides = array<i32>} : memref<128x64xf32, #tpu.memory_space<vmem>>, vector<1x16xf32>,
          %add3A_482 = arith.constant 32 : i32
          %add3A_483 = arith.addi %squeeze3A_438, %add3A_482 : i32
          %get3A_484 = arith.index_cast %add3A_436 : i32 to index
          %get3A_485 = arith.index_cast %add3A_483 : i32 to index
          %get3A_486 = tpu.vector_load %arg9[%get3A_484, %get3A_485] {strides = array<i32>} : memref<128x128xf32, #tpu.memory_space<vmem>>, vector<1x16xf32>,
          %get3A_487 = vector.shape_cast %get3A_486 : vector<1x16xf32> to vector<16xf32>
          %mul3A_488 = arith.constant 8.000000e+00 : f32
          %mul3A_489 = vector.broadcast %mul3A_488 : f32 to vector<16xf32>
          %mul3A_490 = arith.mulf %get3A_487, %mul3A_489 : vector<16xf32>
          %get3A_491 = arith.index_cast %add3A_443 : i32 to index
          %get3A_492 = arith.constant 32 : index
          %get3A_493 = tpu.vector_load %arg7[%get3A_491, %get3A_492] {strides = array<i32>} : memref<168x128xf32, #tpu.memory_space<vmem>>, vector<1x16xf32>,
          %get3A_494 = vector.shape_cast %get3A_493 : vector<1x16xf32> to vector<16xf32>
          %add3A_495 = arith.addf %mul3A_490, %get3A_494 : vector<16xf32>
          %swap3A_496 = arith.index_cast %add3A_436 : i32 to index
          %swap3A_497 = arith.constant 32 : index
          %swap3A_498 = tpu.vector_load %arg11[%swap3A_496, %swap3A_497] {strides = array<i32>} : memref<128x64xf32, #tpu.memory_space<vmem>>, vector<1x16xf32>,
          %swap3A_499 = vector.shape_cast %swap3A_498 : vector<1x16xf32> to vector<16xf32>
          %swap3A_500 = vector.shape_cast %add3A_495 : vector<16xf32> to vector<1x16xf32>
          tpu.vector_store %arg11[%swap3A_496, %swap3A_497], %swap3A_500 {strides = array<i32>} : memref<128x64xf32, #tpu.memory_space<vmem>>, vector<1x16xf32>,
          %add3A_501 = arith.constant 48 : i32
          %add3A_502 = arith.addi %squeeze3A_438, %add3A_501 : i32
          %get3A_503 = arith.index_cast %add3A_436 : i32 to index
          %get3A_504 = arith.index_cast %add3A_502 : i32 to index
          %get3A_505 = tpu.vector_load %arg9[%get3A_503, %get3A_504] {strides = array<i32>} : memref<128x128xf32, #tpu.memory_space<vmem>>, vector<1x16xf32>,
          %get3A_506 = vector.shape_cast %get3A_505 : vector<1x16xf32> to vector<16xf32>
          %mul3A_507 = arith.constant 8.000000e+00 : f32
          %mul3A_508 = vector.broadcast %mul3A_507 : f32 to vector<16xf32>
          %mul3A_509 = arith.mulf %get3A_506, %mul3A_508 : vector<16xf32>
          %get3A_510 = arith.index_cast %add3A_443 : i32 to index
          %get3A_511 = arith.constant 48 : index
          %get3A_512 = tpu.vector_load %arg7[%get3A_510, %get3A_511] {strides = array<i32>} : memref<168x128xf32, #tpu.memory_space<vmem>>, vector<1x16xf32>,
          %get3A_513 = vector.shape_cast %get3A_512 : vector<1x16xf32> to vector<16xf32>
          %add3A_514 = arith.addf %mul3A_509, %get3A_513 : vector<16xf32>
          %swap3A_515 = arith.index_cast %add3A_436 : i32 to index
          %swap3A_516 = arith.constant 48 : index
          %swap3A_517 = tpu.vector_load %arg11[%swap3A_515, %swap3A_516] {strides = array<i32>} : memref<128x64xf32, #tpu.memory_space<vmem>>, vector<1x16xf32>,
          %swap3A_518 = vector.shape_cast %swap3A_517 : vector<1x16xf32> to vector<16xf32>
          %swap3A_519 = vector.shape_cast %add3A_514 : vector<16xf32> to vector<1x16xf32>
          tpu.vector_store %arg11[%swap3A_515, %swap3A_516], %swap3A_519 {strides = array<i32>} : memref<128x64xf32, #tpu.memory_space<vmem>>, vector<1x16xf32>,
          %add3A_520 = arith.constant 5 : i32
          %add3A_521 = arith.addi %mul3A_89, %add3A_520 : i32
          %slice3A_522 = vector.extract_strided_slice %mul3A_97 {offsets = [5], sizes = [1], strides = [1]} : vector<16xi32> to vector<1xi32>
          %squeeze3A_523 = vector.extract %slice3A_522[0] : i32 from vector<1xi32>
          %mul3A_524 = arith.constant 8 : i32
          %mul3A_525 = arith.muli %scan3A_87, %mul3A_524 : i32
          %add3A_526 = arith.addi %shift_right_logical3A_73, %mul3A_525 : i32
          %add3A_527 = arith.constant 2 : i32
          %add3A_528 = arith.addi %add3A_526, %add3A_527 : i32
          %add3A_529 = arith.constant 0 : i32
          %add3A_530 = arith.addi %squeeze3A_523, %add3A_529 : i32
          %get3A_531 = arith.index_cast %add3A_521 : i32 to index
          %get3A_532 = arith.index_cast %add3A_530 : i32 to index
          %get3A_533 = tpu.vector_load %arg9[%get3A_531, %get3A_532] {strides = array<i32>} : memref<128x128xf32, #tpu.memory_space<vmem>>, vector<1x16xf32>,
          %get3A_534 = vector.shape_cast %get3A_533 : vector<1x16xf32> to vector<16xf32>
          %mul3A_535 = arith.constant 8.000000e+00 : f32
          %mul3A_536 = vector.broadcast %mul3A_535 : f32 to vector<16xf32>
          %mul3A_537 = arith.mulf %get3A_534, %mul3A_536 : vector<16xf32>
          %get3A_538 = arith.index_cast %add3A_528 : i32 to index
          %get3A_539 = arith.constant 64 : index
          %get3A_540 = tpu.vector_load %arg7[%get3A_538, %get3A_539] {strides = array<i32>} : memref<168x128xf32, #tpu.memory_space<vmem>>, vector<1x16xf32>,
          %get3A_541 = vector.shape_cast %get3A_540 : vector<1x16xf32> to vector<16xf32>
          %add3A_542 = arith.addf %mul3A_537, %get3A_541 : vector<16xf32>
          %swap3A_543 = arith.index_cast %add3A_521 : i32 to index
          %swap3A_544 = arith.constant 0 : index
          %swap3A_545 = tpu.vector_load %arg11[%swap3A_543, %swap3A_544] {strides = array<i32>} : memref<128x64xf32, #tpu.memory_space<vmem>>, vector<1x16xf32>,
          %swap3A_546 = vector.shape_cast %swap3A_545 : vector<1x16xf32> to vector<16xf32>
          %swap3A_547 = vector.shape_cast %add3A_542 : vector<16xf32> to vector<1x16xf32>
          tpu.vector_store %arg11[%swap3A_543, %swap3A_544], %swap3A_547 {strides = array<i32>} : memref<128x64xf32, #tpu.memory_space<vmem>>, vector<1x16xf32>,
          %add3A_548 = arith.constant 16 : i32
          %add3A_549 = arith.addi %squeeze3A_523, %add3A_548 : i32
          %get3A_550 = arith.index_cast %add3A_521 : i32 to index
          %get3A_551 = arith.index_cast %add3A_549 : i32 to index
          %get3A_552 = tpu.vector_load %arg9[%get3A_550, %get3A_551] {strides = array<i32>} : memref<128x128xf32, #tpu.memory_space<vmem>>, vector<1x16xf32>,
          %get3A_553 = vector.shape_cast %get3A_552 : vector<1x16xf32> to vector<16xf32>
          %mul3A_554 = arith.constant 8.000000e+00 : f32
          %mul3A_555 = vector.broadcast %mul3A_554 : f32 to vector<16xf32>
          %mul3A_556 = arith.mulf %get3A_553, %mul3A_555 : vector<16xf32>
          %get3A_557 = arith.index_cast %add3A_528 : i32 to index
          %get3A_558 = arith.constant 80 : index
          %get3A_559 = tpu.vector_load %arg7[%get3A_557, %get3A_558] {strides = array<i32>} : memref<168x128xf32, #tpu.memory_space<vmem>>, vector<1x16xf32>,
          %get3A_560 = vector.shape_cast %get3A_559 : vector<1x16xf32> to vector<16xf32>
          %add3A_561 = arith.addf %mul3A_556, %get3A_560 : vector<16xf32>
          %swap3A_562 = arith.index_cast %add3A_521 : i32 to index
          %swap3A_563 = arith.constant 16 : index
          %swap3A_564 = tpu.vector_load %arg11[%swap3A_562, %swap3A_563] {strides = array<i32>} : memref<128x64xf32, #tpu.memory_space<vmem>>, vector<1x16xf32>,
          %swap3A_565 = vector.shape_cast %swap3A_564 : vector<1x16xf32> to vector<16xf32>
          %swap3A_566 = vector.shape_cast %add3A_561 : vector<16xf32> to vector<1x16xf32>
          tpu.vector_store %arg11[%swap3A_562, %swap3A_563], %swap3A_566 {strides = array<i32>} : memref<128x64xf32, #tpu.memory_space<vmem>>, vector<1x16xf32>,
          %add3A_567 = arith.constant 32 : i32
          %add3A_568 = arith.addi %squeeze3A_523, %add3A_567 : i32
          %get3A_569 = arith.index_cast %add3A_521 : i32 to index
          %get3A_570 = arith.index_cast %add3A_568 : i32 to index
          %get3A_571 = tpu.vector_load %arg9[%get3A_569, %get3A_570] {strides = array<i32>} : memref<128x128xf32, #tpu.memory_space<vmem>>, vector<1x16xf32>,
          %get3A_572 = vector.shape_cast %get3A_571 : vector<1x16xf32> to vector<16xf32>
          %mul3A_573 = arith.constant 8.000000e+00 : f32
          %mul3A_574 = vector.broadcast %mul3A_573 : f32 to vector<16xf32>
          %mul3A_575 = arith.mulf %get3A_572, %mul3A_574 : vector<16xf32>
          %get3A_576 = arith.index_cast %add3A_528 : i32 to index
          %get3A_577 = arith.constant 96 : index
          %get3A_578 = tpu.vector_load %arg7[%get3A_576, %get3A_577] {strides = array<i32>} : memref<168x128xf32, #tpu.memory_space<vmem>>, vector<1x16xf32>,
          %get3A_579 = vector.shape_cast %get3A_578 : vector<1x16xf32> to vector<16xf32>
          %add3A_580 = arith.addf %mul3A_575, %get3A_579 : vector<16xf32>
          %swap3A_581 = arith.index_cast %add3A_521 : i32 to index
          %swap3A_582 = arith.constant 32 : index
          %swap3A_583 = tpu.vector_load %arg11[%swap3A_581, %swap3A_582] {strides = array<i32>} : memref<128x64xf32, #tpu.memory_space<vmem>>, vector<1x16xf32>,
          %swap3A_584 = vector.shape_cast %swap3A_583 : vector<1x16xf32> to vector<16xf32>
          %swap3A_585 = vector.shape_cast %add3A_580 : vector<16xf32> to vector<1x16xf32>
          tpu.vector_store %arg11[%swap3A_581, %swap3A_582], %swap3A_585 {strides = array<i32>} : memref<128x64xf32, #tpu.memory_space<vmem>>, vector<1x16xf32>,
          %add3A_586 = arith.constant 48 : i32
          %add3A_587 = arith.addi %squeeze3A_523, %add3A_586 : i32
          %get3A_588 = arith.index_cast %add3A_521 : i32 to index
          %get3A_589 = arith.index_cast %add3A_587 : i32 to index
          %get3A_590 = tpu.vector_load %arg9[%get3A_588, %get3A_589] {strides = array<i32>} : memref<128x128xf32, #tpu.memory_space<vmem>>, vector<1x16xf32>,
          %get3A_591 = vector.shape_cast %get3A_590 : vector<1x16xf32> to vector<16xf32>
          %mul3A_592 = arith.constant 8.000000e+00 : f32
          %mul3A_593 = vector.broadcast %mul3A_592 : f32 to vector<16xf32>
          %mul3A_594 = arith.mulf %get3A_591, %mul3A_593 : vector<16xf32>
          %get3A_595 = arith.index_cast %add3A_528 : i32 to index
          %get3A_596 = arith.constant 112 : index
          %get3A_597 = tpu.vector_load %arg7[%get3A_595, %get3A_596] {strides = array<i32>} : memref<168x128xf32, #tpu.memory_space<vmem>>, vector<1x16xf32>,
          %get3A_598 = vector.shape_cast %get3A_597 : vector<1x16xf32> to vector<16xf32>
          %add3A_599 = arith.addf %mul3A_594, %get3A_598 : vector<16xf32>
          %swap3A_600 = arith.index_cast %add3A_521 : i32 to index
          %swap3A_601 = arith.constant 48 : index
          %swap3A_602 = tpu.vector_load %arg11[%swap3A_600, %swap3A_601] {strides = array<i32>} : memref<128x64xf32, #tpu.memory_space<vmem>>, vector<1x16xf32>,
          %swap3A_603 = vector.shape_cast %swap3A_602 : vector<1x16xf32> to vector<16xf32>
          %swap3A_604 = vector.shape_cast %add3A_599 : vector<16xf32> to vector<1x16xf32>
          tpu.vector_store %arg11[%swap3A_600, %swap3A_601], %swap3A_604 {strides = array<i32>} : memref<128x64xf32, #tpu.memory_space<vmem>>, vector<1x16xf32>,
          %add3A_605 = arith.constant 6 : i32
          %add3A_606 = arith.addi %mul3A_89, %add3A_605 : i32
          %slice3A_607 = vector.extract_strided_slice %mul3A_97 {offsets = [6], sizes = [1], strides = [1]} : vector<16xi32> to vector<1xi32>
          %squeeze3A_608 = vector.extract %slice3A_607[0] : i32 from vector<1xi32>
          %mul3A_609 = arith.constant 8 : i32
          %mul3A_610 = arith.muli %scan3A_87, %mul3A_609 : i32
          %add3A_611 = arith.addi %shift_right_logical3A_73, %mul3A_610 : i32
          %add3A_612 = arith.constant 3 : i32
          %add3A_613 = arith.addi %add3A_611, %add3A_612 : i32
          %add3A_614 = arith.constant 0 : i32
          %add3A_615 = arith.addi %squeeze3A_608, %add3A_614 : i32
          %get3A_616 = arith.index_cast %add3A_606 : i32 to index
          %get3A_617 = arith.index_cast %add3A_615 : i32 to index
          %get3A_618 = tpu.vector_load %arg9[%get3A_616, %get3A_617] {strides = array<i32>} : memref<128x128xf32, #tpu.memory_space<vmem>>, vector<1x16xf32>,
          %get3A_619 = vector.shape_cast %get3A_618 : vector<1x16xf32> to vector<16xf32>
          %mul3A_620 = arith.constant 8.000000e+00 : f32
          %mul3A_621 = vector.broadcast %mul3A_620 : f32 to vector<16xf32>
          %mul3A_622 = arith.mulf %get3A_619, %mul3A_621 : vector<16xf32>
          %get3A_623 = arith.index_cast %add3A_613 : i32 to index
          %get3A_624 = arith.constant 0 : index
          %get3A_625 = tpu.vector_load %arg7[%get3A_623, %get3A_624] {strides = array<i32>} : memref<168x128xf32, #tpu.memory_space<vmem>>, vector<1x16xf32>,
          %get3A_626 = vector.shape_cast %get3A_625 : vector<1x16xf32> to vector<16xf32>
          %add3A_627 = arith.addf %mul3A_622, %get3A_626 : vector<16xf32>
          %swap3A_628 = arith.index_cast %add3A_606 : i32 to index
          %swap3A_629 = arith.constant 0 : index
          %swap3A_630 = tpu.vector_load %arg11[%swap3A_628, %swap3A_629] {strides = array<i32>} : memref<128x64xf32, #tpu.memory_space<vmem>>, vector<1x16xf32>,
          %swap3A_631 = vector.shape_cast %swap3A_630 : vector<1x16xf32> to vector<16xf32>
          %swap3A_632 = vector.shape_cast %add3A_627 : vector<16xf32> to vector<1x16xf32>
          tpu.vector_store %arg11[%swap3A_628, %swap3A_629], %swap3A_632 {strides = array<i32>} : memref<128x64xf32, #tpu.memory_space<vmem>>, vector<1x16xf32>,
          %add3A_633 = arith.constant 16 : i32
          %add3A_634 = arith.addi %squeeze3A_608, %add3A_633 : i32
          %get3A_635 = arith.index_cast %add3A_606 : i32 to index
          %get3A_636 = arith.index_cast %add3A_634 : i32 to index
          %get3A_637 = tpu.vector_load %arg9[%get3A_635, %get3A_636] {strides = array<i32>} : memref<128x128xf32, #tpu.memory_space<vmem>>, vector<1x16xf32>,
          %get3A_638 = vector.shape_cast %get3A_637 : vector<1x16xf32> to vector<16xf32>
          %mul3A_639 = arith.constant 8.000000e+00 : f32
          %mul3A_640 = vector.broadcast %mul3A_639 : f32 to vector<16xf32>
          %mul3A_641 = arith.mulf %get3A_638, %mul3A_640 : vector<16xf32>
          %get3A_642 = arith.index_cast %add3A_613 : i32 to index
          %get3A_643 = arith.constant 16 : index
          %get3A_644 = tpu.vector_load %arg7[%get3A_642, %get3A_643] {strides = array<i32>} : memref<168x128xf32, #tpu.memory_space<vmem>>, vector<1x16xf32>,
          %get3A_645 = vector.shape_cast %get3A_644 : vector<1x16xf32> to vector<16xf32>
          %add3A_646 = arith.addf %mul3A_641, %get3A_645 : vector<16xf32>
          %swap3A_647 = arith.index_cast %add3A_606 : i32 to index
          %swap3A_648 = arith.constant 16 : index
          %swap3A_649 = tpu.vector_load %arg11[%swap3A_647, %swap3A_648] {strides = array<i32>} : memref<128x64xf32, #tpu.memory_space<vmem>>, vector<1x16xf32>,
          %swap3A_650 = vector.shape_cast %swap3A_649 : vector<1x16xf32> to vector<16xf32>
          %swap3A_651 = vector.shape_cast %add3A_646 : vector<16xf32> to vector<1x16xf32>
          tpu.vector_store %arg11[%swap3A_647, %swap3A_648], %swap3A_651 {strides = array<i32>} : memref<128x64xf32, #tpu.memory_space<vmem>>, vector<1x16xf32>,
          %add3A_652 = arith.constant 32 : i32
          %add3A_653 = arith.addi %squeeze3A_608, %add3A_652 : i32
          %get3A_654 = arith.index_cast %add3A_606 : i32 to index
          %get3A_655 = arith.index_cast %add3A_653 : i32 to index
          %get3A_656 = tpu.vector_load %arg9[%get3A_654, %get3A_655] {strides = array<i32>} : memref<128x128xf32, #tpu.memory_space<vmem>>, vector<1x16xf32>,
          %get3A_657 = vector.shape_cast %get3A_656 : vector<1x16xf32> to vector<16xf32>
          %mul3A_658 = arith.constant 8.000000e+00 : f32
          %mul3A_659 = vector.broadcast %mul3A_658 : f32 to vector<16xf32>
          %mul3A_660 = arith.mulf %get3A_657, %mul3A_659 : vector<16xf32>
          %get3A_661 = arith.index_cast %add3A_613 : i32 to index
          %get3A_662 = arith.constant 32 : index
          %get3A_663 = tpu.vector_load %arg7[%get3A_661, %get3A_662] {strides = array<i32>} : memref<168x128xf32, #tpu.memory_space<vmem>>, vector<1x16xf32>,
          %get3A_664 = vector.shape_cast %get3A_663 : vector<1x16xf32> to vector<16xf32>
          %add3A_665 = arith.addf %mul3A_660, %get3A_664 : vector<16xf32>
          %swap3A_666 = arith.index_cast %add3A_606 : i32 to index
          %swap3A_667 = arith.constant 32 : index
          %swap3A_668 = tpu.vector_load %arg11[%swap3A_666, %swap3A_667] {strides = array<i32>} : memref<128x64xf32, #tpu.memory_space<vmem>>, vector<1x16xf32>,
          %swap3A_669 = vector.shape_cast %swap3A_668 : vector<1x16xf32> to vector<16xf32>
          %swap3A_670 = vector.shape_cast %add3A_665 : vector<16xf32> to vector<1x16xf32>
          tpu.vector_store %arg11[%swap3A_666, %swap3A_667], %swap3A_670 {strides = array<i32>} : memref<128x64xf32, #tpu.memory_space<vmem>>, vector<1x16xf32>,
          %add3A_671 = arith.constant 48 : i32
          %add3A_672 = arith.addi %squeeze3A_608, %add3A_671 : i32
          %get3A_673 = arith.index_cast %add3A_606 : i32 to index
          %get3A_674 = arith.index_cast %add3A_672 : i32 to index
          %get3A_675 = tpu.vector_load %arg9[%get3A_673, %get3A_674] {strides = array<i32>} : memref<128x128xf32, #tpu.memory_space<vmem>>, vector<1x16xf32>,
          %get3A_676 = vector.shape_cast %get3A_675 : vector<1x16xf32> to vector<16xf32>
          %mul3A_677 = arith.constant 8.000000e+00 : f32
          %mul3A_678 = vector.broadcast %mul3A_677 : f32 to vector<16xf32>
          %mul3A_679 = arith.mulf %get3A_676, %mul3A_678 : vector<16xf32>
          %get3A_680 = arith.index_cast %add3A_613 : i32 to index
          %get3A_681 = arith.constant 48 : index
          %get3A_682 = tpu.vector_load %arg7[%get3A_680, %get3A_681] {strides = array<i32>} : memref<168x128xf32, #tpu.memory_space<vmem>>, vector<1x16xf32>,
          %get3A_683 = vector.shape_cast %get3A_682 : vector<1x16xf32> to vector<16xf32>
          %add3A_684 = arith.addf %mul3A_679, %get3A_683 : vector<16xf32>
          %swap3A_685 = arith.index_cast %add3A_606 : i32 to index
          %swap3A_686 = arith.constant 48 : index
          %swap3A_687 = tpu.vector_load %arg11[%swap3A_685, %swap3A_686] {strides = array<i32>} : memref<128x64xf32, #tpu.memory_space<vmem>>, vector<1x16xf32>,
          %swap3A_688 = vector.shape_cast %swap3A_687 : vector<1x16xf32> to vector<16xf32>
          %swap3A_689 = vector.shape_cast %add3A_684 : vector<16xf32> to vector<1x16xf32>
          tpu.vector_store %arg11[%swap3A_685, %swap3A_686], %swap3A_689 {strides = array<i32>} : memref<128x64xf32, #tpu.memory_space<vmem>>, vector<1x16xf32>,
          %add3A_690 = arith.constant 7 : i32
          %add3A_691 = arith.addi %mul3A_89, %add3A_690 : i32
          %slice3A_692 = vector.extract_strided_slice %mul3A_97 {offsets = [7], sizes = [1], strides = [1]} : vector<16xi32> to vector<1xi32>
          %squeeze3A_693 = vector.extract %slice3A_692[0] : i32 from vector<1xi32>
          %mul3A_694 = arith.constant 8 : i32
          %mul3A_695 = arith.muli %scan3A_87, %mul3A_694 : i32
          %add3A_696 = arith.addi %shift_right_logical3A_73, %mul3A_695 : i32
          %add3A_697 = arith.constant 3 : i32
          %add3A_698 = arith.addi %add3A_696, %add3A_697 : i32
          %add3A_699 = arith.constant 0 : i32
          %add3A_700 = arith.addi %squeeze3A_693, %add3A_699 : i32
          %get3A_701 = arith.index_cast %add3A_691 : i32 to index
          %get3A_702 = arith.index_cast %add3A_700 : i32 to index
          %get3A_703 = tpu.vector_load %arg9[%get3A_701, %get3A_702] {strides = array<i32>} : memref<128x128xf32, #tpu.memory_space<vmem>>, vector<1x16xf32>,
          %get3A_704 = vector.shape_cast %get3A_703 : vector<1x16xf32> to vector<16xf32>
          %mul3A_705 = arith.constant 8.000000e+00 : f32
          %mul3A_706 = vector.broadcast %mul3A_705 : f32 to vector<16xf32>
          %mul3A_707 = arith.mulf %get3A_704, %mul3A_706 : vector<16xf32>
          %get3A_708 = arith.index_cast %add3A_698 : i32 to index
          %get3A_709 = arith.constant 64 : index
          %get3A_710 = tpu.vector_load %arg7[%get3A_708, %get3A_709] {strides = array<i32>} : memref<168x128xf32, #tpu.memory_space<vmem>>, vector<1x16xf32>,
          %get3A_711 = vector.shape_cast %get3A_710 : vector<1x16xf32> to vector<16xf32>
          %add3A_712 = arith.addf %mul3A_707, %get3A_711 : vector<16xf32>
          %swap3A_713 = arith.index_cast %add3A_691 : i32 to index
          %swap3A_714 = arith.constant 0 : index
          %swap3A_715 = tpu.vector_load %arg11[%swap3A_713, %swap3A_714] {strides = array<i32>} : memref<128x64xf32, #tpu.memory_space<vmem>>, vector<1x16xf32>,
          %swap3A_716 = vector.shape_cast %swap3A_715 : vector<1x16xf32> to vector<16xf32>
          %swap3A_717 = vector.shape_cast %add3A_712 : vector<16xf32> to vector<1x16xf32>
          tpu.vector_store %arg11[%swap3A_713, %swap3A_714], %swap3A_717 {strides = array<i32>} : memref<128x64xf32, #tpu.memory_space<vmem>>, vector<1x16xf32>,
          %add3A_718 = arith.constant 16 : i32
          %add3A_719 = arith.addi %squeeze3A_693, %add3A_718 : i32
          %get3A_720 = arith.index_cast %add3A_691 : i32 to index
          %get3A_721 = arith.index_cast %add3A_719 : i32 to index
          %get3A_722 = tpu.vector_load %arg9[%get3A_720, %get3A_721] {strides = array<i32>} : memref<128x128xf32, #tpu.memory_space<vmem>>, vector<1x16xf32>,
          %get3A_723 = vector.shape_cast %get3A_722 : vector<1x16xf32> to vector<16xf32>
          %mul3A_724 = arith.constant 8.000000e+00 : f32
          %mul3A_725 = vector.broadcast %mul3A_724 : f32 to vector<16xf32>
          %mul3A_726 = arith.mulf %get3A_723, %mul3A_725 : vector<16xf32>
          %get3A_727 = arith.index_cast %add3A_698 : i32 to index
          %get3A_728 = arith.constant 80 : index
          %get3A_729 = tpu.vector_load %arg7[%get3A_727, %get3A_728] {strides = array<i32>} : memref<168x128xf32, #tpu.memory_space<vmem>>, vector<1x16xf32>,
          %get3A_730 = vector.shape_cast %get3A_729 : vector<1x16xf32> to vector<16xf32>
          %add3A_731 = arith.addf %mul3A_726, %get3A_730 : vector<16xf32>
          %swap3A_732 = arith.index_cast %add3A_691 : i32 to index
          %swap3A_733 = arith.constant 16 : index
          %swap3A_734 = tpu.vector_load %arg11[%swap3A_732, %swap3A_733] {strides = array<i32>} : memref<128x64xf32, #tpu.memory_space<vmem>>, vector<1x16xf32>,
          %swap3A_735 = vector.shape_cast %swap3A_734 : vector<1x16xf32> to vector<16xf32>
          %swap3A_736 = vector.shape_cast %add3A_731 : vector<16xf32> to vector<1x16xf32>
          tpu.vector_store %arg11[%swap3A_732, %swap3A_733], %swap3A_736 {strides = array<i32>} : memref<128x64xf32, #tpu.memory_space<vmem>>, vector<1x16xf32>,
          %add3A_737 = arith.constant 32 : i32
          %add3A_738 = arith.addi %squeeze3A_693, %add3A_737 : i32
          %get3A_739 = arith.index_cast %add3A_691 : i32 to index
          %get3A_740 = arith.index_cast %add3A_738 : i32 to index
          %get3A_741 = tpu.vector_load %arg9[%get3A_739, %get3A_740] {strides = array<i32>} : memref<128x128xf32, #tpu.memory_space<vmem>>, vector<1x16xf32>,
          %get3A_742 = vector.shape_cast %get3A_741 : vector<1x16xf32> to vector<16xf32>
          %mul3A_743 = arith.constant 8.000000e+00 : f32
          %mul3A_744 = vector.broadcast %mul3A_743 : f32 to vector<16xf32>
          %mul3A_745 = arith.mulf %get3A_742, %mul3A_744 : vector<16xf32>
          %get3A_746 = arith.index_cast %add3A_698 : i32 to index
          %get3A_747 = arith.constant 96 : index
          %get3A_748 = tpu.vector_load %arg7[%get3A_746, %get3A_747] {strides = array<i32>} : memref<168x128xf32, #tpu.memory_space<vmem>>, vector<1x16xf32>,
          %get3A_749 = vector.shape_cast %get3A_748 : vector<1x16xf32> to vector<16xf32>
          %add3A_750 = arith.addf %mul3A_745, %get3A_749 : vector<16xf32>
          %swap3A_751 = arith.index_cast %add3A_691 : i32 to index
          %swap3A_752 = arith.constant 32 : index
          %swap3A_753 = tpu.vector_load %arg11[%swap3A_751, %swap3A_752] {strides = array<i32>} : memref<128x64xf32, #tpu.memory_space<vmem>>, vector<1x16xf32>,
          %swap3A_754 = vector.shape_cast %swap3A_753 : vector<1x16xf32> to vector<16xf32>
          %swap3A_755 = vector.shape_cast %add3A_750 : vector<16xf32> to vector<1x16xf32>
          tpu.vector_store %arg11[%swap3A_751, %swap3A_752], %swap3A_755 {strides = array<i32>} : memref<128x64xf32, #tpu.memory_space<vmem>>, vector<1x16xf32>,
          %add3A_756 = arith.constant 48 : i32
          %add3A_757 = arith.addi %squeeze3A_693, %add3A_756 : i32
          %get3A_758 = arith.index_cast %add3A_691 : i32 to index
          %get3A_759 = arith.index_cast %add3A_757 : i32 to index
          %get3A_760 = tpu.vector_load %arg9[%get3A_758, %get3A_759] {strides = array<i32>} : memref<128x128xf32, #tpu.memory_space<vmem>>, vector<1x16xf32>,
          %get3A_761 = vector.shape_cast %get3A_760 : vector<1x16xf32> to vector<16xf32>
          %mul3A_762 = arith.constant 8.000000e+00 : f32
          %mul3A_763 = vector.broadcast %mul3A_762 : f32 to vector<16xf32>
          %mul3A_764 = arith.mulf %get3A_761, %mul3A_763 : vector<16xf32>
          %get3A_765 = arith.index_cast %add3A_698 : i32 to index
          %get3A_766 = arith.constant 112 : index
          %get3A_767 = tpu.vector_load %arg7[%get3A_765, %get3A_766] {strides = array<i32>} : memref<168x128xf32, #tpu.memory_space<vmem>>, vector<1x16xf32>,
          %get3A_768 = vector.shape_cast %get3A_767 : vector<1x16xf32> to vector<16xf32>
          %add3A_769 = arith.addf %mul3A_764, %get3A_768 : vector<16xf32>
          %swap3A_770 = arith.index_cast %add3A_691 : i32 to index
          %swap3A_771 = arith.constant 48 : index
          %swap3A_772 = tpu.vector_load %arg11[%swap3A_770, %swap3A_771] {strides = array<i32>} : memref<128x64xf32, #tpu.memory_space<vmem>>, vector<1x16xf32>,
          %swap3A_773 = vector.shape_cast %swap3A_772 : vector<1x16xf32> to vector<16xf32>
          %swap3A_774 = vector.shape_cast %add3A_769 : vector<16xf32> to vector<1x16xf32>
          tpu.vector_store %arg11[%swap3A_770, %swap3A_771], %swap3A_774 {strides = array<i32>} : memref<128x64xf32, #tpu.memory_space<vmem>>, vector<1x16xf32>,
          %add3A_775 = arith.constant 8 : i32
          %add3A_776 = arith.addi %mul3A_89, %add3A_775 : i32
          %slice3A_777 = vector.extract_strided_slice %mul3A_97 {offsets = [8], sizes = [1], strides = [1]} : vector<16xi32> to vector<1xi32>
          %squeeze3A_778 = vector.extract %slice3A_777[0] : i32 from vector<1xi32>
          %mul3A_779 = arith.constant 8 : i32
          %mul3A_780 = arith.muli %scan3A_87, %mul3A_779 : i32
          %add3A_781 = arith.addi %shift_right_logical3A_73, %mul3A_780 : i32
          %add3A_782 = arith.constant 4 : i32
          %add3A_783 = arith.addi %add3A_781, %add3A_782 : i32
          %add3A_784 = arith.constant 0 : i32
          %add3A_785 = arith.addi %squeeze3A_778, %add3A_784 : i32
          %get3A_786 = arith.index_cast %add3A_776 : i32 to index
          %get3A_787 = arith.index_cast %add3A_785 : i32 to index
          %get3A_788 = tpu.vector_load %arg9[%get3A_786, %get3A_787] {strides = array<i32>} : memref<128x128xf32, #tpu.memory_space<vmem>>, vector<1x16xf32>,
          %get3A_789 = vector.shape_cast %get3A_788 : vector<1x16xf32> to vector<16xf32>
          %mul3A_790 = arith.constant 8.000000e+00 : f32
          %mul3A_791 = vector.broadcast %mul3A_790 : f32 to vector<16xf32>
          %mul3A_792 = arith.mulf %get3A_789, %mul3A_791 : vector<16xf32>
          %get3A_793 = arith.index_cast %add3A_783 : i32 to index
          %get3A_794 = arith.constant 0 : index
          %get3A_795 = tpu.vector_load %arg7[%get3A_793, %get3A_794] {strides = array<i32>} : memref<168x128xf32, #tpu.memory_space<vmem>>, vector<1x16xf32>,
          %get3A_796 = vector.shape_cast %get3A_795 : vector<1x16xf32> to vector<16xf32>
          %add3A_797 = arith.addf %mul3A_792, %get3A_796 : vector<16xf32>
          %swap3A_798 = arith.index_cast %add3A_776 : i32 to index
          %swap3A_799 = arith.constant 0 : index
          %swap3A_800 = tpu.vector_load %arg11[%swap3A_798, %swap3A_799] {strides = array<i32>} : memref<128x64xf32, #tpu.memory_space<vmem>>, vector<1x16xf32>,
          %swap3A_801 = vector.shape_cast %swap3A_800 : vector<1x16xf32> to vector<16xf32>
          %swap3A_802 = vector.shape_cast %add3A_797 : vector<16xf32> to vector<1x16xf32>
          tpu.vector_store %arg11[%swap3A_798, %swap3A_799], %swap3A_802 {strides = array<i32>} : memref<128x64xf32, #tpu.memory_space<vmem>>, vector<1x16xf32>,
          %add3A_803 = arith.constant 16 : i32
          %add3A_804 = arith.addi %squeeze3A_778, %add3A_803 : i32
          %get3A_805 = arith.index_cast %add3A_776 : i32 to index
          %get3A_806 = arith.index_cast %add3A_804 : i32 to index
          %get3A_807 = tpu.vector_load %arg9[%get3A_805, %get3A_806] {strides = array<i32>} : memref<128x128xf32, #tpu.memory_space<vmem>>, vector<1x16xf32>,
          %get3A_808 = vector.shape_cast %get3A_807 : vector<1x16xf32> to vector<16xf32>
          %mul3A_809 = arith.constant 8.000000e+00 : f32
          %mul3A_810 = vector.broadcast %mul3A_809 : f32 to vector<16xf32>
          %mul3A_811 = arith.mulf %get3A_808, %mul3A_810 : vector<16xf32>
          %get3A_812 = arith.index_cast %add3A_783 : i32 to index
          %get3A_813 = arith.constant 16 : index
          %get3A_814 = tpu.vector_load %arg7[%get3A_812, %get3A_813] {strides = array<i32>} : memref<168x128xf32, #tpu.memory_space<vmem>>, vector<1x16xf32>,
          %get3A_815 = vector.shape_cast %get3A_814 : vector<1x16xf32> to vector<16xf32>
          %add3A_816 = arith.addf %mul3A_811, %get3A_815 : vector<16xf32>
          %swap3A_817 = arith.index_cast %add3A_776 : i32 to index
          %swap3A_818 = arith.constant 16 : index
          %swap3A_819 = tpu.vector_load %arg11[%swap3A_817, %swap3A_818] {strides = array<i32>} : memref<128x64xf32, #tpu.memory_space<vmem>>, vector<1x16xf32>,
          %swap3A_820 = vector.shape_cast %swap3A_819 : vector<1x16xf32> to vector<16xf32>
          %swap3A_821 = vector.shape_cast %add3A_816 : vector<16xf32> to vector<1x16xf32>
          tpu.vector_store %arg11[%swap3A_817, %swap3A_818], %swap3A_821 {strides = array<i32>} : memref<128x64xf32, #tpu.memory_space<vmem>>, vector<1x16xf32>,
          %add3A_822 = arith.constant 32 : i32
          %add3A_823 = arith.addi %squeeze3A_778, %add3A_822 : i32
          %get3A_824 = arith.index_cast %add3A_776 : i32 to index
          %get3A_825 = arith.index_cast %add3A_823 : i32 to index
          %get3A_826 = tpu.vector_load %arg9[%get3A_824, %get3A_825] {strides = array<i32>} : memref<128x128xf32, #tpu.memory_space<vmem>>, vector<1x16xf32>,
          %get3A_827 = vector.shape_cast %get3A_826 : vector<1x16xf32> to vector<16xf32>
          %mul3A_828 = arith.constant 8.000000e+00 : f32
          %mul3A_829 = vector.broadcast %mul3A_828 : f32 to vector<16xf32>
          %mul3A_830 = arith.mulf %get3A_827, %mul3A_829 : vector<16xf32>
          %get3A_831 = arith.index_cast %add3A_783 : i32 to index
          %get3A_832 = arith.constant 32 : index
          %get3A_833 = tpu.vector_load %arg7[%get3A_831, %get3A_832] {strides = array<i32>} : memref<168x128xf32, #tpu.memory_space<vmem>>, vector<1x16xf32>,
          %get3A_834 = vector.shape_cast %get3A_833 : vector<1x16xf32> to vector<16xf32>
          %add3A_835 = arith.addf %mul3A_830, %get3A_834 : vector<16xf32>
          %swap3A_836 = arith.index_cast %add3A_776 : i32 to index
          %swap3A_837 = arith.constant 32 : index
          %swap3A_838 = tpu.vector_load %arg11[%swap3A_836, %swap3A_837] {strides = array<i32>} : memref<128x64xf32, #tpu.memory_space<vmem>>, vector<1x16xf32>,
          %swap3A_839 = vector.shape_cast %swap3A_838 : vector<1x16xf32> to vector<16xf32>
          %swap3A_840 = vector.shape_cast %add3A_835 : vector<16xf32> to vector<1x16xf32>
          tpu.vector_store %arg11[%swap3A_836, %swap3A_837], %swap3A_840 {strides = array<i32>} : memref<128x64xf32, #tpu.memory_space<vmem>>, vector<1x16xf32>,
          %add3A_841 = arith.constant 48 : i32
          %add3A_842 = arith.addi %squeeze3A_778, %add3A_841 : i32
          %get3A_843 = arith.index_cast %add3A_776 : i32 to index
          %get3A_844 = arith.index_cast %add3A_842 : i32 to index
          %get3A_845 = tpu.vector_load %arg9[%get3A_843, %get3A_844] {strides = array<i32>} : memref<128x128xf32, #tpu.memory_space<vmem>>, vector<1x16xf32>,
          %get3A_846 = vector.shape_cast %get3A_845 : vector<1x16xf32> to vector<16xf32>
          %mul3A_847 = arith.constant 8.000000e+00 : f32
          %mul3A_848 = vector.broadcast %mul3A_847 : f32 to vector<16xf32>
          %mul3A_849 = arith.mulf %get3A_846, %mul3A_848 : vector<16xf32>
          %get3A_850 = arith.index_cast %add3A_783 : i32 to index
          %get3A_851 = arith.constant 48 : index
          %get3A_852 = tpu.vector_load %arg7[%get3A_850, %get3A_851] {strides = array<i32>} : memref<168x128xf32, #tpu.memory_space<vmem>>, vector<1x16xf32>,
          %get3A_853 = vector.shape_cast %get3A_852 : vector<1x16xf32> to vector<16xf32>
          %add3A_854 = arith.addf %mul3A_849, %get3A_853 : vector<16xf32>
          %swap3A_855 = arith.index_cast %add3A_776 : i32 to index
          %swap3A_856 = arith.constant 48 : index
          %swap3A_857 = tpu.vector_load %arg11[%swap3A_855, %swap3A_856] {strides = array<i32>} : memref<128x64xf32, #tpu.memory_space<vmem>>, vector<1x16xf32>,
          %swap3A_858 = vector.shape_cast %swap3A_857 : vector<1x16xf32> to vector<16xf32>
          %swap3A_859 = vector.shape_cast %add3A_854 : vector<16xf32> to vector<1x16xf32>
          tpu.vector_store %arg11[%swap3A_855, %swap3A_856], %swap3A_859 {strides = array<i32>} : memref<128x64xf32, #tpu.memory_space<vmem>>, vector<1x16xf32>,
          %add3A_860 = arith.constant 9 : i32
          %add3A_861 = arith.addi %mul3A_89, %add3A_860 : i32
          %slice3A_862 = vector.extract_strided_slice %mul3A_97 {offsets = [9], sizes = [1], strides = [1]} : vector<16xi32> to vector<1xi32>
          %squeeze3A_863 = vector.extract %slice3A_862[0] : i32 from vector<1xi32>
          %mul3A_864 = arith.constant 8 : i32
          %mul3A_865 = arith.muli %scan3A_87, %mul3A_864 : i32
          %add3A_866 = arith.addi %shift_right_logical3A_73, %mul3A_865 : i32
          %add3A_867 = arith.constant 4 : i32
          %add3A_868 = arith.addi %add3A_866, %add3A_867 : i32
          %add3A_869 = arith.constant 0 : i32
          %add3A_870 = arith.addi %squeeze3A_863, %add3A_869 : i32
          %get3A_871 = arith.index_cast %add3A_861 : i32 to index
          %get3A_872 = arith.index_cast %add3A_870 : i32 to index
          %get3A_873 = tpu.vector_load %arg9[%get3A_871, %get3A_872] {strides = array<i32>} : memref<128x128xf32, #tpu.memory_space<vmem>>, vector<1x16xf32>,
          %get3A_874 = vector.shape_cast %get3A_873 : vector<1x16xf32> to vector<16xf32>
          %mul3A_875 = arith.constant 8.000000e+00 : f32
          %mul3A_876 = vector.broadcast %mul3A_875 : f32 to vector<16xf32>
          %mul3A_877 = arith.mulf %get3A_874, %mul3A_876 : vector<16xf32>
          %get3A_878 = arith.index_cast %add3A_868 : i32 to index
          %get3A_879 = arith.constant 64 : index
          %get3A_880 = tpu.vector_load %arg7[%get3A_878, %get3A_879] {strides = array<i32>} : memref<168x128xf32, #tpu.memory_space<vmem>>, vector<1x16xf32>,
          %get3A_881 = vector.shape_cast %get3A_880 : vector<1x16xf32> to vector<16xf32>
          %add3A_882 = arith.addf %mul3A_877, %get3A_881 : vector<16xf32>
          %swap3A_883 = arith.index_cast %add3A_861 : i32 to index
          %swap3A_884 = arith.constant 0 : index
          %swap3A_885 = tpu.vector_load %arg11[%swap3A_883, %swap3A_884] {strides = array<i32>} : memref<128x64xf32, #tpu.memory_space<vmem>>, vector<1x16xf32>,
          %swap3A_886 = vector.shape_cast %swap3A_885 : vector<1x16xf32> to vector<16xf32>
          %swap3A_887 = vector.shape_cast %add3A_882 : vector<16xf32> to vector<1x16xf32>
          tpu.vector_store %arg11[%swap3A_883, %swap3A_884], %swap3A_887 {strides = array<i32>} : memref<128x64xf32, #tpu.memory_space<vmem>>, vector<1x16xf32>,
          %add3A_888 = arith.constant 16 : i32
          %add3A_889 = arith.addi %squeeze3A_863, %add3A_888 : i32
          %get3A_890 = arith.index_cast %add3A_861 : i32 to index
          %get3A_891 = arith.index_cast %add3A_889 : i32 to index
          %get3A_892 = tpu.vector_load %arg9[%get3A_890, %get3A_891] {strides = array<i32>} : memref<128x128xf32, #tpu.memory_space<vmem>>, vector<1x16xf32>,
          %get3A_893 = vector.shape_cast %get3A_892 : vector<1x16xf32> to vector<16xf32>
          %mul3A_894 = arith.constant 8.000000e+00 : f32
          %mul3A_895 = vector.broadcast %mul3A_894 : f32 to vector<16xf32>
          %mul3A_896 = arith.mulf %get3A_893, %mul3A_895 : vector<16xf32>
          %get3A_897 = arith.index_cast %add3A_868 : i32 to index
          %get3A_898 = arith.constant 80 : index
          %get3A_899 = tpu.vector_load %arg7[%get3A_897, %get3A_898] {strides = array<i32>} : memref<168x128xf32, #tpu.memory_space<vmem>>, vector<1x16xf32>,
          %get3A_900 = vector.shape_cast %get3A_899 : vector<1x16xf32> to vector<16xf32>
          %add3A_901 = arith.addf %mul3A_896, %get3A_900 : vector<16xf32>
          %swap3A_902 = arith.index_cast %add3A_861 : i32 to index
          %swap3A_903 = arith.constant 16 : index
          %swap3A_904 = tpu.vector_load %arg11[%swap3A_902, %swap3A_903] {strides = array<i32>} : memref<128x64xf32, #tpu.memory_space<vmem>>, vector<1x16xf32>,
          %swap3A_905 = vector.shape_cast %swap3A_904 : vector<1x16xf32> to vector<16xf32>
          %swap3A_906 = vector.shape_cast %add3A_901 : vector<16xf32> to vector<1x16xf32>
          tpu.vector_store %arg11[%swap3A_902, %swap3A_903], %swap3A_906 {strides = array<i32>} : memref<128x64xf32, #tpu.memory_space<vmem>>, vector<1x16xf32>,
          %add3A_907 = arith.constant 32 : i32
          %add3A_908 = arith.addi %squeeze3A_863, %add3A_907 : i32
          %get3A_909 = arith.index_cast %add3A_861 : i32 to index
          %get3A_910 = arith.index_cast %add3A_908 : i32 to index
          %get3A_911 = tpu.vector_load %arg9[%get3A_909, %get3A_910] {strides = array<i32>} : memref<128x128xf32, #tpu.memory_space<vmem>>, vector<1x16xf32>,
          %get3A_912 = vector.shape_cast %get3A_911 : vector<1x16xf32> to vector<16xf32>
          %mul3A_913 = arith.constant 8.000000e+00 : f32
          %mul3A_914 = vector.broadcast %mul3A_913 : f32 to vector<16xf32>
          %mul3A_915 = arith.mulf %get3A_912, %mul3A_914 : vector<16xf32>
          %get3A_916 = arith.index_cast %add3A_868 : i32 to index
          %get3A_917 = arith.constant 96 : index
          %get3A_918 = tpu.vector_load %arg7[%get3A_916, %get3A_917] {strides = array<i32>} : memref<168x128xf32, #tpu.memory_space<vmem>>, vector<1x16xf32>,
          %get3A_919 = vector.shape_cast %get3A_918 : vector<1x16xf32> to vector<16xf32>
          %add3A_920 = arith.addf %mul3A_915, %get3A_919 : vector<16xf32>
          %swap3A_921 = arith.index_cast %add3A_861 : i32 to index
          %swap3A_922 = arith.constant 32 : index
          %swap3A_923 = tpu.vector_load %arg11[%swap3A_921, %swap3A_922] {strides = array<i32>} : memref<128x64xf32, #tpu.memory_space<vmem>>, vector<1x16xf32>,
          %swap3A_924 = vector.shape_cast %swap3A_923 : vector<1x16xf32> to vector<16xf32>
          %swap3A_925 = vector.shape_cast %add3A_920 : vector<16xf32> to vector<1x16xf32>
          tpu.vector_store %arg11[%swap3A_921, %swap3A_922], %swap3A_925 {strides = array<i32>} : memref<128x64xf32, #tpu.memory_space<vmem>>, vector<1x16xf32>,
          %add3A_926 = arith.constant 48 : i32
          %add3A_927 = arith.addi %squeeze3A_863, %add3A_926 : i32
          %get3A_928 = arith.index_cast %add3A_861 : i32 to index
          %get3A_929 = arith.index_cast %add3A_927 : i32 to index
          %get3A_930 = tpu.vector_load %arg9[%get3A_928, %get3A_929] {strides = array<i32>} : memref<128x128xf32, #tpu.memory_space<vmem>>, vector<1x16xf32>,
          %get3A_931 = vector.shape_cast %get3A_930 : vector<1x16xf32> to vector<16xf32>
          %mul3A_932 = arith.constant 8.000000e+00 : f32
          %mul3A_933 = vector.broadcast %mul3A_932 : f32 to vector<16xf32>
          %mul3A_934 = arith.mulf %get3A_931, %mul3A_933 : vector<16xf32>
          %get3A_935 = arith.index_cast %add3A_868 : i32 to index
          %get3A_936 = arith.constant 112 : index
          %get3A_937 = tpu.vector_load %arg7[%get3A_935, %get3A_936] {strides = array<i32>} : memref<168x128xf32, #tpu.memory_space<vmem>>, vector<1x16xf32>,
          %get3A_938 = vector.shape_cast %get3A_937 : vector<1x16xf32> to vector<16xf32>
          %add3A_939 = arith.addf %mul3A_934, %get3A_938 : vector<16xf32>
          %swap3A_940 = arith.index_cast %add3A_861 : i32 to index
          %swap3A_941 = arith.constant 48 : index
          %swap3A_942 = tpu.vector_load %arg11[%swap3A_940, %swap3A_941] {strides = array<i32>} : memref<128x64xf32, #tpu.memory_space<vmem>>, vector<1x16xf32>,
          %swap3A_943 = vector.shape_cast %swap3A_942 : vector<1x16xf32> to vector<16xf32>
          %swap3A_944 = vector.shape_cast %add3A_939 : vector<16xf32> to vector<1x16xf32>
          tpu.vector_store %arg11[%swap3A_940, %swap3A_941], %swap3A_944 {strides = array<i32>} : memref<128x64xf32, #tpu.memory_space<vmem>>, vector<1x16xf32>,
          %add3A_945 = arith.constant 10 : i32
          %add3A_946 = arith.addi %mul3A_89, %add3A_945 : i32
          %slice3A_947 = vector.extract_strided_slice %mul3A_97 {offsets = [10], sizes = [1], strides = [1]} : vector<16xi32> to vector<1xi32>
          %squeeze3A_948 = vector.extract %slice3A_947[0] : i32 from vector<1xi32>
          %mul3A_949 = arith.constant 8 : i32
          %mul3A_950 = arith.muli %scan3A_87, %mul3A_949 : i32
          %add3A_951 = arith.addi %shift_right_logical3A_73, %mul3A_950 : i32
          %add3A_952 = arith.constant 5 : i32
          %add3A_953 = arith.addi %add3A_951, %add3A_952 : i32
          %add3A_954 = arith.constant 0 : i32
          %add3A_955 = arith.addi %squeeze3A_948, %add3A_954 : i32
          %get3A_956 = arith.index_cast %add3A_946 : i32 to index
          %get3A_957 = arith.index_cast %add3A_955 : i32 to index
          %get3A_958 = tpu.vector_load %arg9[%get3A_956, %get3A_957] {strides = array<i32>} : memref<128x128xf32, #tpu.memory_space<vmem>>, vector<1x16xf32>,
          %get3A_959 = vector.shape_cast %get3A_958 : vector<1x16xf32> to vector<16xf32>
          %mul3A_960 = arith.constant 8.000000e+00 : f32
          %mul3A_961 = vector.broadcast %mul3A_960 : f32 to vector<16xf32>
          %mul3A_962 = arith.mulf %get3A_959, %mul3A_961 : vector<16xf32>
          %get3A_963 = arith.index_cast %add3A_953 : i32 to index
          %get3A_964 = arith.constant 0 : index
          %get3A_965 = tpu.vector_load %arg7[%get3A_963, %get3A_964] {strides = array<i32>} : memref<168x128xf32, #tpu.memory_space<vmem>>, vector<1x16xf32>,
          %get3A_966 = vector.shape_cast %get3A_965 : vector<1x16xf32> to vector<16xf32>
          %add3A_967 = arith.addf %mul3A_962, %get3A_966 : vector<16xf32>
          %swap3A_968 = arith.index_cast %add3A_946 : i32 to index
          %swap3A_969 = arith.constant 0 : index
          %swap3A_970 = tpu.vector_load %arg11[%swap3A_968, %swap3A_969] {strides = array<i32>} : memref<128x64xf32, #tpu.memory_space<vmem>>, vector<1x16xf32>,
          %swap3A_971 = vector.shape_cast %swap3A_970 : vector<1x16xf32> to vector<16xf32>
          %swap3A_972 = vector.shape_cast %add3A_967 : vector<16xf32> to vector<1x16xf32>
          tpu.vector_store %arg11[%swap3A_968, %swap3A_969], %swap3A_972 {strides = array<i32>} : memref<128x64xf32, #tpu.memory_space<vmem>>, vector<1x16xf32>,
          %add3A_973 = arith.constant 16 : i32
          %add3A_974 = arith.addi %squeeze3A_948, %add3A_973 : i32
          %get3A_975 = arith.index_cast %add3A_946 : i32 to index
          %get3A_976 = arith.index_cast %add3A_974 : i32 to index
          %get3A_977 = tpu.vector_load %arg9[%get3A_975, %get3A_976] {strides = array<i32>} : memref<128x128xf32, #tpu.memory_space<vmem>>, vector<1x16xf32>,
          %get3A_978 = vector.shape_cast %get3A_977 : vector<1x16xf32> to vector<16xf32>
          %mul3A_979 = arith.constant 8.000000e+00 : f32
          %mul3A_980 = vector.broadcast %mul3A_979 : f32 to vector<16xf32>
          %mul3A_981 = arith.mulf %get3A_978, %mul3A_980 : vector<16xf32>
          %get3A_982 = arith.index_cast %add3A_953 : i32 to index
          %get3A_983 = arith.constant 16 : index
          %get3A_984 = tpu.vector_load %arg7[%get3A_982, %get3A_983] {strides = array<i32>} : memref<168x128xf32, #tpu.memory_space<vmem>>, vector<1x16xf32>,
          %get3A_985 = vector.shape_cast %get3A_984 : vector<1x16xf32> to vector<16xf32>
          %add3A_986 = arith.addf %mul3A_981, %get3A_985 : vector<16xf32>
          %swap3A_987 = arith.index_cast %add3A_946 : i32 to index
          %swap3A_988 = arith.constant 16 : index
          %swap3A_989 = tpu.vector_load %arg11[%swap3A_987, %swap3A_988] {strides = array<i32>} : memref<128x64xf32, #tpu.memory_space<vmem>>, vector<1x16xf32>,
          %swap3A_990 = vector.shape_cast %swap3A_989 : vector<1x16xf32> to vector<16xf32>
          %swap3A_991 = vector.shape_cast %add3A_986 : vector<16xf32> to vector<1x16xf32>
          tpu.vector_store %arg11[%swap3A_987, %swap3A_988], %swap3A_991 {strides = array<i32>} : memref<128x64xf32, #tpu.memory_space<vmem>>, vector<1x16xf32>,
          %add3A_992 = arith.constant 32 : i32
          %add3A_993 = arith.addi %squeeze3A_948, %add3A_992 : i32
          %get3A_994 = arith.index_cast %add3A_946 : i32 to index
          %get3A_995 = arith.index_cast %add3A_993 : i32 to index
          %get3A_996 = tpu.vector_load %arg9[%get3A_994, %get3A_995] {strides = array<i32>} : memref<128x128xf32, #tpu.memory_space<vmem>>, vector<1x16xf32>,
          %get3A_997 = vector.shape_cast %get3A_996 : vector<1x16xf32> to vector<16xf32>
          %mul3A_998 = arith.constant 8.000000e+00 : f32
          %mul3A_999 = vector.broadcast %mul3A_998 : f32 to vector<16xf32>
          %mul3A_1000 = arith.mulf %get3A_997, %mul3A_999 : vector<16xf32>
          %get3A_1001 = arith.index_cast %add3A_953 : i32 to index
          %get3A_1002 = arith.constant 32 : index
          %get3A_1003 = tpu.vector_load %arg7[%get3A_1001, %get3A_1002] {strides = array<i32>} : memref<168x128xf32, #tpu.memory_space<vmem>>, vector<1x16xf32>,
          %get3A_1004 = vector.shape_cast %get3A_1003 : vector<1x16xf32> to vector<16xf32>
          %add3A_1005 = arith.addf %mul3A_1000, %get3A_1004 : vector<16xf32>
          %swap3A_1006 = arith.index_cast %add3A_946 : i32 to index
          %swap3A_1007 = arith.constant 32 : index
          %swap3A_1008 = tpu.vector_load %arg11[%swap3A_1006, %swap3A_1007] {strides = array<i32>} : memref<128x64xf32, #tpu.memory_space<vmem>>, vector<1x16xf32>,
          %swap3A_1009 = vector.shape_cast %swap3A_1008 : vector<1x16xf32> to vector<16xf32>
          %swap3A_1010 = vector.shape_cast %add3A_1005 : vector<16xf32> to vector<1x16xf32>
          tpu.vector_store %arg11[%swap3A_1006, %swap3A_1007], %swap3A_1010 {strides = array<i32>} : memref<128x64xf32, #tpu.memory_space<vmem>>, vector<1x16xf32>,
          %add3A_1011 = arith.constant 48 : i32
          %add3A_1012 = arith.addi %squeeze3A_948, %add3A_1011 : i32
          %get3A_1013 = arith.index_cast %add3A_946 : i32 to index
          %get3A_1014 = arith.index_cast %add3A_1012 : i32 to index
          %get3A_1015 = tpu.vector_load %arg9[%get3A_1013, %get3A_1014] {strides = array<i32>} : memref<128x128xf32, #tpu.memory_space<vmem>>, vector<1x16xf32>,
          %get3A_1016 = vector.shape_cast %get3A_1015 : vector<1x16xf32> to vector<16xf32>
          %mul3A_1017 = arith.constant 8.000000e+00 : f32
          %mul3A_1018 = vector.broadcast %mul3A_1017 : f32 to vector<16xf32>
          %mul3A_1019 = arith.mulf %get3A_1016, %mul3A_1018 : vector<16xf32>
          %get3A_1020 = arith.index_cast %add3A_953 : i32 to index
          %get3A_1021 = arith.constant 48 : index
          %get3A_1022 = tpu.vector_load %arg7[%get3A_1020, %get3A_1021] {strides = array<i32>} : memref<168x128xf32, #tpu.memory_space<vmem>>, vector<1x16xf32>,
          %get3A_1023 = vector.shape_cast %get3A_1022 : vector<1x16xf32> to vector<16xf32>
          %add3A_1024 = arith.addf %mul3A_1019, %get3A_1023 : vector<16xf32>
          %swap3A_1025 = arith.index_cast %add3A_946 : i32 to index
          %swap3A_1026 = arith.constant 48 : index
          %swap3A_1027 = tpu.vector_load %arg11[%swap3A_1025, %swap3A_1026] {strides = array<i32>} : memref<128x64xf32, #tpu.memory_space<vmem>>, vector<1x16xf32>,
          %swap3A_1028 = vector.shape_cast %swap3A_1027 : vector<1x16xf32> to vector<16xf32>
          %swap3A_1029 = vector.shape_cast %add3A_1024 : vector<16xf32> to vector<1x16xf32>
          tpu.vector_store %arg11[%swap3A_1025, %swap3A_1026], %swap3A_1029 {strides = array<i32>} : memref<128x64xf32, #tpu.memory_space<vmem>>, vector<1x16xf32>,
          %add3A_1030 = arith.constant 11 : i32
          %add3A_1031 = arith.addi %mul3A_89, %add3A_1030 : i32
          %slice3A_1032 = vector.extract_strided_slice %mul3A_97 {offsets = [11], sizes = [1], strides = [1]} : vector<16xi32> to vector<1xi32>
          %squeeze3A_1033 = vector.extract %slice3A_1032[0] : i32 from vector<1xi32>
          %mul3A_1034 = arith.constant 8 : i32
          %mul3A_1035 = arith.muli %scan3A_87, %mul3A_1034 : i32
          %add3A_1036 = arith.addi %shift_right_logical3A_73, %mul3A_1035 : i32
          %add3A_1037 = arith.constant 5 : i32
          %add3A_1038 = arith.addi %add3A_1036, %add3A_1037 : i32
          %add3A_1039 = arith.constant 0 : i32
          %add3A_1040 = arith.addi %squeeze3A_1033, %add3A_1039 : i32
          %get3A_1041 = arith.index_cast %add3A_1031 : i32 to index
          %get3A_1042 = arith.index_cast %add3A_1040 : i32 to index
          %get3A_1043 = tpu.vector_load %arg9[%get3A_1041, %get3A_1042] {strides = array<i32>} : memref<128x128xf32, #tpu.memory_space<vmem>>, vector<1x16xf32>,
          %get3A_1044 = vector.shape_cast %get3A_1043 : vector<1x16xf32> to vector<16xf32>
          %mul3A_1045 = arith.constant 8.000000e+00 : f32
          %mul3A_1046 = vector.broadcast %mul3A_1045 : f32 to vector<16xf32>
          %mul3A_1047 = arith.mulf %get3A_1044, %mul3A_1046 : vector<16xf32>
          %get3A_1048 = arith.index_cast %add3A_1038 : i32 to index
          %get3A_1049 = arith.constant 64 : index
          %get3A_1050 = tpu.vector_load %arg7[%get3A_1048, %get3A_1049] {strides = array<i32>} : memref<168x128xf32, #tpu.memory_space<vmem>>, vector<1x16xf32>,
          %get3A_1051 = vector.shape_cast %get3A_1050 : vector<1x16xf32> to vector<16xf32>
          %add3A_1052 = arith.addf %mul3A_1047, %get3A_1051 : vector<16xf32>
          %swap3A_1053 = arith.index_cast %add3A_1031 : i32 to index
          %swap3A_1054 = arith.constant 0 : index
          %swap3A_1055 = tpu.vector_load %arg11[%swap3A_1053, %swap3A_1054] {strides = array<i32>} : memref<128x64xf32, #tpu.memory_space<vmem>>, vector<1x16xf32>,
          %swap3A_1056 = vector.shape_cast %swap3A_1055 : vector<1x16xf32> to vector<16xf32>
          %swap3A_1057 = vector.shape_cast %add3A_1052 : vector<16xf32> to vector<1x16xf32>
          tpu.vector_store %arg11[%swap3A_1053, %swap3A_1054], %swap3A_1057 {strides = array<i32>} : memref<128x64xf32, #tpu.memory_space<vmem>>, vector<1x16xf32>,
          %add3A_1058 = arith.constant 16 : i32
          %add3A_1059 = arith.addi %squeeze3A_1033, %add3A_1058 : i32
          %get3A_1060 = arith.index_cast %add3A_1031 : i32 to index
          %get3A_1061 = arith.index_cast %add3A_1059 : i32 to index
          %get3A_1062 = tpu.vector_load %arg9[%get3A_1060, %get3A_1061] {strides = array<i32>} : memref<128x128xf32, #tpu.memory_space<vmem>>, vector<1x16xf32>,
          %get3A_1063 = vector.shape_cast %get3A_1062 : vector<1x16xf32> to vector<16xf32>
          %mul3A_1064 = arith.constant 8.000000e+00 : f32
          %mul3A_1065 = vector.broadcast %mul3A_1064 : f32 to vector<16xf32>
          %mul3A_1066 = arith.mulf %get3A_1063, %mul3A_1065 : vector<16xf32>
          %get3A_1067 = arith.index_cast %add3A_1038 : i32 to index
          %get3A_1068 = arith.constant 80 : index
          %get3A_1069 = tpu.vector_load %arg7[%get3A_1067, %get3A_1068] {strides = array<i32>} : memref<168x128xf32, #tpu.memory_space<vmem>>, vector<1x16xf32>,
          %get3A_1070 = vector.shape_cast %get3A_1069 : vector<1x16xf32> to vector<16xf32>
          %add3A_1071 = arith.addf %mul3A_1066, %get3A_1070 : vector<16xf32>
          %swap3A_1072 = arith.index_cast %add3A_1031 : i32 to index
          %swap3A_1073 = arith.constant 16 : index
          %swap3A_1074 = tpu.vector_load %arg11[%swap3A_1072, %swap3A_1073] {strides = array<i32>} : memref<128x64xf32, #tpu.memory_space<vmem>>, vector<1x16xf32>,
          %swap3A_1075 = vector.shape_cast %swap3A_1074 : vector<1x16xf32> to vector<16xf32>
          %swap3A_1076 = vector.shape_cast %add3A_1071 : vector<16xf32> to vector<1x16xf32>
          tpu.vector_store %arg11[%swap3A_1072, %swap3A_1073], %swap3A_1076 {strides = array<i32>} : memref<128x64xf32, #tpu.memory_space<vmem>>, vector<1x16xf32>,
          %add3A_1077 = arith.constant 32 : i32
          %add3A_1078 = arith.addi %squeeze3A_1033, %add3A_1077 : i32
          %get3A_1079 = arith.index_cast %add3A_1031 : i32 to index
          %get3A_1080 = arith.index_cast %add3A_1078 : i32 to index
          %get3A_1081 = tpu.vector_load %arg9[%get3A_1079, %get3A_1080] {strides = array<i32>} : memref<128x128xf32, #tpu.memory_space<vmem>>, vector<1x16xf32>,
          %get3A_1082 = vector.shape_cast %get3A_1081 : vector<1x16xf32> to vector<16xf32>
          %mul3A_1083 = arith.constant 8.000000e+00 : f32
          %mul3A_1084 = vector.broadcast %mul3A_1083 : f32 to vector<16xf32>
          %mul3A_1085 = arith.mulf %get3A_1082, %mul3A_1084 : vector<16xf32>
          %get3A_1086 = arith.index_cast %add3A_1038 : i32 to index
          %get3A_1087 = arith.constant 96 : index
          %get3A_1088 = tpu.vector_load %arg7[%get3A_1086, %get3A_1087] {strides = array<i32>} : memref<168x128xf32, #tpu.memory_space<vmem>>, vector<1x16xf32>,
          %get3A_1089 = vector.shape_cast %get3A_1088 : vector<1x16xf32> to vector<16xf32>
          %add3A_1090 = arith.addf %mul3A_1085, %get3A_1089 : vector<16xf32>
          %swap3A_1091 = arith.index_cast %add3A_1031 : i32 to index
          %swap3A_1092 = arith.constant 32 : index
          %swap3A_1093 = tpu.vector_load %arg11[%swap3A_1091, %swap3A_1092] {strides = array<i32>} : memref<128x64xf32, #tpu.memory_space<vmem>>, vector<1x16xf32>,
          %swap3A_1094 = vector.shape_cast %swap3A_1093 : vector<1x16xf32> to vector<16xf32>
          %swap3A_1095 = vector.shape_cast %add3A_1090 : vector<16xf32> to vector<1x16xf32>
          tpu.vector_store %arg11[%swap3A_1091, %swap3A_1092], %swap3A_1095 {strides = array<i32>} : memref<128x64xf32, #tpu.memory_space<vmem>>, vector<1x16xf32>,
          %add3A_1096 = arith.constant 48 : i32
          %add3A_1097 = arith.addi %squeeze3A_1033, %add3A_1096 : i32
          %get3A_1098 = arith.index_cast %add3A_1031 : i32 to index
          %get3A_1099 = arith.index_cast %add3A_1097 : i32 to index
          %get3A_1100 = tpu.vector_load %arg9[%get3A_1098, %get3A_1099] {strides = array<i32>} : memref<128x128xf32, #tpu.memory_space<vmem>>, vector<1x16xf32>,
          %get3A_1101 = vector.shape_cast %get3A_1100 : vector<1x16xf32> to vector<16xf32>
          %mul3A_1102 = arith.constant 8.000000e+00 : f32
          %mul3A_1103 = vector.broadcast %mul3A_1102 : f32 to vector<16xf32>
          %mul3A_1104 = arith.mulf %get3A_1101, %mul3A_1103 : vector<16xf32>
          %get3A_1105 = arith.index_cast %add3A_1038 : i32 to index
          %get3A_1106 = arith.constant 112 : index
          %get3A_1107 = tpu.vector_load %arg7[%get3A_1105, %get3A_1106] {strides = array<i32>} : memref<168x128xf32, #tpu.memory_space<vmem>>, vector<1x16xf32>,
          %get3A_1108 = vector.shape_cast %get3A_1107 : vector<1x16xf32> to vector<16xf32>
          %add3A_1109 = arith.addf %mul3A_1104, %get3A_1108 : vector<16xf32>
          %swap3A_1110 = arith.index_cast %add3A_1031 : i32 to index
          %swap3A_1111 = arith.constant 48 : index
          %swap3A_1112 = tpu.vector_load %arg11[%swap3A_1110, %swap3A_1111] {strides = array<i32>} : memref<128x64xf32, #tpu.memory_space<vmem>>, vector<1x16xf32>,
          %swap3A_1113 = vector.shape_cast %swap3A_1112 : vector<1x16xf32> to vector<16xf32>
          %swap3A_1114 = vector.shape_cast %add3A_1109 : vector<16xf32> to vector<1x16xf32>
          tpu.vector_store %arg11[%swap3A_1110, %swap3A_1111], %swap3A_1114 {strides = array<i32>} : memref<128x64xf32, #tpu.memory_space<vmem>>, vector<1x16xf32>,
          %add3A_1115 = arith.constant 12 : i32
          %add3A_1116 = arith.addi %mul3A_89, %add3A_1115 : i32
          %slice3A_1117 = vector.extract_strided_slice %mul3A_97 {offsets = [12], sizes = [1], strides = [1]} : vector<16xi32> to vector<1xi32>
          %squeeze3A_1118 = vector.extract %slice3A_1117[0] : i32 from vector<1xi32>
          %mul3A_1119 = arith.constant 8 : i32
          %mul3A_1120 = arith.muli %scan3A_87, %mul3A_1119 : i32
          %add3A_1121 = arith.addi %shift_right_logical3A_73, %mul3A_1120 : i32
          %add3A_1122 = arith.constant 6 : i32
          %add3A_1123 = arith.addi %add3A_1121, %add3A_1122 : i32
          %add3A_1124 = arith.constant 0 : i32
          %add3A_1125 = arith.addi %squeeze3A_1118, %add3A_1124 : i32
          %get3A_1126 = arith.index_cast %add3A_1116 : i32 to index
          %get3A_1127 = arith.index_cast %add3A_1125 : i32 to index
          %get3A_1128 = tpu.vector_load %arg9[%get3A_1126, %get3A_1127] {strides = array<i32>} : memref<128x128xf32, #tpu.memory_space<vmem>>, vector<1x16xf32>,
          %get3A_1129 = vector.shape_cast %get3A_1128 : vector<1x16xf32> to vector<16xf32>
          %mul3A_1130 = arith.constant 8.000000e+00 : f32
          %mul3A_1131 = vector.broadcast %mul3A_1130 : f32 to vector<16xf32>
          %mul3A_1132 = arith.mulf %get3A_1129, %mul3A_1131 : vector<16xf32>
          %get3A_1133 = arith.index_cast %add3A_1123 : i32 to index
          %get3A_1134 = arith.constant 0 : index
          %get3A_1135 = tpu.vector_load %arg7[%get3A_1133, %get3A_1134] {strides = array<i32>} : memref<168x128xf32, #tpu.memory_space<vmem>>, vector<1x16xf32>,
          %get3A_1136 = vector.shape_cast %get3A_1135 : vector<1x16xf32> to vector<16xf32>
          %add3A_1137 = arith.addf %mul3A_1132, %get3A_1136 : vector<16xf32>
          %swap3A_1138 = arith.index_cast %add3A_1116 : i32 to index
          %swap3A_1139 = arith.constant 0 : index
          %swap3A_1140 = tpu.vector_load %arg11[%swap3A_1138, %swap3A_1139] {strides = array<i32>} : memref<128x64xf32, #tpu.memory_space<vmem>>, vector<1x16xf32>,
          %swap3A_1141 = vector.shape_cast %swap3A_1140 : vector<1x16xf32> to vector<16xf32>
          %swap3A_1142 = vector.shape_cast %add3A_1137 : vector<16xf32> to vector<1x16xf32>
          tpu.vector_store %arg11[%swap3A_1138, %swap3A_1139], %swap3A_1142 {strides = array<i32>} : memref<128x64xf32, #tpu.memory_space<vmem>>, vector<1x16xf32>,
          %add3A_1143 = arith.constant 16 : i32
          %add3A_1144 = arith.addi %squeeze3A_1118, %add3A_1143 : i32
          %get3A_1145 = arith.index_cast %add3A_1116 : i32 to index
          %get3A_1146 = arith.index_cast %add3A_1144 : i32 to index
          %get3A_1147 = tpu.vector_load %arg9[%get3A_1145, %get3A_1146] {strides = array<i32>} : memref<128x128xf32, #tpu.memory_space<vmem>>, vector<1x16xf32>,
          %get3A_1148 = vector.shape_cast %get3A_1147 : vector<1x16xf32> to vector<16xf32>
          %mul3A_1149 = arith.constant 8.000000e+00 : f32
          %mul3A_1150 = vector.broadcast %mul3A_1149 : f32 to vector<16xf32>
          %mul3A_1151 = arith.mulf %get3A_1148, %mul3A_1150 : vector<16xf32>
          %get3A_1152 = arith.index_cast %add3A_1123 : i32 to index
          %get3A_1153 = arith.constant 16 : index
          %get3A_1154 = tpu.vector_load %arg7[%get3A_1152, %get3A_1153] {strides = array<i32>} : memref<168x128xf32, #tpu.memory_space<vmem>>, vector<1x16xf32>,
          %get3A_1155 = vector.shape_cast %get3A_1154 : vector<1x16xf32> to vector<16xf32>
          %add3A_1156 = arith.addf %mul3A_1151, %get3A_1155 : vector<16xf32>
          %swap3A_1157 = arith.index_cast %add3A_1116 : i32 to index
          %swap3A_1158 = arith.constant 16 : index
          %swap3A_1159 = tpu.vector_load %arg11[%swap3A_1157, %swap3A_1158] {strides = array<i32>} : memref<128x64xf32, #tpu.memory_space<vmem>>, vector<1x16xf32>,
          %swap3A_1160 = vector.shape_cast %swap3A_1159 : vector<1x16xf32> to vector<16xf32>
          %swap3A_1161 = vector.shape_cast %add3A_1156 : vector<16xf32> to vector<1x16xf32>
          tpu.vector_store %arg11[%swap3A_1157, %swap3A_1158], %swap3A_1161 {strides = array<i32>} : memref<128x64xf32, #tpu.memory_space<vmem>>, vector<1x16xf32>,
          %add3A_1162 = arith.constant 32 : i32
          %add3A_1163 = arith.addi %squeeze3A_1118, %add3A_1162 : i32
          %get3A_1164 = arith.index_cast %add3A_1116 : i32 to index
          %get3A_1165 = arith.index_cast %add3A_1163 : i32 to index
          %get3A_1166 = tpu.vector_load %arg9[%get3A_1164, %get3A_1165] {strides = array<i32>} : memref<128x128xf32, #tpu.memory_space<vmem>>, vector<1x16xf32>,
          %get3A_1167 = vector.shape_cast %get3A_1166 : vector<1x16xf32> to vector<16xf32>
          %mul3A_1168 = arith.constant 8.000000e+00 : f32
          %mul3A_1169 = vector.broadcast %mul3A_1168 : f32 to vector<16xf32>
          %mul3A_1170 = arith.mulf %get3A_1167, %mul3A_1169 : vector<16xf32>
          %get3A_1171 = arith.index_cast %add3A_1123 : i32 to index
          %get3A_1172 = arith.constant 32 : index
          %get3A_1173 = tpu.vector_load %arg7[%get3A_1171, %get3A_1172] {strides = array<i32>} : memref<168x128xf32, #tpu.memory_space<vmem>>, vector<1x16xf32>,
          %get3A_1174 = vector.shape_cast %get3A_1173 : vector<1x16xf32> to vector<16xf32>
          %add3A_1175 = arith.addf %mul3A_1170, %get3A_1174 : vector<16xf32>
          %swap3A_1176 = arith.index_cast %add3A_1116 : i32 to index
          %swap3A_1177 = arith.constant 32 : index
          %swap3A_1178 = tpu.vector_load %arg11[%swap3A_1176, %swap3A_1177] {strides = array<i32>} : memref<128x64xf32, #tpu.memory_space<vmem>>, vector<1x16xf32>,
          %swap3A_1179 = vector.shape_cast %swap3A_1178 : vector<1x16xf32> to vector<16xf32>
          %swap3A_1180 = vector.shape_cast %add3A_1175 : vector<16xf32> to vector<1x16xf32>
          tpu.vector_store %arg11[%swap3A_1176, %swap3A_1177], %swap3A_1180 {strides = array<i32>} : memref<128x64xf32, #tpu.memory_space<vmem>>, vector<1x16xf32>,
          %add3A_1181 = arith.constant 48 : i32
          %add3A_1182 = arith.addi %squeeze3A_1118, %add3A_1181 : i32
          %get3A_1183 = arith.index_cast %add3A_1116 : i32 to index
          %get3A_1184 = arith.index_cast %add3A_1182 : i32 to index
          %get3A_1185 = tpu.vector_load %arg9[%get3A_1183, %get3A_1184] {strides = array<i32>} : memref<128x128xf32, #tpu.memory_space<vmem>>, vector<1x16xf32>,
          %get3A_1186 = vector.shape_cast %get3A_1185 : vector<1x16xf32> to vector<16xf32>
          %mul3A_1187 = arith.constant 8.000000e+00 : f32
          %mul3A_1188 = vector.broadcast %mul3A_1187 : f32 to vector<16xf32>
          %mul3A_1189 = arith.mulf %get3A_1186, %mul3A_1188 : vector<16xf32>
          %get3A_1190 = arith.index_cast %add3A_1123 : i32 to index
          %get3A_1191 = arith.constant 48 : index
          %get3A_1192 = tpu.vector_load %arg7[%get3A_1190, %get3A_1191] {strides = array<i32>} : memref<168x128xf32, #tpu.memory_space<vmem>>, vector<1x16xf32>,
          %get3A_1193 = vector.shape_cast %get3A_1192 : vector<1x16xf32> to vector<16xf32>
          %add3A_1194 = arith.addf %mul3A_1189, %get3A_1193 : vector<16xf32>
          %swap3A_1195 = arith.index_cast %add3A_1116 : i32 to index
          %swap3A_1196 = arith.constant 48 : index
          %swap3A_1197 = tpu.vector_load %arg11[%swap3A_1195, %swap3A_1196] {strides = array<i32>} : memref<128x64xf32, #tpu.memory_space<vmem>>, vector<1x16xf32>,
          %swap3A_1198 = vector.shape_cast %swap3A_1197 : vector<1x16xf32> to vector<16xf32>
          %swap3A_1199 = vector.shape_cast %add3A_1194 : vector<16xf32> to vector<1x16xf32>
          tpu.vector_store %arg11[%swap3A_1195, %swap3A_1196], %swap3A_1199 {strides = array<i32>} : memref<128x64xf32, #tpu.memory_space<vmem>>, vector<1x16xf32>,
          %add3A_1200 = arith.constant 13 : i32
          %add3A_1201 = arith.addi %mul3A_89, %add3A_1200 : i32
          %slice3A_1202 = vector.extract_strided_slice %mul3A_97 {offsets = [13], sizes = [1], strides = [1]} : vector<16xi32> to vector<1xi32>
          %squeeze3A_1203 = vector.extract %slice3A_1202[0] : i32 from vector<1xi32>
          %mul3A_1204 = arith.constant 8 : i32
          %mul3A_1205 = arith.muli %scan3A_87, %mul3A_1204 : i32
          %add3A_1206 = arith.addi %shift_right_logical3A_73, %mul3A_1205 : i32
          %add3A_1207 = arith.constant 6 : i32
          %add3A_1208 = arith.addi %add3A_1206, %add3A_1207 : i32
          %add3A_1209 = arith.constant 0 : i32
          %add3A_1210 = arith.addi %squeeze3A_1203, %add3A_1209 : i32
          %get3A_1211 = arith.index_cast %add3A_1201 : i32 to index
          %get3A_1212 = arith.index_cast %add3A_1210 : i32 to index
          %get3A_1213 = tpu.vector_load %arg9[%get3A_1211, %get3A_1212] {strides = array<i32>} : memref<128x128xf32, #tpu.memory_space<vmem>>, vector<1x16xf32>,
          %get3A_1214 = vector.shape_cast %get3A_1213 : vector<1x16xf32> to vector<16xf32>
          %mul3A_1215 = arith.constant 8.000000e+00 : f32
          %mul3A_1216 = vector.broadcast %mul3A_1215 : f32 to vector<16xf32>
          %mul3A_1217 = arith.mulf %get3A_1214, %mul3A_1216 : vector<16xf32>
          %get3A_1218 = arith.index_cast %add3A_1208 : i32 to index
          %get3A_1219 = arith.constant 64 : index
          %get3A_1220 = tpu.vector_load %arg7[%get3A_1218, %get3A_1219] {strides = array<i32>} : memref<168x128xf32, #tpu.memory_space<vmem>>, vector<1x16xf32>,
          %get3A_1221 = vector.shape_cast %get3A_1220 : vector<1x16xf32> to vector<16xf32>
          %add3A_1222 = arith.addf %mul3A_1217, %get3A_1221 : vector<16xf32>
          %swap3A_1223 = arith.index_cast %add3A_1201 : i32 to index
          %swap3A_1224 = arith.constant 0 : index
          %swap3A_1225 = tpu.vector_load %arg11[%swap3A_1223, %swap3A_1224] {strides = array<i32>} : memref<128x64xf32, #tpu.memory_space<vmem>>, vector<1x16xf32>,
          %swap3A_1226 = vector.shape_cast %swap3A_1225 : vector<1x16xf32> to vector<16xf32>
          %swap3A_1227 = vector.shape_cast %add3A_1222 : vector<16xf32> to vector<1x16xf32>
          tpu.vector_store %arg11[%swap3A_1223, %swap3A_1224], %swap3A_1227 {strides = array<i32>} : memref<128x64xf32, #tpu.memory_space<vmem>>, vector<1x16xf32>,
          %add3A_1228 = arith.constant 16 : i32
          %add3A_1229 = arith.addi %squeeze3A_1203, %add3A_1228 : i32
          %get3A_1230 = arith.index_cast %add3A_1201 : i32 to index
          %get3A_1231 = arith.index_cast %add3A_1229 : i32 to index
          %get3A_1232 = tpu.vector_load %arg9[%get3A_1230, %get3A_1231] {strides = array<i32>} : memref<128x128xf32, #tpu.memory_space<vmem>>, vector<1x16xf32>,
          %get3A_1233 = vector.shape_cast %get3A_1232 : vector<1x16xf32> to vector<16xf32>
          %mul3A_1234 = arith.constant 8.000000e+00 : f32
          %mul3A_1235 = vector.broadcast %mul3A_1234 : f32 to vector<16xf32>
          %mul3A_1236 = arith.mulf %get3A_1233, %mul3A_1235 : vector<16xf32>
          %get3A_1237 = arith.index_cast %add3A_1208 : i32 to index
          %get3A_1238 = arith.constant 80 : index
          %get3A_1239 = tpu.vector_load %arg7[%get3A_1237, %get3A_1238] {strides = array<i32>} : memref<168x128xf32, #tpu.memory_space<vmem>>, vector<1x16xf32>,
          %get3A_1240 = vector.shape_cast %get3A_1239 : vector<1x16xf32> to vector<16xf32>
          %add3A_1241 = arith.addf %mul3A_1236, %get3A_1240 : vector<16xf32>
          %swap3A_1242 = arith.index_cast %add3A_1201 : i32 to index
          %swap3A_1243 = arith.constant 16 : index
          %swap3A_1244 = tpu.vector_load %arg11[%swap3A_1242, %swap3A_1243] {strides = array<i32>} : memref<128x64xf32, #tpu.memory_space<vmem>>, vector<1x16xf32>,
          %swap3A_1245 = vector.shape_cast %swap3A_1244 : vector<1x16xf32> to vector<16xf32>
          %swap3A_1246 = vector.shape_cast %add3A_1241 : vector<16xf32> to vector<1x16xf32>
          tpu.vector_store %arg11[%swap3A_1242, %swap3A_1243], %swap3A_1246 {strides = array<i32>} : memref<128x64xf32, #tpu.memory_space<vmem>>, vector<1x16xf32>,
          %add3A_1247 = arith.constant 32 : i32
          %add3A_1248 = arith.addi %squeeze3A_1203, %add3A_1247 : i32
          %get3A_1249 = arith.index_cast %add3A_1201 : i32 to index
          %get3A_1250 = arith.index_cast %add3A_1248 : i32 to index
          %get3A_1251 = tpu.vector_load %arg9[%get3A_1249, %get3A_1250] {strides = array<i32>} : memref<128x128xf32, #tpu.memory_space<vmem>>, vector<1x16xf32>,
          %get3A_1252 = vector.shape_cast %get3A_1251 : vector<1x16xf32> to vector<16xf32>
          %mul3A_1253 = arith.constant 8.000000e+00 : f32
          %mul3A_1254 = vector.broadcast %mul3A_1253 : f32 to vector<16xf32>
          %mul3A_1255 = arith.mulf %get3A_1252, %mul3A_1254 : vector<16xf32>
          %get3A_1256 = arith.index_cast %add3A_1208 : i32 to index
          %get3A_1257 = arith.constant 96 : index
          %get3A_1258 = tpu.vector_load %arg7[%get3A_1256, %get3A_1257] {strides = array<i32>} : memref<168x128xf32, #tpu.memory_space<vmem>>, vector<1x16xf32>,
          %get3A_1259 = vector.shape_cast %get3A_1258 : vector<1x16xf32> to vector<16xf32>
          %add3A_1260 = arith.addf %mul3A_1255, %get3A_1259 : vector<16xf32>
          %swap3A_1261 = arith.index_cast %add3A_1201 : i32 to index
          %swap3A_1262 = arith.constant 32 : index
          %swap3A_1263 = tpu.vector_load %arg11[%swap3A_1261, %swap3A_1262] {strides = array<i32>} : memref<128x64xf32, #tpu.memory_space<vmem>>, vector<1x16xf32>,
          %swap3A_1264 = vector.shape_cast %swap3A_1263 : vector<1x16xf32> to vector<16xf32>
          %swap3A_1265 = vector.shape_cast %add3A_1260 : vector<16xf32> to vector<1x16xf32>
          tpu.vector_store %arg11[%swap3A_1261, %swap3A_1262], %swap3A_1265 {strides = array<i32>} : memref<128x64xf32, #tpu.memory_space<vmem>>, vector<1x16xf32>,
          %add3A_1266 = arith.constant 48 : i32
          %add3A_1267 = arith.addi %squeeze3A_1203, %add3A_1266 : i32
          %get3A_1268 = arith.index_cast %add3A_1201 : i32 to index
          %get3A_1269 = arith.index_cast %add3A_1267 : i32 to index
          %get3A_1270 = tpu.vector_load %arg9[%get3A_1268, %get3A_1269] {strides = array<i32>} : memref<128x128xf32, #tpu.memory_space<vmem>>, vector<1x16xf32>,
          %get3A_1271 = vector.shape_cast %get3A_1270 : vector<1x16xf32> to vector<16xf32>
          %mul3A_1272 = arith.constant 8.000000e+00 : f32
          %mul3A_1273 = vector.broadcast %mul3A_1272 : f32 to vector<16xf32>
          %mul3A_1274 = arith.mulf %get3A_1271, %mul3A_1273 : vector<16xf32>
          %get3A_1275 = arith.index_cast %add3A_1208 : i32 to index
          %get3A_1276 = arith.constant 112 : index
          %get3A_1277 = tpu.vector_load %arg7[%get3A_1275, %get3A_1276] {strides = array<i32>} : memref<168x128xf32, #tpu.memory_space<vmem>>, vector<1x16xf32>,
          %get3A_1278 = vector.shape_cast %get3A_1277 : vector<1x16xf32> to vector<16xf32>
          %add3A_1279 = arith.addf %mul3A_1274, %get3A_1278 : vector<16xf32>
          %swap3A_1280 = arith.index_cast %add3A_1201 : i32 to index
          %swap3A_1281 = arith.constant 48 : index
          %swap3A_1282 = tpu.vector_load %arg11[%swap3A_1280, %swap3A_1281] {strides = array<i32>} : memref<128x64xf32, #tpu.memory_space<vmem>>, vector<1x16xf32>,
          %swap3A_1283 = vector.shape_cast %swap3A_1282 : vector<1x16xf32> to vector<16xf32>
          %swap3A_1284 = vector.shape_cast %add3A_1279 : vector<16xf32> to vector<1x16xf32>
          tpu.vector_store %arg11[%swap3A_1280, %swap3A_1281], %swap3A_1284 {strides = array<i32>} : memref<128x64xf32, #tpu.memory_space<vmem>>, vector<1x16xf32>,
          %add3A_1285 = arith.constant 14 : i32
          %add3A_1286 = arith.addi %mul3A_89, %add3A_1285 : i32
          %slice3A_1287 = vector.extract_strided_slice %mul3A_97 {offsets = [14], sizes = [1], strides = [1]} : vector<16xi32> to vector<1xi32>
          %squeeze3A_1288 = vector.extract %slice3A_1287[0] : i32 from vector<1xi32>
          %mul3A_1289 = arith.constant 8 : i32
          %mul3A_1290 = arith.muli %scan3A_87, %mul3A_1289 : i32
          %add3A_1291 = arith.addi %shift_right_logical3A_73, %mul3A_1290 : i32
          %add3A_1292 = arith.constant 7 : i32
          %add3A_1293 = arith.addi %add3A_1291, %add3A_1292 : i32
          %add3A_1294 = arith.constant 0 : i32
          %add3A_1295 = arith.addi %squeeze3A_1288, %add3A_1294 : i32
          %get3A_1296 = arith.index_cast %add3A_1286 : i32 to index
          %get3A_1297 = arith.index_cast %add3A_1295 : i32 to index
          %get3A_1298 = tpu.vector_load %arg9[%get3A_1296, %get3A_1297] {strides = array<i32>} : memref<128x128xf32, #tpu.memory_space<vmem>>, vector<1x16xf32>,
          %get3A_1299 = vector.shape_cast %get3A_1298 : vector<1x16xf32> to vector<16xf32>
          %mul3A_1300 = arith.constant 8.000000e+00 : f32
          %mul3A_1301 = vector.broadcast %mul3A_1300 : f32 to vector<16xf32>
          %mul3A_1302 = arith.mulf %get3A_1299, %mul3A_1301 : vector<16xf32>
          %get3A_1303 = arith.index_cast %add3A_1293 : i32 to index
          %get3A_1304 = arith.constant 0 : index
          %get3A_1305 = tpu.vector_load %arg7[%get3A_1303, %get3A_1304] {strides = array<i32>} : memref<168x128xf32, #tpu.memory_space<vmem>>, vector<1x16xf32>,
          %get3A_1306 = vector.shape_cast %get3A_1305 : vector<1x16xf32> to vector<16xf32>
          %add3A_1307 = arith.addf %mul3A_1302, %get3A_1306 : vector<16xf32>
          %swap3A_1308 = arith.index_cast %add3A_1286 : i32 to index
          %swap3A_1309 = arith.constant 0 : index
          %swap3A_1310 = tpu.vector_load %arg11[%swap3A_1308, %swap3A_1309] {strides = array<i32>} : memref<128x64xf32, #tpu.memory_space<vmem>>, vector<1x16xf32>,
          %swap3A_1311 = vector.shape_cast %swap3A_1310 : vector<1x16xf32> to vector<16xf32>
          %swap3A_1312 = vector.shape_cast %add3A_1307 : vector<16xf32> to vector<1x16xf32>
          tpu.vector_store %arg11[%swap3A_1308, %swap3A_1309], %swap3A_1312 {strides = array<i32>} : memref<128x64xf32, #tpu.memory_space<vmem>>, vector<1x16xf32>,
          %add3A_1313 = arith.constant 16 : i32
          %add3A_1314 = arith.addi %squeeze3A_1288, %add3A_1313 : i32
          %get3A_1315 = arith.index_cast %add3A_1286 : i32 to index
          %get3A_1316 = arith.index_cast %add3A_1314 : i32 to index
          %get3A_1317 = tpu.vector_load %arg9[%get3A_1315, %get3A_1316] {strides = array<i32>} : memref<128x128xf32, #tpu.memory_space<vmem>>, vector<1x16xf32>,
          %get3A_1318 = vector.shape_cast %get3A_1317 : vector<1x16xf32> to vector<16xf32>
          %mul3A_1319 = arith.constant 8.000000e+00 : f32
          %mul3A_1320 = vector.broadcast %mul3A_1319 : f32 to vector<16xf32>
          %mul3A_1321 = arith.mulf %get3A_1318, %mul3A_1320 : vector<16xf32>
          %get3A_1322 = arith.index_cast %add3A_1293 : i32 to index
          %get3A_1323 = arith.constant 16 : index
          %get3A_1324 = tpu.vector_load %arg7[%get3A_1322, %get3A_1323] {strides = array<i32>} : memref<168x128xf32, #tpu.memory_space<vmem>>, vector<1x16xf32>,
          %get3A_1325 = vector.shape_cast %get3A_1324 : vector<1x16xf32> to vector<16xf32>
          %add3A_1326 = arith.addf %mul3A_1321, %get3A_1325 : vector<16xf32>
          %swap3A_1327 = arith.index_cast %add3A_1286 : i32 to index
          %swap3A_1328 = arith.constant 16 : index
          %swap3A_1329 = tpu.vector_load %arg11[%swap3A_1327, %swap3A_1328] {strides = array<i32>} : memref<128x64xf32, #tpu.memory_space<vmem>>, vector<1x16xf32>,
          %swap3A_1330 = vector.shape_cast %swap3A_1329 : vector<1x16xf32> to vector<16xf32>
          %swap3A_1331 = vector.shape_cast %add3A_1326 : vector<16xf32> to vector<1x16xf32>
          tpu.vector_store %arg11[%swap3A_1327, %swap3A_1328], %swap3A_1331 {strides = array<i32>} : memref<128x64xf32, #tpu.memory_space<vmem>>, vector<1x16xf32>,
          %add3A_1332 = arith.constant 32 : i32
          %add3A_1333 = arith.addi %squeeze3A_1288, %add3A_1332 : i32
          %get3A_1334 = arith.index_cast %add3A_1286 : i32 to index
          %get3A_1335 = arith.index_cast %add3A_1333 : i32 to index
          %get3A_1336 = tpu.vector_load %arg9[%get3A_1334, %get3A_1335] {strides = array<i32>} : memref<128x128xf32, #tpu.memory_space<vmem>>, vector<1x16xf32>,
          %get3A_1337 = vector.shape_cast %get3A_1336 : vector<1x16xf32> to vector<16xf32>
          %mul3A_1338 = arith.constant 8.000000e+00 : f32
          %mul3A_1339 = vector.broadcast %mul3A_1338 : f32 to vector<16xf32>
          %mul3A_1340 = arith.mulf %get3A_1337, %mul3A_1339 : vector<16xf32>
          %get3A_1341 = arith.index_cast %add3A_1293 : i32 to index
          %get3A_1342 = arith.constant 32 : index
          %get3A_1343 = tpu.vector_load %arg7[%get3A_1341, %get3A_1342] {strides = array<i32>} : memref<168x128xf32, #tpu.memory_space<vmem>>, vector<1x16xf32>,
          %get3A_1344 = vector.shape_cast %get3A_1343 : vector<1x16xf32> to vector<16xf32>
          %add3A_1345 = arith.addf %mul3A_1340, %get3A_1344 : vector<16xf32>
          %swap3A_1346 = arith.index_cast %add3A_1286 : i32 to index
          %swap3A_1347 = arith.constant 32 : index
          %swap3A_1348 = tpu.vector_load %arg11[%swap3A_1346, %swap3A_1347] {strides = array<i32>} : memref<128x64xf32, #tpu.memory_space<vmem>>, vector<1x16xf32>,
          %swap3A_1349 = vector.shape_cast %swap3A_1348 : vector<1x16xf32> to vector<16xf32>
          %swap3A_1350 = vector.shape_cast %add3A_1345 : vector<16xf32> to vector<1x16xf32>
          tpu.vector_store %arg11[%swap3A_1346, %swap3A_1347], %swap3A_1350 {strides = array<i32>} : memref<128x64xf32, #tpu.memory_space<vmem>>, vector<1x16xf32>,
          %add3A_1351 = arith.constant 48 : i32
          %add3A_1352 = arith.addi %squeeze3A_1288, %add3A_1351 : i32
          %get3A_1353 = arith.index_cast %add3A_1286 : i32 to index
          %get3A_1354 = arith.index_cast %add3A_1352 : i32 to index
          %get3A_1355 = tpu.vector_load %arg9[%get3A_1353, %get3A_1354] {strides = array<i32>} : memref<128x128xf32, #tpu.memory_space<vmem>>, vector<1x16xf32>,
          %get3A_1356 = vector.shape_cast %get3A_1355 : vector<1x16xf32> to vector<16xf32>
          %mul3A_1357 = arith.constant 8.000000e+00 : f32
          %mul3A_1358 = vector.broadcast %mul3A_1357 : f32 to vector<16xf32>
          %mul3A_1359 = arith.mulf %get3A_1356, %mul3A_1358 : vector<16xf32>
          %get3A_1360 = arith.index_cast %add3A_1293 : i32 to index
          %get3A_1361 = arith.constant 48 : index
          %get3A_1362 = tpu.vector_load %arg7[%get3A_1360, %get3A_1361] {strides = array<i32>} : memref<168x128xf32, #tpu.memory_space<vmem>>, vector<1x16xf32>,
          %get3A_1363 = vector.shape_cast %get3A_1362 : vector<1x16xf32> to vector<16xf32>
          %add3A_1364 = arith.addf %mul3A_1359, %get3A_1363 : vector<16xf32>
          %swap3A_1365 = arith.index_cast %add3A_1286 : i32 to index
          %swap3A_1366 = arith.constant 48 : index
          %swap3A_1367 = tpu.vector_load %arg11[%swap3A_1365, %swap3A_1366] {strides = array<i32>} : memref<128x64xf32, #tpu.memory_space<vmem>>, vector<1x16xf32>,
          %swap3A_1368 = vector.shape_cast %swap3A_1367 : vector<1x16xf32> to vector<16xf32>
          %swap3A_1369 = vector.shape_cast %add3A_1364 : vector<16xf32> to vector<1x16xf32>
          tpu.vector_store %arg11[%swap3A_1365, %swap3A_1366], %swap3A_1369 {strides = array<i32>} : memref<128x64xf32, #tpu.memory_space<vmem>>, vector<1x16xf32>,
          %add3A_1370 = arith.constant 15 : i32
          %add3A_1371 = arith.addi %mul3A_89, %add3A_1370 : i32
          %slice3A_1372 = vector.extract_strided_slice %mul3A_97 {offsets = [15], sizes = [1], strides = [1]} : vector<16xi32> to vector<1xi32>
          %squeeze3A_1373 = vector.extract %slice3A_1372[0] : i32 from vector<1xi32>
          %mul3A_1374 = arith.constant 8 : i32
          %mul3A_1375 = arith.muli %scan3A_87, %mul3A_1374 : i32
          %add3A_1376 = arith.addi %shift_right_logical3A_73, %mul3A_1375 : i32
          %add3A_1377 = arith.constant 7 : i32
          %add3A_1378 = arith.addi %add3A_1376, %add3A_1377 : i32
          %add3A_1379 = arith.constant 0 : i32
          %add3A_1380 = arith.addi %squeeze3A_1373, %add3A_1379 : i32
          %get3A_1381 = arith.index_cast %add3A_1371 : i32 to index
          %get3A_1382 = arith.index_cast %add3A_1380 : i32 to index
          %get3A_1383 = tpu.vector_load %arg9[%get3A_1381, %get3A_1382] {strides = array<i32>} : memref<128x128xf32, #tpu.memory_space<vmem>>, vector<1x16xf32>,
          %get3A_1384 = vector.shape_cast %get3A_1383 : vector<1x16xf32> to vector<16xf32>
          %mul3A_1385 = arith.constant 8.000000e+00 : f32
          %mul3A_1386 = vector.broadcast %mul3A_1385 : f32 to vector<16xf32>
          %mul3A_1387 = arith.mulf %get3A_1384, %mul3A_1386 : vector<16xf32>
          %get3A_1388 = arith.index_cast %add3A_1378 : i32 to index
          %get3A_1389 = arith.constant 64 : index
          %get3A_1390 = tpu.vector_load %arg7[%get3A_1388, %get3A_1389] {strides = array<i32>} : memref<168x128xf32, #tpu.memory_space<vmem>>, vector<1x16xf32>,
          %get3A_1391 = vector.shape_cast %get3A_1390 : vector<1x16xf32> to vector<16xf32>
          %add3A_1392 = arith.addf %mul3A_1387, %get3A_1391 : vector<16xf32>
          %swap3A_1393 = arith.index_cast %add3A_1371 : i32 to index
          %swap3A_1394 = arith.constant 0 : index
          %swap3A_1395 = tpu.vector_load %arg11[%swap3A_1393, %swap3A_1394] {strides = array<i32>} : memref<128x64xf32, #tpu.memory_space<vmem>>, vector<1x16xf32>,
          %swap3A_1396 = vector.shape_cast %swap3A_1395 : vector<1x16xf32> to vector<16xf32>
          %swap3A_1397 = vector.shape_cast %add3A_1392 : vector<16xf32> to vector<1x16xf32>
          tpu.vector_store %arg11[%swap3A_1393, %swap3A_1394], %swap3A_1397 {strides = array<i32>} : memref<128x64xf32, #tpu.memory_space<vmem>>, vector<1x16xf32>,
          %add3A_1398 = arith.constant 16 : i32
          %add3A_1399 = arith.addi %squeeze3A_1373, %add3A_1398 : i32
          %get3A_1400 = arith.index_cast %add3A_1371 : i32 to index
          %get3A_1401 = arith.index_cast %add3A_1399 : i32 to index
          %get3A_1402 = tpu.vector_load %arg9[%get3A_1400, %get3A_1401] {strides = array<i32>} : memref<128x128xf32, #tpu.memory_space<vmem>>, vector<1x16xf32>,
          %get3A_1403 = vector.shape_cast %get3A_1402 : vector<1x16xf32> to vector<16xf32>
          %mul3A_1404 = arith.constant 8.000000e+00 : f32
          %mul3A_1405 = vector.broadcast %mul3A_1404 : f32 to vector<16xf32>
          %mul3A_1406 = arith.mulf %get3A_1403, %mul3A_1405 : vector<16xf32>
          %get3A_1407 = arith.index_cast %add3A_1378 : i32 to index
          %get3A_1408 = arith.constant 80 : index
          %get3A_1409 = tpu.vector_load %arg7[%get3A_1407, %get3A_1408] {strides = array<i32>} : memref<168x128xf32, #tpu.memory_space<vmem>>, vector<1x16xf32>,
          %get3A_1410 = vector.shape_cast %get3A_1409 : vector<1x16xf32> to vector<16xf32>
          %add3A_1411 = arith.addf %mul3A_1406, %get3A_1410 : vector<16xf32>
          %swap3A_1412 = arith.index_cast %add3A_1371 : i32 to index
          %swap3A_1413 = arith.constant 16 : index
          %swap3A_1414 = tpu.vector_load %arg11[%swap3A_1412, %swap3A_1413] {strides = array<i32>} : memref<128x64xf32, #tpu.memory_space<vmem>>, vector<1x16xf32>,
          %swap3A_1415 = vector.shape_cast %swap3A_1414 : vector<1x16xf32> to vector<16xf32>
          %swap3A_1416 = vector.shape_cast %add3A_1411 : vector<16xf32> to vector<1x16xf32>
          tpu.vector_store %arg11[%swap3A_1412, %swap3A_1413], %swap3A_1416 {strides = array<i32>} : memref<128x64xf32, #tpu.memory_space<vmem>>, vector<1x16xf32>,
          %add3A_1417 = arith.constant 32 : i32
          %add3A_1418 = arith.addi %squeeze3A_1373, %add3A_1417 : i32
          %get3A_1419 = arith.index_cast %add3A_1371 : i32 to index
          %get3A_1420 = arith.index_cast %add3A_1418 : i32 to index
          %get3A_1421 = tpu.vector_load %arg9[%get3A_1419, %get3A_1420] {strides = array<i32>} : memref<128x128xf32, #tpu.memory_space<vmem>>, vector<1x16xf32>,
          %get3A_1422 = vector.shape_cast %get3A_1421 : vector<1x16xf32> to vector<16xf32>
          %mul3A_1423 = arith.constant 8.000000e+00 : f32
          %mul3A_1424 = vector.broadcast %mul3A_1423 : f32 to vector<16xf32>
          %mul3A_1425 = arith.mulf %get3A_1422, %mul3A_1424 : vector<16xf32>
          %get3A_1426 = arith.index_cast %add3A_1378 : i32 to index
          %get3A_1427 = arith.constant 96 : index
          %get3A_1428 = tpu.vector_load %arg7[%get3A_1426, %get3A_1427] {strides = array<i32>} : memref<168x128xf32, #tpu.memory_space<vmem>>, vector<1x16xf32>,
          %get3A_1429 = vector.shape_cast %get3A_1428 : vector<1x16xf32> to vector<16xf32>
          %add3A_1430 = arith.addf %mul3A_1425, %get3A_1429 : vector<16xf32>
          %swap3A_1431 = arith.index_cast %add3A_1371 : i32 to index
          %swap3A_1432 = arith.constant 32 : index
          %swap3A_1433 = tpu.vector_load %arg11[%swap3A_1431, %swap3A_1432] {strides = array<i32>} : memref<128x64xf32, #tpu.memory_space<vmem>>, vector<1x16xf32>,
          %swap3A_1434 = vector.shape_cast %swap3A_1433 : vector<1x16xf32> to vector<16xf32>
          %swap3A_1435 = vector.shape_cast %add3A_1430 : vector<16xf32> to vector<1x16xf32>
          tpu.vector_store %arg11[%swap3A_1431, %swap3A_1432], %swap3A_1435 {strides = array<i32>} : memref<128x64xf32, #tpu.memory_space<vmem>>, vector<1x16xf32>,
          %add3A_1436 = arith.constant 48 : i32
          %add3A_1437 = arith.addi %squeeze3A_1373, %add3A_1436 : i32
          %get3A_1438 = arith.index_cast %add3A_1371 : i32 to index
          %get3A_1439 = arith.index_cast %add3A_1437 : i32 to index
          %get3A_1440 = tpu.vector_load %arg9[%get3A_1438, %get3A_1439] {strides = array<i32>} : memref<128x128xf32, #tpu.memory_space<vmem>>, vector<1x16xf32>,
          %get3A_1441 = vector.shape_cast %get3A_1440 : vector<1x16xf32> to vector<16xf32>
          %mul3A_1442 = arith.constant 8.000000e+00 : f32
          %mul3A_1443 = vector.broadcast %mul3A_1442 : f32 to vector<16xf32>
          %mul3A_1444 = arith.mulf %get3A_1441, %mul3A_1443 : vector<16xf32>
          %get3A_1445 = arith.index_cast %add3A_1378 : i32 to index
          %get3A_1446 = arith.constant 112 : index
          %get3A_1447 = tpu.vector_load %arg7[%get3A_1445, %get3A_1446] {strides = array<i32>} : memref<168x128xf32, #tpu.memory_space<vmem>>, vector<1x16xf32>,
          %get3A_1448 = vector.shape_cast %get3A_1447 : vector<1x16xf32> to vector<16xf32>
          %add3A_1449 = arith.addf %mul3A_1444, %get3A_1448 : vector<16xf32>
          %swap3A_1450 = arith.index_cast %add3A_1371 : i32 to index
          %swap3A_1451 = arith.constant 48 : index
          %swap3A_1452 = tpu.vector_load %arg11[%swap3A_1450, %swap3A_1451] {strides = array<i32>} : memref<128x64xf32, #tpu.memory_space<vmem>>, vector<1x16xf32>,
          %swap3A_1453 = vector.shape_cast %swap3A_1452 : vector<1x16xf32> to vector<16xf32>
          %swap3A_1454 = vector.shape_cast %add3A_1449 : vector<16xf32> to vector<1x16xf32>
          tpu.vector_store %arg11[%swap3A_1450, %swap3A_1451], %swap3A_1454 {strides = array<i32>} : memref<128x64xf32, #tpu.memory_space<vmem>>, vector<1x16xf32>,
        }
        %scan3A_79 = arith.constant 8 : i32
        %mul3A_80 = arith.constant 128 : i32
        %mul3A_81 = arith.muli %scan3A_36, %mul3A_80 : i32
        %add3A_82 = arith.addi %mul3A_2, %mul3A_81 : i32
        %dma_start3A_83 = arith.constant 0 : i32
        %dma_start3A_84 = tpu.memref_slice %arg5[%add3A_82, %dma_start3A_83] : memref<819200x64xf32, #tpu.memory_space<hbm>> -> memref<128x64xf32, #tpu.memory_space<hbm>>
        %dma_start3A_85 = arith.constant 0 : i32
        %dma_start3A_86 = tpu.memref_slice %arg5[%add3A_82, %dma_start3A_85] : memref<819200x64xf32, #tpu.memory_space<hbm>> -> memref<128x64xf32, #tpu.memory_space<hbm>>
        tpu.enqueue_dma source(%arg11 : memref<128x64xf32, #tpu.memory_space<vmem>>) target(%dma_start3A_86 : memref<128x64xf32, #tpu.memory_space<hbm>>) target_semaphore(%arg17 : memref<!tpu.dma_semaphore, #tpu.memory_space<semaphore_mem>>)
      } else {
      }
    }
    %scan3A_28 = arith.constant 200 : i32
    %dma_wait3A = arith.constant 0 : i32
    %dma_wait3A_29 = tpu.memref_slice %arg5[%mul3A_2, %dma_wait3A] : memref<819200x64xf32, #tpu.memory_space<hbm>> -> memref<128x64xf32, #tpu.memory_space<hbm>>
    %dma_wait3A_30 = arith.constant 0 : i32
    %dma_wait3A_31 = tpu.memref_slice %arg5[%mul3A_2, %dma_wait3A_30] : memref<819200x64xf32, #tpu.memory_space<hbm>> -> memref<128x64xf32, #tpu.memory_space<hbm>>
    tpu.wait_dma2 semaphore(%arg16 : memref<!tpu.dma_semaphore, #tpu.memory_space<semaphore_mem>>) src(%arg10 : memref<128x64xf32, #tpu.memory_space<vmem>>) dst(%dma_wait3A_31 : memref<128x64xf32, #tpu.memory_space<hbm>>)
    %dma_wait3A_32 = arith.constant 0 : i32
    %dma_wait3A_33 = tpu.memref_slice %arg5[%mul3A_2, %dma_wait3A_32] : memref<819200x64xf32, #tpu.memory_space<hbm>> -> memref<128x64xf32, #tpu.memory_space<hbm>>
    %dma_wait3A_34 = arith.constant 0 : i32
    %dma_wait3A_35 = tpu.memref_slice %arg5[%mul3A_2, %dma_wait3A_34] : memref<819200x64xf32, #tpu.memory_space<hbm>> -> memref<128x64xf32, #tpu.memory_space<hbm>>
    tpu.wait_dma2 semaphore(%arg17 : memref<!tpu.dma_semaphore, #tpu.memory_space<semaphore_mem>>) src(%arg11 : memref<128x64xf32, #tpu.memory_space<vmem>>) dst(%dma_wait3A_35 : memref<128x64xf32, #tpu.memory_space<hbm>>)
    return
  }
}

</mosaic_0001>

<sc_bundles>
// kernel: kernel.3.cloned.1.call-start
scs
__scs_entry_jumppad:
0x0: {  	(pc) =	sbr.rel $0x88, $3  }
0x1: {  	(tag) =	ssettag $0x0;
	lr =	simm.s32 $0x1  }
0x2: {  	[smem:$0x3F9F] =	sst lr;
	_ =	strace $0xD0000000  }
0x3: {  	_ = 	snop  }
0x4: {  	_ = 	snop  }
0x5: {  	_ = 	snop  }
0x6: {  	_ = 	snop  }
0x7: {  	_ = 	snop  }
__scs_overlays_trampoline_lowered:
0x8: {  	[smem:$0x3FAE] =	sst s0  }
0x9: {  	[smem:$0x3FAF] =	sst s1  }
0xa: {  	[smem:$0x3FB0] =	sst s2  }
0xb: {  	[smem:$0x3FB1] =	sst s3  }
0xc: {  	[smem:$0x3FB2] =	sst s4  }
0xd: {  	[smem:$0x3FB3] =	sst s5  }
0xe: {  	[smem:$0x3FB4] =	sst s6  }
0xf: {  	[smem:$0x3FB5] =	sst s7  }
0x10: {  	[smem:$0x3FB6] =	sst s8  }
0x11: {  	[smem:$0x3FB7] =	sst s9;
	s0 =	simm.s32 @!p0 $0x0  }
0x12: {  	s1 =	sld [smem:$0x3F9D];
	s0 =	simm.s32 @p0 $0x1  }
0x13: {  	[smem:$0x3FB8] =	sst s0;
	s0 =	simm.s32 @!p1 $0x0  }
0x14: {  	s2 =	sld [smem:$0x3F9C];
	s0 =	simm.s32 @p1 $0x1  }
0x15: {  	[smem:$0x3FB9] =	sst s0;
	s0 =	simm.s32 @!p2 $0x0  }
0x16: {  	s3 =	sld [smem:$0x3FDB];
	s0 =	simm.s32 @p2 $0x1  }
0x17: {  	s4 =	simm.s32 $0x1BF5;
	[smem:$0x3FBB] =	sst s0  }
0x18: {  	s0 =	sld [smem:$0x3F9E];
	_ =	swait.ge [sflag:s4], $0x0  }
0x19: {  	s7 =	sld [smem:$0x3F9F]  }
0x1a: {  	s8 =	sadd.s32 $0xFFFFE003, lr  }
0x1b: {  	s9 =	sadd.s32 $0xFFFFFEF7, lr;
	s5 =	simm.s32 $0xFFFFFFFF;
	p2 =	slt.u32 s8, $0xFFFFF086  }
0x1c: {  	p1 =	slt.u32 s9, $0xF7A;
	s5 =	simm.s32 @!p2 $0x0  }
0x1d: {  	s5 =	simm.s32 @p1 $0x1;
	p0 =	seq.s32 s7, s2  }
0x1e: {  	s7 =	smul.u32 @!p0 $0xF7A, s2;
	p2 =	seq.s32 @!p0 s5, $0x0  }
0x1f: {  	s9 =	smul.u32 $0xF7A, s1;
	s8 =	simm.s32 @!p0 $0x1BF5;
	p2 =	por !p2, p0  }
0x20: {  	[sflag:s8] =	ssyncset.s32 @!p0 $0xFFFFF086;
	s6 =	sadd.s32 @!p0 s3, s7;
	s7 =	simm.s32 @!p0 $0x108  }
0x21: {  	s3 =	sadd.s32 s3, s9;
	s6 =	sadd.s32 @!p0 $0x88, s6;
	s7 =	simm.s32 @p2 $0x1082  }
0x22: {  	[simem:s7], [sflag:s8] =	dma.local @!p0 [hbm:s6], $0xF7A  }
0x23: {  	s9 =	sor.u32 $0xD0000000, s2;
	s6 =	simm.s32 $0x108;
	_ =	swait.ge @!p0 [sflag:s8], $0x0  }
0x24: {  	s3 =	sadd.s32 $0x88, s3;
	s6 =	simm.s32 @!p1 $0x1082;
	[sflag:s4] =	ssyncset.s32 $0xFFFFF086  }
0x25: {  	[simem:s6], [sflag:s4] =	dma.local [hbm:s3], $0xF7A  }
0x26: {  	[smem:$0x3F9F] =	sst s1;
	(tag) =	ssettag s2;
	_ =	strace s9  }
0x27: {  	s1 =	sld [smem:$0x3FAF]  }
0x28: {  	s2 =	sld [smem:$0x3FB0]  }
0x29: {  	s4 =	sld [smem:$0x3FB2]  }
0x2a: {  	p0 =	seq.s32 s5, $0x0;
	s5 =	sld [smem:$0x3FB3]  }
0x2b: {  	s6 =	sld [smem:$0x3FB4]  }
0x2c: {  	s7 =	sld [smem:$0x3FB5]  }
0x2d: {  	s3 =	simm.s32 $0x108;
	s8 =	sld [smem:$0x3FB6]  }
0x2e: {  	s3 =	simm.s32 @!p0 $0x1082;
	s9 =	sld [smem:$0x3FB7]  }
0x2f: {  	lr =	sadd.s32 s0, s3;
	s0 =	sld [smem:$0x3FAE]  }
0x30: {  	s3 =	sld [smem:$0x3FB1]  }
0x31: {  	[smem:$0x3FBA] =	sst s10  }
0x32: {  	s10 =	sld [smem:$0x3FB8];
	_ =	sdelay $0x3  }
0x33: {  	p0 =	seq.s32 s10, $0x1;
	s10 =	sld [smem:$0x3FBA];
	_ =	sdelay $0x3  }
0x34: {  	[smem:$0x3FBA] =	sst s10  }
0x35: {  	s10 =	sld [smem:$0x3FB9];
	_ =	sdelay $0x3  }
0x36: {  	p1 =	seq.s32 s10, $0x1;
	s10 =	sld [smem:$0x3FBA];
	_ =	sdelay $0x3  }
0x37: {  	[smem:$0x3FBA] =	sst s10  }
0x38: {  	s10 =	sld [smem:$0x3FBB]  }
0x39: {  	_ = 	snop;
	(pc) =	sbr.ind lr, $3  }
0x3a: {  	_ = 	snop  }
0x3b: {  	_ = 	snop  }
0x3c: {  	p2 =	seq.s32 s10, $0x1;
	s10 =	sld [smem:$0x3FBA]  }
0x3d: {  	_ =	shalt  }
0x3e: {  	_ =	shalt  }
0x3f: {  	_ =	shalt  }
0x40: {  	_ =	shalt  }
0x41: {  	_ =	shalt  }
0x42: {  	_ =	shalt  }
0x43: {  	_ =	shalt  }
0x44: {  	_ =	shalt  }
0x45: {  	_ =	shalt  }
0x46: {  	_ =	shalt  }
0x47: {  	_ =	shalt  }
0x48: {  	_ =	shalt  }
0x49: {  	_ =	shalt  }
0x4a: {  	_ =	shalt  }
0x4b: {  	_ =	shalt  }
0x4c: {  	_ =	shalt  }
0x4d: {  	_ =	shalt  }
0x4e: {  	_ =	shalt  }
0x4f: {  	_ =	shalt  }
0x50: {  	_ =	shalt  }
0x51: {  	_ =	shalt  }
0x52: {  	_ =	shalt  }
0x53: {  	_ =	shalt  }
0x54: {  	_ =	shalt  }
0x55: {  	_ =	shalt  }
0x56: {  	_ =	shalt  }
0x57: {  	_ =	shalt  }
0x58: {  	_ =	shalt  }
0x59: {  	_ =	shalt  }
0x5a: {  	_ =	shalt  }
0x5b: {  	_ =	shalt  }
0x5c: {  	_ =	shalt  }
0x5d: {  	_ =	shalt  }
0x5e: {  	_ =	shalt  }
0x5f: {  	_ =	shalt  }
0x60: {  	_ =	shalt  }
0x61: {  	_ =	shalt  }
0x62: {  	_ =	shalt  }
0x63: {  	_ =	shalt  }
0x64: {  	_ =	shalt  }
0x65: {  	_ =	shalt  }
0x66: {  	_ =	shalt  }
0x67: {  	_ =	shalt  }
0x68: {  	_ =	shalt  }
0x69: {  	_ =	shalt  }
0x6a: {  	_ =	shalt  }
0x6b: {  	_ =	shalt  }
0x6c: {  	_ =	shalt  }
0x6d: {  	_ =	shalt  }
0x6e: {  	_ =	shalt  }
0x6f: {  	_ =	shalt  }
0x70: {  	_ =	shalt  }
0x71: {  	_ =	shalt  }
0x72: {  	_ =	shalt  }
0x73: {  	_ =	shalt  }
0x74: {  	_ =	shalt  }
0x75: {  	_ =	shalt  }
0x76: {  	_ =	shalt  }
0x77: {  	_ =	shalt  }
0x78: {  	_ =	shalt  }
0x79: {  	_ =	shalt  }
0x7a: {  	_ =	shalt  }
0x7b: {  	_ =	shalt  }
0x7c: {  	_ =	shalt  }
0x7d: {  	_ =	shalt  }
0x7e: {  	_ =	shalt  }
0x7f: {  	_ =	shalt  }
0x80: {  	_ =	shalt  }
0x81: {  	_ =	shalt  }
0x82: {  	_ =	shalt  }
0x83: {  	_ =	shalt  }
0x84: {  	_ =	shalt  }
0x85: {  	_ =	shalt  }
0x86: {  	_ =	shalt  }
0x87: {  	_ =	shalt  }
.Lfunc_end0:
.L_simem_size_0:
called_computation.1_lowered:
.L_overlay_start_0:
0x88: {  	s2 =	sld [smem:$0x3FD9]  }
0x89: {  	s3 =	sld [smem:$0x3FFE];
	_ =	sdelay $0x1  }
0x8a: {  	s1 =	srdreg.scid  }
0x8b: {  	s0 =	sand.u32 $0x1, s1  }
0x8c: {  	s17 =	sshll.u32 s0, $0xA;
	s2 =	sadd.s32 s3, s2  }
0x8d: {  	s2 =	sadd.s32 s2, s17  }
0x8e: {  	[smem:$0x3FC6] =	sst s2  }
0x8f: {  	_ = 	snop  }
0x90: {  	s2 =	sld [smem:$0x3FD0];
	(tm) =	ssettm $0x1  }
0x91: {  	s18 =	sld [smem:$0x3FFB];
	_ =	sdelay $0x3  }
0x92: {  	_ =	strace s18  }
0x93: {  	s3 =	sld [smem:$0x3FFC];
	_ =	sdelay $0x3  }
0x94: {  	_ =	strace s3  }
0x95: {  	s3 =	sld [smem:$0x3FFD];
	_ =	sdelay $0x3  }
0x96: {  	_ =	strace s3  }
0x97: {  	_ =	strace $0x8FFFFFFF  }
0x98: {  	s19 =	sld [smem:$0x3FDB];
	_ =	sdelay $0x1  }
0x99: {  	s4 =	simm.s32 $_scs_section_size  }
0x9a: {  	s5 =	simm.s32 $_size__tile_overlayer_lowered;
	s6 =	simm.s32 $_tile_overlayer_lowered  }
0x9b: {  	s22 =	simm.s32 $0x1BFF;
	s21 =	sshll.u32 s6, $0x1;
	s3 =	sadd.s32 s4, s19  }
0x9c: {  	s7 =	simm.s32 $0x0;
	s20 =	sshll.u32 s5, $0x1;
	s5 =	sadd.s32 s21, s3  }
0x9d: {  	[timem:s7], [sflag:s22] =	dma.local [hbm:s5], s20  }
0x9e: {  	_ =	swait.ge [sflag:s22], s20  }
0x9f: {  	s4 =	ssub.s32 $0x0, s20;
	[sflag:s22] =	ssyncset.done $0x0  }
0xa0: {  	[sflag:s22] =	ssyncadd.s32 s4;
	_ =	sdelay $0x1  }
0xa1: {  	s23 =	simm.s32 $0x1B8B  }
0xa2: {  	_ =	swait.ge [sflag:s23], $0x1  }
0xa3: {  	[sflag:s23] =	ssyncset.done $0x0  }
0xa4: {  	s25 =	simm.s32 $0x1B8E;
	s24 =	sld [smem:$0x3FFE];
	[sflag:s23] =	ssyncadd.s32 $0xFFFFFFFF  }
0xa5: {  	s26 =	simm.s32 $execute0_lowered;
	[smem:$0x3FD2] =	sst s25  }
0xa6: {  	s5 =	sshll.u32 s26, $0x1;
	_ =	strace $0x80000046;
	[dreg:$0x1] =	wrdreg $0xFFFFFFFF  }
0xa7: {  	s28 =	simm.s32 $_size_execute0_lowered;
	s3 =	sadd.s32 s3, s5;
	[dreg:$0x0] =	wrdreg $0x0  }
0xa8: {  	s5 =	sshll.u32 s28, $0x1;
	[dreg:$0x2] =	wrdreg s3  }
0xa9: {  	[dreg:$0x3] =	wrdreg s5  }
0xaa: {  	[dreg:$0x4] =	wrdreg $0xC0  }
0xab: {  	_ =	task [dreg:s7], $0x5FFFF  }
0xac: {  	[dreg:$0x1] =	wrdreg $0xFFFFFFFF  }
0xad: {  	[dreg:$0x0] =	wrdreg $0x60  }
0xae: {  	[dreg:$0x2] =	wrdreg s2  }
0xaf: {  	[dreg:$0x3] =	wrdreg s24  }
0xb0: {  	[dreg:$0x4] =	wrdreg $0x9  }
0xb1: {  	_ =	task.clear_ibuf [dreg:s7], $0x5FFFF;
	_ =	strace $0x90000046  }
0xb2: {  	s29 =	simm.s32 $0x9;
	_ =	strace $0x80000048  }
0xb3: {  	_ =	swait.ge [sflag:s29], $0x1  }
0xb4: {  	[sflag:s29] =	ssyncadd.s32 $0xFFFFFFFF  }
0xb5: {  	_ =	strace $0x90000048  }
0xb6: {  	_ =	sfence  }
0xb7: {  	s30 =	sld [smem:$0x0];
	_ =	sdelay $0x2  }
0xb8: {  	s31 =	sshll.u32 s1, $0xD;
	s1 =	sshrl.u32 s1, $0x2  }
0xb9: {  	s3 =	sand.u32 $0x4000, s31;
	s1 =	sadd.s32 s1, s30  }
0xba: {  	s0 =	sor.u32 s3, s0;
	s1 =	sshll.u32 s1, $0x11  }
0xbb: {  	s0 =	sor.u32 s1, s0  }
0xbc: {  	s0 =	sadd.s32 $0x8F2B, s0  }
0xbd: {  	[sflag:s0] =	ssyncadd.remote.s32 $0x1  }
0xbe: {  	_ =	sfence.sel $0xFFFF  }
0xbf: {  	[dreg:$0x0] =	wrdreg $0xFFFFFFFF;
	(pc) =	sbr.abs _section_cstart, $3  }
0xc0: {  	[dreg:$0x1] =	wrdreg $0xFFFFFFFF  }
0xc1: {  	_ =	task.clear_ibuf [dreg:s7], $0x2FFFF;
	_ =	strace $0x9FFFFFFF  }
0xc2: {  	(tm) =	ssettm $0x7FFFFFFF  }
0xc3: {  	_ =	shalt  }
tec
execute0_lowered:
.L_overlay_start_1:
0x0: {  	(tag) =	ssettag $0x1  }
0x1: {  	s0 =	rddreg [dreg:$0x0];
	s1 =	srdreg.scid  }
0x2: {  	s2 =	stileid.u32;
	s6 =	rddreg [dreg:$0x1]  }
0x3: {  	s9 =	simm.s32 $0x5;
	s10 =	simm.s32 $0x40;
	s15 =	simm.s32 $0x2  }
0x4: {  	s16 =	simm.s32 $0x17800;
	s17 =	simm.s32 $0x3;
	s18 =	simm.s32 $0x4  }
0x5: {  	s19 =	simm.s32 $0x1B880;
	s20 =	simm.s32 $0xF800;
	s21 =	simm.s32 $0x1B8C0  }
0x6: {  	s22 =	simm.s32 $0x11800;
	s23 =	simm.s32 $0x1;
	s24 =	simm.s32 $0x13800  }
0x7: {  	s25 =	simm.s32 $0x0;
	s1 =	sand.u32 $0x1, s1;
	s3 =	sshll.u32 s2, $0x1  }
.Ltmp0:
0x8: {  	s2 =	simm.s32 $0x0;
	s3 =	sor.u32 s1, s3;
	(pc) =	sbr.rel .LBB2_1-.Ltmp0, $4  }
0x9: {  	s4 =	sadd.s32 $0xC00, s6;
	s1 =	ssub.s32 $0x2, s1;
	s3 =	smul.u32 $0x6400, s3  }
0xa: {  	s5 =	sadd.s32 $0xF43000, s6;
	s6 =	sadd.s32 $0x1800, s6;
	s7 =	sshrl.u32 s1, $0x1  }
0xb: {  	[smem:$0x7FF] =	sst s2;
	s1 =	ssub.s32 s1, s7;
	s8 =	sshrl.u32 s3, $0x3  }
0xc: {  	_ =	strace $0x80000047;
	s7 =	sadd.s32 s0, s8;
	s8 =	smax.u32 s1, $0x1  }
.LBB2_10:
0xd: {  	s25 =	sadd.s32 $0x1, s25  }
0xe: {  	_ =	swait.ge [sflag:s17], $0x4000;
	p0 =	sne.s32 s25, s8  }
.Ltmp1:
0xf: {  	[sflag:s17] =	ssyncset.done $0x0;
	(pc) =	sbr.rel @!p0 .LBB2_11-.Ltmp1, $4  }
0x10: {  	[sflag:s17] =	ssyncadd.s32 $0xFFFFC000  }
0x11: {  	_ =	swait.ge [sflag:s18], $0x4000  }
0x12: {  	[sflag:s18] =	ssyncset.done $0x0  }
0x13: {  	[sflag:s18] =	ssyncadd.s32 $0xFFFFC000  }
.LBB2_1:
0x14: {  	[tilespmem:s2], [sflag:$0x5] =	stream.linear.gather [hbm4b:s7+s2], $0x6400, $0x38;
	[tilespmem:$0x1B900] =	vst v63  }
0x15: {  	_ =	swait.ge [sflag:s9], $0x6400  }
0x16: {  	[sflag:s9] =	ssyncset.done $0x0  }
0x17: {  	s26 =	simm.s32 $0x6400;
	[sflag:s9] =	ssyncadd.s32 $0xFFFF9C00  }
0x18: {  	[tilespmem:s26], [sflag:$0x5] =	stream.linear.gather [hbm4b:s4+s2], $0x5400, $0x38;
	[tilespmem:$0x1B900] =	vst v63  }
0x19: {  	_ =	swait.ge [sflag:s9], $0x5400  }
0x1a: {  	[sflag:s9] =	ssyncset.done $0x0  }
0x1b: {  	[sflag:s9] =	ssyncadd.s32 $0xFFFFAC00  }
0x1c: {  	v0 =	vld [tilespmem:$0x0]  }
0x1d: {  	v1 =	vld [tilespmem:$0x10]  }
0x1e: {  	v2 =	vld [tilespmem:$0x20]  }
0x1f: {  	v3 =	vld [tilespmem:$0x30]  }
0x20: {  	v4 =	vld [tilespmem:$0x40]  }
0x21: {  	v5 =	vld [tilespmem:$0x50];
	v0 =	vshrl.u32 v0, $0x1  }
0x22: {  	v56 =	vld [tilespmem:$0x60];
	v55 =	vshrl.u32 v1, $0x1;
	[tilespmem:$0x1B800] =	vst v0  }
0x23: {  	v58 =	vld [tilespmem:$0x70];
	v57 =	vshrl.u32 v2, $0x1;
	[tilespmem:$0x1B810] =	vst v55  }
0x24: {  	v59 =	vshrl.u32 v3, $0x1;
	[tilespmem:$0x1B820] =	vst v57  }
0x25: {  	v60 =	vshrl.u32 v4, $0x1;
	[tilespmem:$0x1B830] =	vst v59  }
0x26: {  	v61 =	vshrl.u32 v5, $0x1;
	[tilespmem:$0x1B840] =	vst v60  }
0x27: {  	v62 =	vshrl.u32 v56, $0x1;
	[tilespmem:$0x1B850] =	vst v61  }
.Ltmp2:
0x28: {  	s0 =	simm.s32 $0x1B800;
	v63 =	vshrl.u32 v58, $0x1;
	[tilespmem:$0x1B860] =	vst v62;
	(pc) =	sbr.rel .LBB2_2-.Ltmp2, $4  }
0x29: {  	s1 =	simm.s32 $0xB800;
	s28 =	simm.s32 $0x1B840;
	s31 =	simm.s32 $0xD800;
	[tilespmem:$0x1B870] =	vst v63  }
0x2a: {  	[tilespmem:s1], [sflag:$0x1] =	stream.indirect.gather [hbm4b:s5+s10], $0x80, s0, s10, $0xb8;
	[tilespmem:$0x1B900] =	vst v63  }
0x2b: {  	s11 =	simm.s32 $0x0;
	s29 =	simm.s32 $0x0;
	s30 =	simm.s32 $0x0  }
0x2c: {  	[tilespmem:s31], [sflag:$0x1] =	stream.indirect.gather [hbm4b:s5+s10], $0x80, s28, s10, $0xb8;
	[tilespmem:$0x1B900] =	vst v63  }
.LBB2_5:
0x2d: {  	s0 =	sadd.s32 s3, s1  }
0x2e: {  	s0 =	sshll.u32 s0, $0x4  }
0x2f: {  	s0 =	sadd.s32 s6, s0  }
0x30: {  	[hbm4b:s0+s2] =	stream.linear.scatter [tilespmem:s24], [sflag:$0x3], $0x4000, $0x38;
	[tilespmem:$0x1B900] =	vst v63  }
.LBB2_9:
0x31: {  	s30 =	sadd.s32 $0x1, s30  }
0x32: {  	p0 =	sne.s32 s30, $0xC8  }
.Ltmp3:
0x33: {  	_ = 	snop;
	(pc) =	sbr.rel @!p0 .LBB2_10-.Ltmp3, $2  }
0x34: {  	_ =	sdelay $0x2  }
0x35: {  	s26 =	sadd.s32 $0x2000, s26;
	s29 =	sadd.s32 $0x80, s29;
	s11 =	sadd.s32 $0x80, s11  }
.LBB2_2:
0x36: {  	s0 =	smulhi.u32 $0x51EB851F, s29;
	s1 =	sand.u32 $0x1, s30  }
0x37: {  	p0 =	seq.s32 s1, $0x1  }
.Ltmp4:
0x38: {  	s0 =	sshrl.u32 s0, $0x6;
	(pc) =	sbr.rel @!p0 .LBB2_3-.Ltmp4, $3  }
0x39: {  	s0 =	smul.u32 $0xFFFF3800, s0;
	_ =	sdelay $0x1  }
0x3a: {  	s0 =	sshra.s32 s0, $0x2  }
0x3b: {  	s31 =	sadd.s32 s0, s26  }
0x3c: {  	p0 =	seq.s32 s30, $0xC7  }
0x3d: {  	s0 =	sshll.u32 @!p0 s30, $0x7  }
0x3e: {  	s0 =	sand.u32 @!p0 $0x3FFFFF80, s0  }
0x3f: {  	v0 =	vld @!p0 [tilespmem:s0+$0x80];
	_ =	sdelay $0x4  }
0x40: {  	v0 =	vshrl.u32 @!p0 v0, $0x1  }
0x41: {  	[tilespmem:$0x1B800] =	vst @!p0 v0  }
0x42: {  	v0 =	vld @!p0 [tilespmem:s0+$0x90];
	_ =	sdelay $0x4  }
0x43: {  	v0 =	vshrl.u32 @!p0 v0, $0x1  }
0x44: {  	[tilespmem:$0x1B810] =	vst @!p0 v0  }
0x45: {  	v0 =	vld @!p0 [tilespmem:s0+$0xA0];
	_ =	sdelay $0x4  }
0x46: {  	v0 =	vshrl.u32 @!p0 v0, $0x1  }
0x47: {  	[tilespmem:$0x1B820] =	vst @!p0 v0  }
0x48: {  	v0 =	vld @!p0 [tilespmem:s0+$0xB0];
	_ =	sdelay $0x4  }
0x49: {  	v0 =	vshrl.u32 @!p0 v0, $0x1  }
0x4a: {  	[tilespmem:$0x1B830] =	vst @!p0 v0  }
0x4b: {  	v0 =	vld @!p0 [tilespmem:s0+$0xC0];
	_ =	sdelay $0x4  }
0x4c: {  	v0 =	vshrl.u32 @!p0 v0, $0x1  }
0x4d: {  	[tilespmem:$0x1B840] =	vst @!p0 v0  }
0x4e: {  	v0 =	vld @!p0 [tilespmem:s0+$0xD0];
	_ =	sdelay $0x4  }
0x4f: {  	v0 =	vshrl.u32 @!p0 v0, $0x1  }
0x50: {  	[tilespmem:$0x1B850] =	vst @!p0 v0  }
0x51: {  	v0 =	vld @!p0 [tilespmem:s0+$0xE0];
	_ =	sdelay $0x4  }
0x52: {  	v0 =	vshrl.u32 @!p0 v0, $0x1  }
0x53: {  	[tilespmem:$0x1B860] =	vst @!p0 v0  }
0x54: {  	v0 =	vld @!p0 [tilespmem:s0+$0xF0];
	_ =	sdelay $0x4  }
0x55: {  	v0 =	vshrl.u32 @!p0 v0, $0x1  }
0x56: {  	s1 =	simm.s32 @!p0 $0x1B800;
	s12 =	simm.s32 @!p0 $0xB800;
	s0 =	simm.s32 @!p0 $0x40;
	[tilespmem:$0x1B870] =	vst @!p0 v0  }
0x57: {  	[tilespmem:s12], [sflag:$0x1] =	stream.indirect.gather @!p0 [hbm4b:s5+s0], $0x80, s1, s0, $0xb8;
	[tilespmem:$0x1B900] =	vst v63  }
0x58: {  	s1 =	simm.s32 @!p0 $0x1B840;
	s12 =	simm.s32 @!p0 $0xD800  }
0x59: {  	[tilespmem:s12], [sflag:$0x1] =	stream.indirect.gather @!p0 [hbm4b:s5+s0], $0x80, s1, s0, $0xb8;
	[tilespmem:$0x1B900] =	vst v63  }
0x5a: {  	_ =	swait.ge [sflag:s15], $0x2000  }
0x5b: {  	[sflag:s15] =	ssyncset.done $0x0  }
0x5c: {  	[sflag:s15] =	ssyncadd.s32 $0xFFFFE000  }
0x5d: {  	_ =	swait.ge [sflag:s15], $0x2000  }
0x5e: {  	p0 =	slt.u32 s30, $0x2;
	[sflag:s15] =	ssyncset.done $0x0  }
0x5f: {  	s0 =	simm.s32 @!p0 $0x4;
	[sflag:s15] =	ssyncadd.s32 $0xFFFFE000  }
0x60: {  	_ =	swait.ge @!p0 [sflag:s0], $0x4000  }
0x61: {  	s28 =	smov.u32 s11;
	[sflag:s0] =	ssyncset.done @!p0 $0x0  }
0x62: {  	s1 =	sshll.u32 s30, $0x7;
	[sflag:s0] =	ssyncadd.s32 @!p0 $0xFFFFC000;
	s0 =	simm.s32 $0x0  }
.LBB2_7:
0x63: {  	v0 =	vld [tilespmem:s28+$0x0];
	_ =	sdelay $0x4  }
0x64: {  	v0 =	vshll.u32 v0, $0x6  }
0x65: {  	s12 =	sshra.s32 s0, $0x2;
	v0 =	vand.u32 $0x40, v0  }
0x66: {  	v0 =	vadd.s32 s12, v0  }
0x67: {  	(v2sf) =	vpush v0, $0x1  }
0x68: {  	(v2sf) =	vpush v0, $0x0;
	_ =	sdelay $0xd  }
0x69: {  	s13 =	spop (v2sf)  }
0x6a: {  	s14 =	spop (v2sf)  }
0x6b: {  	v1 =	vld [tilespmem:s14+$0xF800];
	_ =	sdelay $0x1  }
0x6c: {  	v2 =	vld [tilespmem:s31+$0x0];
	_ =	sdelay $0x2  }
0x6d: {  	v1 =	vmul.f32 $8.000000000e+00, v1;
	_ =	sdelay $0x1  }
0x6e: {  	v1 =	vadd.f32 v2, v1;
	_ =	sdelay $0x1  }
0x6f: {  	[tilespmem:s12+$0x17800] =	vst v1  }
0x70: {  	v1 =	vld [tilespmem:s14+$0xF810];
	_ =	sdelay $0x1  }
0x71: {  	v60 =	vld [tilespmem:s31+$0x10];
	_ =	sdelay $0x2  }
0x72: {  	v1 =	vmul.f32 $8.000000000e+00, v1;
	_ =	sdelay $0x1  }
0x73: {  	v1 =	vadd.f32 v60, v1;
	_ =	sdelay $0x1  }
0x74: {  	[tilespmem:s12+$0x17810] =	vst v1  }
0x75: {  	v1 =	vld [tilespmem:s14+$0xF820];
	_ =	sdelay $0x1  }
0x76: {  	v61 =	vld [tilespmem:s31+$0x20];
	_ =	sdelay $0x2  }
0x77: {  	v1 =	vmul.f32 $8.000000000e+00, v1;
	_ =	sdelay $0x1  }
0x78: {  	v1 =	vadd.f32 v61, v1;
	_ =	sdelay $0x1  }
0x79: {  	[tilespmem:s12+$0x17820] =	vst v1  }
0x7a: {  	v1 =	vld [tilespmem:s14+$0xF830];
	_ =	sdelay $0x1  }
0x7b: {  	v62 =	vld [tilespmem:s31+$0x30];
	_ =	sdelay $0x2  }
0x7c: {  	v1 =	vmul.f32 $8.000000000e+00, v1;
	_ =	sdelay $0x1  }
0x7d: {  	v1 =	vadd.f32 v62, v1;
	_ =	sdelay $0x1  }
0x7e: {  	[tilespmem:s12+$0x17830] =	vst v1  }
0x7f: {  	v1 =	vld [tilespmem:s13+$0xF880];
	_ =	sdelay $0x1  }
0x80: {  	v63 =	vld [tilespmem:s31+$0x40];
	_ =	sdelay $0x2  }
0x81: {  	v1 =	vmul.f32 $8.000000000e+00, v1;
	_ =	sdelay $0x1  }
0x82: {  	v1 =	vadd.f32 v63, v1;
	_ =	sdelay $0x1  }
0x83: {  	[tilespmem:s12+$0x17880] =	vst v1  }
0x84: {  	v1 =	vld [tilespmem:s13+$0xF890];
	_ =	sdelay $0x1  }
0x85: {  	v4 =	vld [tilespmem:s31+$0x50];
	_ =	sdelay $0x2  }
0x86: {  	v1 =	vmul.f32 $8.000000000e+00, v1;
	_ =	sdelay $0x1  }
0x87: {  	v1 =	vadd.f32 v4, v1;
	_ =	sdelay $0x1  }
0x88: {  	[tilespmem:s12+$0x17890] =	vst v1  }
0x89: {  	v1 =	vld [tilespmem:s13+$0xF8A0];
	_ =	sdelay $0x1  }
0x8a: {  	v5 =	vld [tilespmem:s31+$0x60]  }
0x8b: {  	(v2sf) =	vpush v0, $0x3  }
0x8c: {  	(v2sf) =	vpush v0, $0x2  }
0x8d: {  	v1 =	vmul.f32 $8.000000000e+00, v1;
	_ =	sdelay $0x1  }
0x8e: {  	v1 =	vadd.f32 v5, v1;
	_ =	sdelay $0x1  }
0x8f: {  	[tilespmem:s12+$0x178A0] =	vst v1  }
0x90: {  	v1 =	vld [tilespmem:s13+$0xF8B0];
	_ =	sdelay $0x1  }
0x91: {  	v6 =	vld [tilespmem:s31+$0x70];
	_ =	sdelay $0x2  }
0x92: {  	v1 =	vmul.f32 $8.000000000e+00, v1;
	_ =	sdelay $0x1  }
0x93: {  	v1 =	vadd.f32 v6, v1  }
0x94: {  	s13 =	spop (v2sf)  }
0x95: {  	s14 =	spop (v2sf);
	[tilespmem:s12+$0x178B0] =	vst v1  }
0x96: {  	v1 =	vld [tilespmem:s14+$0xF900];
	_ =	sdelay $0x1  }
0x97: {  	v7 =	vld [tilespmem:s31+$0x80];
	_ =	sdelay $0x2  }
0x98: {  	v1 =	vmul.f32 $8.000000000e+00, v1;
	_ =	sdelay $0x1  }
0x99: {  	v1 =	vadd.f32 v7, v1;
	_ =	sdelay $0x1  }
0x9a: {  	[tilespmem:s12+$0x17900] =	vst v1  }
0x9b: {  	v1 =	vld [tilespmem:s14+$0xF910];
	_ =	sdelay $0x1  }
0x9c: {  	v8 =	vld [tilespmem:s31+$0x90];
	_ =	sdelay $0x2  }
0x9d: {  	v1 =	vmul.f32 $8.000000000e+00, v1;
	_ =	sdelay $0x1  }
0x9e: {  	v1 =	vadd.f32 v8, v1;
	_ =	sdelay $0x1  }
0x9f: {  	[tilespmem:s12+$0x17910] =	vst v1  }
0xa0: {  	v1 =	vld [tilespmem:s14+$0xF920];
	_ =	sdelay $0x1  }
0xa1: {  	v9 =	vld [tilespmem:s31+$0xA0];
	_ =	sdelay $0x2  }
0xa2: {  	v1 =	vmul.f32 $8.000000000e+00, v1;
	_ =	sdelay $0x1  }
0xa3: {  	v1 =	vadd.f32 v9, v1;
	_ =	sdelay $0x1  }
0xa4: {  	[tilespmem:s12+$0x17920] =	vst v1  }
0xa5: {  	v1 =	vld [tilespmem:s14+$0xF930];
	_ =	sdelay $0x1  }
0xa6: {  	v10 =	vld [tilespmem:s31+$0xB0];
	_ =	sdelay $0x2  }
0xa7: {  	v1 =	vmul.f32 $8.000000000e+00, v1;
	_ =	sdelay $0x1  }
0xa8: {  	v1 =	vadd.f32 v10, v1;
	_ =	sdelay $0x1  }
0xa9: {  	[tilespmem:s12+$0x17930] =	vst v1  }
0xaa: {  	v1 =	vld [tilespmem:s13+$0xF980];
	_ =	sdelay $0x1  }
0xab: {  	v11 =	vld [tilespmem:s31+$0xC0];
	_ =	sdelay $0x2  }
0xac: {  	v1 =	vmul.f32 $8.000000000e+00, v1;
	_ =	sdelay $0x1  }
0xad: {  	v1 =	vadd.f32 v11, v1;
	_ =	sdelay $0x1  }
0xae: {  	[tilespmem:s12+$0x17980] =	vst v1  }
0xaf: {  	v1 =	vld [tilespmem:s13+$0xF990];
	_ =	sdelay $0x1  }
0xb0: {  	v12 =	vld [tilespmem:s31+$0xD0];
	_ =	sdelay $0x2  }
0xb1: {  	v1 =	vmul.f32 $8.000000000e+00, v1;
	_ =	sdelay $0x1  }
0xb2: {  	v1 =	vadd.f32 v12, v1;
	_ =	sdelay $0x1  }
0xb3: {  	[tilespmem:s12+$0x17990] =	vst v1  }
0xb4: {  	v1 =	vld [tilespmem:s13+$0xF9A0];
	_ =	sdelay $0x1  }
0xb5: {  	v13 =	vld [tilespmem:s31+$0xE0]  }
0xb6: {  	(v2sf) =	vpush v0, $0x5  }
0xb7: {  	(v2sf) =	vpush v0, $0x4  }
0xb8: {  	v1 =	vmul.f32 $8.000000000e+00, v1;
	_ =	sdelay $0x1  }
0xb9: {  	v1 =	vadd.f32 v13, v1;
	_ =	sdelay $0x1  }
0xba: {  	[tilespmem:s12+$0x179A0] =	vst v1  }
0xbb: {  	v1 =	vld [tilespmem:s13+$0xF9B0];
	_ =	sdelay $0x1  }
0xbc: {  	v14 =	vld [tilespmem:s31+$0xF0];
	_ =	sdelay $0x2  }
0xbd: {  	v1 =	vmul.f32 $8.000000000e+00, v1;
	_ =	sdelay $0x1  }
0xbe: {  	v1 =	vadd.f32 v14, v1  }
0xbf: {  	s13 =	spop (v2sf)  }
0xc0: {  	s14 =	spop (v2sf);
	[tilespmem:s12+$0x179B0] =	vst v1  }
0xc1: {  	v1 =	vld [tilespmem:s14+$0xFA00];
	_ =	sdelay $0x1  }
0xc2: {  	v15 =	vld [tilespmem:s31+$0x100];
	_ =	sdelay $0x2  }
0xc3: {  	v1 =	vmul.f32 $8.000000000e+00, v1;
	_ =	sdelay $0x1  }
0xc4: {  	v1 =	vadd.f32 v15, v1;
	_ =	sdelay $0x1  }
0xc5: {  	[tilespmem:s12+$0x17A00] =	vst v1  }
0xc6: {  	v1 =	vld [tilespmem:s14+$0xFA10];
	_ =	sdelay $0x1  }
0xc7: {  	v16 =	vld [tilespmem:s31+$0x110];
	_ =	sdelay $0x2  }
0xc8: {  	v1 =	vmul.f32 $8.000000000e+00, v1;
	_ =	sdelay $0x1  }
0xc9: {  	v1 =	vadd.f32 v16, v1;
	_ =	sdelay $0x1  }
0xca: {  	[tilespmem:s12+$0x17A10] =	vst v1  }
0xcb: {  	v1 =	vld [tilespmem:s14+$0xFA20];
	_ =	sdelay $0x1  }
0xcc: {  	v17 =	vld [tilespmem:s31+$0x120];
	_ =	sdelay $0x2  }
0xcd: {  	v1 =	vmul.f32 $8.000000000e+00, v1;
	_ =	sdelay $0x1  }
0xce: {  	v1 =	vadd.f32 v17, v1;
	_ =	sdelay $0x1  }
0xcf: {  	[tilespmem:s12+$0x17A20] =	vst v1  }
0xd0: {  	v1 =	vld [tilespmem:s14+$0xFA30];
	_ =	sdelay $0x1  }
0xd1: {  	v18 =	vld [tilespmem:s31+$0x130];
	_ =	sdelay $0x2  }
0xd2: {  	v1 =	vmul.f32 $8.000000000e+00, v1;
	_ =	sdelay $0x1  }
0xd3: {  	v1 =	vadd.f32 v18, v1;
	_ =	sdelay $0x1  }
0xd4: {  	[tilespmem:s12+$0x17A30] =	vst v1  }
0xd5: {  	v1 =	vld [tilespmem:s13+$0xFA80];
	_ =	sdelay $0x1  }
0xd6: {  	v19 =	vld [tilespmem:s31+$0x140];
	_ =	sdelay $0x2  }
0xd7: {  	v1 =	vmul.f32 $8.000000000e+00, v1;
	_ =	sdelay $0x1  }
0xd8: {  	v1 =	vadd.f32 v19, v1;
	_ =	sdelay $0x1  }
0xd9: {  	[tilespmem:s12+$0x17A80] =	vst v1  }
0xda: {  	v1 =	vld [tilespmem:s13+$0xFA90];
	_ =	sdelay $0x1  }
0xdb: {  	v20 =	vld [tilespmem:s31+$0x150];
	_ =	sdelay $0x2  }
0xdc: {  	v1 =	vmul.f32 $8.000000000e+00, v1;
	_ =	sdelay $0x1  }
0xdd: {  	v1 =	vadd.f32 v20, v1;
	_ =	sdelay $0x1  }
0xde: {  	[tilespmem:s12+$0x17A90] =	vst v1  }
0xdf: {  	v1 =	vld [tilespmem:s13+$0xFAA0];
	_ =	sdelay $0x1  }
0xe0: {  	v21 =	vld [tilespmem:s31+$0x160]  }
0xe1: {  	(v2sf) =	vpush v0, $0x7  }
0xe2: {  	(v2sf) =	vpush v0, $0x6  }
0xe3: {  	v1 =	vmul.f32 $8.000000000e+00, v1;
	_ =	sdelay $0x1  }
0xe4: {  	v1 =	vadd.f32 v21, v1;
	_ =	sdelay $0x1  }
0xe5: {  	[tilespmem:s12+$0x17AA0] =	vst v1  }
0xe6: {  	v1 =	vld [tilespmem:s13+$0xFAB0];
	_ =	sdelay $0x1  }
0xe7: {  	v22 =	vld [tilespmem:s31+$0x170];
	_ =	sdelay $0x2  }
0xe8: {  	v1 =	vmul.f32 $8.000000000e+00, v1;
	_ =	sdelay $0x1  }
0xe9: {  	v1 =	vadd.f32 v22, v1  }
0xea: {  	s13 =	spop (v2sf)  }
0xeb: {  	s14 =	spop (v2sf);
	[tilespmem:s12+$0x17AB0] =	vst v1  }
0xec: {  	v1 =	vld [tilespmem:s14+$0xFB00];
	_ =	sdelay $0x1  }
0xed: {  	v23 =	vld [tilespmem:s31+$0x180];
	_ =	sdelay $0x2  }
0xee: {  	v1 =	vmul.f32 $8.000000000e+00, v1;
	_ =	sdelay $0x1  }
0xef: {  	v1 =	vadd.f32 v23, v1;
	_ =	sdelay $0x1  }
0xf0: {  	[tilespmem:s12+$0x17B00] =	vst v1  }
0xf1: {  	v1 =	vld [tilespmem:s14+$0xFB10];
	_ =	sdelay $0x1  }
0xf2: {  	v24 =	vld [tilespmem:s31+$0x190];
	_ =	sdelay $0x2  }
0xf3: {  	v1 =	vmul.f32 $8.000000000e+00, v1;
	_ =	sdelay $0x1  }
0xf4: {  	v1 =	vadd.f32 v24, v1;
	_ =	sdelay $0x1  }
0xf5: {  	[tilespmem:s12+$0x17B10] =	vst v1  }
0xf6: {  	v1 =	vld [tilespmem:s14+$0xFB20];
	_ =	sdelay $0x1  }
0xf7: {  	v25 =	vld [tilespmem:s31+$0x1A0];
	_ =	sdelay $0x2  }
0xf8: {  	v1 =	vmul.f32 $8.000000000e+00, v1;
	_ =	sdelay $0x1  }
0xf9: {  	v1 =	vadd.f32 v25, v1;
	_ =	sdelay $0x1  }
0xfa: {  	[tilespmem:s12+$0x17B20] =	vst v1  }
0xfb: {  	v1 =	vld [tilespmem:s14+$0xFB30];
	_ =	sdelay $0x1  }
0xfc: {  	v26 =	vld [tilespmem:s31+$0x1B0];
	_ =	sdelay $0x2  }
0xfd: {  	v1 =	vmul.f32 $8.000000000e+00, v1;
	_ =	sdelay $0x1  }
0xfe: {  	v1 =	vadd.f32 v26, v1;
	_ =	sdelay $0x1  }
0xff: {  	[tilespmem:s12+$0x17B30] =	vst v1  }
0x100: {  	v1 =	vld [tilespmem:s13+$0xFB80];
	_ =	sdelay $0x1  }
0x101: {  	v27 =	vld [tilespmem:s31+$0x1C0];
	_ =	sdelay $0x2  }
0x102: {  	v1 =	vmul.f32 $8.000000000e+00, v1;
	_ =	sdelay $0x1  }
0x103: {  	v1 =	vadd.f32 v27, v1;
	_ =	sdelay $0x1  }
0x104: {  	[tilespmem:s12+$0x17B80] =	vst v1  }
0x105: {  	v1 =	vld [tilespmem:s13+$0xFB90];
	_ =	sdelay $0x1  }
0x106: {  	v28 =	vld [tilespmem:s31+$0x1D0];
	_ =	sdelay $0x2  }
0x107: {  	v1 =	vmul.f32 $8.000000000e+00, v1;
	_ =	sdelay $0x1  }
0x108: {  	v1 =	vadd.f32 v28, v1;
	_ =	sdelay $0x1  }
0x109: {  	[tilespmem:s12+$0x17B90] =	vst v1  }
0x10a: {  	v1 =	vld [tilespmem:s13+$0xFBA0];
	_ =	sdelay $0x1  }
0x10b: {  	v29 =	vld [tilespmem:s31+$0x1E0]  }
0x10c: {  	(v2sf) =	vpush v0, $0x9  }
0x10d: {  	(v2sf) =	vpush v0, $0x8  }
0x10e: {  	v1 =	vmul.f32 $8.000000000e+00, v1;
	_ =	sdelay $0x1  }
0x10f: {  	v1 =	vadd.f32 v29, v1;
	_ =	sdelay $0x1  }
0x110: {  	[tilespmem:s12+$0x17BA0] =	vst v1  }
0x111: {  	v1 =	vld [tilespmem:s13+$0xFBB0];
	_ =	sdelay $0x1  }
0x112: {  	v30 =	vld [tilespmem:s31+$0x1F0];
	_ =	sdelay $0x2  }
0x113: {  	v1 =	vmul.f32 $8.000000000e+00, v1;
	_ =	sdelay $0x1  }
0x114: {  	v1 =	vadd.f32 v30, v1  }
0x115: {  	s13 =	spop (v2sf)  }
0x116: {  	s14 =	spop (v2sf);
	[tilespmem:s12+$0x17BB0] =	vst v1  }
0x117: {  	v1 =	vld [tilespmem:s14+$0xFC00];
	_ =	sdelay $0x1  }
0x118: {  	v31 =	vld [tilespmem:s31+$0x200];
	_ =	sdelay $0x2  }
0x119: {  	v1 =	vmul.f32 $8.000000000e+00, v1;
	_ =	sdelay $0x1  }
0x11a: {  	v1 =	vadd.f32 v31, v1;
	_ =	sdelay $0x1  }
0x11b: {  	[tilespmem:s12+$0x17C00] =	vst v1  }
0x11c: {  	v1 =	vld [tilespmem:s14+$0xFC10];
	_ =	sdelay $0x1  }
0x11d: {  	v32 =	vld [tilespmem:s31+$0x210];
	_ =	sdelay $0x2  }
0x11e: {  	v1 =	vmul.f32 $8.000000000e+00, v1;
	_ =	sdelay $0x1  }
0x11f: {  	v1 =	vadd.f32 v32, v1;
	_ =	sdelay $0x1  }
0x120: {  	[tilespmem:s12+$0x17C10] =	vst v1  }
0x121: {  	v1 =	vld [tilespmem:s14+$0xFC20];
	_ =	sdelay $0x1  }
0x122: {  	v33 =	vld [tilespmem:s31+$0x220];
	_ =	sdelay $0x2  }
0x123: {  	v1 =	vmul.f32 $8.000000000e+00, v1;
	_ =	sdelay $0x1  }
0x124: {  	v1 =	vadd.f32 v33, v1;
	_ =	sdelay $0x1  }
0x125: {  	[tilespmem:s12+$0x17C20] =	vst v1  }
0x126: {  	v1 =	vld [tilespmem:s14+$0xFC30];
	_ =	sdelay $0x1  }
0x127: {  	v34 =	vld [tilespmem:s31+$0x230];
	_ =	sdelay $0x2  }
0x128: {  	v1 =	vmul.f32 $8.000000000e+00, v1;
	_ =	sdelay $0x1  }
0x129: {  	v1 =	vadd.f32 v34, v1;
	_ =	sdelay $0x1  }
0x12a: {  	[tilespmem:s12+$0x17C30] =	vst v1  }
0x12b: {  	v1 =	vld [tilespmem:s13+$0xFC80];
	_ =	sdelay $0x1  }
0x12c: {  	v35 =	vld [tilespmem:s31+$0x240];
	_ =	sdelay $0x2  }
0x12d: {  	v1 =	vmul.f32 $8.000000000e+00, v1;
	_ =	sdelay $0x1  }
0x12e: {  	v1 =	vadd.f32 v35, v1;
	_ =	sdelay $0x1  }
0x12f: {  	[tilespmem:s12+$0x17C80] =	vst v1  }
0x130: {  	v1 =	vld [tilespmem:s13+$0xFC90];
	_ =	sdelay $0x1  }
0x131: {  	v36 =	vld [tilespmem:s31+$0x250];
	_ =	sdelay $0x2  }
0x132: {  	v1 =	vmul.f32 $8.000000000e+00, v1;
	_ =	sdelay $0x1  }
0x133: {  	v1 =	vadd.f32 v36, v1;
	_ =	sdelay $0x1  }
0x134: {  	[tilespmem:s12+$0x17C90] =	vst v1  }
0x135: {  	v1 =	vld [tilespmem:s13+$0xFCA0];
	_ =	sdelay $0x1  }
0x136: {  	v37 =	vld [tilespmem:s31+$0x260]  }
0x137: {  	(v2sf) =	vpush v0, $0xB  }
0x138: {  	(v2sf) =	vpush v0, $0xA  }
0x139: {  	v1 =	vmul.f32 $8.000000000e+00, v1;
	_ =	sdelay $0x1  }
0x13a: {  	v1 =	vadd.f32 v37, v1;
	_ =	sdelay $0x1  }
0x13b: {  	[tilespmem:s12+$0x17CA0] =	vst v1  }
0x13c: {  	v1 =	vld [tilespmem:s13+$0xFCB0];
	_ =	sdelay $0x1  }
0x13d: {  	v38 =	vld [tilespmem:s31+$0x270];
	_ =	sdelay $0x2  }
0x13e: {  	v1 =	vmul.f32 $8.000000000e+00, v1;
	_ =	sdelay $0x1  }
0x13f: {  	v1 =	vadd.f32 v38, v1  }
0x140: {  	s13 =	spop (v2sf)  }
0x141: {  	s14 =	spop (v2sf);
	[tilespmem:s12+$0x17CB0] =	vst v1  }
0x142: {  	v1 =	vld [tilespmem:s14+$0xFD00];
	_ =	sdelay $0x1  }
0x143: {  	v39 =	vld [tilespmem:s31+$0x280];
	_ =	sdelay $0x2  }
0x144: {  	v1 =	vmul.f32 $8.000000000e+00, v1;
	_ =	sdelay $0x1  }
0x145: {  	v1 =	vadd.f32 v39, v1;
	_ =	sdelay $0x1  }
0x146: {  	[tilespmem:s12+$0x17D00] =	vst v1  }
0x147: {  	v1 =	vld [tilespmem:s14+$0xFD10];
	_ =	sdelay $0x1  }
0x148: {  	v40 =	vld [tilespmem:s31+$0x290];
	_ =	sdelay $0x2  }
0x149: {  	v1 =	vmul.f32 $8.000000000e+00, v1;
	_ =	sdelay $0x1  }
0x14a: {  	v1 =	vadd.f32 v40, v1;
	_ =	sdelay $0x1  }
0x14b: {  	[tilespmem:s12+$0x17D10] =	vst v1  }
0x14c: {  	v1 =	vld [tilespmem:s14+$0xFD20];
	_ =	sdelay $0x1  }
0x14d: {  	v41 =	vld [tilespmem:s31+$0x2A0];
	_ =	sdelay $0x2  }
0x14e: {  	v1 =	vmul.f32 $8.000000000e+00, v1;
	_ =	sdelay $0x1  }
0x14f: {  	v1 =	vadd.f32 v41, v1;
	_ =	sdelay $0x1  }
0x150: {  	[tilespmem:s12+$0x17D20] =	vst v1  }
0x151: {  	v1 =	vld [tilespmem:s14+$0xFD30];
	_ =	sdelay $0x1  }
0x152: {  	v42 =	vld [tilespmem:s31+$0x2B0];
	_ =	sdelay $0x2  }
0x153: {  	v1 =	vmul.f32 $8.000000000e+00, v1;
	_ =	sdelay $0x1  }
0x154: {  	v1 =	vadd.f32 v42, v1;
	_ =	sdelay $0x1  }
0x155: {  	[tilespmem:s12+$0x17D30] =	vst v1  }
0x156: {  	v1 =	vld [tilespmem:s13+$0xFD80];
	_ =	sdelay $0x1  }
0x157: {  	v43 =	vld [tilespmem:s31+$0x2C0];
	_ =	sdelay $0x2  }
0x158: {  	v1 =	vmul.f32 $8.000000000e+00, v1;
	_ =	sdelay $0x1  }
0x159: {  	v1 =	vadd.f32 v43, v1;
	_ =	sdelay $0x1  }
0x15a: {  	[tilespmem:s12+$0x17D80] =	vst v1  }
0x15b: {  	v1 =	vld [tilespmem:s13+$0xFD90];
	_ =	sdelay $0x1  }
0x15c: {  	v44 =	vld [tilespmem:s31+$0x2D0];
	_ =	sdelay $0x2  }
0x15d: {  	v1 =	vmul.f32 $8.000000000e+00, v1;
	_ =	sdelay $0x1  }
0x15e: {  	v1 =	vadd.f32 v44, v1;
	_ =	sdelay $0x1  }
0x15f: {  	[tilespmem:s12+$0x17D90] =	vst v1  }
0x160: {  	v1 =	vld [tilespmem:s13+$0xFDA0];
	_ =	sdelay $0x1  }
0x161: {  	v45 =	vld [tilespmem:s31+$0x2E0]  }
0x162: {  	(v2sf) =	vpush v0, $0xD  }
0x163: {  	(v2sf) =	vpush v0, $0xC  }
0x164: {  	v1 =	vmul.f32 $8.000000000e+00, v1;
	_ =	sdelay $0x1  }
0x165: {  	v1 =	vadd.f32 v45, v1;
	_ =	sdelay $0x1  }
0x166: {  	[tilespmem:s12+$0x17DA0] =	vst v1  }
0x167: {  	v1 =	vld [tilespmem:s13+$0xFDB0];
	_ =	sdelay $0x1  }
0x168: {  	v46 =	vld [tilespmem:s31+$0x2F0];
	_ =	sdelay $0x2  }
0x169: {  	v1 =	vmul.f32 $8.000000000e+00, v1;
	_ =	sdelay $0x1  }
0x16a: {  	v1 =	vadd.f32 v46, v1  }
0x16b: {  	s13 =	spop (v2sf)  }
0x16c: {  	s14 =	spop (v2sf);
	[tilespmem:s12+$0x17DB0] =	vst v1  }
0x16d: {  	v1 =	vld [tilespmem:s14+$0xFE00];
	_ =	sdelay $0x1  }
0x16e: {  	v47 =	vld [tilespmem:s31+$0x300];
	_ =	sdelay $0x2  }
0x16f: {  	v1 =	vmul.f32 $8.000000000e+00, v1;
	_ =	sdelay $0x1  }
0x170: {  	v1 =	vadd.f32 v47, v1;
	_ =	sdelay $0x1  }
0x171: {  	[tilespmem:s12+$0x17E00] =	vst v1  }
0x172: {  	v1 =	vld [tilespmem:s14+$0xFE10];
	_ =	sdelay $0x1  }
0x173: {  	v48 =	vld [tilespmem:s31+$0x310];
	_ =	sdelay $0x2  }
0x174: {  	v1 =	vmul.f32 $8.000000000e+00, v1;
	_ =	sdelay $0x1  }
0x175: {  	v1 =	vadd.f32 v48, v1;
	_ =	sdelay $0x1  }
0x176: {  	[tilespmem:s12+$0x17E10] =	vst v1  }
0x177: {  	v1 =	vld [tilespmem:s14+$0xFE20];
	_ =	sdelay $0x1  }
0x178: {  	v49 =	vld [tilespmem:s31+$0x320];
	_ =	sdelay $0x2  }
0x179: {  	v1 =	vmul.f32 $8.000000000e+00, v1;
	_ =	sdelay $0x1  }
0x17a: {  	v1 =	vadd.f32 v49, v1;
	_ =	sdelay $0x1  }
0x17b: {  	[tilespmem:s12+$0x17E20] =	vst v1  }
0x17c: {  	v1 =	vld [tilespmem:s14+$0xFE30];
	_ =	sdelay $0x1  }
0x17d: {  	v50 =	vld [tilespmem:s31+$0x330];
	_ =	sdelay $0x2  }
0x17e: {  	v1 =	vmul.f32 $8.000000000e+00, v1;
	_ =	sdelay $0x1  }
0x17f: {  	v1 =	vadd.f32 v50, v1;
	_ =	sdelay $0x1  }
0x180: {  	[tilespmem:s12+$0x17E30] =	vst v1  }
0x181: {  	v1 =	vld [tilespmem:s13+$0xFE80];
	_ =	sdelay $0x1  }
0x182: {  	v51 =	vld [tilespmem:s31+$0x340];
	_ =	sdelay $0x2  }
0x183: {  	v1 =	vmul.f32 $8.000000000e+00, v1;
	_ =	sdelay $0x1  }
0x184: {  	v1 =	vadd.f32 v51, v1;
	_ =	sdelay $0x1  }
0x185: {  	[tilespmem:s12+$0x17E80] =	vst v1  }
0x186: {  	v1 =	vld [tilespmem:s13+$0xFE90];
	_ =	sdelay $0x1  }
0x187: {  	v52 =	vld [tilespmem:s31+$0x350];
	_ =	sdelay $0x2  }
0x188: {  	v1 =	vmul.f32 $8.000000000e+00, v1;
	_ =	sdelay $0x1  }
0x189: {  	v1 =	vadd.f32 v52, v1;
	_ =	sdelay $0x1  }
0x18a: {  	[tilespmem:s12+$0x17E90] =	vst v1  }
0x18b: {  	v1 =	vld [tilespmem:s13+$0xFEA0];
	_ =	sdelay $0x1  }
0x18c: {  	v53 =	vld [tilespmem:s31+$0x360]  }
0x18d: {  	(v2sf) =	vpush v0, $0xF  }
0x18e: {  	(v2sf) =	vpush v0, $0xE  }
0x18f: {  	v54 =	vmul.f32 $8.000000000e+00, v1;
	_ =	sdelay $0x1  }
0x190: {  	v0 =	vadd.f32 v53, v54;
	_ =	sdelay $0x1  }
0x191: {  	[tilespmem:s12+$0x17EA0] =	vst v0  }
0x192: {  	v0 =	vld [tilespmem:s13+$0xFEB0];
	_ =	sdelay $0x1  }
0x193: {  	v55 =	vld [tilespmem:s31+$0x370];
	_ =	sdelay $0x2  }
0x194: {  	v0 =	vmul.f32 $8.000000000e+00, v0;
	_ =	sdelay $0x1  }
0x195: {  	v0 =	vadd.f32 v55, v0  }
0x196: {  	s13 =	spop (v2sf)  }
0x197: {  	s14 =	spop (v2sf);
	[tilespmem:s12+$0x17EB0] =	vst v0  }
0x198: {  	v0 =	vld [tilespmem:s14+$0xFF00];
	_ =	sdelay $0x1  }
0x199: {  	v56 =	vld [tilespmem:s31+$0x380];
	_ =	sdelay $0x2  }
0x19a: {  	v0 =	vmul.f32 $8.000000000e+00, v0;
	_ =	sdelay $0x1  }
0x19b: {  	v0 =	vadd.f32 v56, v0;
	_ =	sdelay $0x1  }
0x19c: {  	[tilespmem:s12+$0x17F00] =	vst v0  }
0x19d: {  	v0 =	vld [tilespmem:s14+$0xFF10];
	_ =	sdelay $0x1  }
0x19e: {  	v57 =	vld [tilespmem:s31+$0x390];
	_ =	sdelay $0x2  }
0x19f: {  	v0 =	vmul.f32 $8.000000000e+00, v0;
	_ =	sdelay $0x1  }
0x1a0: {  	v0 =	vadd.f32 v57, v0;
	_ =	sdelay $0x1  }
0x1a1: {  	[tilespmem:s12+$0x17F10] =	vst v0  }
0x1a2: {  	v0 =	vld [tilespmem:s14+$0xFF20];
	_ =	sdelay $0x1  }
0x1a3: {  	v58 =	vld [tilespmem:s31+$0x3A0];
	_ =	sdelay $0x2  }
0x1a4: {  	v0 =	vmul.f32 $8.000000000e+00, v0;
	_ =	sdelay $0x1  }
0x1a5: {  	v0 =	vadd.f32 v58, v0;
	_ =	sdelay $0x1  }
0x1a6: {  	[tilespmem:s12+$0x17F20] =	vst v0  }
0x1a7: {  	v0 =	vld [tilespmem:s14+$0xFF30];
	_ =	sdelay $0x1  }
0x1a8: {  	v59 =	vld [tilespmem:s31+$0x3B0];
	_ =	sdelay $0x2  }
0x1a9: {  	v0 =	vmul.f32 $8.000000000e+00, v0;
	_ =	sdelay $0x1  }
0x1aa: {  	v0 =	vadd.f32 v59, v0;
	_ =	sdelay $0x1  }
0x1ab: {  	[tilespmem:s12+$0x17F30] =	vst v0  }
0x1ac: {  	v0 =	vld [tilespmem:s13+$0xFF80];
	_ =	sdelay $0x1  }
0x1ad: {  	v60 =	vld [tilespmem:s31+$0x3C0];
	_ =	sdelay $0x2  }
0x1ae: {  	v0 =	vmul.f32 $8.000000000e+00, v0;
	_ =	sdelay $0x1  }
0x1af: {  	v0 =	vadd.f32 v60, v0;
	_ =	sdelay $0x1  }
0x1b0: {  	[tilespmem:s12+$0x17F80] =	vst v0  }
0x1b1: {  	v0 =	vld [tilespmem:s13+$0xFF90];
	_ =	sdelay $0x1  }
0x1b2: {  	v61 =	vld [tilespmem:s31+$0x3D0];
	_ =	sdelay $0x2  }
0x1b3: {  	v0 =	vmul.f32 $8.000000000e+00, v0;
	_ =	sdelay $0x1  }
0x1b4: {  	v0 =	vadd.f32 v61, v0;
	_ =	sdelay $0x1  }
0x1b5: {  	[tilespmem:s12+$0x17F90] =	vst v0  }
0x1b6: {  	v0 =	vld [tilespmem:s13+$0xFFA0];
	_ =	sdelay $0x1  }
0x1b7: {  	v62 =	vld [tilespmem:s31+$0x3E0];
	_ =	sdelay $0x2  }
0x1b8: {  	v0 =	vmul.f32 $8.000000000e+00, v0;
	_ =	sdelay $0x1  }
0x1b9: {  	v0 =	vadd.f32 v62, v0;
	_ =	sdelay $0x1  }
0x1ba: {  	[tilespmem:s12+$0x17FA0] =	vst v0  }
0x1bb: {  	v0 =	vld [tilespmem:s13+$0xFFB0];
	_ =	sdelay $0x1  }
0x1bc: {  	v63 =	vld [tilespmem:s31+$0x3F0];
	_ =	sdelay $0x1  }
0x1bd: {  	p0 =	sne.s32 s0, $0xE000  }
.Ltmp5:
0x1be: {  	v0 =	vmul.f32 $8.000000000e+00, v0;
	(pc) =	sbr.rel @p0 .LBB2_7-.Ltmp5, $3  }
0x1bf: {  	_ = 	snop  }
0x1c0: {  	v0 =	vadd.f32 v63, v0;
	_ =	sdelay $0x1  }
0x1c1: {  	s28 =	sadd.s32 $0x10, s28;
	s0 =	sadd.s32 $0x2000, s0;
	s31 =	sadd.s32 $0x400, s31;
	[tilespmem:s12+$0x17FB0] =	vst v0  }
.Ltmp6:
0x1c2: {  	(pc) =	sbr.rel .LBB2_9-.Ltmp6, $4  }
0x1c3: {  	s0 =	sadd.s32 s3, s1  }
0x1c4: {  	s0 =	sshll.u32 s0, $0x4  }
0x1c5: {  	s0 =	sadd.s32 s6, s0  }
0x1c6: {  	[hbm4b:s0+s2] =	stream.linear.scatter [tilespmem:s16], [sflag:$0x4], $0x4000, $0x38;
	[tilespmem:$0x1B900] =	vst v63  }
.LBB2_3:
0x1c7: {  	s1 =	sshll.u32 s30, $0x7  }
0x1c8: {  	s0 =	sand.u32 $0x3FFFFF80, s1  }
0x1c9: {  	v0 =	vld [tilespmem:s0+$0x80];
	_ =	sdelay $0x4  }
0x1ca: {  	v0 =	vshrl.u32 v0, $0x1  }
0x1cb: {  	[tilespmem:$0x1B880] =	vst v0  }
0x1cc: {  	v0 =	vld [tilespmem:s0+$0x90];
	_ =	sdelay $0x4  }
0x1cd: {  	v0 =	vshrl.u32 v0, $0x1  }
0x1ce: {  	[tilespmem:$0x1B890] =	vst v0  }
0x1cf: {  	v0 =	vld [tilespmem:s0+$0xA0];
	_ =	sdelay $0x4  }
0x1d0: {  	v0 =	vshrl.u32 v0, $0x1  }
0x1d1: {  	[tilespmem:$0x1B8A0] =	vst v0  }
0x1d2: {  	v0 =	vld [tilespmem:s0+$0xB0];
	_ =	sdelay $0x4  }
0x1d3: {  	v0 =	vshrl.u32 v0, $0x1  }
0x1d4: {  	[tilespmem:$0x1B8B0] =	vst v0  }
0x1d5: {  	v0 =	vld [tilespmem:s0+$0xC0];
	_ =	sdelay $0x4  }
0x1d6: {  	v0 =	vshrl.u32 v0, $0x1  }
0x1d7: {  	[tilespmem:$0x1B8C0] =	vst v0  }
0x1d8: {  	v0 =	vld [tilespmem:s0+$0xD0];
	_ =	sdelay $0x4  }
0x1d9: {  	v0 =	vshrl.u32 v0, $0x1  }
0x1da: {  	[tilespmem:$0x1B8D0] =	vst v0  }
0x1db: {  	v0 =	vld [tilespmem:s0+$0xE0];
	_ =	sdelay $0x4  }
0x1dc: {  	v0 =	vshrl.u32 v0, $0x1  }
0x1dd: {  	[tilespmem:$0x1B8E0] =	vst v0  }
0x1de: {  	v0 =	vld [tilespmem:s0+$0xF0];
	_ =	sdelay $0x4  }
0x1df: {  	v0 =	vshrl.u32 v0, $0x1  }
0x1e0: {  	[tilespmem:$0x1B8F0] =	vst v0  }
0x1e1: {  	[tilespmem:s20], [sflag:$0x2] =	stream.indirect.gather [hbm4b:s5+s10], $0x80, s19, s10, $0xb8;
	[tilespmem:$0x1B900] =	vst v63  }
0x1e2: {  	_ = 	snop  }
0x1e3: {  	[tilespmem:s22], [sflag:$0x2] =	stream.indirect.gather [hbm4b:s5+s10], $0x80, s21, s10, $0xb8;
	[tilespmem:$0x1B900] =	vst v63  }
0x1e4: {  	_ =	swait.ge [sflag:s23], $0x2000  }
0x1e5: {  	[sflag:s23] =	ssyncset.done $0x0  }
0x1e6: {  	[sflag:s23] =	ssyncadd.s32 $0xFFFFE000  }
0x1e7: {  	_ =	swait.ge [sflag:s23], $0x2000  }
0x1e8: {  	p0 =	slt.u32 s30, $0x2;
	[sflag:s23] =	ssyncset.done $0x0  }
0x1e9: {  	s0 =	simm.s32 @!p0 $0x3;
	[sflag:s23] =	ssyncadd.s32 $0xFFFFE000  }
0x1ea: {  	_ =	swait.ge @!p0 [sflag:s0], $0x4000  }
0x1eb: {  	[sflag:s0] =	ssyncset.done @!p0 $0x0  }
0x1ec: {  	s28 =	smov.u32 s11;
	[sflag:s0] =	ssyncadd.s32 @!p0 $0xFFFFC000;
	s0 =	simm.s32 $0x0  }
.LBB2_4:
0x1ed: {  	v0 =	vld [tilespmem:s28+$0x0];
	_ =	sdelay $0x4  }
0x1ee: {  	v0 =	vshll.u32 v0, $0x6  }
0x1ef: {  	s12 =	sshra.s32 s0, $0x2;
	v0 =	vand.u32 $0x40, v0  }
0x1f0: {  	v0 =	vadd.s32 s12, v0  }
0x1f1: {  	(v2sf) =	vpush v0, $0x1  }
0x1f2: {  	(v2sf) =	vpush v0, $0x0;
	_ =	sdelay $0xd  }
0x1f3: {  	s13 =	spop (v2sf)  }
0x1f4: {  	s14 =	spop (v2sf)  }
0x1f5: {  	v1 =	vld [tilespmem:s14+$0xB800];
	_ =	sdelay $0x1  }
0x1f6: {  	v2 =	vld [tilespmem:s31+$0x0];
	_ =	sdelay $0x2  }
0x1f7: {  	v1 =	vmul.f32 $8.000000000e+00, v1;
	_ =	sdelay $0x1  }
0x1f8: {  	v1 =	vadd.f32 v2, v1;
	_ =	sdelay $0x1  }
0x1f9: {  	[tilespmem:s12+$0x13800] =	vst v1  }
0x1fa: {  	v1 =	vld [tilespmem:s14+$0xB810];
	_ =	sdelay $0x1  }
0x1fb: {  	v60 =	vld [tilespmem:s31+$0x10];
	_ =	sdelay $0x2  }
0x1fc: {  	v1 =	vmul.f32 $8.000000000e+00, v1;
	_ =	sdelay $0x1  }
0x1fd: {  	v1 =	vadd.f32 v60, v1;
	_ =	sdelay $0x1  }
0x1fe: {  	[tilespmem:s12+$0x13810] =	vst v1  }
0x1ff: {  	v1 =	vld [tilespmem:s14+$0xB820];
	_ =	sdelay $0x1  }
0x200: {  	v61 =	vld [tilespmem:s31+$0x20];
	_ =	sdelay $0x2  }
0x201: {  	v1 =	vmul.f32 $8.000000000e+00, v1;
	_ =	sdelay $0x1  }
0x202: {  	v1 =	vadd.f32 v61, v1;
	_ =	sdelay $0x1  }
0x203: {  	[tilespmem:s12+$0x13820] =	vst v1  }
0x204: {  	v1 =	vld [tilespmem:s14+$0xB830];
	_ =	sdelay $0x1  }
0x205: {  	v62 =	vld [tilespmem:s31+$0x30];
	_ =	sdelay $0x2  }
0x206: {  	v1 =	vmul.f32 $8.000000000e+00, v1;
	_ =	sdelay $0x1  }
0x207: {  	v1 =	vadd.f32 v62, v1;
	_ =	sdelay $0x1  }
0x208: {  	[tilespmem:s12+$0x13830] =	vst v1  }
0x209: {  	v1 =	vld [tilespmem:s13+$0xB880];
	_ =	sdelay $0x1  }
0x20a: {  	v63 =	vld [tilespmem:s31+$0x40];
	_ =	sdelay $0x2  }
0x20b: {  	v1 =	vmul.f32 $8.000000000e+00, v1;
	_ =	sdelay $0x1  }
0x20c: {  	v1 =	vadd.f32 v63, v1;
	_ =	sdelay $0x1  }
0x20d: {  	[tilespmem:s12+$0x13880] =	vst v1  }
0x20e: {  	v1 =	vld [tilespmem:s13+$0xB890];
	_ =	sdelay $0x1  }
0x20f: {  	v4 =	vld [tilespmem:s31+$0x50];
	_ =	sdelay $0x2  }
0x210: {  	v1 =	vmul.f32 $8.000000000e+00, v1;
	_ =	sdelay $0x1  }
0x211: {  	v1 =	vadd.f32 v4, v1;
	_ =	sdelay $0x1  }
0x212: {  	[tilespmem:s12+$0x13890] =	vst v1  }
0x213: {  	v1 =	vld [tilespmem:s13+$0xB8A0];
	_ =	sdelay $0x1  }
0x214: {  	v5 =	vld [tilespmem:s31+$0x60]  }
0x215: {  	(v2sf) =	vpush v0, $0x3  }
0x216: {  	(v2sf) =	vpush v0, $0x2  }
0x217: {  	v1 =	vmul.f32 $8.000000000e+00, v1;
	_ =	sdelay $0x1  }
0x218: {  	v1 =	vadd.f32 v5, v1;
	_ =	sdelay $0x1  }
0x219: {  	[tilespmem:s12+$0x138A0] =	vst v1  }
0x21a: {  	v1 =	vld [tilespmem:s13+$0xB8B0];
	_ =	sdelay $0x1  }
0x21b: {  	v6 =	vld [tilespmem:s31+$0x70];
	_ =	sdelay $0x2  }
0x21c: {  	v1 =	vmul.f32 $8.000000000e+00, v1;
	_ =	sdelay $0x1  }
0x21d: {  	v1 =	vadd.f32 v6, v1  }
0x21e: {  	s13 =	spop (v2sf)  }
0x21f: {  	s14 =	spop (v2sf);
	[tilespmem:s12+$0x138B0] =	vst v1  }
0x220: {  	v1 =	vld [tilespmem:s14+$0xB900];
	_ =	sdelay $0x1  }
0x221: {  	v7 =	vld [tilespmem:s31+$0x80];
	_ =	sdelay $0x2  }
0x222: {  	v1 =	vmul.f32 $8.000000000e+00, v1;
	_ =	sdelay $0x1  }
0x223: {  	v1 =	vadd.f32 v7, v1;
	_ =	sdelay $0x1  }
0x224: {  	[tilespmem:s12+$0x13900] =	vst v1  }
0x225: {  	v1 =	vld [tilespmem:s14+$0xB910];
	_ =	sdelay $0x1  }
0x226: {  	v8 =	vld [tilespmem:s31+$0x90];
	_ =	sdelay $0x2  }
0x227: {  	v1 =	vmul.f32 $8.000000000e+00, v1;
	_ =	sdelay $0x1  }
0x228: {  	v1 =	vadd.f32 v8, v1;
	_ =	sdelay $0x1  }
0x229: {  	[tilespmem:s12+$0x13910] =	vst v1  }
0x22a: {  	v1 =	vld [tilespmem:s14+$0xB920];
	_ =	sdelay $0x1  }
0x22b: {  	v9 =	vld [tilespmem:s31+$0xA0];
	_ =	sdelay $0x2  }
0x22c: {  	v1 =	vmul.f32 $8.000000000e+00, v1;
	_ =	sdelay $0x1  }
0x22d: {  	v1 =	vadd.f32 v9, v1;
	_ =	sdelay $0x1  }
0x22e: {  	[tilespmem:s12+$0x13920] =	vst v1  }
0x22f: {  	v1 =	vld [tilespmem:s14+$0xB930];
	_ =	sdelay $0x1  }
0x230: {  	v10 =	vld [tilespmem:s31+$0xB0];
	_ =	sdelay $0x2  }
0x231: {  	v1 =	vmul.f32 $8.000000000e+00, v1;
	_ =	sdelay $0x1  }
0x232: {  	v1 =	vadd.f32 v10, v1;
	_ =	sdelay $0x1  }
0x233: {  	[tilespmem:s12+$0x13930] =	vst v1  }
0x234: {  	v1 =	vld [tilespmem:s13+$0xB980];
	_ =	sdelay $0x1  }
0x235: {  	v11 =	vld [tilespmem:s31+$0xC0];
	_ =	sdelay $0x2  }
0x236: {  	v1 =	vmul.f32 $8.000000000e+00, v1;
	_ =	sdelay $0x1  }
0x237: {  	v1 =	vadd.f32 v11, v1;
	_ =	sdelay $0x1  }
0x238: {  	[tilespmem:s12+$0x13980] =	vst v1  }
0x239: {  	v1 =	vld [tilespmem:s13+$0xB990];
	_ =	sdelay $0x1  }
0x23a: {  	v12 =	vld [tilespmem:s31+$0xD0];
	_ =	sdelay $0x2  }
0x23b: {  	v1 =	vmul.f32 $8.000000000e+00, v1;
	_ =	sdelay $0x1  }
0x23c: {  	v1 =	vadd.f32 v12, v1;
	_ =	sdelay $0x1  }
0x23d: {  	[tilespmem:s12+$0x13990] =	vst v1  }
0x23e: {  	v1 =	vld [tilespmem:s13+$0xB9A0];
	_ =	sdelay $0x1  }
0x23f: {  	v13 =	vld [tilespmem:s31+$0xE0]  }
0x240: {  	(v2sf) =	vpush v0, $0x5  }
0x241: {  	(v2sf) =	vpush v0, $0x4  }
0x242: {  	v1 =	vmul.f32 $8.000000000e+00, v1;
	_ =	sdelay $0x1  }
0x243: {  	v1 =	vadd.f32 v13, v1;
	_ =	sdelay $0x1  }
0x244: {  	[tilespmem:s12+$0x139A0] =	vst v1  }
0x245: {  	v1 =	vld [tilespmem:s13+$0xB9B0];
	_ =	sdelay $0x1  }
0x246: {  	v14 =	vld [tilespmem:s31+$0xF0];
	_ =	sdelay $0x2  }
0x247: {  	v1 =	vmul.f32 $8.000000000e+00, v1;
	_ =	sdelay $0x1  }
0x248: {  	v1 =	vadd.f32 v14, v1  }
0x249: {  	s13 =	spop (v2sf)  }
0x24a: {  	s14 =	spop (v2sf);
	[tilespmem:s12+$0x139B0] =	vst v1  }
0x24b: {  	v1 =	vld [tilespmem:s14+$0xBA00];
	_ =	sdelay $0x1  }
0x24c: {  	v15 =	vld [tilespmem:s31+$0x100];
	_ =	sdelay $0x2  }
0x24d: {  	v1 =	vmul.f32 $8.000000000e+00, v1;
	_ =	sdelay $0x1  }
0x24e: {  	v1 =	vadd.f32 v15, v1;
	_ =	sdelay $0x1  }
0x24f: {  	[tilespmem:s12+$0x13A00] =	vst v1  }
0x250: {  	v1 =	vld [tilespmem:s14+$0xBA10];
	_ =	sdelay $0x1  }
0x251: {  	v16 =	vld [tilespmem:s31+$0x110];
	_ =	sdelay $0x2  }
0x252: {  	v1 =	vmul.f32 $8.000000000e+00, v1;
	_ =	sdelay $0x1  }
0x253: {  	v1 =	vadd.f32 v16, v1;
	_ =	sdelay $0x1  }
0x254: {  	[tilespmem:s12+$0x13A10] =	vst v1  }
0x255: {  	v1 =	vld [tilespmem:s14+$0xBA20];
	_ =	sdelay $0x1  }
0x256: {  	v17 =	vld [tilespmem:s31+$0x120];
	_ =	sdelay $0x2  }
0x257: {  	v1 =	vmul.f32 $8.000000000e+00, v1;
	_ =	sdelay $0x1  }
0x258: {  	v1 =	vadd.f32 v17, v1;
	_ =	sdelay $0x1  }
0x259: {  	[tilespmem:s12+$0x13A20] =	vst v1  }
0x25a: {  	v1 =	vld [tilespmem:s14+$0xBA30];
	_ =	sdelay $0x1  }
0x25b: {  	v18 =	vld [tilespmem:s31+$0x130];
	_ =	sdelay $0x2  }
0x25c: {  	v1 =	vmul.f32 $8.000000000e+00, v1;
	_ =	sdelay $0x1  }
0x25d: {  	v1 =	vadd.f32 v18, v1;
	_ =	sdelay $0x1  }
0x25e: {  	[tilespmem:s12+$0x13A30] =	vst v1  }
0x25f: {  	v1 =	vld [tilespmem:s13+$0xBA80];
	_ =	sdelay $0x1  }
0x260: {  	v19 =	vld [tilespmem:s31+$0x140];
	_ =	sdelay $0x2  }
0x261: {  	v1 =	vmul.f32 $8.000000000e+00, v1;
	_ =	sdelay $0x1  }
0x262: {  	v1 =	vadd.f32 v19, v1;
	_ =	sdelay $0x1  }
0x263: {  	[tilespmem:s12+$0x13A80] =	vst v1  }
0x264: {  	v1 =	vld [tilespmem:s13+$0xBA90];
	_ =	sdelay $0x1  }
0x265: {  	v20 =	vld [tilespmem:s31+$0x150];
	_ =	sdelay $0x2  }
0x266: {  	v1 =	vmul.f32 $8.000000000e+00, v1;
	_ =	sdelay $0x1  }
0x267: {  	v1 =	vadd.f32 v20, v1;
	_ =	sdelay $0x1  }
0x268: {  	[tilespmem:s12+$0x13A90] =	vst v1  }
0x269: {  	v1 =	vld [tilespmem:s13+$0xBAA0];
	_ =	sdelay $0x1  }
0x26a: {  	v21 =	vld [tilespmem:s31+$0x160]  }
0x26b: {  	(v2sf) =	vpush v0, $0x7  }
0x26c: {  	(v2sf) =	vpush v0, $0x6  }
0x26d: {  	v1 =	vmul.f32 $8.000000000e+00, v1;
	_ =	sdelay $0x1  }
0x26e: {  	v1 =	vadd.f32 v21, v1;
	_ =	sdelay $0x1  }
0x26f: {  	[tilespmem:s12+$0x13AA0] =	vst v1  }
0x270: {  	v1 =	vld [tilespmem:s13+$0xBAB0];
	_ =	sdelay $0x1  }
0x271: {  	v22 =	vld [tilespmem:s31+$0x170];
	_ =	sdelay $0x2  }
0x272: {  	v1 =	vmul.f32 $8.000000000e+00, v1;
	_ =	sdelay $0x1  }
0x273: {  	v1 =	vadd.f32 v22, v1  }
0x274: {  	s13 =	spop (v2sf)  }
0x275: {  	s14 =	spop (v2sf);
	[tilespmem:s12+$0x13AB0] =	vst v1  }
0x276: {  	v1 =	vld [tilespmem:s14+$0xBB00];
	_ =	sdelay $0x1  }
0x277: {  	v23 =	vld [tilespmem:s31+$0x180];
	_ =	sdelay $0x2  }
0x278: {  	v1 =	vmul.f32 $8.000000000e+00, v1;
	_ =	sdelay $0x1  }
0x279: {  	v1 =	vadd.f32 v23, v1;
	_ =	sdelay $0x1  }
0x27a: {  	[tilespmem:s12+$0x13B00] =	vst v1  }
0x27b: {  	v1 =	vld [tilespmem:s14+$0xBB10];
	_ =	sdelay $0x1  }
0x27c: {  	v24 =	vld [tilespmem:s31+$0x190];
	_ =	sdelay $0x2  }
0x27d: {  	v1 =	vmul.f32 $8.000000000e+00, v1;
	_ =	sdelay $0x1  }
0x27e: {  	v1 =	vadd.f32 v24, v1;
	_ =	sdelay $0x1  }
0x27f: {  	[tilespmem:s12+$0x13B10] =	vst v1  }
0x280: {  	v1 =	vld [tilespmem:s14+$0xBB20];
	_ =	sdelay $0x1  }
0x281: {  	v25 =	vld [tilespmem:s31+$0x1A0];
	_ =	sdelay $0x2  }
0x282: {  	v1 =	vmul.f32 $8.000000000e+00, v1;
	_ =	sdelay $0x1  }
0x283: {  	v1 =	vadd.f32 v25, v1;
	_ =	sdelay $0x1  }
0x284: {  	[tilespmem:s12+$0x13B20] =	vst v1  }
0x285: {  	v1 =	vld [tilespmem:s14+$0xBB30];
	_ =	sdelay $0x1  }
0x286: {  	v26 =	vld [tilespmem:s31+$0x1B0];
	_ =	sdelay $0x2  }
0x287: {  	v1 =	vmul.f32 $8.000000000e+00, v1;
	_ =	sdelay $0x1  }
0x288: {  	v1 =	vadd.f32 v26, v1;
	_ =	sdelay $0x1  }
0x289: {  	[tilespmem:s12+$0x13B30] =	vst v1  }
0x28a: {  	v1 =	vld [tilespmem:s13+$0xBB80];
	_ =	sdelay $0x1  }
0x28b: {  	v27 =	vld [tilespmem:s31+$0x1C0];
	_ =	sdelay $0x2  }
0x28c: {  	v1 =	vmul.f32 $8.000000000e+00, v1;
	_ =	sdelay $0x1  }
0x28d: {  	v1 =	vadd.f32 v27, v1;
	_ =	sdelay $0x1  }
0x28e: {  	[tilespmem:s12+$0x13B80] =	vst v1  }
0x28f: {  	v1 =	vld [tilespmem:s13+$0xBB90];
	_ =	sdelay $0x1  }
0x290: {  	v28 =	vld [tilespmem:s31+$0x1D0];
	_ =	sdelay $0x2  }
0x291: {  	v1 =	vmul.f32 $8.000000000e+00, v1;
	_ =	sdelay $0x1  }
0x292: {  	v1 =	vadd.f32 v28, v1;
	_ =	sdelay $0x1  }
0x293: {  	[tilespmem:s12+$0x13B90] =	vst v1  }
0x294: {  	v1 =	vld [tilespmem:s13+$0xBBA0];
	_ =	sdelay $0x1  }
0x295: {  	v29 =	vld [tilespmem:s31+$0x1E0]  }
0x296: {  	(v2sf) =	vpush v0, $0x9  }
0x297: {  	(v2sf) =	vpush v0, $0x8  }
0x298: {  	v1 =	vmul.f32 $8.000000000e+00, v1;
	_ =	sdelay $0x1  }
0x299: {  	v1 =	vadd.f32 v29, v1;
	_ =	sdelay $0x1  }
0x29a: {  	[tilespmem:s12+$0x13BA0] =	vst v1  }
0x29b: {  	v1 =	vld [tilespmem:s13+$0xBBB0];
	_ =	sdelay $0x1  }
0x29c: {  	v30 =	vld [tilespmem:s31+$0x1F0];
	_ =	sdelay $0x2  }
0x29d: {  	v1 =	vmul.f32 $8.000000000e+00, v1;
	_ =	sdelay $0x1  }
0x29e: {  	v1 =	vadd.f32 v30, v1  }
0x29f: {  	s13 =	spop (v2sf)  }
0x2a0: {  	s14 =	spop (v2sf);
	[tilespmem:s12+$0x13BB0] =	vst v1  }
0x2a1: {  	v1 =	vld [tilespmem:s14+$0xBC00];
	_ =	sdelay $0x1  }
0x2a2: {  	v31 =	vld [tilespmem:s31+$0x200];
	_ =	sdelay $0x2  }
0x2a3: {  	v1 =	vmul.f32 $8.000000000e+00, v1;
	_ =	sdelay $0x1  }
0x2a4: {  	v1 =	vadd.f32 v31, v1;
	_ =	sdelay $0x1  }
0x2a5: {  	[tilespmem:s12+$0x13C00] =	vst v1  }
0x2a6: {  	v1 =	vld [tilespmem:s14+$0xBC10];
	_ =	sdelay $0x1  }
0x2a7: {  	v32 =	vld [tilespmem:s31+$0x210];
	_ =	sdelay $0x2  }
0x2a8: {  	v1 =	vmul.f32 $8.000000000e+00, v1;
	_ =	sdelay $0x1  }
0x2a9: {  	v1 =	vadd.f32 v32, v1;
	_ =	sdelay $0x1  }
0x2aa: {  	[tilespmem:s12+$0x13C10] =	vst v1  }
0x2ab: {  	v1 =	vld [tilespmem:s14+$0xBC20];
	_ =	sdelay $0x1  }
0x2ac: {  	v33 =	vld [tilespmem:s31+$0x220];
	_ =	sdelay $0x2  }
0x2ad: {  	v1 =	vmul.f32 $8.000000000e+00, v1;
	_ =	sdelay $0x1  }
0x2ae: {  	v1 =	vadd.f32 v33, v1;
	_ =	sdelay $0x1  }
0x2af: {  	[tilespmem:s12+$0x13C20] =	vst v1  }
0x2b0: {  	v1 =	vld [tilespmem:s14+$0xBC30];
	_ =	sdelay $0x1  }
0x2b1: {  	v34 =	vld [tilespmem:s31+$0x230];
	_ =	sdelay $0x2  }
0x2b2: {  	v1 =	vmul.f32 $8.000000000e+00, v1;
	_ =	sdelay $0x1  }
0x2b3: {  	v1 =	vadd.f32 v34, v1;
	_ =	sdelay $0x1  }
0x2b4: {  	[tilespmem:s12+$0x13C30] =	vst v1  }
0x2b5: {  	v1 =	vld [tilespmem:s13+$0xBC80];
	_ =	sdelay $0x1  }
0x2b6: {  	v35 =	vld [tilespmem:s31+$0x240];
	_ =	sdelay $0x2  }
0x2b7: {  	v1 =	vmul.f32 $8.000000000e+00, v1;
	_ =	sdelay $0x1  }
0x2b8: {  	v1 =	vadd.f32 v35, v1;
	_ =	sdelay $0x1  }
0x2b9: {  	[tilespmem:s12+$0x13C80] =	vst v1  }
0x2ba: {  	v1 =	vld [tilespmem:s13+$0xBC90];
	_ =	sdelay $0x1  }
0x2bb: {  	v36 =	vld [tilespmem:s31+$0x250];
	_ =	sdelay $0x2  }
0x2bc: {  	v1 =	vmul.f32 $8.000000000e+00, v1;
	_ =	sdelay $0x1  }
0x2bd: {  	v1 =	vadd.f32 v36, v1;
	_ =	sdelay $0x1  }
0x2be: {  	[tilespmem:s12+$0x13C90] =	vst v1  }
0x2bf: {  	v1 =	vld [tilespmem:s13+$0xBCA0];
	_ =	sdelay $0x1  }
0x2c0: {  	v37 =	vld [tilespmem:s31+$0x260]  }
0x2c1: {  	(v2sf) =	vpush v0, $0xB  }
0x2c2: {  	(v2sf) =	vpush v0, $0xA  }
0x2c3: {  	v1 =	vmul.f32 $8.000000000e+00, v1;
	_ =	sdelay $0x1  }
0x2c4: {  	v1 =	vadd.f32 v37, v1;
	_ =	sdelay $0x1  }
0x2c5: {  	[tilespmem:s12+$0x13CA0] =	vst v1  }
0x2c6: {  	v1 =	vld [tilespmem:s13+$0xBCB0];
	_ =	sdelay $0x1  }
0x2c7: {  	v38 =	vld [tilespmem:s31+$0x270];
	_ =	sdelay $0x2  }
0x2c8: {  	v1 =	vmul.f32 $8.000000000e+00, v1;
	_ =	sdelay $0x1  }
0x2c9: {  	v1 =	vadd.f32 v38, v1  }
0x2ca: {  	s13 =	spop (v2sf)  }
0x2cb: {  	s14 =	spop (v2sf);
	[tilespmem:s12+$0x13CB0] =	vst v1  }
0x2cc: {  	v1 =	vld [tilespmem:s14+$0xBD00];
	_ =	sdelay $0x1  }
0x2cd: {  	v39 =	vld [tilespmem:s31+$0x280];
	_ =	sdelay $0x2  }
0x2ce: {  	v1 =	vmul.f32 $8.000000000e+00, v1;
	_ =	sdelay $0x1  }
0x2cf: {  	v1 =	vadd.f32 v39, v1;
	_ =	sdelay $0x1  }
0x2d0: {  	[tilespmem:s12+$0x13D00] =	vst v1  }
0x2d1: {  	v1 =	vld [tilespmem:s14+$0xBD10];
	_ =	sdelay $0x1  }
0x2d2: {  	v40 =	vld [tilespmem:s31+$0x290];
	_ =	sdelay $0x2  }
0x2d3: {  	v1 =	vmul.f32 $8.000000000e+00, v1;
	_ =	sdelay $0x1  }
0x2d4: {  	v1 =	vadd.f32 v40, v1;
	_ =	sdelay $0x1  }
0x2d5: {  	[tilespmem:s12+$0x13D10] =	vst v1  }
0x2d6: {  	v1 =	vld [tilespmem:s14+$0xBD20];
	_ =	sdelay $0x1  }
0x2d7: {  	v41 =	vld [tilespmem:s31+$0x2A0];
	_ =	sdelay $0x2  }
0x2d8: {  	v1 =	vmul.f32 $8.000000000e+00, v1;
	_ =	sdelay $0x1  }
0x2d9: {  	v1 =	vadd.f32 v41, v1;
	_ =	sdelay $0x1  }
0x2da: {  	[tilespmem:s12+$0x13D20] =	vst v1  }
0x2db: {  	v1 =	vld [tilespmem:s14+$0xBD30];
	_ =	sdelay $0x1  }
0x2dc: {  	v42 =	vld [tilespmem:s31+$0x2B0];
	_ =	sdelay $0x2  }
0x2dd: {  	v1 =	vmul.f32 $8.000000000e+00, v1;
	_ =	sdelay $0x1  }
0x2de: {  	v1 =	vadd.f32 v42, v1;
	_ =	sdelay $0x1  }
0x2df: {  	[tilespmem:s12+$0x13D30] =	vst v1  }
0x2e0: {  	v1 =	vld [tilespmem:s13+$0xBD80];
	_ =	sdelay $0x1  }
0x2e1: {  	v43 =	vld [tilespmem:s31+$0x2C0];
	_ =	sdelay $0x2  }
0x2e2: {  	v1 =	vmul.f32 $8.000000000e+00, v1;
	_ =	sdelay $0x1  }
0x2e3: {  	v1 =	vadd.f32 v43, v1;
	_ =	sdelay $0x1  }
0x2e4: {  	[tilespmem:s12+$0x13D80] =	vst v1  }
0x2e5: {  	v1 =	vld [tilespmem:s13+$0xBD90];
	_ =	sdelay $0x1  }
0x2e6: {  	v44 =	vld [tilespmem:s31+$0x2D0];
	_ =	sdelay $0x2  }
0x2e7: {  	v1 =	vmul.f32 $8.000000000e+00, v1;
	_ =	sdelay $0x1  }
0x2e8: {  	v1 =	vadd.f32 v44, v1;
	_ =	sdelay $0x1  }
0x2e9: {  	[tilespmem:s12+$0x13D90] =	vst v1  }
0x2ea: {  	v1 =	vld [tilespmem:s13+$0xBDA0];
	_ =	sdelay $0x1  }
0x2eb: {  	v45 =	vld [tilespmem:s31+$0x2E0]  }
0x2ec: {  	(v2sf) =	vpush v0, $0xD  }
0x2ed: {  	(v2sf) =	vpush v0, $0xC  }
0x2ee: {  	v1 =	vmul.f32 $8.000000000e+00, v1;
	_ =	sdelay $0x1  }
0x2ef: {  	v1 =	vadd.f32 v45, v1;
	_ =	sdelay $0x1  }
0x2f0: {  	[tilespmem:s12+$0x13DA0] =	vst v1  }
0x2f1: {  	v1 =	vld [tilespmem:s13+$0xBDB0];
	_ =	sdelay $0x1  }
0x2f2: {  	v46 =	vld [tilespmem:s31+$0x2F0];
	_ =	sdelay $0x2  }
0x2f3: {  	v1 =	vmul.f32 $8.000000000e+00, v1;
	_ =	sdelay $0x1  }
0x2f4: {  	v1 =	vadd.f32 v46, v1  }
0x2f5: {  	s13 =	spop (v2sf)  }
0x2f6: {  	s14 =	spop (v2sf);
	[tilespmem:s12+$0x13DB0] =	vst v1  }
0x2f7: {  	v1 =	vld [tilespmem:s14+$0xBE00];
	_ =	sdelay $0x1  }
0x2f8: {  	v47 =	vld [tilespmem:s31+$0x300];
	_ =	sdelay $0x2  }
0x2f9: {  	v1 =	vmul.f32 $8.000000000e+00, v1;
	_ =	sdelay $0x1  }
0x2fa: {  	v1 =	vadd.f32 v47, v1;
	_ =	sdelay $0x1  }
0x2fb: {  	[tilespmem:s12+$0x13E00] =	vst v1  }
0x2fc: {  	v1 =	vld [tilespmem:s14+$0xBE10];
	_ =	sdelay $0x1  }
0x2fd: {  	v48 =	vld [tilespmem:s31+$0x310];
	_ =	sdelay $0x2  }
0x2fe: {  	v1 =	vmul.f32 $8.000000000e+00, v1;
	_ =	sdelay $0x1  }
0x2ff: {  	v1 =	vadd.f32 v48, v1;
	_ =	sdelay $0x1  }
0x300: {  	[tilespmem:s12+$0x13E10] =	vst v1  }
0x301: {  	v1 =	vld [tilespmem:s14+$0xBE20];
	_ =	sdelay $0x1  }
0x302: {  	v49 =	vld [tilespmem:s31+$0x320];
	_ =	sdelay $0x2  }
0x303: {  	v1 =	vmul.f32 $8.000000000e+00, v1;
	_ =	sdelay $0x1  }
0x304: {  	v1 =	vadd.f32 v49, v1;
	_ =	sdelay $0x1  }
0x305: {  	[tilespmem:s12+$0x13E20] =	vst v1  }
0x306: {  	v1 =	vld [tilespmem:s14+$0xBE30];
	_ =	sdelay $0x1  }
0x307: {  	v50 =	vld [tilespmem:s31+$0x330];
	_ =	sdelay $0x2  }
0x308: {  	v1 =	vmul.f32 $8.000000000e+00, v1;
	_ =	sdelay $0x1  }
0x309: {  	v1 =	vadd.f32 v50, v1;
	_ =	sdelay $0x1  }
0x30a: {  	[tilespmem:s12+$0x13E30] =	vst v1  }
0x30b: {  	v1 =	vld [tilespmem:s13+$0xBE80];
	_ =	sdelay $0x1  }
0x30c: {  	v51 =	vld [tilespmem:s31+$0x340];
	_ =	sdelay $0x2  }
0x30d: {  	v1 =	vmul.f32 $8.000000000e+00, v1;
	_ =	sdelay $0x1  }
0x30e: {  	v1 =	vadd.f32 v51, v1;
	_ =	sdelay $0x1  }
0x30f: {  	[tilespmem:s12+$0x13E80] =	vst v1  }
0x310: {  	v1 =	vld [tilespmem:s13+$0xBE90];
	_ =	sdelay $0x1  }
0x311: {  	v52 =	vld [tilespmem:s31+$0x350];
	_ =	sdelay $0x2  }
0x312: {  	v1 =	vmul.f32 $8.000000000e+00, v1;
	_ =	sdelay $0x1  }
0x313: {  	v1 =	vadd.f32 v52, v1;
	_ =	sdelay $0x1  }
0x314: {  	[tilespmem:s12+$0x13E90] =	vst v1  }
0x315: {  	v1 =	vld [tilespmem:s13+$0xBEA0];
	_ =	sdelay $0x1  }
0x316: {  	v53 =	vld [tilespmem:s31+$0x360]  }
0x317: {  	(v2sf) =	vpush v0, $0xF  }
0x318: {  	(v2sf) =	vpush v0, $0xE  }
0x319: {  	v54 =	vmul.f32 $8.000000000e+00, v1;
	_ =	sdelay $0x1  }
0x31a: {  	v0 =	vadd.f32 v53, v54;
	_ =	sdelay $0x1  }
0x31b: {  	[tilespmem:s12+$0x13EA0] =	vst v0  }
0x31c: {  	v0 =	vld [tilespmem:s13+$0xBEB0];
	_ =	sdelay $0x1  }
0x31d: {  	v55 =	vld [tilespmem:s31+$0x370];
	_ =	sdelay $0x2  }
0x31e: {  	v0 =	vmul.f32 $8.000000000e+00, v0;
	_ =	sdelay $0x1  }
0x31f: {  	v0 =	vadd.f32 v55, v0  }
0x320: {  	s13 =	spop (v2sf)  }
0x321: {  	s14 =	spop (v2sf);
	[tilespmem:s12+$0x13EB0] =	vst v0  }
0x322: {  	v0 =	vld [tilespmem:s14+$0xBF00];
	_ =	sdelay $0x1  }
0x323: {  	v56 =	vld [tilespmem:s31+$0x380];
	_ =	sdelay $0x2  }
0x324: {  	v0 =	vmul.f32 $8.000000000e+00, v0;
	_ =	sdelay $0x1  }
0x325: {  	v0 =	vadd.f32 v56, v0;
	_ =	sdelay $0x1  }
0x326: {  	[tilespmem:s12+$0x13F00] =	vst v0  }
0x327: {  	v0 =	vld [tilespmem:s14+$0xBF10];
	_ =	sdelay $0x1  }
0x328: {  	v57 =	vld [tilespmem:s31+$0x390];
	_ =	sdelay $0x2  }
0x329: {  	v0 =	vmul.f32 $8.000000000e+00, v0;
	_ =	sdelay $0x1  }
0x32a: {  	v0 =	vadd.f32 v57, v0;
	_ =	sdelay $0x1  }
0x32b: {  	[tilespmem:s12+$0x13F10] =	vst v0  }
0x32c: {  	v0 =	vld [tilespmem:s14+$0xBF20];
	_ =	sdelay $0x1  }
0x32d: {  	v58 =	vld [tilespmem:s31+$0x3A0];
	_ =	sdelay $0x2  }
0x32e: {  	v0 =	vmul.f32 $8.000000000e+00, v0;
	_ =	sdelay $0x1  }
0x32f: {  	v0 =	vadd.f32 v58, v0;
	_ =	sdelay $0x1  }
0x330: {  	[tilespmem:s12+$0x13F20] =	vst v0  }
0x331: {  	v0 =	vld [tilespmem:s14+$0xBF30];
	_ =	sdelay $0x1  }
0x332: {  	v59 =	vld [tilespmem:s31+$0x3B0];
	_ =	sdelay $0x2  }
0x333: {  	v0 =	vmul.f32 $8.000000000e+00, v0;
	_ =	sdelay $0x1  }
0x334: {  	v0 =	vadd.f32 v59, v0;
	_ =	sdelay $0x1  }
0x335: {  	[tilespmem:s12+$0x13F30] =	vst v0  }
0x336: {  	v0 =	vld [tilespmem:s13+$0xBF80];
	_ =	sdelay $0x1  }
0x337: {  	v60 =	vld [tilespmem:s31+$0x3C0];
	_ =	sdelay $0x2  }
0x338: {  	v0 =	vmul.f32 $8.000000000e+00, v0;
	_ =	sdelay $0x1  }
0x339: {  	v0 =	vadd.f32 v60, v0;
	_ =	sdelay $0x1  }
0x33a: {  	[tilespmem:s12+$0x13F80] =	vst v0  }
0x33b: {  	v0 =	vld [tilespmem:s13+$0xBF90];
	_ =	sdelay $0x1  }
0x33c: {  	v61 =	vld [tilespmem:s31+$0x3D0];
	_ =	sdelay $0x2  }
0x33d: {  	v0 =	vmul.f32 $8.000000000e+00, v0;
	_ =	sdelay $0x1  }
0x33e: {  	v0 =	vadd.f32 v61, v0;
	_ =	sdelay $0x1  }
0x33f: {  	[tilespmem:s12+$0x13F90] =	vst v0  }
0x340: {  	v0 =	vld [tilespmem:s13+$0xBFA0];
	_ =	sdelay $0x1  }
0x341: {  	v62 =	vld [tilespmem:s31+$0x3E0];
	_ =	sdelay $0x2  }
0x342: {  	v0 =	vmul.f32 $8.000000000e+00, v0;
	_ =	sdelay $0x1  }
0x343: {  	v0 =	vadd.f32 v62, v0;
	_ =	sdelay $0x1  }
0x344: {  	[tilespmem:s12+$0x13FA0] =	vst v0  }
0x345: {  	v0 =	vld [tilespmem:s13+$0xBFB0];
	_ =	sdelay $0x1  }
0x346: {  	v63 =	vld [tilespmem:s31+$0x3F0];
	_ =	sdelay $0x1  }
0x347: {  	p0 =	sne.s32 s0, $0xE000  }
.Ltmp7:
0x348: {  	v0 =	vmul.f32 $8.000000000e+00, v0;
	(pc) =	sbr.rel @p0 .LBB2_4-.Ltmp7, $3  }
0x349: {  	_ = 	snop  }
0x34a: {  	v0 =	vadd.f32 v63, v0;
	_ =	sdelay $0x1  }
0x34b: {  	s28 =	sadd.s32 $0x10, s28;
	s0 =	sadd.s32 $0x2000, s0;
	s31 =	sadd.s32 $0x400, s31;
	[tilespmem:s12+$0x13FB0] =	vst v0  }
.Ltmp8:
0x34c: {  	_ = 	snop;
	(pc) =	sbr.rel .LBB2_5-.Ltmp8, $1  }
0x34d: {  	_ =	sdelay $0x3  }
.LBB2_11:
0x34e: {  	_ =	sfence.sel $0x180000  }
0x34f: {  	[bflag:$0x0] =	sbarrier.arrive $0xFFFF  }
0x350: {  	_ =	strace $0x90000047  }
0x351: {  	s0 =	stileid.u32;
	[bflag:$0x2] =	sbarrier.arrive $0xFFFF  }
0x352: {  	p0 =	sne.s32 s0, $0x0;
	s0 =	rddreg [dreg:$0x2]  }
0x353: {  	s0 =	sadd.s32 @!p0 $0x100000, s0  }
0x354: {  	[sflag:s0] =	ssyncadd.tile.s32 @!p0 $0x1;
	_ =	shalt  }
.Lfunc_end2:
_tile_overlayer_lowered:
.L_overlay_start_2:
0x355: {  	(tag) =	ssettag $0x2  }
0x356: {  	s0 =	rddreg [dreg:$0x0];
	s2 =	stileid.u32  }
0x357: {  	s1 =	rddreg [dreg:$0x1];
	p0 =	sne.s32 s2, $0x0  }
0x358: {  	s3 =	rddreg [dreg:$0x2];
	[bflag:$0x3] =	sbarrier.arrive $0xFFFF;
	s2 =	simm.s32 @!p0 $0x1C05  }
0x359: {  	[timem:s3], [sflag:s2] =	dma.local @!p0 [hbm:s0], s1  }
0x35a: {  	s0 =	simm.s32 @!p0 $0x5  }
0x35b: {  	_ =	swait.ge @!p0 [sflag:s0], s1  }
0x35c: {  	s1 =	ssub.s32 @!p0 $0x0, s1;
	[sflag:s0] =	ssyncset.done @!p0 $0x0  }
0x35d: {  	[sflag:s0] =	ssyncadd.s32 @!p0 s1  }
0x35e: {  	[bflag:$0x3] =	sbarrier.arrive $0xFFFF  }
0x35f: {  	_ =	shalt  }

// kernel: sparse-core-data-format-call.cloned.1.call-start
scs
called_computation_lowered:
.L_overlay_start_0:
0x0: {  	s2 =	sld [smem:$0x3FD9]  }
0x1: {  	s3 =	sld [smem:$0x3FFE];
	_ =	sdelay $0x1  }
0x2: {  	s1 =	srdreg.scid  }
0x3: {  	s0 =	sand.u32 $0x1, s1  }
0x4: {  	s18 =	sshll.u32 s0, $0xA;
	s2 =	sadd.s32 s3, s2  }
0x5: {  	s2 =	sadd.s32 s2, s18  }
0x6: {  	[smem:$0x3FC6] =	sst s2  }
0x7: {  	_ = 	snop  }
0x8: {  	s2 =	sld [smem:$0x3FD0];
	(tm) =	ssettm $0x1  }
0x9: {  	s19 =	sld [smem:$0x3FFB];
	_ =	sdelay $0x3  }
0xa: {  	_ =	strace s19  }
0xb: {  	s3 =	sld [smem:$0x3FFC];
	_ =	sdelay $0x3  }
0xc: {  	_ =	strace s3  }
0xd: {  	s3 =	sld [smem:$0x3FFD];
	_ =	sdelay $0x3  }
0xe: {  	_ =	strace s3  }
0xf: {  	_ =	strace $0x8FFFFFFF  }
0x10: {  	s20 =	sld [smem:$0x3FDB];
	_ =	sdelay $0x1  }
0x11: {  	s4 =	simm.s32 $_scs_section_size  }
0x12: {  	s5 =	simm.s32 $_size__tile_overlayer_lowered;
	s6 =	simm.s32 $_tile_overlayer_lowered  }
0x13: {  	s23 =	simm.s32 $0x1BFF;
	s22 =	sshll.u32 s6, $0x1;
	s3 =	sadd.s32 s4, s20  }
0x14: {  	s7 =	simm.s32 $0x0;
	s21 =	sshll.u32 s5, $0x1;
	s5 =	sadd.s32 s22, s3  }
0x15: {  	[timem:s7], [sflag:s23] =	dma.local [hbm:s5], s21  }
0x16: {  	_ =	swait.ge [sflag:s23], s21  }
0x17: {  	s4 =	ssub.s32 $0x0, s21;
	[sflag:s23] =	ssyncset.done $0x0  }
0x18: {  	[sflag:s23] =	ssyncadd.s32 s4;
	_ =	sdelay $0x1  }
0x19: {  	s24 =	simm.s32 $0x1B8B  }
0x1a: {  	_ =	swait.ge [sflag:s24], $0x1  }
0x1b: {  	[sflag:s24] =	ssyncset.done $0x0  }
0x1c: {  	s26 =	simm.s32 $0x1B8E;
	s25 =	sld [smem:$0x3FFE];
	[sflag:s24] =	ssyncadd.s32 $0xFFFFFFFF  }
0x1d: {  	s27 =	simm.s32 $execute0_lowered;
	[smem:$0x3FD2] =	sst s26  }
0x1e: {  	s5 =	sshll.u32 s27, $0x1;
	_ =	strace $0x80000049;
	[dreg:$0x1] =	wrdreg $0xFFFFFFFF  }
0x1f: {  	s28 =	simm.s32 $_size_execute0_lowered;
	s3 =	sadd.s32 s3, s5;
	[dreg:$0x0] =	wrdreg $0x0  }
0x20: {  	s5 =	sshll.u32 s28, $0x1;
	[dreg:$0x2] =	wrdreg s3  }
0x21: {  	[dreg:$0x3] =	wrdreg s5  }
0x22: {  	[dreg:$0x4] =	wrdreg $0xC0  }
0x23: {  	_ =	task [dreg:s7], $0x5FFFF  }
0x24: {  	[dreg:$0x1] =	wrdreg $0xFFFFFFFF  }
0x25: {  	[dreg:$0x0] =	wrdreg $0x60  }
0x26: {  	[dreg:$0x2] =	wrdreg s25  }
0x27: {  	[dreg:$0x3] =	wrdreg s2  }
0x28: {  	[dreg:$0x4] =	wrdreg $0x9  }
0x29: {  	_ =	task.clear_ibuf [dreg:s7], $0x5FFFF;
	_ =	strace $0x90000049  }
0x2a: {  	s29 =	simm.s32 $0x9;
	_ =	strace $0x8000004B  }
0x2b: {  	_ =	swait.ge [sflag:s29], $0x1  }
0x2c: {  	[sflag:s29] =	ssyncadd.s32 $0xFFFFFFFF  }
0x2d: {  	_ =	strace $0x9000004B  }
0x2e: {  	_ =	sfence  }
0x2f: {  	s30 =	sld [smem:$0x0];
	_ =	sdelay $0x2  }
0x30: {  	s31 =	sshll.u32 s1, $0xD;
	s1 =	sshrl.u32 s1, $0x2  }
0x31: {  	s3 =	sand.u32 $0x4000, s31;
	s1 =	sadd.s32 s1, s30  }
0x32: {  	s0 =	sor.u32 s3, s0;
	s1 =	sshll.u32 s1, $0x11  }
0x33: {  	s0 =	sor.u32 s1, s0  }
0x34: {  	s0 =	sadd.s32 $0x8F2B, s0  }
0x35: {  	[sflag:s0] =	ssyncadd.remote.s32 $0x1  }
0x36: {  	_ =	sfence.sel $0xFFFF  }
0x37: {  	[dreg:$0x0] =	wrdreg $0xFFFFFFFF;
	(pc) =	sbr.abs _section_cstart, $3  }
0x38: {  	[dreg:$0x1] =	wrdreg $0xFFFFFFFF  }
0x39: {  	_ =	task.clear_ibuf [dreg:s7], $0x2FFFF;
	_ =	strace $0x9FFFFFFF  }
0x3a: {  	(tm) =	ssettm $0x7FFFFFFF  }
0x3b: {  	_ =	shalt  }
tec
execute0_lowered:
.L_overlay_start_1:
0x0: {  	(tag) =	ssettag $0x1  }
0x1: {  	s0 =	srdreg.scid  }
0x2: {  	s1 =	sshll.u32 s0, $0x4  }
0x3: {  	s0 =	stileid.u32;
	s1 =	sand.u32 $0x10, s1  }
0x4: {  	s1 =	sor.u32 s0, s1  }
0x5: {  	s6 =	rddreg [dreg:$0x0];
	s4 =	simm.s32 $0x1;
	s2 =	sshll.u32 s1, $0x7  }
0x6: {  	s7 =	simm.s32 $0x2;
	s12 =	simm.s32 $0x0;
	s1 =	ssub.s32 $0x1000, s2  }
0x7: {  	s8 =	simm.s32 $0x8000;
	s13 =	simm.s32 $0x0;
	s3 =	sand.u32 $0xF80, s1  }
0x8: {  	s9 =	simm.s32 $0x0;
	s5 =	sshrl.u32 s1, $0xC;
	p0 =	sne.s32 s3, $0x0  }
.Ltmp0:
0x9: {  	s1 =	rddreg [dreg:$0x2];
	s4 =	simm.s32 @!p0 $0x0;
	(pc) =	sbr.rel .LBB1_1-.Ltmp0, $4  }
0xa: {  	s11 =	simm.s32 $0x0;
	s3 =	rddreg [dreg:$0x1];
	s5 =	sadd.s32 s4, s5  }
0xb: {  	_ =	strace $0x8000004A;
	s4 =	simm.s32 $0x1;
	s5 =	smul.u32 $0xC8, s5  }
0xc: {  	s6 =	sadd.s32 $0x1800, s6;
	s10 =	smov.u32 s2;
	[sflag:s4] =	ssyncpa.u1 $0x0  }
0xd: {  	p0 =	por $0x0, $0x0;
	[sflag:s7] =	ssyncpa.u1 $0x0;
	s7 =	sor.u32 $0x1, s5  }
.LBB1_4:
0xe: {  	s16 =	sshll.u32 s13, $0x3;
	s17 =	sand.u32 $0x78, s13  }
0xf: {  	s30 =	sand.u32 $0x7E00, s13;
	s12 =	sshll.u32 s12, $0xF;
	s16 =	sand.u32 $0xC00, s16  }
0x10: {  	[tilespmem:s15+$0x810 ss:$0x81] =	vst.msk $0xffff, v2;
	s31 =	sand.u32 $0x7, s13;
	s16 =	sor.u32 s17, s16;
	s17 =	sadd.s32 s3, s30  }
0x11: {  	[tilespmem:s15+$0x1020 ss:$0x81] =	vst.msk $0xffff, v0;
	s13 =	sshll.u32 s31, $0x12;
	s12 =	sadd.s32 s12, s17;
	s16 =	sshrl.u32 s16, $0x3  }
0x12: {  	[tilespmem:s15+$0x0 ss:$0x81] =	vst.msk $0xffff, v1;
	s13 =	sor.u32 $0x400, s13;
	s12 =	sadd.s32 s16, s12  }
0x13: {  	[hbm4b:s12+s13] =	stream.strided.scatter [tilespmem:s14], [sflag:$0x2], $0x2000, s8, s13, $0x20;
	[tilespmem:$0x8080] =	vst v63  }
.LBB1_5:
0x14: {  	s14 =	sadd.s32 $0x1, s9  }
0x15: {  	s12 =	sadd.s32 $0x1000, s10;
	s16 =	smov.u32 s10;
	p2 =	sgt.s32 s14, $0xC7  }
0x16: {  	s16 =	smov.u32 @p2 s12  }
0x17: {  	s14 =	simm.s32 @p2 $0x0;
	p2 =	sgt.s32 s16, $0xFFF  }
0x18: {  	s16 =	smov.u32 @p2 s2;
	p2 =	sne.s32 s11, s7  }
.Ltmp1:
0x19: {  	p1 =	slt.u32 s11, $0x2;
	(pc) =	sbr.rel @!p2 .LBB1_6-.Ltmp1, $4  }
0x1a: {  	s15 =	simm.s32 @!p1 $0x2  }
0x1b: {  	s13 =	smov.u32 s10;
	p0 =	por !p0, !p0;
	_ =	swait.ge @!p1 [sflag:s15], $0x2000  }
0x1c: {  	s12 =	smov.u32 s9;
	[sflag:s15] =	ssyncset.done @!p1 $0x0;
	s9 =	smov.u32 s14  }
0x1d: {  	s11 =	sadd.s32 $0x1, s11;
	[sflag:s15] =	ssyncadd.s32 @!p1 $0xFFFFE000;
	s10 =	smov.u32 s16  }
.LBB1_1:
0x1e: {  	p1 =	sge.u32 s11, s5  }
0x1f: {  	s14 =	sand.u32 @!p1 $0x1FFFFFF, s9  }
0x20: {  	s15 =	smulhi.u32 @!p1 $0x147AE15, s14;
	_ =	sdelay $0x1  }
0x21: {  	s15 =	smul.u32 @!p1 $0xC8, s15  }
0x22: {  	s16 =	sxor.u32 @!p1 $0xFFFFFFFF, s11;
	s17 =	smul.u32 @!p1 $0xC80, s10  }
0x23: {  	s31 =	sadd.s32 $0xFFFFFFFF, s11;
	s16 =	sshll.u32 @!p1 s16, $0xD;
	s14 =	ssub.s32 @!p1 s14, s15  }
0x24: {  	s15 =	sand.u32 @!p1 $0x2000, s16;
	s16 =	sadd.s32 @!p1 s6, s17;
	s14 =	sshll.u32 @!p1 s14, $0x4  }
0x25: {  	s17 =	simm.s32 @!p1 $0x6400;
	s14 =	sadd.s32 @!p1 s14, s16;
	s16 =	simm.s32 @!p1 $0x40  }
0x26: {  	[tilespmem:s15], [sflag:$0x1] =	stream.strided.gather @!p1 [hbm4b:s14+s16], $0x2000, s17, s16, $0x38;
	[tilespmem:$0x8080] =	vst v63  }
0x27: {  	p1 =	sge.u32 s31, s5  }
.Ltmp2:
0x28: {  	_ = 	snop;
	(pc) =	sbr.rel @p1 .LBB1_5-.Ltmp2, $1  }
0x29: {  	_ =	sdelay $0x3  }
0x2a: {  	s14 =	simm.s32 $0x1  }
0x2b: {  	_ =	swait.ge [sflag:s4], $0x2000;
	s14 =	simm.s32 @!p0 $0x0  }
0x2c: {  	[sflag:s4] =	ssyncset.done $0x0;
	s15 =	sshll.u32 s14, $0xD  }
0x2d: {  	[sflag:s4] =	ssyncadd.s32 $0xFFFFE000;
	s18 =	sor.u32 $0x20, s15  }
0x2e: {  	s14 =	smul.u32 $0x8100, s14;
	v3 =	vld [tilespmem:s18+$0x10]  }
0x2f: {  	s30 =	sand.u32 $0x1, s11;
	v2 =	vld [tilespmem:s18+$0xFFFFFFF0]  }
0x30: {  	s15 =	smul.u32 $0x8100, s30;
	s14 =	sshrl.u32 s14, $0x2;
	v0 =	vld [tilespmem:s18+$0x0]  }
0x31: {  	v1 =	vld [tilespmem:s18+$0xFFFFFFE0];
	s16 =	sor.u32 $0x4000, s14  }
0x32: {  	s31 =	sshrl.u32 s15, $0x2;
	s15 =	sadd.s32 $0x0, s16  }
0x33: {  	s17 =	simm.s32 $0x4;
	s18 =	sadd.s32 $0x40, s18;
	s14 =	sor.u32 $0x4000, s31;
	[tilespmem:s15+$0x1830 ss:$0x81] =	vst.msk $0xffff, v3  }
.LBB1_3:
0x34: {  	v3 =	vld [tilespmem:s18+$0x10];
	p1 =	sne.s32 s17, $0x1FC;
	[tilespmem:s15+$0x810 ss:$0x81] =	vst.msk $0xffff, v2;
	s19 =	smov.u32 s17;
	s17 =	sadd.s32 $0x4, s17  }
.Ltmp3:
0x35: {  	v2 =	vld [tilespmem:s18+$0xFFFFFFF0];
	[tilespmem:s15+$0x1020 ss:$0x81] =	vst.msk $0xffff, v0;
	(pc) =	sbr.rel @p1 .LBB1_3-.Ltmp3, $4  }
0x36: {  	v0 =	vld [tilespmem:s18+$0x0];
	[tilespmem:s15+$0x0 ss:$0x81] =	vst.msk $0xffff, v1  }
0x37: {  	s15 =	sshra.s32 s19, $0x2;
	v1 =	vld [tilespmem:s18+$0xFFFFFFE0]  }
0x38: {  	s15 =	sadd.s32 s15, s16  }
0x39: {  	s18 =	sadd.s32 $0x40, s18;
	[tilespmem:s15+$0x1830 ss:$0x81] =	vst.msk $0xffff, v3  }
.Ltmp4:
0x3a: {  	_ = 	snop;
	(pc) =	sbr.rel .LBB1_4-.Ltmp4, $1  }
0x3b: {  	_ =	sdelay $0x3  }
.LBB1_6:
0x3c: {  	_ =	sfence.sel $0x180000  }
0x3d: {  	s2 =	simm.s32 $0x1;
	[bflag:$0x0] =	sbarrier.arrive $0xFFFF  }
0x3e: {  	s31 =	simm.s32 $0x2;
	[sflag:s2] =	ssyncpa.u1 $0x1  }
0x3f: {  	[sflag:s31] =	ssyncpa.u1 $0x1  }
0x40: {  	p0 =	sne.s32 s0, $0x0;
	_ =	strace $0x9000004A  }
0x41: {  	s0 =	sadd.s32 @!p0 $0x100000, s1;
	[bflag:$0x2] =	sbarrier.arrive $0xFFFF  }
0x42: {  	[sflag:s0] =	ssyncadd.tile.s32 @!p0 $0x1;
	_ =	shalt  }
.Lfunc_end1:
_tile_overlayer_lowered:
.L_overlay_start_2:
0x43: {  	(tag) =	ssettag $0x2  }
0x44: {  	s0 =	rddreg [dreg:$0x0];
	s2 =	stileid.u32  }
0x45: {  	s1 =	rddreg [dreg:$0x1];
	p0 =	sne.s32 s2, $0x0  }
0x46: {  	s3 =	rddreg [dreg:$0x2];
	[bflag:$0x3] =	sbarrier.arrive $0xFFFF;
	s2 =	simm.s32 @!p0 $0x1C01  }
0x47: {  	[timem:s3], [sflag:s2] =	dma.local @!p0 [hbm:s0], s1  }
0x48: {  	s0 =	simm.s32 @!p0 $0x1  }
0x49: {  	_ =	swait.ge @!p0 [sflag:s0], s1  }
0x4a: {  	s1 =	ssub.s32 @!p0 $0x0, s1;
	[sflag:s0] =	ssyncset.done @!p0 $0x0  }
0x4b: {  	[sflag:s0] =	ssyncadd.s32 @!p0 s1  }
0x4c: {  	[bflag:$0x3] =	sbarrier.arrive $0xFFFF  }
0x4d: {  	_ =	shalt  }

</sc_bundles>
